<compile_context>
chip_gen: v7x
topology: tpu7x:2x2x1
jax: 0.10.2.dev20260603
libtpu: 0.0.44.dev20260713+nightly
codegen_flags: <defaults>
</compile_context>

<pallas_src>
import jax
import jax.numpy as jnp
from jax import lax
from jax.experimental import pallas as pl
from jax.experimental.pallas import tpu as pltpu
from jax.experimental.pallas import tpu_sc as plsc

N = 4096
M = 1024
D = 256
EA = 65536
EH = 32768
EPS_BN = 1e-5

NC = 2
NS = 16
L = 16

ZB = 16384
EHT = EH // NS

def _sc_mesh():
    return plsc.VectorSubcoreMesh(core_axis_name="c", subcore_axis_name="s")


def _zero_fill(ref, words):
    z = jnp.zeros((L,), jnp.float32)

    def body(i, _):
        ref[pl.ds(i * 4 * L, L)] = z
        ref[pl.ds(i * 4 * L + L, L)] = z
        ref[pl.ds(i * 4 * L + 2 * L, L)] = z
        ref[pl.ds(i * 4 * L + 3 * L, L)] = z
        return 0

    lax.fori_loop(0, words // (4 * L), body, 0)


def _k1_body(x_ref, w1_ref, b1_ref, wv_ref, bias_ref, xn_ref, vec_ref):
    xn = lax.dot_general(x_ref[...], w1_ref[...],
                         (((1,), (1,)), ((), ())),
                         preferred_element_type=jnp.float32)
    xn = xn + b1_ref[...][0:1, :]
    xn_ref[...] = xn
    vec_ref[...] = lax.dot_general(wv_ref[...], xn,
                                   (((1,), (1,)), ((), ())),
                                   preferred_element_type=jnp.float32) + \
        bias_ref[...][:, 0:1]


def _k1(x, W1_w, W1_b, Wn_w, Wn_b, We_w, We_b):
    wv8 = jnp.zeros((8, D), jnp.float32)
    wv8 = wv8.at[0, :].set(Wn_w[0, :D])
    wv8 = wv8.at[1, :].set(Wn_w[0, D:])
    wv8 = wv8.at[2, :].set(We_w[0, :D])
    bias8 = jnp.zeros((8, 1), jnp.float32)
    bias8 = bias8.at[0, 0].set(Wn_b[0])
    bias8 = bias8.at[2, 0].set(We_b[0])
    b1 = W1_b.reshape(1, D)
    blk = 256
    grid = N // blk
    return pl.pallas_call(
        _k1_body,
        grid=(grid,),
        in_specs=[
            pl.BlockSpec((blk, D), lambda i: (i, 0)),
            pl.BlockSpec((D, D), lambda i: (0, 0)),
            pl.BlockSpec((1, D), lambda i: (0, 0)),
            pl.BlockSpec((8, D), lambda i: (0, 0)),
            pl.BlockSpec((8, 1), lambda i: (0, 0)),
        ],
        out_specs=[
            pl.BlockSpec((blk, D), lambda i: (i, 0)),
            pl.BlockSpec((8, blk), lambda i: (0, i)),
        ],
        out_shape=[
            jax.ShapeDtypeStruct((N, D), jnp.float32),
            jax.ShapeDtypeStruct((8, N), jnp.float32),
        ],
    )(x, W1_w, b1, wv8, bias8)


CH = 8
CROWS = 256
CWORDS = CROWS * N
ECHUNK = EA // NS


def _k2_body(vec_hbm, src_hbm, dst_hbm, out_hbm,
             zbuf, a_v, b_v, src_v, dst_v, idx_v, val_v, a_sh, sem):
    c = lax.axis_index("c")
    s = lax.axis_index("s")
    _zero_fill(zbuf, ZB)
    base = s * ECHUNK
    pltpu.sync_copy(src_hbm.at[pl.ds(base, ECHUNK)], src_v)
    pltpu.sync_copy(dst_hbm.at[pl.ds(base, ECHUNK)], dst_v)
    pltpu.sync_copy(vec_hbm.at[0], a_v)
    pltpu.sync_copy(vec_hbm.at[1], b_v)

    def vbody(i, _):
        s16 = src_v[pl.ds(i * L, L)]
        d16 = dst_v[pl.ds(i * L, L)]
        av = plsc.load_gather(a_v, [s16])
        bv = plsc.load_gather(b_v, [d16])
        val_v[pl.ds(i * L, L)] = 1.0 / (1.0 + jnp.exp(-(av + bv)))
        return 0

    lax.fori_loop(0, ECHUNK // L, vbody, 0)
    slab = CWORDS // NS
    trash = CWORDS + s * ECHUNK
    for r in range(CH):
        lo = (c * CH + r) * CROWS
        zc = [
            pltpu.async_copy(zbuf, a_sh.at[pl.ds(s * slab + j * ZB, ZB)], sem)
            for j in range(slab // ZB)
        ]
        for cp in zc:
            cp.wait()
        plsc.subcore_barrier()

        def ibody(i, _):
            s16 = src_v[pl.ds(i * L, L)]
            d16 = dst_v[pl.ds(i * L, L)]
            idx = (s16 - lo) * N + d16
            keep = (s16 >= lo) & (s16 < lo + CROWS)
            idx_v[pl.ds(i * L, L)] = jnp.where(
                keep, idx, trash + i * L + lax.iota(jnp.int32, L))
            return 0

        lax.fori_loop(0, ECHUNK // L, ibody, 0)
        pltpu.sync_copy(val_v, a_sh.at[idx_v])
        plsc.subcore_barrier()
        pltpu.sync_copy(a_sh.at[pl.ds(s * slab, slab)],
                        out_hbm.at[pl.ds(lo * N + s * slab, slab)])


def _k2(vec, src, dst):
    f = pl.kernel(
        _k2_body,
        out_type=jax.ShapeDtypeStruct((N * N,), jnp.float32),
        mesh=_sc_mesh(),
        compiler_params=pltpu.CompilerParams(needs_layout_passes=False),
        scratch_types=[
            pltpu.VMEM((ZB,), jnp.float32),
            pltpu.VMEM((N,), jnp.float32),
            pltpu.VMEM((N,), jnp.float32),
            pltpu.VMEM((ECHUNK,), jnp.int32),
            pltpu.VMEM((ECHUNK,), jnp.int32),
            pltpu.VMEM((ECHUNK,), jnp.int32),
            pltpu.VMEM((ECHUNK,), jnp.float32),
            pltpu.VMEM_SHARED((CWORDS + NS * ECHUNK,), jnp.float32),
            pltpu.SemaphoreType.DMA,
        ],
    )
    return f(vec, src, dst)


def _k3_body(a_ref, h_ref, out_ref):
    blk = 256
    a2 = a_ref[...].reshape(blk, N).astype(jnp.bfloat16)
    out_ref[...] = jnp.dot(a2, h_ref[...],
                           preferred_element_type=jnp.float32).reshape(blk * M)


def _k3(a_flat, H):
    blk = 256
    return pl.pallas_call(
        _k3_body,
        grid=(N // blk,),
        in_specs=[
            pl.BlockSpec((blk * N,), lambda i: (i,)),
            pl.BlockSpec((N, M), lambda i: (0, 0)),
        ],
        out_specs=pl.BlockSpec((blk * M,), lambda i: (i,)),
        out_shape=jax.ShapeDtypeStruct((N * M,), jnp.float32),
    )(a_flat, H.astype(jnp.bfloat16))


QROWS_P = M // (2 * NC)
QWORDS_P = QROWS_P * N

def _k4_body(b_hbm, hv_hbm, he_hbm, pt_hbm,
             zbuf, hv_v, he_v, widx_v, w_v, e_v, s_loc, p_v, pidx_v,
             s_sh, pt_sh, sem):
    c = lax.axis_index("c")
    s = lax.axis_index("s")
    _zero_fill(zbuf, ZB)

    @pl.when(s == 0)
    def _():
        pltpu.sync_copy(zbuf.at[pl.ds(0, M)], s_sh)

    slab = QWORDS_P // NS
    pt_zero = [
        pltpu.async_copy(zbuf, pt_sh.at[pl.ds(s * slab + j * ZB, ZB)], sem)
        for j in range(slab // ZB)
    ]
    for cp in pt_zero:
        cp.wait()
    base = s * EHT
    pltpu.sync_copy(hv_hbm.at[pl.ds(base, EHT)], hv_v)
    pltpu.sync_copy(he_hbm.at[pl.ds(base, EHT)], he_v)

    def mkidx(i, _):
        hv16 = hv_v[pl.ds(i * L, L)]
        he16 = he_v[pl.ds(i * L, L)]
        widx_v[pl.ds(i * L, L)] = hv16 * M + he16
        return 0

    lax.fori_loop(0, EHT // L, mkidx, 0)
    pltpu.async_copy(b_hbm.at[widx_v], w_v, sem).wait()

    def expb(i, _):
        e_v[pl.ds(i * L, L)] = jnp.exp(w_v[pl.ds(i * L, L)])
        return 0

    lax.fori_loop(0, EHT // L, expb, 0)
    plsc.subcore_barrier()
    pltpu.sync_copy(e_v, s_sh.at[he_v], add=True)
    plsc.subcore_barrier()
    pltpu.sync_copy(s_sh, s_loc)

    def pbody(i, _):
        he16 = he_v[pl.ds(i * L, L)]
        se = plsc.load_gather(s_loc, [he16])
        p_v[pl.ds(i * L, L)] = e_v[pl.ds(i * L, L)] / (se + 1e-12)
        return 0

    lax.fori_loop(0, EHT // L, pbody, 0)

    trash = QWORDS_P + s * EHT

    for r in range(2):
        q_lo = (c * 2 + r) * QROWS_P

        def qidx(i, _):
            hv16 = hv_v[pl.ds(i * L, L)]
            he16 = he_v[pl.ds(i * L, L)]
            idx = (he16 - q_lo) * N + hv16
            keep = (he16 >= q_lo) & (he16 < q_lo + QROWS_P)
            pidx_v[pl.ds(i * L, L)] = jnp.where(
                keep, idx, trash + i * L + lax.iota(jnp.int32, L))
            return 0

        lax.fori_loop(0, EHT // L, qidx, 0)
        pltpu.sync_copy(p_v, pt_sh.at[pidx_v], add=True)
        plsc.subcore_barrier()
        pltpu.sync_copy(pt_sh.at[pl.ds(s * slab, slab)],
                        pt_hbm.at[pl.ds(q_lo * N + s * slab, slab)])
        if r == 0:
            rez = [
                pltpu.async_copy(zbuf,
                                 pt_sh.at[pl.ds(s * slab + j * ZB, ZB)], sem)
                for j in range(slab // ZB)
            ]
            for cp in rez:
                cp.wait()
            plsc.subcore_barrier()


def _k4(b_flat, Hv, He):
    f = pl.kernel(
        _k4_body,
        out_type=jax.ShapeDtypeStruct((M * N,), jnp.float32),
        mesh=_sc_mesh(),
        compiler_params=pltpu.CompilerParams(needs_layout_passes=False),
        scratch_types=[
            pltpu.VMEM((ZB,), jnp.float32),
            pltpu.VMEM((EHT,), jnp.int32),
            pltpu.VMEM((EHT,), jnp.int32),
            pltpu.VMEM((EHT,), jnp.int32),
            pltpu.VMEM((EHT,), jnp.float32),
            pltpu.VMEM((EHT,), jnp.float32),
            pltpu.VMEM((M,), jnp.float32),
            pltpu.VMEM((EHT,), jnp.float32),
            pltpu.VMEM((EHT,), jnp.int32),
            pltpu.VMEM_SHARED((M,), jnp.float32),
            pltpu.VMEM_SHARED((QWORDS_P + EH,), jnp.float32),
            pltpu.SemaphoreType.DMA,
        ],
    )
    return f(b_flat, Hv, He)


def _k5_body(pt_ref, xn_ref, we2_ref, xl_ref, v_ref):
    pt = pt_ref[...].reshape(M, N)
    xl = jnp.dot(pt, xn_ref[...], preferred_element_type=jnp.float32)
    xl_ref[...] = xl
    v_ref[...] = jnp.sum(xl * we2_ref[...][0:1, :], axis=1, keepdims=True)


def _k5(pt_flat, x_n, we2row):
    return pl.pallas_call(
        _k5_body,
        grid=(1,),
        in_specs=[
            pl.BlockSpec((M * N,), lambda i: (0,)),
            pl.BlockSpec((N, D), lambda i: (0, 0)),
            pl.BlockSpec((1, D), lambda i: (0, 0)),
        ],
        out_specs=[
            pl.BlockSpec((M, D), lambda i: (0, 0)),
            pl.BlockSpec((M, 1), lambda i: (0, 0)),
        ],
        out_shape=[
            jax.ShapeDtypeStruct((M, D), jnp.float32),
            jax.ShapeDtypeStruct((M, 1), jnp.float32),
        ],
    )(pt_flat, x_n, we2row)


QROWS_Q = N // (2 * NC)
QWORDS_Q = QROWS_Q * M

def _k6_body(vec_hbm, v_hbm, hv_hbm, he_hbm, q_hbm,
             zbuf, u_v, v_v, hv_v, he_v, e2_v, s2_loc, q_v, qidx_v,
             s2_sh, q_sh, sem):
    c = lax.axis_index("c")
    s = lax.axis_index("s")
    _zero_fill(zbuf, ZB)

    @pl.when(s == 0)
    def _():
        pltpu.sync_copy(zbuf.at[pl.ds(0, N)], s2_sh)

    slab = QWORDS_Q // NS
    qz = [
        pltpu.async_copy(zbuf, q_sh.at[pl.ds(s * slab + j * ZB, ZB)], sem)
        for j in range(slab // ZB)
    ]
    for cp in qz:
        cp.wait()
    base = s * EHT
    pltpu.sync_copy(hv_hbm.at[pl.ds(base, EHT)], hv_v)
    pltpu.sync_copy(he_hbm.at[pl.ds(base, EHT)], he_v)
    pltpu.sync_copy(vec_hbm.at[2], u_v)
    pltpu.sync_copy(v_hbm, v_v)

    def ebody(i, _):
        hv16 = hv_v[pl.ds(i * L, L)]
        he16 = he_v[pl.ds(i * L, L)]
        uv = plsc.load_gather(u_v, [hv16]) + plsc.load_gather(v_v, [he16])
        ae = 1.0 / (1.0 + jnp.exp(-uv))
        e2_v[pl.ds(i * L, L)] = jnp.exp(ae)
        return 0

    lax.fori_loop(0, EHT // L, ebody, 0)
    plsc.subcore_barrier()
    pltpu.sync_copy(e2_v, s2_sh.at[hv_v], add=True)
    plsc.subcore_barrier()
    pltpu.sync_copy(s2_sh, s2_loc)

    def qbody(i, _):
        hv16 = hv_v[pl.ds(i * L, L)]
        se = plsc.load_gather(s2_loc, [hv16])
        q_v[pl.ds(i * L, L)] = e2_v[pl.ds(i * L, L)] / (se + 1e-12)
        return 0

    lax.fori_loop(0, EHT // L, qbody, 0)

    trash = QWORDS_Q + s * EHT

    for r in range(2):
        q_lo = (c * 2 + r) * QROWS_Q

        def qidx(i, _):
            hv16 = hv_v[pl.ds(i * L, L)]
            he16 = he_v[pl.ds(i * L, L)]
            idx = (hv16 - q_lo) * M + he16
            keep = (hv16 >= q_lo) & (hv16 < q_lo + QROWS_Q)
            qidx_v[pl.ds(i * L, L)] = jnp.where(
                keep, idx, trash + i * L + lax.iota(jnp.int32, L))
            return 0

        lax.fori_loop(0, EHT // L, qidx, 0)
        pltpu.sync_copy(q_v, q_sh.at[qidx_v], add=True)
        plsc.subcore_barrier()
        pltpu.sync_copy(q_sh.at[pl.ds(s * slab, slab)],
                        q_hbm.at[pl.ds(q_lo * M + s * slab, slab)])
        if r == 0:
            rez = [
                pltpu.async_copy(zbuf,
                                 q_sh.at[pl.ds(s * slab + j * ZB, ZB)], sem)
                for j in range(slab // ZB)
            ]
            for cp in rez:
                cp.wait()
            plsc.subcore_barrier()


def _k6(vec, v, Hv, He):
    f = pl.kernel(
        _k6_body,
        out_type=jax.ShapeDtypeStruct((N * M,), jnp.float32),
        mesh=_sc_mesh(),
        compiler_params=pltpu.CompilerParams(needs_layout_passes=False),
        scratch_types=[
            pltpu.VMEM((ZB,), jnp.float32),
            pltpu.VMEM((N,), jnp.float32),
            pltpu.VMEM((M,), jnp.float32),
            pltpu.VMEM((EHT,), jnp.int32),
            pltpu.VMEM((EHT,), jnp.int32),
            pltpu.VMEM((EHT,), jnp.float32),
            pltpu.VMEM((N,), jnp.float32),
            pltpu.VMEM((EHT,), jnp.float32),
            pltpu.VMEM((EHT,), jnp.int32),
            pltpu.VMEM_SHARED((N,), jnp.float32),
            pltpu.VMEM_SHARED((QWORDS_Q + EH,), jnp.float32),
            pltpu.SemaphoreType.DMA,
        ],
    )
    return f(vec, v, Hv, He)


def _k7_body(q_ref, xl_ref, x_ref, sc_ref, out_ref):
    q2 = q_ref[...].reshape(256, M)
    acc = jnp.dot(q2, xl_ref[...], preferred_element_type=jnp.float32)
    t = jnp.maximum(acc + x_ref[...], 0.0)
    out_ref[...] = t * sc_ref[...][0:1, :] + sc_ref[...][1:2, :]


def _k7(q_flat, xl, x, scale, shift):
    blk = 256
    sc = jnp.stack([scale, shift], axis=0)
    return pl.pallas_call(
        _k7_body,
        grid=(N // blk,),
        in_specs=[
            pl.BlockSpec((blk * M,), lambda i: (i,)),
            pl.BlockSpec((M, D), lambda i: (0, 0)),
            pl.BlockSpec((blk, D), lambda i: (i, 0)),
            pl.BlockSpec((2, D), lambda i: (0, 0)),
        ],
        out_specs=pl.BlockSpec((blk, D), lambda i: (i, 0)),
        out_shape=jax.ShapeDtypeStruct((N, D), jnp.float32),
    )(q_flat, xl, x, sc)


def kernel(x, H_edge_index, H_edge_weight, A_edge_index, A_edge_weight, H, A,
           X_L, W1_w, W1_b, W2_w, W2_b, Wn_w, Wn_b, We_w, We_b,
           bn_gamma, bn_beta, bn_mean, bn_var):
    src = A_edge_index[0]
    dst = A_edge_index[1]
    Hv = H_edge_index[0]
    He = H_edge_index[1]

    x_n, vec = _k1(x, W1_w, W1_b, Wn_w, Wn_b, We_w, We_b)

    a_flat = _k2(vec, src, dst)
    b_flat = _k3(a_flat, H)

    pt_flat = _k4(b_flat, Hv, He)

    xl, v2 = _k5(pt_flat, x_n, We_w[:, D:])
    v = v2[:, 0]

    q_flat = _k6(vec, v, Hv, He)

    scale = bn_gamma / jnp.sqrt(bn_var + EPS_BN)
    shift = bn_beta - bn_mean * scale
    x_out = _k7(q_flat, xl, x, scale, shift)
    return (x_out, xl)

# --- scband reference (transcript-rebuilt; emitter-appended) ---
"""Pipeline reference for scband-hanconv-68118181314616 (READ-ONLY COPY).

The authoritative reference and input builder live on the scoring server;
editing this copy changes nothing except your own understanding.
"""

import jax, jax.numpy as jnp
import numpy as np

N = 4096
M = 1024
D = 256
EA = 65536
EH = 32768
EPS_BN = 1e-5


def _seg_softmax(w, ids, num_segments):
    m = jax.ops.segment_max(w, ids, num_segments=num_segments)
    m = jnp.where(jnp.isfinite(m), m, 0.0)
    e = jnp.exp(w - m[ids])
    s = jax.ops.segment_sum(e, ids, num_segments=num_segments)
    return e / (s[ids] + 1e-12)


def setup_inputs(seed: int = 0) -> dict:
    key = jax.random.key(seed)
    ks = jax.random.split(key, 20)
    x = jax.random.normal(ks[0], (N, D), dtype=jnp.float32)
    A_edge_index = jax.random.randint(ks[1], (2, EA), 0, N, dtype=jnp.int32)
    H_v = jax.random.randint(ks[2], (EH,), 0, N, dtype=jnp.int32)
    H_e = jax.random.randint(ks[3], (EH,), 0, M, dtype=jnp.int32)
    H_edge_index = jnp.stack([H_v, H_e], axis=0)
    H = jnp.zeros((N, M), dtype=jnp.float32).at[H_v, H_e].set(1.0)
    A = jnp.zeros((N, N), dtype=jnp.float32)
    H_edge_weight = jax.random.uniform(ks[4], (EH,), dtype=jnp.float32)
    A_edge_weight = jax.random.uniform(ks[5], (EA,), dtype=jnp.float32)
    X_L = jax.random.normal(ks[6], (M, D), dtype=jnp.float32)
    s = 1.0 / np.sqrt(D)
    W1_w = jax.random.uniform(ks[7], (D, D), minval=-s, maxval=s, dtype=jnp.float32)
    W1_b = jax.random.uniform(ks[8], (D,), minval=-s, maxval=s, dtype=jnp.float32)
    W2_w = jax.random.uniform(ks[9], (D, D), minval=-s, maxval=s, dtype=jnp.float32)
    W2_b = jax.random.uniform(ks[10], (D,), minval=-s, maxval=s, dtype=jnp.float32)
    s2 = 1.0 / np.sqrt(2 * D)
    Wn_w = jax.random.uniform(ks[11], (1, 2 * D), minval=-s2, maxval=s2, dtype=jnp.float32)
    Wn_b = jax.random.uniform(ks[12], (1,), minval=-s2, maxval=s2, dtype=jnp.float32)
    We_w = jax.random.uniform(ks[13], (1, 2 * D), minval=-s2, maxval=s2, dtype=jnp.float32)
    We_b = jax.random.uniform(ks[14], (1,), minval=-s2, maxval=s2, dtype=jnp.float32)
    bn_gamma = jnp.ones((D,), jnp.float32)
    bn_beta = jnp.zeros((D,), jnp.float32)
    bn_mean = jnp.zeros((D,), jnp.float32)
    bn_var = jnp.ones((D,), jnp.float32)
    return {"x": x, "H_edge_index": H_edge_index, "H_edge_weight": H_edge_weight,
            "A_edge_index": A_edge_index, "A_edge_weight": A_edge_weight,
            "H": H, "A": A, "X_L": X_L,
            "W1_w": W1_w, "W1_b": W1_b, "W2_w": W2_w, "W2_b": W2_b,
            "Wn_w": Wn_w, "Wn_b": Wn_b, "We_w": We_w, "We_b": We_b,
            "bn_gamma": bn_gamma, "bn_beta": bn_beta, "bn_mean": bn_mean, "bn_var": bn_var}


def reference(x, H_edge_index, H_edge_weight, A_edge_index, A_edge_weight, H, A, X_L,
              W1_w, W1_b, W2_w, W2_b, Wn_w, Wn_b, We_w, We_b,
              bn_gamma, bn_beta, bn_mean, bn_var):
    # x_n = W1(x); X_L = W2(X_L)  (the W2 projection is overwritten later, as in torch)
    x_n = x @ W1_w.T + W1_b
    _XL_proj = X_L @ W2_w.T + W2_b
    src = A_edge_index[0]
    dst = A_edge_index[1]
    # node-pair attention -> dense A
    node_pairs = jnp.concatenate([x_n[src], x_n[dst]], axis=1)
    A_node = jax.nn.sigmoid(node_pairs @ Wn_w.T + Wn_b)[:, 0]
    A_dense = jnp.zeros((A.shape[0], A.shape[1]), dtype=x.dtype).at[src, dst].set(A_node)
    A_mat = (A_dense @ H).T  # [M, N]
    Hv = H_edge_index[0]
    He = H_edge_index[1]
    w_v2e = A_mat[He, Hv]
    # v2e aggregation: softmax_then_sum over nodes per hyperedge
    p = _seg_softmax(w_v2e, He, M)
    X_L_new = jax.ops.segment_sum(p[:, None] * x_n[Hv], He, num_segments=M)
    # edge-pair attention
    edge_pairs = jnp.concatenate([x_n[Hv], X_L_new[He]], axis=1)
    A_edge = jax.nn.sigmoid(edge_pairs @ We_w.T + We_b)[:, 0]
    # e2v aggregation: softmax_then_sum over hyperedges per node
    q = _seg_softmax(A_edge, Hv, N)
    x_out = jax.ops.segment_sum(q[:, None] * X_L_new[He], Hv, num_segments=N)
    x_out = x_out + x
    # not is_last: relu -> batchnorm (inference) -> dropout (identity in eval)
    x_out = jax.nn.relu(x_out)
    x_out = (x_out - bn_mean) / jnp.sqrt(bn_var + EPS_BN) * bn_gamma + bn_beta
    return (x_out, X_L_new)

if __name__ == "__main__":
    import jax
    _d = setup_inputs()
    print(jax.jit(kernel)(*tuple(_d.values())))

</pallas_src>

<mosaic_0001>
#map = affine_map<(d0, d1) -> (0)>
module attributes {stable_mosaic.version = 14 : i64} {
  func.func @_k4_body(%arg0: i32, %arg1: i32, %arg2: memref<4194304xf32, #tpu.memory_space<hbm>>, %arg3: memref<32768xi32, #tpu.memory_space<hbm>>, %arg4: memref<32768xi32, #tpu.memory_space<hbm>>, %arg5: memref<4194304xf32, #tpu.memory_space<hbm>>, %arg6: memref<16384xf32, #tpu.memory_space<vmem>>, %arg7: memref<2048xi32, #tpu.memory_space<vmem>>, %arg8: memref<2048xi32, #tpu.memory_space<vmem>>, %arg9: memref<2048xi32, #tpu.memory_space<vmem>>, %arg10: memref<2048xf32, #tpu.memory_space<vmem>>, %arg11: memref<2048xf32, #tpu.memory_space<vmem>>, %arg12: memref<1024xf32, #tpu.memory_space<vmem>>, %arg13: memref<2048xf32, #tpu.memory_space<vmem>>, %arg14: memref<2048xi32, #tpu.memory_space<vmem>>, %arg15: memref<1024xf32, #tpu.memory_space<vmem_shared>>, %arg16: memref<1081344xf32, #tpu.memory_space<vmem_shared>>, %arg17: memref<!tpu.dma_semaphore, #tpu.memory_space<semaphore_mem>>) attributes {dimension_semantics = [#tpu.dimension_semantics<core_parallel>, #tpu.dimension_semantics<subcore_parallel>], iteration_bounds = array<i64: 2, 16>, scalar_prefetch = 0 : i64, scratch_operands = 12 : i64, tpu.core_type = #tpu.core_type<sc_vector_subcore>, window_params = [{transform_indices = #map}, {transform_indices = #map}, {transform_indices = #map}, {transform_indices = #map}]} {
    %broadcast_in_dim3A = arith.constant 0.000000e+00 : f32
    %broadcast_in_dim3A_0 = vector.broadcast %broadcast_in_dim3A : f32 to vector<16xf32>
    %scan3A = arith.constant 0 : i32
    %scan3A_1 = arith.constant 0 : i32
    %scan3A_2 = arith.constant 256 : i32
    %scan3A_3 = arith.addi %scan3A_1, %scan3A_2 : i32
    %scan3A_4 = arith.constant 1 : i32
    %scan3A_5 = scf.for %scan3A_144 = %scan3A_1 to %scan3A_3 step %scan3A_4 iter_args(%scan3A_145 = %scan3A) -> (i32)  : i32 {
      %mul3A_146 = arith.constant 4 : i32
      %mul3A_147 = arith.muli %scan3A_144, %mul3A_146 : i32
      %mul3A_148 = arith.constant 16 : i32
      %mul3A_149 = arith.muli %mul3A_147, %mul3A_148 : i32
      %swap3A = arith.index_cast %mul3A_149 : i32 to index
      %swap3A_150 = tpu.vector_load %arg6[%swap3A] {strides = array<i32>} : memref<16384xf32, #tpu.memory_space<vmem>>, vector<16xf32>,
      tpu.vector_store %arg6[%swap3A], %broadcast_in_dim3A_0 {strides = array<i32>} : memref<16384xf32, #tpu.memory_space<vmem>>, vector<16xf32>,
      %mul3A_151 = arith.constant 4 : i32
      %mul3A_152 = arith.muli %scan3A_144, %mul3A_151 : i32
      %mul3A_153 = arith.constant 16 : i32
      %mul3A_154 = arith.muli %mul3A_152, %mul3A_153 : i32
      %add3A_155 = arith.constant 16 : i32
      %add3A_156 = arith.addi %mul3A_154, %add3A_155 : i32
      %swap3A_157 = arith.index_cast %add3A_156 : i32 to index
      %swap3A_158 = tpu.vector_load %arg6[%swap3A_157] {strides = array<i32>} : memref<16384xf32, #tpu.memory_space<vmem>>, vector<16xf32>,
      tpu.vector_store %arg6[%swap3A_157], %broadcast_in_dim3A_0 {strides = array<i32>} : memref<16384xf32, #tpu.memory_space<vmem>>, vector<16xf32>,
      %mul3A_159 = arith.constant 4 : i32
      %mul3A_160 = arith.muli %scan3A_144, %mul3A_159 : i32
      %mul3A_161 = arith.constant 16 : i32
      %mul3A_162 = arith.muli %mul3A_160, %mul3A_161 : i32
      %add3A_163 = arith.constant 32 : i32
      %add3A_164 = arith.addi %mul3A_162, %add3A_163 : i32
      %swap3A_165 = arith.index_cast %add3A_164 : i32 to index
      %swap3A_166 = tpu.vector_load %arg6[%swap3A_165] {strides = array<i32>} : memref<16384xf32, #tpu.memory_space<vmem>>, vector<16xf32>,
      tpu.vector_store %arg6[%swap3A_165], %broadcast_in_dim3A_0 {strides = array<i32>} : memref<16384xf32, #tpu.memory_space<vmem>>, vector<16xf32>,
      %mul3A_167 = arith.constant 4 : i32
      %mul3A_168 = arith.muli %scan3A_144, %mul3A_167 : i32
      %mul3A_169 = arith.constant 16 : i32
      %mul3A_170 = arith.muli %mul3A_168, %mul3A_169 : i32
      %add3A_171 = arith.constant 48 : i32
      %add3A_172 = arith.addi %mul3A_170, %add3A_171 : i32
      %swap3A_173 = arith.index_cast %add3A_172 : i32 to index
      %swap3A_174 = tpu.vector_load %arg6[%swap3A_173] {strides = array<i32>} : memref<16384xf32, #tpu.memory_space<vmem>>, vector<16xf32>,
      tpu.vector_store %arg6[%swap3A_173], %broadcast_in_dim3A_0 {strides = array<i32>} : memref<16384xf32, #tpu.memory_space<vmem>>, vector<16xf32>,
      %scan3A_175 = arith.constant 0 : i32
      scf.yield %scan3A_175 : i32
    }
    %scan3A_6 = arith.constant 256 : i32
    %eq3A = arith.constant 0 : i32
    %eq3A_7 = arith.cmpi eq, %arg1, %eq3A : i32
    %convert_element_type3A = arith.extui %eq3A_7 : i1 to i32
    %cond3A = arith.constant 0 : i32
    %cond3A_8 = arith.cmpi ne, %convert_element_type3A, %cond3A : i32
    scf.if %cond3A_8 {
      "tpu.region"() ({
        %run_scoped3A = tpu.sem_alloc : memref<!tpu.dma_semaphore, #tpu.memory_space<semaphore_mem>>
        %dma_start3A_144 = arith.constant 0 : i32
        %dma_start3A_145 = tpu.memref_slice %arg6[%dma_start3A_144] : memref<16384xf32, #tpu.memory_space<vmem>> -> memref<1024xf32, #tpu.memory_space<vmem>>
        %dma_start3A_146 = arith.constant 0 : i32
        %dma_start3A_147 = tpu.memref_slice %arg6[%dma_start3A_146] : memref<16384xf32, #tpu.memory_space<vmem>> -> memref<1024xf32, #tpu.memory_space<vmem>>
        tpu.enqueue_dma source(%dma_start3A_147 : memref<1024xf32, #tpu.memory_space<vmem>>) target(%arg15 : memref<1024xf32, #tpu.memory_space<vmem_shared>>) target_semaphore(%run_scoped3A : memref<!tpu.dma_semaphore, #tpu.memory_space<semaphore_mem>>)
        %dma_wait3A_148 = arith.constant 0 : i32
        %dma_wait3A_149 = tpu.memref_slice %arg6[%dma_wait3A_148] : memref<16384xf32, #tpu.memory_space<vmem>> -> memref<1024xf32, #tpu.memory_space<vmem>>
        %dma_wait3A_150 = arith.constant 0 : i32
        %dma_wait3A_151 = tpu.memref_slice %arg6[%dma_wait3A_150] : memref<16384xf32, #tpu.memory_space<vmem>> -> memref<1024xf32, #tpu.memory_space<vmem>>
        tpu.wait_dma2 semaphore(%run_scoped3A : memref<!tpu.dma_semaphore, #tpu.memory_space<semaphore_mem>>) src(%dma_wait3A_151 : memref<1024xf32, #tpu.memory_space<vmem>>) dst(%arg15 : memref<1024xf32, #tpu.memory_space<vmem_shared>>)
        tpu.yield
      }) : () -> ()
    } else {
    }
    %mul3A = arith.constant 65536 : i32
    %mul3A_9 = arith.muli %arg1, %mul3A : i32
    %add3A = arith.constant 0 : i32
    %add3A_10 = arith.addi %mul3A_9, %add3A : i32
    %dma_start3A = tpu.memref_slice %arg16[%add3A_10] : memref<1081344xf32, #tpu.memory_space<vmem_shared>> -> memref<16384xf32, #tpu.memory_space<vmem_shared>>
    %dma_start3A_11 = tpu.memref_slice %arg16[%add3A_10] : memref<1081344xf32, #tpu.memory_space<vmem_shared>> -> memref<16384xf32, #tpu.memory_space<vmem_shared>>
    tpu.enqueue_dma source(%arg6 : memref<16384xf32, #tpu.memory_space<vmem>>) target(%dma_start3A_11 : memref<16384xf32, #tpu.memory_space<vmem_shared>>) target_semaphore(%arg17 : memref<!tpu.dma_semaphore, #tpu.memory_space<semaphore_mem>>)
    %mul3A_12 = arith.constant 65536 : i32
    %mul3A_13 = arith.muli %arg1, %mul3A_12 : i32
    %add3A_14 = arith.constant 16384 : i32
    %add3A_15 = arith.addi %mul3A_13, %add3A_14 : i32
    %dma_start3A_16 = tpu.memref_slice %arg16[%add3A_15] : memref<1081344xf32, #tpu.memory_space<vmem_shared>> -> memref<16384xf32, #tpu.memory_space<vmem_shared>>
    %dma_start3A_17 = tpu.memref_slice %arg16[%add3A_15] : memref<1081344xf32, #tpu.memory_space<vmem_shared>> -> memref<16384xf32, #tpu.memory_space<vmem_shared>>
    tpu.enqueue_dma source(%arg6 : memref<16384xf32, #tpu.memory_space<vmem>>) target(%dma_start3A_17 : memref<16384xf32, #tpu.memory_space<vmem_shared>>) target_semaphore(%arg17 : memref<!tpu.dma_semaphore, #tpu.memory_space<semaphore_mem>>)
    %mul3A_18 = arith.constant 65536 : i32
    %mul3A_19 = arith.muli %arg1, %mul3A_18 : i32
    %add3A_20 = arith.constant 32768 : i32
    %add3A_21 = arith.addi %mul3A_19, %add3A_20 : i32
    %dma_start3A_22 = tpu.memref_slice %arg16[%add3A_21] : memref<1081344xf32, #tpu.memory_space<vmem_shared>> -> memref<16384xf32, #tpu.memory_space<vmem_shared>>
    %dma_start3A_23 = tpu.memref_slice %arg16[%add3A_21] : memref<1081344xf32, #tpu.memory_space<vmem_shared>> -> memref<16384xf32, #tpu.memory_space<vmem_shared>>
    tpu.enqueue_dma source(%arg6 : memref<16384xf32, #tpu.memory_space<vmem>>) target(%dma_start3A_23 : memref<16384xf32, #tpu.memory_space<vmem_shared>>) target_semaphore(%arg17 : memref<!tpu.dma_semaphore, #tpu.memory_space<semaphore_mem>>)
    %mul3A_24 = arith.constant 65536 : i32
    %mul3A_25 = arith.muli %arg1, %mul3A_24 : i32
    %add3A_26 = arith.constant 49152 : i32
    %add3A_27 = arith.addi %mul3A_25, %add3A_26 : i32
    %dma_start3A_28 = tpu.memref_slice %arg16[%add3A_27] : memref<1081344xf32, #tpu.memory_space<vmem_shared>> -> memref<16384xf32, #tpu.memory_space<vmem_shared>>
    %dma_start3A_29 = tpu.memref_slice %arg16[%add3A_27] : memref<1081344xf32, #tpu.memory_space<vmem_shared>> -> memref<16384xf32, #tpu.memory_space<vmem_shared>>
    tpu.enqueue_dma source(%arg6 : memref<16384xf32, #tpu.memory_space<vmem>>) target(%dma_start3A_29 : memref<16384xf32, #tpu.memory_space<vmem_shared>>) target_semaphore(%arg17 : memref<!tpu.dma_semaphore, #tpu.memory_space<semaphore_mem>>)
    %dma_wait3A = tpu.memref_slice %arg16[%add3A_10] : memref<1081344xf32, #tpu.memory_space<vmem_shared>> -> memref<16384xf32, #tpu.memory_space<vmem_shared>>
    %dma_wait3A_30 = tpu.memref_slice %arg16[%add3A_10] : memref<1081344xf32, #tpu.memory_space<vmem_shared>> -> memref<16384xf32, #tpu.memory_space<vmem_shared>>
    tpu.wait_dma2 semaphore(%arg17 : memref<!tpu.dma_semaphore, #tpu.memory_space<semaphore_mem>>) src(%arg6 : memref<16384xf32, #tpu.memory_space<vmem>>) dst(%dma_wait3A_30 : memref<16384xf32, #tpu.memory_space<vmem_shared>>)
    %dma_wait3A_31 = tpu.memref_slice %arg16[%add3A_15] : memref<1081344xf32, #tpu.memory_space<vmem_shared>> -> memref<16384xf32, #tpu.memory_space<vmem_shared>>
    %dma_wait3A_32 = tpu.memref_slice %arg16[%add3A_15] : memref<1081344xf32, #tpu.memory_space<vmem_shared>> -> memref<16384xf32, #tpu.memory_space<vmem_shared>>
    tpu.wait_dma2 semaphore(%arg17 : memref<!tpu.dma_semaphore, #tpu.memory_space<semaphore_mem>>) src(%arg6 : memref<16384xf32, #tpu.memory_space<vmem>>) dst(%dma_wait3A_32 : memref<16384xf32, #tpu.memory_space<vmem_shared>>)
    %dma_wait3A_33 = tpu.memref_slice %arg16[%add3A_21] : memref<1081344xf32, #tpu.memory_space<vmem_shared>> -> memref<16384xf32, #tpu.memory_space<vmem_shared>>
    %dma_wait3A_34 = tpu.memref_slice %arg16[%add3A_21] : memref<1081344xf32, #tpu.memory_space<vmem_shared>> -> memref<16384xf32, #tpu.memory_space<vmem_shared>>
    tpu.wait_dma2 semaphore(%arg17 : memref<!tpu.dma_semaphore, #tpu.memory_space<semaphore_mem>>) src(%arg6 : memref<16384xf32, #tpu.memory_space<vmem>>) dst(%dma_wait3A_34 : memref<16384xf32, #tpu.memory_space<vmem_shared>>)
    %dma_wait3A_35 = tpu.memref_slice %arg16[%add3A_27] : memref<1081344xf32, #tpu.memory_space<vmem_shared>> -> memref<16384xf32, #tpu.memory_space<vmem_shared>>
    %dma_wait3A_36 = tpu.memref_slice %arg16[%add3A_27] : memref<1081344xf32, #tpu.memory_space<vmem_shared>> -> memref<16384xf32, #tpu.memory_space<vmem_shared>>
    tpu.wait_dma2 semaphore(%arg17 : memref<!tpu.dma_semaphore, #tpu.memory_space<semaphore_mem>>) src(%arg6 : memref<16384xf32, #tpu.memory_space<vmem>>) dst(%dma_wait3A_36 : memref<16384xf32, #tpu.memory_space<vmem_shared>>)
    %mul3A_37 = arith.constant 2048 : i32
    %mul3A_38 = arith.muli %arg1, %mul3A_37 : i32
    "tpu.region"() ({
      %run_scoped3A = tpu.sem_alloc : memref<!tpu.dma_semaphore, #tpu.memory_space<semaphore_mem>>
      %dma_start3A_144 = tpu.memref_slice %arg3[%mul3A_38] : memref<32768xi32, #tpu.memory_space<hbm>> -> memref<2048xi32, #tpu.memory_space<hbm>>
      %dma_start3A_145 = tpu.memref_slice %arg3[%mul3A_38] : memref<32768xi32, #tpu.memory_space<hbm>> -> memref<2048xi32, #tpu.memory_space<hbm>>
      tpu.enqueue_dma source(%dma_start3A_145 : memref<2048xi32, #tpu.memory_space<hbm>>) target(%arg7 : memref<2048xi32, #tpu.memory_space<vmem>>) target_semaphore(%run_scoped3A : memref<!tpu.dma_semaphore, #tpu.memory_space<semaphore_mem>>)
      %dma_wait3A_146 = tpu.memref_slice %arg3[%mul3A_38] : memref<32768xi32, #tpu.memory_space<hbm>> -> memref<2048xi32, #tpu.memory_space<hbm>>
      %dma_wait3A_147 = tpu.memref_slice %arg3[%mul3A_38] : memref<32768xi32, #tpu.memory_space<hbm>> -> memref<2048xi32, #tpu.memory_space<hbm>>
      tpu.wait_dma2 semaphore(%run_scoped3A : memref<!tpu.dma_semaphore, #tpu.memory_space<semaphore_mem>>) src(%dma_wait3A_147 : memref<2048xi32, #tpu.memory_space<hbm>>) dst(%arg7 : memref<2048xi32, #tpu.memory_space<vmem>>)
      tpu.yield
    }) : () -> ()
    "tpu.region"() ({
      %run_scoped3A = tpu.sem_alloc : memref<!tpu.dma_semaphore, #tpu.memory_space<semaphore_mem>>
      %dma_start3A_144 = tpu.memref_slice %arg4[%mul3A_38] : memref<32768xi32, #tpu.memory_space<hbm>> -> memref<2048xi32, #tpu.memory_space<hbm>>
      %dma_start3A_145 = tpu.memref_slice %arg4[%mul3A_38] : memref<32768xi32, #tpu.memory_space<hbm>> -> memref<2048xi32, #tpu.memory_space<hbm>>
      tpu.enqueue_dma source(%dma_start3A_145 : memref<2048xi32, #tpu.memory_space<hbm>>) target(%arg8 : memref<2048xi32, #tpu.memory_space<vmem>>) target_semaphore(%run_scoped3A : memref<!tpu.dma_semaphore, #tpu.memory_space<semaphore_mem>>)
      %dma_wait3A_146 = tpu.memref_slice %arg4[%mul3A_38] : memref<32768xi32, #tpu.memory_space<hbm>> -> memref<2048xi32, #tpu.memory_space<hbm>>
      %dma_wait3A_147 = tpu.memref_slice %arg4[%mul3A_38] : memref<32768xi32, #tpu.memory_space<hbm>> -> memref<2048xi32, #tpu.memory_space<hbm>>
      tpu.wait_dma2 semaphore(%run_scoped3A : memref<!tpu.dma_semaphore, #tpu.memory_space<semaphore_mem>>) src(%dma_wait3A_147 : memref<2048xi32, #tpu.memory_space<hbm>>) dst(%arg8 : memref<2048xi32, #tpu.memory_space<vmem>>)
      tpu.yield
    }) : () -> ()
    %scan3A_39 = arith.constant 0 : i32
    %scan3A_40 = arith.constant 0 : i32
    %scan3A_41 = arith.constant 128 : i32
    %scan3A_42 = arith.addi %scan3A_40, %scan3A_41 : i32
    %scan3A_43 = arith.constant 1 : i32
    %scan3A_44 = scf.for %scan3A_144 = %scan3A_40 to %scan3A_42 step %scan3A_43 iter_args(%scan3A_145 = %scan3A_39) -> (i32)  : i32 {
      %mul3A_146 = arith.constant 16 : i32
      %mul3A_147 = arith.muli %scan3A_144, %mul3A_146 : i32
      %get3A = arith.index_cast %mul3A_147 : i32 to index
      %get3A_148 = tpu.vector_load %arg7[%get3A] {strides = array<i32>} : memref<2048xi32, #tpu.memory_space<vmem>>, vector<16xi32>,
      %mul3A_149 = arith.constant 16 : i32
      %mul3A_150 = arith.muli %scan3A_144, %mul3A_149 : i32
      %get3A_151 = arith.index_cast %mul3A_150 : i32 to index
      %get3A_152 = tpu.vector_load %arg8[%get3A_151] {strides = array<i32>} : memref<2048xi32, #tpu.memory_space<vmem>>, vector<16xi32>,
      %mul3A_153 = arith.constant 1024 : i32
      %mul3A_154 = vector.broadcast %mul3A_153 : i32 to vector<16xi32>
      %mul3A_155 = arith.muli %get3A_148, %mul3A_154 : vector<16xi32>
      %add3A_156 = arith.addi %mul3A_155, %get3A_152 : vector<16xi32>
      %mul3A_157 = arith.constant 16 : i32
      %mul3A_158 = arith.muli %scan3A_144, %mul3A_157 : i32
      %swap3A = arith.index_cast %mul3A_158 : i32 to index
      %swap3A_159 = tpu.vector_load %arg9[%swap3A] {strides = array<i32>} : memref<2048xi32, #tpu.memory_space<vmem>>, vector<16xi32>,
      tpu.vector_store %arg9[%swap3A], %add3A_156 {strides = array<i32>} : memref<2048xi32, #tpu.memory_space<vmem>>, vector<16xi32>,
      %scan3A_160 = arith.constant 0 : i32
      scf.yield %scan3A_160 : i32
    }
    %scan3A_45 = arith.constant 128 : i32
    %dma_start3A_46 = arith.constant 0 : i32
    %dma_start3A_47 = tpu.memref_slice %arg2[%dma_start3A_46] : memref<4194304xf32, #tpu.memory_space<hbm>> -> memref<4194304xf32, #tpu.memory_space<hbm>>
    tpu.enqueue_indirect_dma source(%dma_start3A_47 : memref<4194304xf32, #tpu.memory_space<hbm>>) target(%arg10 : memref<2048xf32, #tpu.memory_space<vmem>>) offsets(%arg9 : memref<2048xi32, #tpu.memory_space<vmem>>) semaphore(%arg17 : memref<!tpu.dma_semaphore, #tpu.memory_space<semaphore_mem>>)
    %dma_wait3A_48 = arith.constant 0 : i32
    %dma_wait3A_49 = tpu.memref_slice %arg2[%dma_wait3A_48] : memref<4194304xf32, #tpu.memory_space<hbm>> -> memref<4194304xf32, #tpu.memory_space<hbm>>
    tpu.wait_indirect_dma semaphore(%arg17 : memref<!tpu.dma_semaphore, #tpu.memory_space<semaphore_mem>>) src(%dma_wait3A_49 : memref<4194304xf32, #tpu.memory_space<hbm>>) dst(%arg10 : memref<2048xf32, #tpu.memory_space<vmem>>)
    %scan3A_50 = arith.constant 0 : i32
    %scan3A_51 = arith.constant 0 : i32
    %scan3A_52 = arith.constant 128 : i32
    %scan3A_53 = arith.addi %scan3A_51, %scan3A_52 : i32
    %scan3A_54 = arith.constant 1 : i32
    %scan3A_55 = scf.for %scan3A_144 = %scan3A_51 to %scan3A_53 step %scan3A_54 iter_args(%scan3A_145 = %scan3A_50) -> (i32)  : i32 {
      %mul3A_146 = arith.constant 16 : i32
      %mul3A_147 = arith.muli %scan3A_144, %mul3A_146 : i32
      %get3A = arith.index_cast %mul3A_147 : i32 to index
      %get3A_148 = tpu.vector_load %arg10[%get3A] {strides = array<i32>} : memref<2048xf32, #tpu.memory_space<vmem>>, vector<16xf32>,
      %exp3A = math.exp %get3A_148 : vector<16xf32>
      %mul3A_149 = arith.constant 16 : i32
      %mul3A_150 = arith.muli %scan3A_144, %mul3A_149 : i32
      %swap3A = arith.index_cast %mul3A_150 : i32 to index
      %swap3A_151 = tpu.vector_load %arg11[%swap3A] {strides = array<i32>} : memref<2048xf32, #tpu.memory_space<vmem>>, vector<16xf32>,
      tpu.vector_store %arg11[%swap3A], %exp3A {strides = array<i32>} : memref<2048xf32, #tpu.memory_space<vmem>>, vector<16xf32>,
      %scan3A_152 = arith.constant 0 : i32
      scf.yield %scan3A_152 : i32
    }
    %scan3A_56 = arith.constant 128 : i32
    %barrier3A = arith.constant 0 : index
    tpu.barrier barrier_id(%barrier3A)
    "tpu.region"() ({
      %run_scoped3A = tpu.sem_alloc : memref<!tpu.dma_semaphore, #tpu.memory_space<semaphore_mem>>
      %dma_start3A_144 = arith.constant 0 : i32
      %dma_start3A_145 = tpu.memref_slice %arg15[%dma_start3A_144] : memref<1024xf32, #tpu.memory_space<vmem_shared>> -> memref<1024xf32, #tpu.memory_space<vmem_shared>>
      tpu.enqueue_indirect_dma source(%arg11 : memref<2048xf32, #tpu.memory_space<vmem>>) target(%dma_start3A_145 : memref<1024xf32, #tpu.memory_space<vmem_shared>>) offsets(%arg8 : memref<2048xi32, #tpu.memory_space<vmem>>) semaphore(%run_scoped3A : memref<!tpu.dma_semaphore, #tpu.memory_space<semaphore_mem>>) {add = true}
      %dma_wait3A_146 = arith.constant 0 : i32
      %dma_wait3A_147 = tpu.memref_slice %arg15[%dma_wait3A_146] : memref<1024xf32, #tpu.memory_space<vmem_shared>> -> memref<1024xf32, #tpu.memory_space<vmem_shared>>
      tpu.wait_indirect_dma semaphore(%run_scoped3A : memref<!tpu.dma_semaphore, #tpu.memory_space<semaphore_mem>>) src(%arg11 : memref<2048xf32, #tpu.memory_space<vmem>>) dst(%dma_wait3A_147 : memref<1024xf32, #tpu.memory_space<vmem_shared>>)
      tpu.yield
    }) : () -> ()
    %barrier3A_57 = arith.constant 0 : index
    tpu.barrier barrier_id(%barrier3A_57)
    "tpu.region"() ({
      %run_scoped3A = tpu.sem_alloc : memref<!tpu.dma_semaphore, #tpu.memory_space<semaphore_mem>>
      tpu.enqueue_dma source(%arg15 : memref<1024xf32, #tpu.memory_space<vmem_shared>>) target(%arg12 : memref<1024xf32, #tpu.memory_space<vmem>>) target_semaphore(%run_scoped3A : memref<!tpu.dma_semaphore, #tpu.memory_space<semaphore_mem>>)
      tpu.wait_dma2 semaphore(%run_scoped3A : memref<!tpu.dma_semaphore, #tpu.memory_space<semaphore_mem>>) src(%arg15 : memref<1024xf32, #tpu.memory_space<vmem_shared>>) dst(%arg12 : memref<1024xf32, #tpu.memory_space<vmem>>)
      tpu.yield
    }) : () -> ()
    %scan3A_58 = arith.constant 0 : i32
    %scan3A_59 = arith.constant 0 : i32
    %scan3A_60 = arith.constant 128 : i32
    %scan3A_61 = arith.addi %scan3A_59, %scan3A_60 : i32
    %scan3A_62 = arith.constant 1 : i32
    %scan3A_63 = scf.for %scan3A_144 = %scan3A_59 to %scan3A_61 step %scan3A_62 iter_args(%scan3A_145 = %scan3A_58) -> (i32)  : i32 {
      %mul3A_146 = arith.constant 16 : i32
      %mul3A_147 = arith.muli %scan3A_144, %mul3A_146 : i32
      %get3A = arith.index_cast %mul3A_147 : i32 to index
      %get3A_148 = tpu.vector_load %arg8[%get3A] {strides = array<i32>} : memref<2048xi32, #tpu.memory_space<vmem>>, vector<16xi32>,
      %gather3A = tpu.vector_load_idx %arg12[%get3A_148] : memref<1024xf32, #tpu.memory_space<vmem>>[vector<16xi32>], vector<16xf32>,
      %mul3A_149 = arith.constant 16 : i32
      %mul3A_150 = arith.muli %scan3A_144, %mul3A_149 : i32
      %get3A_151 = arith.index_cast %mul3A_150 : i32 to index
      %get3A_152 = tpu.vector_load %arg11[%get3A_151] {strides = array<i32>} : memref<2048xf32, #tpu.memory_space<vmem>>, vector<16xf32>,
      %add3A_153 = arith.constant 9.99999996E-13 : f32
      %add3A_154 = vector.broadcast %add3A_153 : f32 to vector<16xf32>
      %add3A_155 = arith.addf %gather3A, %add3A_154 : vector<16xf32>
      %div3A = arith.divf %get3A_152, %add3A_155 : vector<16xf32>
      %mul3A_156 = arith.constant 16 : i32
      %mul3A_157 = arith.muli %scan3A_144, %mul3A_156 : i32
      %swap3A = arith.index_cast %mul3A_157 : i32 to index
      %swap3A_158 = tpu.vector_load %arg13[%swap3A] {strides = array<i32>} : memref<2048xf32, #tpu.memory_space<vmem>>, vector<16xf32>,
      tpu.vector_store %arg13[%swap3A], %div3A {strides = array<i32>} : memref<2048xf32, #tpu.memory_space<vmem>>, vector<16xf32>,
      %scan3A_159 = arith.constant 0 : i32
      scf.yield %scan3A_159 : i32
    }
    %scan3A_64 = arith.constant 128 : i32
    %mul3A_65 = arith.constant 2048 : i32
    %mul3A_66 = arith.muli %arg1, %mul3A_65 : i32
    %add3A_67 = arith.constant 1048576 : i32
    %add3A_68 = arith.addi %add3A_67, %mul3A_66 : i32
    %mul3A_69 = arith.constant 2 : i32
    %mul3A_70 = arith.muli %arg0, %mul3A_69 : i32
    %add3A_71 = arith.constant 0 : i32
    %add3A_72 = arith.addi %mul3A_70, %add3A_71 : i32
    %mul3A_73 = arith.constant 256 : i32
    %mul3A_74 = arith.muli %add3A_72, %mul3A_73 : i32
    %scan3A_75 = arith.constant 0 : i32
    %scan3A_76 = arith.constant 0 : i32
    %scan3A_77 = arith.constant 128 : i32
    %scan3A_78 = arith.addi %scan3A_76, %scan3A_77 : i32
    %scan3A_79 = arith.constant 1 : i32
    %scan3A_80 = scf.for %scan3A_144 = %scan3A_76 to %scan3A_78 step %scan3A_79 iter_args(%scan3A_145 = %scan3A_75) -> (i32)  : i32 {
      %mul3A_146 = arith.constant 16 : i32
      %mul3A_147 = arith.muli %scan3A_144, %mul3A_146 : i32
      %get3A = arith.index_cast %mul3A_147 : i32 to index
      %get3A_148 = tpu.vector_load %arg7[%get3A] {strides = array<i32>} : memref<2048xi32, #tpu.memory_space<vmem>>, vector<16xi32>,
      %mul3A_149 = arith.constant 16 : i32
      %mul3A_150 = arith.muli %scan3A_144, %mul3A_149 : i32
      %get3A_151 = arith.index_cast %mul3A_150 : i32 to index
      %get3A_152 = tpu.vector_load %arg8[%get3A_151] {strides = array<i32>} : memref<2048xi32, #tpu.memory_space<vmem>>, vector<16xi32>,
      %sub3A = vector.broadcast %mul3A_74 : i32 to vector<16xi32>
      %sub3A_153 = arith.subi %get3A_152, %sub3A : vector<16xi32>
      %mul3A_154 = arith.constant 4096 : i32
      %mul3A_155 = vector.broadcast %mul3A_154 : i32 to vector<16xi32>
      %mul3A_156 = arith.muli %sub3A_153, %mul3A_155 : vector<16xi32>
      %add3A_157 = arith.addi %mul3A_156, %get3A_148 : vector<16xi32>
      %ge3A = vector.broadcast %mul3A_74 : i32 to vector<16xi32>
      %ge3A_158 = arith.cmpi sge, %get3A_152, %ge3A : vector<16xi32>
      %add3A_159 = arith.constant 256 : i32
      %add3A_160 = arith.addi %mul3A_74, %add3A_159 : i32
      %lt3A = vector.broadcast %add3A_160 : i32 to vector<16xi32>
      %lt3A_161 = arith.cmpi slt, %get3A_152, %lt3A : vector<16xi32>
      %and3A = arith.andi %ge3A_158, %lt3A_161 : vector<16xi1>
      %mul3A_162 = arith.constant 16 : i32
      %mul3A_163 = arith.muli %scan3A_144, %mul3A_162 : i32
      %add3A_164 = arith.addi %add3A_68, %mul3A_163 : i32
      %iota3A = tpu.iota {dimensions = array<i32: 0>} : vector<16xi32>
      %add3A_165 = vector.broadcast %add3A_164 : i32 to vector<16xi32>
      %add3A_166 = arith.addi %add3A_165, %iota3A : vector<16xi32>
      %select_n3A = arith.select %and3A, %add3A_157, %add3A_166 : vector<16xi1>, vector<16xi32>
      %mul3A_167 = arith.constant 16 : i32
      %mul3A_168 = arith.muli %scan3A_144, %mul3A_167 : i32
      %swap3A = arith.index_cast %mul3A_168 : i32 to index
      %swap3A_169 = tpu.vector_load %arg14[%swap3A] {strides = array<i32>} : memref<2048xi32, #tpu.memory_space<vmem>>, vector<16xi32>,
      tpu.vector_store %arg14[%swap3A], %select_n3A {strides = array<i32>} : memref<2048xi32, #tpu.memory_space<vmem>>, vector<16xi32>,
      %scan3A_170 = arith.constant 0 : i32
      scf.yield %scan3A_170 : i32
    }
    %scan3A_81 = arith.constant 128 : i32
    "tpu.region"() ({
      %run_scoped3A = tpu.sem_alloc : memref<!tpu.dma_semaphore, #tpu.memory_space<semaphore_mem>>
      %dma_start3A_144 = arith.constant 0 : i32
      %dma_start3A_145 = tpu.memref_slice %arg16[%dma_start3A_144] : memref<1081344xf32, #tpu.memory_space<vmem_shared>> -> memref<1081344xf32, #tpu.memory_space<vmem_shared>>
      tpu.enqueue_indirect_dma source(%arg13 : memref<2048xf32, #tpu.memory_space<vmem>>) target(%dma_start3A_145 : memref<1081344xf32, #tpu.memory_space<vmem_shared>>) offsets(%arg14 : memref<2048xi32, #tpu.memory_space<vmem>>) semaphore(%run_scoped3A : memref<!tpu.dma_semaphore, #tpu.memory_space<semaphore_mem>>) {add = true}
      %dma_wait3A_146 = arith.constant 0 : i32
      %dma_wait3A_147 = tpu.memref_slice %arg16[%dma_wait3A_146] : memref<1081344xf32, #tpu.memory_space<vmem_shared>> -> memref<1081344xf32, #tpu.memory_space<vmem_shared>>
      tpu.wait_indirect_dma semaphore(%run_scoped3A : memref<!tpu.dma_semaphore, #tpu.memory_space<semaphore_mem>>) src(%arg13 : memref<2048xf32, #tpu.memory_space<vmem>>) dst(%dma_wait3A_147 : memref<1081344xf32, #tpu.memory_space<vmem_shared>>)
      tpu.yield
    }) : () -> ()
    %barrier3A_82 = arith.constant 0 : index
    tpu.barrier barrier_id(%barrier3A_82)
    %mul3A_83 = arith.constant 65536 : i32
    %mul3A_84 = arith.muli %arg1, %mul3A_83 : i32
    %mul3A_85 = arith.constant 4096 : i32
    %mul3A_86 = arith.muli %mul3A_74, %mul3A_85 : i32
    %mul3A_87 = arith.constant 65536 : i32
    %mul3A_88 = arith.muli %arg1, %mul3A_87 : i32
    %add3A_89 = arith.addi %mul3A_86, %mul3A_88 : i32
    "tpu.region"() ({
      %run_scoped3A = tpu.sem_alloc : memref<!tpu.dma_semaphore, #tpu.memory_space<semaphore_mem>>
      %dma_start3A_144 = tpu.memref_slice %arg5[%add3A_89] : memref<4194304xf32, #tpu.memory_space<hbm>> -> memref<65536xf32, #tpu.memory_space<hbm>>
      %dma_start3A_145 = tpu.memref_slice %arg16[%mul3A_84] : memref<1081344xf32, #tpu.memory_space<vmem_shared>> -> memref<65536xf32, #tpu.memory_space<vmem_shared>>
      tpu.enqueue_dma source(%dma_start3A_145 : memref<65536xf32, #tpu.memory_space<vmem_shared>>) target(%dma_start3A_144 : memref<65536xf32, #tpu.memory_space<hbm>>) target_semaphore(%run_scoped3A : memref<!tpu.dma_semaphore, #tpu.memory_space<semaphore_mem>>)
      %dma_wait3A_146 = tpu.memref_slice %arg5[%add3A_89] : memref<4194304xf32, #tpu.memory_space<hbm>> -> memref<65536xf32, #tpu.memory_space<hbm>>
      %dma_wait3A_147 = tpu.memref_slice %arg16[%mul3A_84] : memref<1081344xf32, #tpu.memory_space<vmem_shared>> -> memref<65536xf32, #tpu.memory_space<vmem_shared>>
      tpu.wait_dma2 semaphore(%run_scoped3A : memref<!tpu.dma_semaphore, #tpu.memory_space<semaphore_mem>>) src(%dma_wait3A_147 : memref<65536xf32, #tpu.memory_space<vmem_shared>>) dst(%dma_wait3A_146 : memref<65536xf32, #tpu.memory_space<hbm>>)
      tpu.yield
    }) : () -> ()
    %mul3A_90 = arith.constant 65536 : i32
    %mul3A_91 = arith.muli %arg1, %mul3A_90 : i32
    %add3A_92 = arith.constant 0 : i32
    %add3A_93 = arith.addi %mul3A_91, %add3A_92 : i32
    %dma_start3A_94 = tpu.memref_slice %arg16[%add3A_93] : memref<1081344xf32, #tpu.memory_space<vmem_shared>> -> memref<16384xf32, #tpu.memory_space<vmem_shared>>
    %dma_start3A_95 = tpu.memref_slice %arg16[%add3A_93] : memref<1081344xf32, #tpu.memory_space<vmem_shared>> -> memref<16384xf32, #tpu.memory_space<vmem_shared>>
    tpu.enqueue_dma source(%arg6 : memref<16384xf32, #tpu.memory_space<vmem>>) target(%dma_start3A_95 : memref<16384xf32, #tpu.memory_space<vmem_shared>>) target_semaphore(%arg17 : memref<!tpu.dma_semaphore, #tpu.memory_space<semaphore_mem>>)
    %mul3A_96 = arith.constant 65536 : i32
    %mul3A_97 = arith.muli %arg1, %mul3A_96 : i32
    %add3A_98 = arith.constant 16384 : i32
    %add3A_99 = arith.addi %mul3A_97, %add3A_98 : i32
    %dma_start3A_100 = tpu.memref_slice %arg16[%add3A_99] : memref<1081344xf32, #tpu.memory_space<vmem_shared>> -> memref<16384xf32, #tpu.memory_space<vmem_shared>>
    %dma_start3A_101 = tpu.memref_slice %arg16[%add3A_99] : memref<1081344xf32, #tpu.memory_space<vmem_shared>> -> memref<16384xf32, #tpu.memory_space<vmem_shared>>
    tpu.enqueue_dma source(%arg6 : memref<16384xf32, #tpu.memory_space<vmem>>) target(%dma_start3A_101 : memref<16384xf32, #tpu.memory_space<vmem_shared>>) target_semaphore(%arg17 : memref<!tpu.dma_semaphore, #tpu.memory_space<semaphore_mem>>)
    %mul3A_102 = arith.constant 65536 : i32
    %mul3A_103 = arith.muli %arg1, %mul3A_102 : i32
    %add3A_104 = arith.constant 32768 : i32
    %add3A_105 = arith.addi %mul3A_103, %add3A_104 : i32
    %dma_start3A_106 = tpu.memref_slice %arg16[%add3A_105] : memref<1081344xf32, #tpu.memory_space<vmem_shared>> -> memref<16384xf32, #tpu.memory_space<vmem_shared>>
    %dma_start3A_107 = tpu.memref_slice %arg16[%add3A_105] : memref<1081344xf32, #tpu.memory_space<vmem_shared>> -> memref<16384xf32, #tpu.memory_space<vmem_shared>>
    tpu.enqueue_dma source(%arg6 : memref<16384xf32, #tpu.memory_space<vmem>>) target(%dma_start3A_107 : memref<16384xf32, #tpu.memory_space<vmem_shared>>) target_semaphore(%arg17 : memref<!tpu.dma_semaphore, #tpu.memory_space<semaphore_mem>>)
    %mul3A_108 = arith.constant 65536 : i32
    %mul3A_109 = arith.muli %arg1, %mul3A_108 : i32
    %add3A_110 = arith.constant 49152 : i32
    %add3A_111 = arith.addi %mul3A_109, %add3A_110 : i32
    %dma_start3A_112 = tpu.memref_slice %arg16[%add3A_111] : memref<1081344xf32, #tpu.memory_space<vmem_shared>> -> memref<16384xf32, #tpu.memory_space<vmem_shared>>
    %dma_start3A_113 = tpu.memref_slice %arg16[%add3A_111] : memref<1081344xf32, #tpu.memory_space<vmem_shared>> -> memref<16384xf32, #tpu.memory_space<vmem_shared>>
    tpu.enqueue_dma source(%arg6 : memref<16384xf32, #tpu.memory_space<vmem>>) target(%dma_start3A_113 : memref<16384xf32, #tpu.memory_space<vmem_shared>>) target_semaphore(%arg17 : memref<!tpu.dma_semaphore, #tpu.memory_space<semaphore_mem>>)
    %dma_wait3A_114 = tpu.memref_slice %arg16[%add3A_93] : memref<1081344xf32, #tpu.memory_space<vmem_shared>> -> memref<16384xf32, #tpu.memory_space<vmem_shared>>
    %dma_wait3A_115 = tpu.memref_slice %arg16[%add3A_93] : memref<1081344xf32, #tpu.memory_space<vmem_shared>> -> memref<16384xf32, #tpu.memory_space<vmem_shared>>
    tpu.wait_dma2 semaphore(%arg17 : memref<!tpu.dma_semaphore, #tpu.memory_space<semaphore_mem>>) src(%arg6 : memref<16384xf32, #tpu.memory_space<vmem>>) dst(%dma_wait3A_115 : memref<16384xf32, #tpu.memory_space<vmem_shared>>)
    %dma_wait3A_116 = tpu.memref_slice %arg16[%add3A_99] : memref<1081344xf32, #tpu.memory_space<vmem_shared>> -> memref<16384xf32, #tpu.memory_space<vmem_shared>>
    %dma_wait3A_117 = tpu.memref_slice %arg16[%add3A_99] : memref<1081344xf32, #tpu.memory_space<vmem_shared>> -> memref<16384xf32, #tpu.memory_space<vmem_shared>>
    tpu.wait_dma2 semaphore(%arg17 : memref<!tpu.dma_semaphore, #tpu.memory_space<semaphore_mem>>) src(%arg6 : memref<16384xf32, #tpu.memory_space<vmem>>) dst(%dma_wait3A_117 : memref<16384xf32, #tpu.memory_space<vmem_shared>>)
    %dma_wait3A_118 = tpu.memref_slice %arg16[%add3A_105] : memref<1081344xf32, #tpu.memory_space<vmem_shared>> -> memref<16384xf32, #tpu.memory_space<vmem_shared>>
    %dma_wait3A_119 = tpu.memref_slice %arg16[%add3A_105] : memref<1081344xf32, #tpu.memory_space<vmem_shared>> -> memref<16384xf32, #tpu.memory_space<vmem_shared>>
    tpu.wait_dma2 semaphore(%arg17 : memref<!tpu.dma_semaphore, #tpu.memory_space<semaphore_mem>>) src(%arg6 : memref<16384xf32, #tpu.memory_space<vmem>>) dst(%dma_wait3A_119 : memref<16384xf32, #tpu.memory_space<vmem_shared>>)
    %dma_wait3A_120 = tpu.memref_slice %arg16[%add3A_111] : memref<1081344xf32, #tpu.memory_space<vmem_shared>> -> memref<16384xf32, #tpu.memory_space<vmem_shared>>
    %dma_wait3A_121 = tpu.memref_slice %arg16[%add3A_111] : memref<1081344xf32, #tpu.memory_space<vmem_shared>> -> memref<16384xf32, #tpu.memory_space<vmem_shared>>
    tpu.wait_dma2 semaphore(%arg17 : memref<!tpu.dma_semaphore, #tpu.memory_space<semaphore_mem>>) src(%arg6 : memref<16384xf32, #tpu.memory_space<vmem>>) dst(%dma_wait3A_121 : memref<16384xf32, #tpu.memory_space<vmem_shared>>)
    %barrier3A_122 = arith.constant 0 : index
    tpu.barrier barrier_id(%barrier3A_122)
    %mul3A_123 = arith.constant 2 : i32
    %mul3A_124 = arith.muli %arg0, %mul3A_123 : i32
    %add3A_125 = arith.constant 1 : i32
    %add3A_126 = arith.addi %mul3A_124, %add3A_125 : i32
    %mul3A_127 = arith.constant 256 : i32
    %mul3A_128 = arith.muli %add3A_126, %mul3A_127 : i32
    %scan3A_129 = arith.constant 0 : i32
    %scan3A_130 = arith.constant 0 : i32
    %scan3A_131 = arith.constant 128 : i32
    %scan3A_132 = arith.addi %scan3A_130, %scan3A_131 : i32
    %scan3A_133 = arith.constant 1 : i32
    %scan3A_134 = scf.for %scan3A_144 = %scan3A_130 to %scan3A_132 step %scan3A_133 iter_args(%scan3A_145 = %scan3A_129) -> (i32)  : i32 {
      %mul3A_146 = arith.constant 16 : i32
      %mul3A_147 = arith.muli %scan3A_144, %mul3A_146 : i32
      %get3A = arith.index_cast %mul3A_147 : i32 to index
      %get3A_148 = tpu.vector_load %arg7[%get3A] {strides = array<i32>} : memref<2048xi32, #tpu.memory_space<vmem>>, vector<16xi32>,
      %mul3A_149 = arith.constant 16 : i32
      %mul3A_150 = arith.muli %scan3A_144, %mul3A_149 : i32
      %get3A_151 = arith.index_cast %mul3A_150 : i32 to index
      %get3A_152 = tpu.vector_load %arg8[%get3A_151] {strides = array<i32>} : memref<2048xi32, #tpu.memory_space<vmem>>, vector<16xi32>,
      %sub3A = vector.broadcast %mul3A_128 : i32 to vector<16xi32>
      %sub3A_153 = arith.subi %get3A_152, %sub3A : vector<16xi32>
      %mul3A_154 = arith.constant 4096 : i32
      %mul3A_155 = vector.broadcast %mul3A_154 : i32 to vector<16xi32>
      %mul3A_156 = arith.muli %sub3A_153, %mul3A_155 : vector<16xi32>
      %add3A_157 = arith.addi %mul3A_156, %get3A_148 : vector<16xi32>
      %ge3A = vector.broadcast %mul3A_128 : i32 to vector<16xi32>
      %ge3A_158 = arith.cmpi sge, %get3A_152, %ge3A : vector<16xi32>
      %add3A_159 = arith.constant 256 : i32
      %add3A_160 = arith.addi %mul3A_128, %add3A_159 : i32
      %lt3A = vector.broadcast %add3A_160 : i32 to vector<16xi32>
      %lt3A_161 = arith.cmpi slt, %get3A_152, %lt3A : vector<16xi32>
      %and3A = arith.andi %ge3A_158, %lt3A_161 : vector<16xi1>
      %mul3A_162 = arith.constant 16 : i32
      %mul3A_163 = arith.muli %scan3A_144, %mul3A_162 : i32
      %add3A_164 = arith.addi %add3A_68, %mul3A_163 : i32
      %iota3A = tpu.iota {dimensions = array<i32: 0>} : vector<16xi32>
      %add3A_165 = vector.broadcast %add3A_164 : i32 to vector<16xi32>
      %add3A_166 = arith.addi %add3A_165, %iota3A : vector<16xi32>
      %select_n3A = arith.select %and3A, %add3A_157, %add3A_166 : vector<16xi1>, vector<16xi32>
      %mul3A_167 = arith.constant 16 : i32
      %mul3A_168 = arith.muli %scan3A_144, %mul3A_167 : i32
      %swap3A = arith.index_cast %mul3A_168 : i32 to index
      %swap3A_169 = tpu.vector_load %arg14[%swap3A] {strides = array<i32>} : memref<2048xi32, #tpu.memory_space<vmem>>, vector<16xi32>,
      tpu.vector_store %arg14[%swap3A], %select_n3A {strides = array<i32>} : memref<2048xi32, #tpu.memory_space<vmem>>, vector<16xi32>,
      %scan3A_170 = arith.constant 0 : i32
      scf.yield %scan3A_170 : i32
    }
    %scan3A_135 = arith.constant 128 : i32
    "tpu.region"() ({
      %run_scoped3A = tpu.sem_alloc : memref<!tpu.dma_semaphore, #tpu.memory_space<semaphore_mem>>
      %dma_start3A_144 = arith.constant 0 : i32
      %dma_start3A_145 = tpu.memref_slice %arg16[%dma_start3A_144] : memref<1081344xf32, #tpu.memory_space<vmem_shared>> -> memref<1081344xf32, #tpu.memory_space<vmem_shared>>
      tpu.enqueue_indirect_dma source(%arg13 : memref<2048xf32, #tpu.memory_space<vmem>>) target(%dma_start3A_145 : memref<1081344xf32, #tpu.memory_space<vmem_shared>>) offsets(%arg14 : memref<2048xi32, #tpu.memory_space<vmem>>) semaphore(%run_scoped3A : memref<!tpu.dma_semaphore, #tpu.memory_space<semaphore_mem>>) {add = true}
      %dma_wait3A_146 = arith.constant 0 : i32
      %dma_wait3A_147 = tpu.memref_slice %arg16[%dma_wait3A_146] : memref<1081344xf32, #tpu.memory_space<vmem_shared>> -> memref<1081344xf32, #tpu.memory_space<vmem_shared>>
      tpu.wait_indirect_dma semaphore(%run_scoped3A : memref<!tpu.dma_semaphore, #tpu.memory_space<semaphore_mem>>) src(%arg13 : memref<2048xf32, #tpu.memory_space<vmem>>) dst(%dma_wait3A_147 : memref<1081344xf32, #tpu.memory_space<vmem_shared>>)
      tpu.yield
    }) : () -> ()
    %barrier3A_136 = arith.constant 0 : index
    tpu.barrier barrier_id(%barrier3A_136)
    %mul3A_137 = arith.constant 65536 : i32
    %mul3A_138 = arith.muli %arg1, %mul3A_137 : i32
    %mul3A_139 = arith.constant 4096 : i32
    %mul3A_140 = arith.muli %mul3A_128, %mul3A_139 : i32
    %mul3A_141 = arith.constant 65536 : i32
    %mul3A_142 = arith.muli %arg1, %mul3A_141 : i32
    %add3A_143 = arith.addi %mul3A_140, %mul3A_142 : i32
    "tpu.region"() ({
      %run_scoped3A = tpu.sem_alloc : memref<!tpu.dma_semaphore, #tpu.memory_space<semaphore_mem>>
      %dma_start3A_144 = tpu.memref_slice %arg5[%add3A_143] : memref<4194304xf32, #tpu.memory_space<hbm>> -> memref<65536xf32, #tpu.memory_space<hbm>>
      %dma_start3A_145 = tpu.memref_slice %arg16[%mul3A_138] : memref<1081344xf32, #tpu.memory_space<vmem_shared>> -> memref<65536xf32, #tpu.memory_space<vmem_shared>>
      tpu.enqueue_dma source(%dma_start3A_145 : memref<65536xf32, #tpu.memory_space<vmem_shared>>) target(%dma_start3A_144 : memref<65536xf32, #tpu.memory_space<hbm>>) target_semaphore(%run_scoped3A : memref<!tpu.dma_semaphore, #tpu.memory_space<semaphore_mem>>)
      %dma_wait3A_146 = tpu.memref_slice %arg5[%add3A_143] : memref<4194304xf32, #tpu.memory_space<hbm>> -> memref<65536xf32, #tpu.memory_space<hbm>>
      %dma_wait3A_147 = tpu.memref_slice %arg16[%mul3A_138] : memref<1081344xf32, #tpu.memory_space<vmem_shared>> -> memref<65536xf32, #tpu.memory_space<vmem_shared>>
      tpu.wait_dma2 semaphore(%run_scoped3A : memref<!tpu.dma_semaphore, #tpu.memory_space<semaphore_mem>>) src(%dma_wait3A_147 : memref<65536xf32, #tpu.memory_space<vmem_shared>>) dst(%dma_wait3A_146 : memref<65536xf32, #tpu.memory_space<hbm>>)
      tpu.yield
    }) : () -> ()
    return
  }
}

#map = affine_map<(d0, d1) -> (0, 0)>
#map1 = affine_map<(d0, d1) -> (0)>
module attributes {stable_mosaic.version = 14 : i64} {
  func.func @_k2_body(%arg0: i32, %arg1: i32, %arg2: memref<8x4096xf32, #tpu.memory_space<hbm>>, %arg3: memref<65536xi32, #tpu.memory_space<hbm>>, %arg4: memref<65536xi32, #tpu.memory_space<hbm>>, %arg5: memref<16777216xf32, #tpu.memory_space<hbm>>, %arg6: memref<16384xf32, #tpu.memory_space<vmem>>, %arg7: memref<4096xf32, #tpu.memory_space<vmem>>, %arg8: memref<4096xf32, #tpu.memory_space<vmem>>, %arg9: memref<4096xi32, #tpu.memory_space<vmem>>, %arg10: memref<4096xi32, #tpu.memory_space<vmem>>, %arg11: memref<4096xi32, #tpu.memory_space<vmem>>, %arg12: memref<4096xf32, #tpu.memory_space<vmem>>, %arg13: memref<1114112xf32, #tpu.memory_space<vmem_shared>>, %arg14: memref<!tpu.dma_semaphore, #tpu.memory_space<semaphore_mem>>) attributes {dimension_semantics = [#tpu.dimension_semantics<core_parallel>, #tpu.dimension_semantics<subcore_parallel>], iteration_bounds = array<i64: 2, 16>, scalar_prefetch = 0 : i64, scratch_operands = 9 : i64, tpu.core_type = #tpu.core_type<sc_vector_subcore>, window_params = [{transform_indices = #map}, {transform_indices = #map1}, {transform_indices = #map1}, {transform_indices = #map1}]} {
    %broadcast_in_dim3A = arith.constant 0.000000e+00 : f32
    %broadcast_in_dim3A_0 = vector.broadcast %broadcast_in_dim3A : f32 to vector<16xf32>
    %scan3A = arith.constant 0 : i32
    %scan3A_1 = arith.constant 0 : i32
    %scan3A_2 = arith.constant 256 : i32
    %scan3A_3 = arith.addi %scan3A_1, %scan3A_2 : i32
    %scan3A_4 = arith.constant 1 : i32
    %scan3A_5 = scf.for %scan3A_448 = %scan3A_1 to %scan3A_3 step %scan3A_4 iter_args(%scan3A_449 = %scan3A) -> (i32)  : i32 {
      %mul3A_450 = arith.constant 4 : i32
      %mul3A_451 = arith.muli %scan3A_448, %mul3A_450 : i32
      %mul3A_452 = arith.constant 16 : i32
      %mul3A_453 = arith.muli %mul3A_451, %mul3A_452 : i32
      %swap3A = arith.index_cast %mul3A_453 : i32 to index
      %swap3A_454 = tpu.vector_load %arg6[%swap3A] {strides = array<i32>} : memref<16384xf32, #tpu.memory_space<vmem>>, vector<16xf32>,
      tpu.vector_store %arg6[%swap3A], %broadcast_in_dim3A_0 {strides = array<i32>} : memref<16384xf32, #tpu.memory_space<vmem>>, vector<16xf32>,
      %mul3A_455 = arith.constant 4 : i32
      %mul3A_456 = arith.muli %scan3A_448, %mul3A_455 : i32
      %mul3A_457 = arith.constant 16 : i32
      %mul3A_458 = arith.muli %mul3A_456, %mul3A_457 : i32
      %add3A_459 = arith.constant 16 : i32
      %add3A_460 = arith.addi %mul3A_458, %add3A_459 : i32
      %swap3A_461 = arith.index_cast %add3A_460 : i32 to index
      %swap3A_462 = tpu.vector_load %arg6[%swap3A_461] {strides = array<i32>} : memref<16384xf32, #tpu.memory_space<vmem>>, vector<16xf32>,
      tpu.vector_store %arg6[%swap3A_461], %broadcast_in_dim3A_0 {strides = array<i32>} : memref<16384xf32, #tpu.memory_space<vmem>>, vector<16xf32>,
      %mul3A_463 = arith.constant 4 : i32
      %mul3A_464 = arith.muli %scan3A_448, %mul3A_463 : i32
      %mul3A_465 = arith.constant 16 : i32
      %mul3A_466 = arith.muli %mul3A_464, %mul3A_465 : i32
      %add3A_467 = arith.constant 32 : i32
      %add3A_468 = arith.addi %mul3A_466, %add3A_467 : i32
      %swap3A_469 = arith.index_cast %add3A_468 : i32 to index
      %swap3A_470 = tpu.vector_load %arg6[%swap3A_469] {strides = array<i32>} : memref<16384xf32, #tpu.memory_space<vmem>>, vector<16xf32>,
      tpu.vector_store %arg6[%swap3A_469], %broadcast_in_dim3A_0 {strides = array<i32>} : memref<16384xf32, #tpu.memory_space<vmem>>, vector<16xf32>,
      %mul3A_471 = arith.constant 4 : i32
      %mul3A_472 = arith.muli %scan3A_448, %mul3A_471 : i32
      %mul3A_473 = arith.constant 16 : i32
      %mul3A_474 = arith.muli %mul3A_472, %mul3A_473 : i32
      %add3A_475 = arith.constant 48 : i32
      %add3A_476 = arith.addi %mul3A_474, %add3A_475 : i32
      %swap3A_477 = arith.index_cast %add3A_476 : i32 to index
      %swap3A_478 = tpu.vector_load %arg6[%swap3A_477] {strides = array<i32>} : memref<16384xf32, #tpu.memory_space<vmem>>, vector<16xf32>,
      tpu.vector_store %arg6[%swap3A_477], %broadcast_in_dim3A_0 {strides = array<i32>} : memref<16384xf32, #tpu.memory_space<vmem>>, vector<16xf32>,
      %scan3A_479 = arith.constant 0 : i32
      scf.yield %scan3A_479 : i32
    }
    %scan3A_6 = arith.constant 256 : i32
    %mul3A = arith.constant 4096 : i32
    %mul3A_7 = arith.muli %arg1, %mul3A : i32
    "tpu.region"() ({
      %run_scoped3A_448 = tpu.sem_alloc : memref<!tpu.dma_semaphore, #tpu.memory_space<semaphore_mem>>
      %dma_start3A_449 = tpu.memref_slice %arg3[%mul3A_7] : memref<65536xi32, #tpu.memory_space<hbm>> -> memref<4096xi32, #tpu.memory_space<hbm>>
      %dma_start3A_450 = tpu.memref_slice %arg3[%mul3A_7] : memref<65536xi32, #tpu.memory_space<hbm>> -> memref<4096xi32, #tpu.memory_space<hbm>>
      tpu.enqueue_dma source(%dma_start3A_450 : memref<4096xi32, #tpu.memory_space<hbm>>) target(%arg9 : memref<4096xi32, #tpu.memory_space<vmem>>) target_semaphore(%run_scoped3A_448 : memref<!tpu.dma_semaphore, #tpu.memory_space<semaphore_mem>>)
      %dma_wait3A_451 = tpu.memref_slice %arg3[%mul3A_7] : memref<65536xi32, #tpu.memory_space<hbm>> -> memref<4096xi32, #tpu.memory_space<hbm>>
      %dma_wait3A_452 = tpu.memref_slice %arg3[%mul3A_7] : memref<65536xi32, #tpu.memory_space<hbm>> -> memref<4096xi32, #tpu.memory_space<hbm>>
      tpu.wait_dma2 semaphore(%run_scoped3A_448 : memref<!tpu.dma_semaphore, #tpu.memory_space<semaphore_mem>>) src(%dma_wait3A_452 : memref<4096xi32, #tpu.memory_space<hbm>>) dst(%arg9 : memref<4096xi32, #tpu.memory_space<vmem>>)
      tpu.yield
    }) : () -> ()
    "tpu.region"() ({
      %run_scoped3A_448 = tpu.sem_alloc : memref<!tpu.dma_semaphore, #tpu.memory_space<semaphore_mem>>
      %dma_start3A_449 = tpu.memref_slice %arg4[%mul3A_7] : memref<65536xi32, #tpu.memory_space<hbm>> -> memref<4096xi32, #tpu.memory_space<hbm>>
      %dma_start3A_450 = tpu.memref_slice %arg4[%mul3A_7] : memref<65536xi32, #tpu.memory_space<hbm>> -> memref<4096xi32, #tpu.memory_space<hbm>>
      tpu.enqueue_dma source(%dma_start3A_450 : memref<4096xi32, #tpu.memory_space<hbm>>) target(%arg10 : memref<4096xi32, #tpu.memory_space<vmem>>) target_semaphore(%run_scoped3A_448 : memref<!tpu.dma_semaphore, #tpu.memory_space<semaphore_mem>>)
      %dma_wait3A_451 = tpu.memref_slice %arg4[%mul3A_7] : memref<65536xi32, #tpu.memory_space<hbm>> -> memref<4096xi32, #tpu.memory_space<hbm>>
      %dma_wait3A_452 = tpu.memref_slice %arg4[%mul3A_7] : memref<65536xi32, #tpu.memory_space<hbm>> -> memref<4096xi32, #tpu.memory_space<hbm>>
      tpu.wait_dma2 semaphore(%run_scoped3A_448 : memref<!tpu.dma_semaphore, #tpu.memory_space<semaphore_mem>>) src(%dma_wait3A_452 : memref<4096xi32, #tpu.memory_space<hbm>>) dst(%arg10 : memref<4096xi32, #tpu.memory_space<vmem>>)
      tpu.yield
    }) : () -> ()
    %run_scoped3A = arith.constant 0 : i32
    "tpu.region"() ({
      %run_scoped3A_448 = tpu.sem_alloc : memref<!tpu.dma_semaphore, #tpu.memory_space<semaphore_mem>>
      %dma_start3A_449 = arith.constant 0 : i32
      %dma_start3A_450 = tpu.memref_slice %arg2[%run_scoped3A, %dma_start3A_449] : memref<8x4096xf32, #tpu.memory_space<hbm>> -> memref<1x4096xf32, #tpu.memory_space<hbm>>
      %dma_start3A_451 = tpu.memref_squeeze %dma_start3A_450 : memref<1x4096xf32, #tpu.memory_space<hbm>> -> memref<4096xf32, #tpu.memory_space<hbm>>
      %dma_start3A_452 = arith.constant 0 : i32
      %dma_start3A_453 = tpu.memref_slice %arg2[%run_scoped3A, %dma_start3A_452] : memref<8x4096xf32, #tpu.memory_space<hbm>> -> memref<1x4096xf32, #tpu.memory_space<hbm>>
      %dma_start3A_454 = tpu.memref_squeeze %dma_start3A_453 : memref<1x4096xf32, #tpu.memory_space<hbm>> -> memref<4096xf32, #tpu.memory_space<hbm>>
      tpu.enqueue_dma source(%dma_start3A_454 : memref<4096xf32, #tpu.memory_space<hbm>>) target(%arg7 : memref<4096xf32, #tpu.memory_space<vmem>>) target_semaphore(%run_scoped3A_448 : memref<!tpu.dma_semaphore, #tpu.memory_space<semaphore_mem>>)
      %dma_wait3A_455 = arith.constant 0 : i32
      %dma_wait3A_456 = tpu.memref_slice %arg2[%run_scoped3A, %dma_wait3A_455] : memref<8x4096xf32, #tpu.memory_space<hbm>> -> memref<1x4096xf32, #tpu.memory_space<hbm>>
      %dma_wait3A_457 = tpu.memref_squeeze %dma_wait3A_456 : memref<1x4096xf32, #tpu.memory_space<hbm>> -> memref<4096xf32, #tpu.memory_space<hbm>>
      %dma_wait3A_458 = arith.constant 0 : i32
      %dma_wait3A_459 = tpu.memref_slice %arg2[%run_scoped3A, %dma_wait3A_458] : memref<8x4096xf32, #tpu.memory_space<hbm>> -> memref<1x4096xf32, #tpu.memory_space<hbm>>
      %dma_wait3A_460 = tpu.memref_squeeze %dma_wait3A_459 : memref<1x4096xf32, #tpu.memory_space<hbm>> -> memref<4096xf32, #tpu.memory_space<hbm>>
      tpu.wait_dma2 semaphore(%run_scoped3A_448 : memref<!tpu.dma_semaphore, #tpu.memory_space<semaphore_mem>>) src(%dma_wait3A_460 : memref<4096xf32, #tpu.memory_space<hbm>>) dst(%arg7 : memref<4096xf32, #tpu.memory_space<vmem>>)
      tpu.yield
    }) : () -> ()
    %run_scoped3A_8 = arith.constant 1 : i32
    "tpu.region"() ({
      %run_scoped3A_448 = tpu.sem_alloc : memref<!tpu.dma_semaphore, #tpu.memory_space<semaphore_mem>>
      %dma_start3A_449 = arith.constant 0 : i32
      %dma_start3A_450 = tpu.memref_slice %arg2[%run_scoped3A_8, %dma_start3A_449] : memref<8x4096xf32, #tpu.memory_space<hbm>> -> memref<1x4096xf32, #tpu.memory_space<hbm>>
      %dma_start3A_451 = tpu.memref_squeeze %dma_start3A_450 : memref<1x4096xf32, #tpu.memory_space<hbm>> -> memref<4096xf32, #tpu.memory_space<hbm>>
      %dma_start3A_452 = arith.constant 0 : i32
      %dma_start3A_453 = tpu.memref_slice %arg2[%run_scoped3A_8, %dma_start3A_452] : memref<8x4096xf32, #tpu.memory_space<hbm>> -> memref<1x4096xf32, #tpu.memory_space<hbm>>
      %dma_start3A_454 = tpu.memref_squeeze %dma_start3A_453 : memref<1x4096xf32, #tpu.memory_space<hbm>> -> memref<4096xf32, #tpu.memory_space<hbm>>
      tpu.enqueue_dma source(%dma_start3A_454 : memref<4096xf32, #tpu.memory_space<hbm>>) target(%arg8 : memref<4096xf32, #tpu.memory_space<vmem>>) target_semaphore(%run_scoped3A_448 : memref<!tpu.dma_semaphore, #tpu.memory_space<semaphore_mem>>)
      %dma_wait3A_455 = arith.constant 0 : i32
      %dma_wait3A_456 = tpu.memref_slice %arg2[%run_scoped3A_8, %dma_wait3A_455] : memref<8x4096xf32, #tpu.memory_space<hbm>> -> memref<1x4096xf32, #tpu.memory_space<hbm>>
      %dma_wait3A_457 = tpu.memref_squeeze %dma_wait3A_456 : memref<1x4096xf32, #tpu.memory_space<hbm>> -> memref<4096xf32, #tpu.memory_space<hbm>>
      %dma_wait3A_458 = arith.constant 0 : i32
      %dma_wait3A_459 = tpu.memref_slice %arg2[%run_scoped3A_8, %dma_wait3A_458] : memref<8x4096xf32, #tpu.memory_space<hbm>> -> memref<1x4096xf32, #tpu.memory_space<hbm>>
      %dma_wait3A_460 = tpu.memref_squeeze %dma_wait3A_459 : memref<1x4096xf32, #tpu.memory_space<hbm>> -> memref<4096xf32, #tpu.memory_space<hbm>>
      tpu.wait_dma2 semaphore(%run_scoped3A_448 : memref<!tpu.dma_semaphore, #tpu.memory_space<semaphore_mem>>) src(%dma_wait3A_460 : memref<4096xf32, #tpu.memory_space<hbm>>) dst(%arg8 : memref<4096xf32, #tpu.memory_space<vmem>>)
      tpu.yield
    }) : () -> ()
    %scan3A_9 = arith.constant 0 : i32
    %scan3A_10 = arith.constant 0 : i32
    %scan3A_11 = arith.constant 256 : i32
    %scan3A_12 = arith.addi %scan3A_10, %scan3A_11 : i32
    %scan3A_13 = arith.constant 1 : i32
    %scan3A_14 = scf.for %scan3A_448 = %scan3A_10 to %scan3A_12 step %scan3A_13 iter_args(%scan3A_449 = %scan3A_9) -> (i32)  : i32 {
      %mul3A_450 = arith.constant 16 : i32
      %mul3A_451 = arith.muli %scan3A_448, %mul3A_450 : i32
      %get3A = arith.index_cast %mul3A_451 : i32 to index
      %get3A_452 = tpu.vector_load %arg9[%get3A] {strides = array<i32>} : memref<4096xi32, #tpu.memory_space<vmem>>, vector<16xi32>,
      %mul3A_453 = arith.constant 16 : i32
      %mul3A_454 = arith.muli %scan3A_448, %mul3A_453 : i32
      %get3A_455 = arith.index_cast %mul3A_454 : i32 to index
      %get3A_456 = tpu.vector_load %arg10[%get3A_455] {strides = array<i32>} : memref<4096xi32, #tpu.memory_space<vmem>>, vector<16xi32>,
      %gather3A = tpu.vector_load_idx %arg7[%get3A_452] : memref<4096xf32, #tpu.memory_space<vmem>>[vector<16xi32>], vector<16xf32>,
      %gather3A_457 = tpu.vector_load_idx %arg8[%get3A_456] : memref<4096xf32, #tpu.memory_space<vmem>>[vector<16xi32>], vector<16xf32>,
      %add3A_458 = arith.addf %gather3A, %gather3A_457 : vector<16xf32>
      %neg3A = arith.constant 0.000000e+00 : f32
      %neg3A_459 = vector.broadcast %neg3A : f32 to vector<16xf32>
      %neg3A_460 = arith.subf %neg3A_459, %add3A_458 : vector<16xf32>
      %exp3A = math.exp %neg3A_460 : vector<16xf32>
      %add3A_461 = arith.constant 1.000000e+00 : f32
      %add3A_462 = vector.broadcast %add3A_461 : f32 to vector<16xf32>
      %add3A_463 = arith.addf %add3A_462, %exp3A : vector<16xf32>
      %div3A = arith.constant 1.000000e+00 : f32
      %div3A_464 = vector.broadcast %div3A : f32 to vector<16xf32>
      %div3A_465 = arith.divf %div3A_464, %add3A_463 : vector<16xf32>
      %mul3A_466 = arith.constant 16 : i32
      %mul3A_467 = arith.muli %scan3A_448, %mul3A_466 : i32
      %swap3A = arith.index_cast %mul3A_467 : i32 to index
      %swap3A_468 = tpu.vector_load %arg12[%swap3A] {strides = array<i32>} : memref<4096xf32, #tpu.memory_space<vmem>>, vector<16xf32>,
      tpu.vector_store %arg12[%swap3A], %div3A_465 {strides = array<i32>} : memref<4096xf32, #tpu.memory_space<vmem>>, vector<16xf32>,
      %scan3A_469 = arith.constant 0 : i32
      scf.yield %scan3A_469 : i32
    }
    %scan3A_15 = arith.constant 256 : i32
    %mul3A_16 = arith.constant 4096 : i32
    %mul3A_17 = arith.muli %arg1, %mul3A_16 : i32
    %add3A = arith.constant 1048576 : i32
    %add3A_18 = arith.addi %add3A, %mul3A_17 : i32
    %mul3A_19 = arith.constant 8 : i32
    %mul3A_20 = arith.muli %arg0, %mul3A_19 : i32
    %add3A_21 = arith.constant 0 : i32
    %add3A_22 = arith.addi %mul3A_20, %add3A_21 : i32
    %mul3A_23 = arith.constant 256 : i32
    %mul3A_24 = arith.muli %add3A_22, %mul3A_23 : i32
    %mul3A_25 = arith.constant 65536 : i32
    %mul3A_26 = arith.muli %arg1, %mul3A_25 : i32
    %add3A_27 = arith.constant 0 : i32
    %add3A_28 = arith.addi %mul3A_26, %add3A_27 : i32
    %dma_start3A = tpu.memref_slice %arg13[%add3A_28] : memref<1114112xf32, #tpu.memory_space<vmem_shared>> -> memref<16384xf32, #tpu.memory_space<vmem_shared>>
    %dma_start3A_29 = tpu.memref_slice %arg13[%add3A_28] : memref<1114112xf32, #tpu.memory_space<vmem_shared>> -> memref<16384xf32, #tpu.memory_space<vmem_shared>>
    tpu.enqueue_dma source(%arg6 : memref<16384xf32, #tpu.memory_space<vmem>>) target(%dma_start3A_29 : memref<16384xf32, #tpu.memory_space<vmem_shared>>) target_semaphore(%arg14 : memref<!tpu.dma_semaphore, #tpu.memory_space<semaphore_mem>>)
    %mul3A_30 = arith.constant 65536 : i32
    %mul3A_31 = arith.muli %arg1, %mul3A_30 : i32
    %add3A_32 = arith.constant 16384 : i32
    %add3A_33 = arith.addi %mul3A_31, %add3A_32 : i32
    %dma_start3A_34 = tpu.memref_slice %arg13[%add3A_33] : memref<1114112xf32, #tpu.memory_space<vmem_shared>> -> memref<16384xf32, #tpu.memory_space<vmem_shared>>
    %dma_start3A_35 = tpu.memref_slice %arg13[%add3A_33] : memref<1114112xf32, #tpu.memory_space<vmem_shared>> -> memref<16384xf32, #tpu.memory_space<vmem_shared>>
    tpu.enqueue_dma source(%arg6 : memref<16384xf32, #tpu.memory_space<vmem>>) target(%dma_start3A_35 : memref<16384xf32, #tpu.memory_space<vmem_shared>>) target_semaphore(%arg14 : memref<!tpu.dma_semaphore, #tpu.memory_space<semaphore_mem>>)
    %mul3A_36 = arith.constant 65536 : i32
    %mul3A_37 = arith.muli %arg1, %mul3A_36 : i32
    %add3A_38 = arith.constant 32768 : i32
    %add3A_39 = arith.addi %mul3A_37, %add3A_38 : i32
    %dma_start3A_40 = tpu.memref_slice %arg13[%add3A_39] : memref<1114112xf32, #tpu.memory_space<vmem_shared>> -> memref<16384xf32, #tpu.memory_space<vmem_shared>>
    %dma_start3A_41 = tpu.memref_slice %arg13[%add3A_39] : memref<1114112xf32, #tpu.memory_space<vmem_shared>> -> memref<16384xf32, #tpu.memory_space<vmem_shared>>
    tpu.enqueue_dma source(%arg6 : memref<16384xf32, #tpu.memory_space<vmem>>) target(%dma_start3A_41 : memref<16384xf32, #tpu.memory_space<vmem_shared>>) target_semaphore(%arg14 : memref<!tpu.dma_semaphore, #tpu.memory_space<semaphore_mem>>)
    %mul3A_42 = arith.constant 65536 : i32
    %mul3A_43 = arith.muli %arg1, %mul3A_42 : i32
    %add3A_44 = arith.constant 49152 : i32
    %add3A_45 = arith.addi %mul3A_43, %add3A_44 : i32
    %dma_start3A_46 = tpu.memref_slice %arg13[%add3A_45] : memref<1114112xf32, #tpu.memory_space<vmem_shared>> -> memref<16384xf32, #tpu.memory_space<vmem_shared>>
    %dma_start3A_47 = tpu.memref_slice %arg13[%add3A_45] : memref<1114112xf32, #tpu.memory_space<vmem_shared>> -> memref<16384xf32, #tpu.memory_space<vmem_shared>>
    tpu.enqueue_dma source(%arg6 : memref<16384xf32, #tpu.memory_space<vmem>>) target(%dma_start3A_47 : memref<16384xf32, #tpu.memory_space<vmem_shared>>) target_semaphore(%arg14 : memref<!tpu.dma_semaphore, #tpu.memory_space<semaphore_mem>>)
    %dma_wait3A = tpu.memref_slice %arg13[%add3A_28] : memref<1114112xf32, #tpu.memory_space<vmem_shared>> -> memref<16384xf32, #tpu.memory_space<vmem_shared>>
    %dma_wait3A_48 = tpu.memref_slice %arg13[%add3A_28] : memref<1114112xf32, #tpu.memory_space<vmem_shared>> -> memref<16384xf32, #tpu.memory_space<vmem_shared>>
    tpu.wait_dma2 semaphore(%arg14 : memref<!tpu.dma_semaphore, #tpu.memory_space<semaphore_mem>>) src(%arg6 : memref<16384xf32, #tpu.memory_space<vmem>>) dst(%dma_wait3A_48 : memref<16384xf32, #tpu.memory_space<vmem_shared>>)
    %dma_wait3A_49 = tpu.memref_slice %arg13[%add3A_33] : memref<1114112xf32, #tpu.memory_space<vmem_shared>> -> memref<16384xf32, #tpu.memory_space<vmem_shared>>
    %dma_wait3A_50 = tpu.memref_slice %arg13[%add3A_33] : memref<1114112xf32, #tpu.memory_space<vmem_shared>> -> memref<16384xf32, #tpu.memory_space<vmem_shared>>
    tpu.wait_dma2 semaphore(%arg14 : memref<!tpu.dma_semaphore, #tpu.memory_space<semaphore_mem>>) src(%arg6 : memref<16384xf32, #tpu.memory_space<vmem>>) dst(%dma_wait3A_50 : memref<16384xf32, #tpu.memory_space<vmem_shared>>)
    %dma_wait3A_51 = tpu.memref_slice %arg13[%add3A_39] : memref<1114112xf32, #tpu.memory_space<vmem_shared>> -> memref<16384xf32, #tpu.memory_space<vmem_shared>>
    %dma_wait3A_52 = tpu.memref_slice %arg13[%add3A_39] : memref<1114112xf32, #tpu.memory_space<vmem_shared>> -> memref<16384xf32, #tpu.memory_space<vmem_shared>>
    tpu.wait_dma2 semaphore(%arg14 : memref<!tpu.dma_semaphore, #tpu.memory_space<semaphore_mem>>) src(%arg6 : memref<16384xf32, #tpu.memory_space<vmem>>) dst(%dma_wait3A_52 : memref<16384xf32, #tpu.memory_space<vmem_shared>>)
    %dma_wait3A_53 = tpu.memref_slice %arg13[%add3A_45] : memref<1114112xf32, #tpu.memory_space<vmem_shared>> -> memref<16384xf32, #tpu.memory_space<vmem_shared>>
    %dma_wait3A_54 = tpu.memref_slice %arg13[%add3A_45] : memref<1114112xf32, #tpu.memory_space<vmem_shared>> -> memref<16384xf32, #tpu.memory_space<vmem_shared>>
    tpu.wait_dma2 semaphore(%arg14 : memref<!tpu.dma_semaphore, #tpu.memory_space<semaphore_mem>>) src(%arg6 : memref<16384xf32, #tpu.memory_space<vmem>>) dst(%dma_wait3A_54 : memref<16384xf32, #tpu.memory_space<vmem_shared>>)
    %barrier3A = arith.constant 0 : index
    tpu.barrier barrier_id(%barrier3A)
    %scan3A_55 = arith.constant 0 : i32
    %scan3A_56 = arith.constant 0 : i32
    %scan3A_57 = arith.constant 256 : i32
    %scan3A_58 = arith.addi %scan3A_56, %scan3A_57 : i32
    %scan3A_59 = arith.constant 1 : i32
    %scan3A_60 = scf.for %scan3A_448 = %scan3A_56 to %scan3A_58 step %scan3A_59 iter_args(%scan3A_449 = %scan3A_55) -> (i32)  : i32 {
      %mul3A_450 = arith.constant 16 : i32
      %mul3A_451 = arith.muli %scan3A_448, %mul3A_450 : i32
      %get3A = arith.index_cast %mul3A_451 : i32 to index
      %get3A_452 = tpu.vector_load %arg9[%get3A] {strides = array<i32>} : memref<4096xi32, #tpu.memory_space<vmem>>, vector<16xi32>,
      %mul3A_453 = arith.constant 16 : i32
      %mul3A_454 = arith.muli %scan3A_448, %mul3A_453 : i32
      %get3A_455 = arith.index_cast %mul3A_454 : i32 to index
      %get3A_456 = tpu.vector_load %arg10[%get3A_455] {strides = array<i32>} : memref<4096xi32, #tpu.memory_space<vmem>>, vector<16xi32>,
      %sub3A = vector.broadcast %mul3A_24 : i32 to vector<16xi32>
      %sub3A_457 = arith.subi %get3A_452, %sub3A : vector<16xi32>
      %mul3A_458 = arith.constant 4096 : i32
      %mul3A_459 = vector.broadcast %mul3A_458 : i32 to vector<16xi32>
      %mul3A_460 = arith.muli %sub3A_457, %mul3A_459 : vector<16xi32>
      %add3A_461 = arith.addi %mul3A_460, %get3A_456 : vector<16xi32>
      %ge3A = vector.broadcast %mul3A_24 : i32 to vector<16xi32>
      %ge3A_462 = arith.cmpi sge, %get3A_452, %ge3A : vector<16xi32>
      %add3A_463 = arith.constant 256 : i32
      %add3A_464 = arith.addi %mul3A_24, %add3A_463 : i32
      %lt3A = vector.broadcast %add3A_464 : i32 to vector<16xi32>
      %lt3A_465 = arith.cmpi slt, %get3A_452, %lt3A : vector<16xi32>
      %and3A = arith.andi %ge3A_462, %lt3A_465 : vector<16xi1>
      %mul3A_466 = arith.constant 16 : i32
      %mul3A_467 = arith.muli %scan3A_448, %mul3A_466 : i32
      %add3A_468 = arith.addi %add3A_18, %mul3A_467 : i32
      %iota3A = tpu.iota {dimensions = array<i32: 0>} : vector<16xi32>
      %add3A_469 = vector.broadcast %add3A_468 : i32 to vector<16xi32>
      %add3A_470 = arith.addi %add3A_469, %iota3A : vector<16xi32>
      %select_n3A = arith.select %and3A, %add3A_461, %add3A_470 : vector<16xi1>, vector<16xi32>
      %mul3A_471 = arith.constant 16 : i32
      %mul3A_472 = arith.muli %scan3A_448, %mul3A_471 : i32
      %swap3A = arith.index_cast %mul3A_472 : i32 to index
      %swap3A_473 = tpu.vector_load %arg11[%swap3A] {strides = array<i32>} : memref<4096xi32, #tpu.memory_space<vmem>>, vector<16xi32>,
      tpu.vector_store %arg11[%swap3A], %select_n3A {strides = array<i32>} : memref<4096xi32, #tpu.memory_space<vmem>>, vector<16xi32>,
      %scan3A_474 = arith.constant 0 : i32
      scf.yield %scan3A_474 : i32
    }
    %scan3A_61 = arith.constant 256 : i32
    "tpu.region"() ({
      %run_scoped3A_448 = tpu.sem_alloc : memref<!tpu.dma_semaphore, #tpu.memory_space<semaphore_mem>>
      %dma_start3A_449 = arith.constant 0 : i32
      %dma_start3A_450 = tpu.memref_slice %arg13[%dma_start3A_449] : memref<1114112xf32, #tpu.memory_space<vmem_shared>> -> memref<1114112xf32, #tpu.memory_space<vmem_shared>>
      tpu.enqueue_indirect_dma source(%arg12 : memref<4096xf32, #tpu.memory_space<vmem>>) target(%dma_start3A_450 : memref<1114112xf32, #tpu.memory_space<vmem_shared>>) offsets(%arg11 : memref<4096xi32, #tpu.memory_space<vmem>>) semaphore(%run_scoped3A_448 : memref<!tpu.dma_semaphore, #tpu.memory_space<semaphore_mem>>)
      %dma_wait3A_451 = arith.constant 0 : i32
      %dma_wait3A_452 = tpu.memref_slice %arg13[%dma_wait3A_451] : memref<1114112xf32, #tpu.memory_space<vmem_shared>> -> memref<1114112xf32, #tpu.memory_space<vmem_shared>>
      tpu.wait_indirect_dma semaphore(%run_scoped3A_448 : memref<!tpu.dma_semaphore, #tpu.memory_space<semaphore_mem>>) src(%arg12 : memref<4096xf32, #tpu.memory_space<vmem>>) dst(%dma_wait3A_452 : memref<1114112xf32, #tpu.memory_space<vmem_shared>>)
      tpu.yield
    }) : () -> ()
    %barrier3A_62 = arith.constant 0 : index
    tpu.barrier barrier_id(%barrier3A_62)
    %mul3A_63 = arith.constant 65536 : i32
    %mul3A_64 = arith.muli %arg1, %mul3A_63 : i32
    %mul3A_65 = arith.constant 4096 : i32
    %mul3A_66 = arith.muli %mul3A_24, %mul3A_65 : i32
    %mul3A_67 = arith.constant 65536 : i32
    %mul3A_68 = arith.muli %arg1, %mul3A_67 : i32
    %add3A_69 = arith.addi %mul3A_66, %mul3A_68 : i32
    "tpu.region"() ({
      %run_scoped3A_448 = tpu.sem_alloc : memref<!tpu.dma_semaphore, #tpu.memory_space<semaphore_mem>>
      %dma_start3A_449 = tpu.memref_slice %arg5[%add3A_69] : memref<16777216xf32, #tpu.memory_space<hbm>> -> memref<65536xf32, #tpu.memory_space<hbm>>
      %dma_start3A_450 = tpu.memref_slice %arg13[%mul3A_64] : memref<1114112xf32, #tpu.memory_space<vmem_shared>> -> memref<65536xf32, #tpu.memory_space<vmem_shared>>
      tpu.enqueue_dma source(%dma_start3A_450 : memref<65536xf32, #tpu.memory_space<vmem_shared>>) target(%dma_start3A_449 : memref<65536xf32, #tpu.memory_space<hbm>>) target_semaphore(%run_scoped3A_448 : memref<!tpu.dma_semaphore, #tpu.memory_space<semaphore_mem>>)
      %dma_wait3A_451 = tpu.memref_slice %arg5[%add3A_69] : memref<16777216xf32, #tpu.memory_space<hbm>> -> memref<65536xf32, #tpu.memory_space<hbm>>
      %dma_wait3A_452 = tpu.memref_slice %arg13[%mul3A_64] : memref<1114112xf32, #tpu.memory_space<vmem_shared>> -> memref<65536xf32, #tpu.memory_space<vmem_shared>>
      tpu.wait_dma2 semaphore(%run_scoped3A_448 : memref<!tpu.dma_semaphore, #tpu.memory_space<semaphore_mem>>) src(%dma_wait3A_452 : memref<65536xf32, #tpu.memory_space<vmem_shared>>) dst(%dma_wait3A_451 : memref<65536xf32, #tpu.memory_space<hbm>>)
      tpu.yield
    }) : () -> ()
    %mul3A_70 = arith.constant 8 : i32
    %mul3A_71 = arith.muli %arg0, %mul3A_70 : i32
    %add3A_72 = arith.constant 1 : i32
    %add3A_73 = arith.addi %mul3A_71, %add3A_72 : i32
    %mul3A_74 = arith.constant 256 : i32
    %mul3A_75 = arith.muli %add3A_73, %mul3A_74 : i32
    %mul3A_76 = arith.constant 65536 : i32
    %mul3A_77 = arith.muli %arg1, %mul3A_76 : i32
    %add3A_78 = arith.constant 0 : i32
    %add3A_79 = arith.addi %mul3A_77, %add3A_78 : i32
    %dma_start3A_80 = tpu.memref_slice %arg13[%add3A_79] : memref<1114112xf32, #tpu.memory_space<vmem_shared>> -> memref<16384xf32, #tpu.memory_space<vmem_shared>>
    %dma_start3A_81 = tpu.memref_slice %arg13[%add3A_79] : memref<1114112xf32, #tpu.memory_space<vmem_shared>> -> memref<16384xf32, #tpu.memory_space<vmem_shared>>
    tpu.enqueue_dma source(%arg6 : memref<16384xf32, #tpu.memory_space<vmem>>) target(%dma_start3A_81 : memref<16384xf32, #tpu.memory_space<vmem_shared>>) target_semaphore(%arg14 : memref<!tpu.dma_semaphore, #tpu.memory_space<semaphore_mem>>)
    %mul3A_82 = arith.constant 65536 : i32
    %mul3A_83 = arith.muli %arg1, %mul3A_82 : i32
    %add3A_84 = arith.constant 16384 : i32
    %add3A_85 = arith.addi %mul3A_83, %add3A_84 : i32
    %dma_start3A_86 = tpu.memref_slice %arg13[%add3A_85] : memref<1114112xf32, #tpu.memory_space<vmem_shared>> -> memref<16384xf32, #tpu.memory_space<vmem_shared>>
    %dma_start3A_87 = tpu.memref_slice %arg13[%add3A_85] : memref<1114112xf32, #tpu.memory_space<vmem_shared>> -> memref<16384xf32, #tpu.memory_space<vmem_shared>>
    tpu.enqueue_dma source(%arg6 : memref<16384xf32, #tpu.memory_space<vmem>>) target(%dma_start3A_87 : memref<16384xf32, #tpu.memory_space<vmem_shared>>) target_semaphore(%arg14 : memref<!tpu.dma_semaphore, #tpu.memory_space<semaphore_mem>>)
    %mul3A_88 = arith.constant 65536 : i32
    %mul3A_89 = arith.muli %arg1, %mul3A_88 : i32
    %add3A_90 = arith.constant 32768 : i32
    %add3A_91 = arith.addi %mul3A_89, %add3A_90 : i32
    %dma_start3A_92 = tpu.memref_slice %arg13[%add3A_91] : memref<1114112xf32, #tpu.memory_space<vmem_shared>> -> memref<16384xf32, #tpu.memory_space<vmem_shared>>
    %dma_start3A_93 = tpu.memref_slice %arg13[%add3A_91] : memref<1114112xf32, #tpu.memory_space<vmem_shared>> -> memref<16384xf32, #tpu.memory_space<vmem_shared>>
    tpu.enqueue_dma source(%arg6 : memref<16384xf32, #tpu.memory_space<vmem>>) target(%dma_start3A_93 : memref<16384xf32, #tpu.memory_space<vmem_shared>>) target_semaphore(%arg14 : memref<!tpu.dma_semaphore, #tpu.memory_space<semaphore_mem>>)
    %mul3A_94 = arith.constant 65536 : i32
    %mul3A_95 = arith.muli %arg1, %mul3A_94 : i32
    %add3A_96 = arith.constant 49152 : i32
    %add3A_97 = arith.addi %mul3A_95, %add3A_96 : i32
    %dma_start3A_98 = tpu.memref_slice %arg13[%add3A_97] : memref<1114112xf32, #tpu.memory_space<vmem_shared>> -> memref<16384xf32, #tpu.memory_space<vmem_shared>>
    %dma_start3A_99 = tpu.memref_slice %arg13[%add3A_97] : memref<1114112xf32, #tpu.memory_space<vmem_shared>> -> memref<16384xf32, #tpu.memory_space<vmem_shared>>
    tpu.enqueue_dma source(%arg6 : memref<16384xf32, #tpu.memory_space<vmem>>) target(%dma_start3A_99 : memref<16384xf32, #tpu.memory_space<vmem_shared>>) target_semaphore(%arg14 : memref<!tpu.dma_semaphore, #tpu.memory_space<semaphore_mem>>)
    %dma_wait3A_100 = tpu.memref_slice %arg13[%add3A_79] : memref<1114112xf32, #tpu.memory_space<vmem_shared>> -> memref<16384xf32, #tpu.memory_space<vmem_shared>>
    %dma_wait3A_101 = tpu.memref_slice %arg13[%add3A_79] : memref<1114112xf32, #tpu.memory_space<vmem_shared>> -> memref<16384xf32, #tpu.memory_space<vmem_shared>>
    tpu.wait_dma2 semaphore(%arg14 : memref<!tpu.dma_semaphore, #tpu.memory_space<semaphore_mem>>) src(%arg6 : memref<16384xf32, #tpu.memory_space<vmem>>) dst(%dma_wait3A_101 : memref<16384xf32, #tpu.memory_space<vmem_shared>>)
    %dma_wait3A_102 = tpu.memref_slice %arg13[%add3A_85] : memref<1114112xf32, #tpu.memory_space<vmem_shared>> -> memref<16384xf32, #tpu.memory_space<vmem_shared>>
    %dma_wait3A_103 = tpu.memref_slice %arg13[%add3A_85] : memref<1114112xf32, #tpu.memory_space<vmem_shared>> -> memref<16384xf32, #tpu.memory_space<vmem_shared>>
    tpu.wait_dma2 semaphore(%arg14 : memref<!tpu.dma_semaphore, #tpu.memory_space<semaphore_mem>>) src(%arg6 : memref<16384xf32, #tpu.memory_space<vmem>>) dst(%dma_wait3A_103 : memref<16384xf32, #tpu.memory_space<vmem_shared>>)
    %dma_wait3A_104 = tpu.memref_slice %arg13[%add3A_91] : memref<1114112xf32, #tpu.memory_space<vmem_shared>> -> memref<16384xf32, #tpu.memory_space<vmem_shared>>
    %dma_wait3A_105 = tpu.memref_slice %arg13[%add3A_91] : memref<1114112xf32, #tpu.memory_space<vmem_shared>> -> memref<16384xf32, #tpu.memory_space<vmem_shared>>
    tpu.wait_dma2 semaphore(%arg14 : memref<!tpu.dma_semaphore, #tpu.memory_space<semaphore_mem>>) src(%arg6 : memref<16384xf32, #tpu.memory_space<vmem>>) dst(%dma_wait3A_105 : memref<16384xf32, #tpu.memory_space<vmem_shared>>)
    %dma_wait3A_106 = tpu.memref_slice %arg13[%add3A_97] : memref<1114112xf32, #tpu.memory_space<vmem_shared>> -> memref<16384xf32, #tpu.memory_space<vmem_shared>>
    %dma_wait3A_107 = tpu.memref_slice %arg13[%add3A_97] : memref<1114112xf32, #tpu.memory_space<vmem_shared>> -> memref<16384xf32, #tpu.memory_space<vmem_shared>>
    tpu.wait_dma2 semaphore(%arg14 : memref<!tpu.dma_semaphore, #tpu.memory_space<semaphore_mem>>) src(%arg6 : memref<16384xf32, #tpu.memory_space<vmem>>) dst(%dma_wait3A_107 : memref<16384xf32, #tpu.memory_space<vmem_shared>>)
    %barrier3A_108 = arith.constant 0 : index
    tpu.barrier barrier_id(%barrier3A_108)
    %scan3A_109 = arith.constant 0 : i32
    %scan3A_110 = arith.constant 0 : i32
    %scan3A_111 = arith.constant 256 : i32
    %scan3A_112 = arith.addi %scan3A_110, %scan3A_111 : i32
    %scan3A_113 = arith.constant 1 : i32
    %scan3A_114 = scf.for %scan3A_448 = %scan3A_110 to %scan3A_112 step %scan3A_113 iter_args(%scan3A_449 = %scan3A_109) -> (i32)  : i32 {
      %mul3A_450 = arith.constant 16 : i32
      %mul3A_451 = arith.muli %scan3A_448, %mul3A_450 : i32
      %get3A = arith.index_cast %mul3A_451 : i32 to index
      %get3A_452 = tpu.vector_load %arg9[%get3A] {strides = array<i32>} : memref<4096xi32, #tpu.memory_space<vmem>>, vector<16xi32>,
      %mul3A_453 = arith.constant 16 : i32
      %mul3A_454 = arith.muli %scan3A_448, %mul3A_453 : i32
      %get3A_455 = arith.index_cast %mul3A_454 : i32 to index
      %get3A_456 = tpu.vector_load %arg10[%get3A_455] {strides = array<i32>} : memref<4096xi32, #tpu.memory_space<vmem>>, vector<16xi32>,
      %sub3A = vector.broadcast %mul3A_75 : i32 to vector<16xi32>
      %sub3A_457 = arith.subi %get3A_452, %sub3A : vector<16xi32>
      %mul3A_458 = arith.constant 4096 : i32
      %mul3A_459 = vector.broadcast %mul3A_458 : i32 to vector<16xi32>
      %mul3A_460 = arith.muli %sub3A_457, %mul3A_459 : vector<16xi32>
      %add3A_461 = arith.addi %mul3A_460, %get3A_456 : vector<16xi32>
      %ge3A = vector.broadcast %mul3A_75 : i32 to vector<16xi32>
      %ge3A_462 = arith.cmpi sge, %get3A_452, %ge3A : vector<16xi32>
      %add3A_463 = arith.constant 256 : i32
      %add3A_464 = arith.addi %mul3A_75, %add3A_463 : i32
      %lt3A = vector.broadcast %add3A_464 : i32 to vector<16xi32>
      %lt3A_465 = arith.cmpi slt, %get3A_452, %lt3A : vector<16xi32>
      %and3A = arith.andi %ge3A_462, %lt3A_465 : vector<16xi1>
      %mul3A_466 = arith.constant 16 : i32
      %mul3A_467 = arith.muli %scan3A_448, %mul3A_466 : i32
      %add3A_468 = arith.addi %add3A_18, %mul3A_467 : i32
      %iota3A = tpu.iota {dimensions = array<i32: 0>} : vector<16xi32>
      %add3A_469 = vector.broadcast %add3A_468 : i32 to vector<16xi32>
      %add3A_470 = arith.addi %add3A_469, %iota3A : vector<16xi32>
      %select_n3A = arith.select %and3A, %add3A_461, %add3A_470 : vector<16xi1>, vector<16xi32>
      %mul3A_471 = arith.constant 16 : i32
      %mul3A_472 = arith.muli %scan3A_448, %mul3A_471 : i32
      %swap3A = arith.index_cast %mul3A_472 : i32 to index
      %swap3A_473 = tpu.vector_load %arg11[%swap3A] {strides = array<i32>} : memref<4096xi32, #tpu.memory_space<vmem>>, vector<16xi32>,
      tpu.vector_store %arg11[%swap3A], %select_n3A {strides = array<i32>} : memref<4096xi32, #tpu.memory_space<vmem>>, vector<16xi32>,
      %scan3A_474 = arith.constant 0 : i32
      scf.yield %scan3A_474 : i32
    }
    %scan3A_115 = arith.constant 256 : i32
    "tpu.region"() ({
      %run_scoped3A_448 = tpu.sem_alloc : memref<!tpu.dma_semaphore, #tpu.memory_space<semaphore_mem>>
      %dma_start3A_449 = arith.constant 0 : i32
      %dma_start3A_450 = tpu.memref_slice %arg13[%dma_start3A_449] : memref<1114112xf32, #tpu.memory_space<vmem_shared>> -> memref<1114112xf32, #tpu.memory_space<vmem_shared>>
      tpu.enqueue_indirect_dma source(%arg12 : memref<4096xf32, #tpu.memory_space<vmem>>) target(%dma_start3A_450 : memref<1114112xf32, #tpu.memory_space<vmem_shared>>) offsets(%arg11 : memref<4096xi32, #tpu.memory_space<vmem>>) semaphore(%run_scoped3A_448 : memref<!tpu.dma_semaphore, #tpu.memory_space<semaphore_mem>>)
      %dma_wait3A_451 = arith.constant 0 : i32
      %dma_wait3A_452 = tpu.memref_slice %arg13[%dma_wait3A_451] : memref<1114112xf32, #tpu.memory_space<vmem_shared>> -> memref<1114112xf32, #tpu.memory_space<vmem_shared>>
      tpu.wait_indirect_dma semaphore(%run_scoped3A_448 : memref<!tpu.dma_semaphore, #tpu.memory_space<semaphore_mem>>) src(%arg12 : memref<4096xf32, #tpu.memory_space<vmem>>) dst(%dma_wait3A_452 : memref<1114112xf32, #tpu.memory_space<vmem_shared>>)
      tpu.yield
    }) : () -> ()
    %barrier3A_116 = arith.constant 0 : index
    tpu.barrier barrier_id(%barrier3A_116)
    %mul3A_117 = arith.constant 65536 : i32
    %mul3A_118 = arith.muli %arg1, %mul3A_117 : i32
    %mul3A_119 = arith.constant 4096 : i32
    %mul3A_120 = arith.muli %mul3A_75, %mul3A_119 : i32
    %mul3A_121 = arith.constant 65536 : i32
    %mul3A_122 = arith.muli %arg1, %mul3A_121 : i32
    %add3A_123 = arith.addi %mul3A_120, %mul3A_122 : i32
    "tpu.region"() ({
      %run_scoped3A_448 = tpu.sem_alloc : memref<!tpu.dma_semaphore, #tpu.memory_space<semaphore_mem>>
      %dma_start3A_449 = tpu.memref_slice %arg5[%add3A_123] : memref<16777216xf32, #tpu.memory_space<hbm>> -> memref<65536xf32, #tpu.memory_space<hbm>>
      %dma_start3A_450 = tpu.memref_slice %arg13[%mul3A_118] : memref<1114112xf32, #tpu.memory_space<vmem_shared>> -> memref<65536xf32, #tpu.memory_space<vmem_shared>>
      tpu.enqueue_dma source(%dma_start3A_450 : memref<65536xf32, #tpu.memory_space<vmem_shared>>) target(%dma_start3A_449 : memref<65536xf32, #tpu.memory_space<hbm>>) target_semaphore(%run_scoped3A_448 : memref<!tpu.dma_semaphore, #tpu.memory_space<semaphore_mem>>)
      %dma_wait3A_451 = tpu.memref_slice %arg5[%add3A_123] : memref<16777216xf32, #tpu.memory_space<hbm>> -> memref<65536xf32, #tpu.memory_space<hbm>>
      %dma_wait3A_452 = tpu.memref_slice %arg13[%mul3A_118] : memref<1114112xf32, #tpu.memory_space<vmem_shared>> -> memref<65536xf32, #tpu.memory_space<vmem_shared>>
      tpu.wait_dma2 semaphore(%run_scoped3A_448 : memref<!tpu.dma_semaphore, #tpu.memory_space<semaphore_mem>>) src(%dma_wait3A_452 : memref<65536xf32, #tpu.memory_space<vmem_shared>>) dst(%dma_wait3A_451 : memref<65536xf32, #tpu.memory_space<hbm>>)
      tpu.yield
    }) : () -> ()
    %mul3A_124 = arith.constant 8 : i32
    %mul3A_125 = arith.muli %arg0, %mul3A_124 : i32
    %add3A_126 = arith.constant 2 : i32
    %add3A_127 = arith.addi %mul3A_125, %add3A_126 : i32
    %mul3A_128 = arith.constant 256 : i32
    %mul3A_129 = arith.muli %add3A_127, %mul3A_128 : i32
    %mul3A_130 = arith.constant 65536 : i32
    %mul3A_131 = arith.muli %arg1, %mul3A_130 : i32
    %add3A_132 = arith.constant 0 : i32
    %add3A_133 = arith.addi %mul3A_131, %add3A_132 : i32
    %dma_start3A_134 = tpu.memref_slice %arg13[%add3A_133] : memref<1114112xf32, #tpu.memory_space<vmem_shared>> -> memref<16384xf32, #tpu.memory_space<vmem_shared>>
    %dma_start3A_135 = tpu.memref_slice %arg13[%add3A_133] : memref<1114112xf32, #tpu.memory_space<vmem_shared>> -> memref<16384xf32, #tpu.memory_space<vmem_shared>>
    tpu.enqueue_dma source(%arg6 : memref<16384xf32, #tpu.memory_space<vmem>>) target(%dma_start3A_135 : memref<16384xf32, #tpu.memory_space<vmem_shared>>) target_semaphore(%arg14 : memref<!tpu.dma_semaphore, #tpu.memory_space<semaphore_mem>>)
    %mul3A_136 = arith.constant 65536 : i32
    %mul3A_137 = arith.muli %arg1, %mul3A_136 : i32
    %add3A_138 = arith.constant 16384 : i32
    %add3A_139 = arith.addi %mul3A_137, %add3A_138 : i32
    %dma_start3A_140 = tpu.memref_slice %arg13[%add3A_139] : memref<1114112xf32, #tpu.memory_space<vmem_shared>> -> memref<16384xf32, #tpu.memory_space<vmem_shared>>
    %dma_start3A_141 = tpu.memref_slice %arg13[%add3A_139] : memref<1114112xf32, #tpu.memory_space<vmem_shared>> -> memref<16384xf32, #tpu.memory_space<vmem_shared>>
    tpu.enqueue_dma source(%arg6 : memref<16384xf32, #tpu.memory_space<vmem>>) target(%dma_start3A_141 : memref<16384xf32, #tpu.memory_space<vmem_shared>>) target_semaphore(%arg14 : memref<!tpu.dma_semaphore, #tpu.memory_space<semaphore_mem>>)
    %mul3A_142 = arith.constant 65536 : i32
    %mul3A_143 = arith.muli %arg1, %mul3A_142 : i32
    %add3A_144 = arith.constant 32768 : i32
    %add3A_145 = arith.addi %mul3A_143, %add3A_144 : i32
    %dma_start3A_146 = tpu.memref_slice %arg13[%add3A_145] : memref<1114112xf32, #tpu.memory_space<vmem_shared>> -> memref<16384xf32, #tpu.memory_space<vmem_shared>>
    %dma_start3A_147 = tpu.memref_slice %arg13[%add3A_145] : memref<1114112xf32, #tpu.memory_space<vmem_shared>> -> memref<16384xf32, #tpu.memory_space<vmem_shared>>
    tpu.enqueue_dma source(%arg6 : memref<16384xf32, #tpu.memory_space<vmem>>) target(%dma_start3A_147 : memref<16384xf32, #tpu.memory_space<vmem_shared>>) target_semaphore(%arg14 : memref<!tpu.dma_semaphore, #tpu.memory_space<semaphore_mem>>)
    %mul3A_148 = arith.constant 65536 : i32
    %mul3A_149 = arith.muli %arg1, %mul3A_148 : i32
    %add3A_150 = arith.constant 49152 : i32
    %add3A_151 = arith.addi %mul3A_149, %add3A_150 : i32
    %dma_start3A_152 = tpu.memref_slice %arg13[%add3A_151] : memref<1114112xf32, #tpu.memory_space<vmem_shared>> -> memref<16384xf32, #tpu.memory_space<vmem_shared>>
    %dma_start3A_153 = tpu.memref_slice %arg13[%add3A_151] : memref<1114112xf32, #tpu.memory_space<vmem_shared>> -> memref<16384xf32, #tpu.memory_space<vmem_shared>>
    tpu.enqueue_dma source(%arg6 : memref<16384xf32, #tpu.memory_space<vmem>>) target(%dma_start3A_153 : memref<16384xf32, #tpu.memory_space<vmem_shared>>) target_semaphore(%arg14 : memref<!tpu.dma_semaphore, #tpu.memory_space<semaphore_mem>>)
    %dma_wait3A_154 = tpu.memref_slice %arg13[%add3A_133] : memref<1114112xf32, #tpu.memory_space<vmem_shared>> -> memref<16384xf32, #tpu.memory_space<vmem_shared>>
    %dma_wait3A_155 = tpu.memref_slice %arg13[%add3A_133] : memref<1114112xf32, #tpu.memory_space<vmem_shared>> -> memref<16384xf32, #tpu.memory_space<vmem_shared>>
    tpu.wait_dma2 semaphore(%arg14 : memref<!tpu.dma_semaphore, #tpu.memory_space<semaphore_mem>>) src(%arg6 : memref<16384xf32, #tpu.memory_space<vmem>>) dst(%dma_wait3A_155 : memref<16384xf32, #tpu.memory_space<vmem_shared>>)
    %dma_wait3A_156 = tpu.memref_slice %arg13[%add3A_139] : memref<1114112xf32, #tpu.memory_space<vmem_shared>> -> memref<16384xf32, #tpu.memory_space<vmem_shared>>
    %dma_wait3A_157 = tpu.memref_slice %arg13[%add3A_139] : memref<1114112xf32, #tpu.memory_space<vmem_shared>> -> memref<16384xf32, #tpu.memory_space<vmem_shared>>
    tpu.wait_dma2 semaphore(%arg14 : memref<!tpu.dma_semaphore, #tpu.memory_space<semaphore_mem>>) src(%arg6 : memref<16384xf32, #tpu.memory_space<vmem>>) dst(%dma_wait3A_157 : memref<16384xf32, #tpu.memory_space<vmem_shared>>)
    %dma_wait3A_158 = tpu.memref_slice %arg13[%add3A_145] : memref<1114112xf32, #tpu.memory_space<vmem_shared>> -> memref<16384xf32, #tpu.memory_space<vmem_shared>>
    %dma_wait3A_159 = tpu.memref_slice %arg13[%add3A_145] : memref<1114112xf32, #tpu.memory_space<vmem_shared>> -> memref<16384xf32, #tpu.memory_space<vmem_shared>>
    tpu.wait_dma2 semaphore(%arg14 : memref<!tpu.dma_semaphore, #tpu.memory_space<semaphore_mem>>) src(%arg6 : memref<16384xf32, #tpu.memory_space<vmem>>) dst(%dma_wait3A_159 : memref<16384xf32, #tpu.memory_space<vmem_shared>>)
    %dma_wait3A_160 = tpu.memref_slice %arg13[%add3A_151] : memref<1114112xf32, #tpu.memory_space<vmem_shared>> -> memref<16384xf32, #tpu.memory_space<vmem_shared>>
    %dma_wait3A_161 = tpu.memref_slice %arg13[%add3A_151] : memref<1114112xf32, #tpu.memory_space<vmem_shared>> -> memref<16384xf32, #tpu.memory_space<vmem_shared>>
    tpu.wait_dma2 semaphore(%arg14 : memref<!tpu.dma_semaphore, #tpu.memory_space<semaphore_mem>>) src(%arg6 : memref<16384xf32, #tpu.memory_space<vmem>>) dst(%dma_wait3A_161 : memref<16384xf32, #tpu.memory_space<vmem_shared>>)
    %barrier3A_162 = arith.constant 0 : index
    tpu.barrier barrier_id(%barrier3A_162)
    %scan3A_163 = arith.constant 0 : i32
    %scan3A_164 = arith.constant 0 : i32
    %scan3A_165 = arith.constant 256 : i32
    %scan3A_166 = arith.addi %scan3A_164, %scan3A_165 : i32
    %scan3A_167 = arith.constant 1 : i32
    %scan3A_168 = scf.for %scan3A_448 = %scan3A_164 to %scan3A_166 step %scan3A_167 iter_args(%scan3A_449 = %scan3A_163) -> (i32)  : i32 {
      %mul3A_450 = arith.constant 16 : i32
      %mul3A_451 = arith.muli %scan3A_448, %mul3A_450 : i32
      %get3A = arith.index_cast %mul3A_451 : i32 to index
      %get3A_452 = tpu.vector_load %arg9[%get3A] {strides = array<i32>} : memref<4096xi32, #tpu.memory_space<vmem>>, vector<16xi32>,
      %mul3A_453 = arith.constant 16 : i32
      %mul3A_454 = arith.muli %scan3A_448, %mul3A_453 : i32
      %get3A_455 = arith.index_cast %mul3A_454 : i32 to index
      %get3A_456 = tpu.vector_load %arg10[%get3A_455] {strides = array<i32>} : memref<4096xi32, #tpu.memory_space<vmem>>, vector<16xi32>,
      %sub3A = vector.broadcast %mul3A_129 : i32 to vector<16xi32>
      %sub3A_457 = arith.subi %get3A_452, %sub3A : vector<16xi32>
      %mul3A_458 = arith.constant 4096 : i32
      %mul3A_459 = vector.broadcast %mul3A_458 : i32 to vector<16xi32>
      %mul3A_460 = arith.muli %sub3A_457, %mul3A_459 : vector<16xi32>
      %add3A_461 = arith.addi %mul3A_460, %get3A_456 : vector<16xi32>
      %ge3A = vector.broadcast %mul3A_129 : i32 to vector<16xi32>
      %ge3A_462 = arith.cmpi sge, %get3A_452, %ge3A : vector<16xi32>
      %add3A_463 = arith.constant 256 : i32
      %add3A_464 = arith.addi %mul3A_129, %add3A_463 : i32
      %lt3A = vector.broadcast %add3A_464 : i32 to vector<16xi32>
      %lt3A_465 = arith.cmpi slt, %get3A_452, %lt3A : vector<16xi32>
      %and3A = arith.andi %ge3A_462, %lt3A_465 : vector<16xi1>
      %mul3A_466 = arith.constant 16 : i32
      %mul3A_467 = arith.muli %scan3A_448, %mul3A_466 : i32
      %add3A_468 = arith.addi %add3A_18, %mul3A_467 : i32
      %iota3A = tpu.iota {dimensions = array<i32: 0>} : vector<16xi32>
      %add3A_469 = vector.broadcast %add3A_468 : i32 to vector<16xi32>
      %add3A_470 = arith.addi %add3A_469, %iota3A : vector<16xi32>
      %select_n3A = arith.select %and3A, %add3A_461, %add3A_470 : vector<16xi1>, vector<16xi32>
      %mul3A_471 = arith.constant 16 : i32
      %mul3A_472 = arith.muli %scan3A_448, %mul3A_471 : i32
      %swap3A = arith.index_cast %mul3A_472 : i32 to index
      %swap3A_473 = tpu.vector_load %arg11[%swap3A] {strides = array<i32>} : memref<4096xi32, #tpu.memory_space<vmem>>, vector<16xi32>,
      tpu.vector_store %arg11[%swap3A], %select_n3A {strides = array<i32>} : memref<4096xi32, #tpu.memory_space<vmem>>, vector<16xi32>,
      %scan3A_474 = arith.constant 0 : i32
      scf.yield %scan3A_474 : i32
    }
    %scan3A_169 = arith.constant 256 : i32
    "tpu.region"() ({
      %run_scoped3A_448 = tpu.sem_alloc : memref<!tpu.dma_semaphore, #tpu.memory_space<semaphore_mem>>
      %dma_start3A_449 = arith.constant 0 : i32
      %dma_start3A_450 = tpu.memref_slice %arg13[%dma_start3A_449] : memref<1114112xf32, #tpu.memory_space<vmem_shared>> -> memref<1114112xf32, #tpu.memory_space<vmem_shared>>
      tpu.enqueue_indirect_dma source(%arg12 : memref<4096xf32, #tpu.memory_space<vmem>>) target(%dma_start3A_450 : memref<1114112xf32, #tpu.memory_space<vmem_shared>>) offsets(%arg11 : memref<4096xi32, #tpu.memory_space<vmem>>) semaphore(%run_scoped3A_448 : memref<!tpu.dma_semaphore, #tpu.memory_space<semaphore_mem>>)
      %dma_wait3A_451 = arith.constant 0 : i32
      %dma_wait3A_452 = tpu.memref_slice %arg13[%dma_wait3A_451] : memref<1114112xf32, #tpu.memory_space<vmem_shared>> -> memref<1114112xf32, #tpu.memory_space<vmem_shared>>
      tpu.wait_indirect_dma semaphore(%run_scoped3A_448 : memref<!tpu.dma_semaphore, #tpu.memory_space<semaphore_mem>>) src(%arg12 : memref<4096xf32, #tpu.memory_space<vmem>>) dst(%dma_wait3A_452 : memref<1114112xf32, #tpu.memory_space<vmem_shared>>)
      tpu.yield
    }) : () -> ()
    %barrier3A_170 = arith.constant 0 : index
    tpu.barrier barrier_id(%barrier3A_170)
    %mul3A_171 = arith.constant 65536 : i32
    %mul3A_172 = arith.muli %arg1, %mul3A_171 : i32
    %mul3A_173 = arith.constant 4096 : i32
    %mul3A_174 = arith.muli %mul3A_129, %mul3A_173 : i32
    %mul3A_175 = arith.constant 65536 : i32
    %mul3A_176 = arith.muli %arg1, %mul3A_175 : i32
    %add3A_177 = arith.addi %mul3A_174, %mul3A_176 : i32
    "tpu.region"() ({
      %run_scoped3A_448 = tpu.sem_alloc : memref<!tpu.dma_semaphore, #tpu.memory_space<semaphore_mem>>
      %dma_start3A_449 = tpu.memref_slice %arg5[%add3A_177] : memref<16777216xf32, #tpu.memory_space<hbm>> -> memref<65536xf32, #tpu.memory_space<hbm>>
      %dma_start3A_450 = tpu.memref_slice %arg13[%mul3A_172] : memref<1114112xf32, #tpu.memory_space<vmem_shared>> -> memref<65536xf32, #tpu.memory_space<vmem_shared>>
      tpu.enqueue_dma source(%dma_start3A_450 : memref<65536xf32, #tpu.memory_space<vmem_shared>>) target(%dma_start3A_449 : memref<65536xf32, #tpu.memory_space<hbm>>) target_semaphore(%run_scoped3A_448 : memref<!tpu.dma_semaphore, #tpu.memory_space<semaphore_mem>>)
      %dma_wait3A_451 = tpu.memref_slice %arg5[%add3A_177] : memref<16777216xf32, #tpu.memory_space<hbm>> -> memref<65536xf32, #tpu.memory_space<hbm>>
      %dma_wait3A_452 = tpu.memref_slice %arg13[%mul3A_172] : memref<1114112xf32, #tpu.memory_space<vmem_shared>> -> memref<65536xf32, #tpu.memory_space<vmem_shared>>
      tpu.wait_dma2 semaphore(%run_scoped3A_448 : memref<!tpu.dma_semaphore, #tpu.memory_space<semaphore_mem>>) src(%dma_wait3A_452 : memref<65536xf32, #tpu.memory_space<vmem_shared>>) dst(%dma_wait3A_451 : memref<65536xf32, #tpu.memory_space<hbm>>)
      tpu.yield
    }) : () -> ()
    %mul3A_178 = arith.constant 8 : i32
    %mul3A_179 = arith.muli %arg0, %mul3A_178 : i32
    %add3A_180 = arith.constant 3 : i32
    %add3A_181 = arith.addi %mul3A_179, %add3A_180 : i32
    %mul3A_182 = arith.constant 256 : i32
    %mul3A_183 = arith.muli %add3A_181, %mul3A_182 : i32
    %mul3A_184 = arith.constant 65536 : i32
    %mul3A_185 = arith.muli %arg1, %mul3A_184 : i32
    %add3A_186 = arith.constant 0 : i32
    %add3A_187 = arith.addi %mul3A_185, %add3A_186 : i32
    %dma_start3A_188 = tpu.memref_slice %arg13[%add3A_187] : memref<1114112xf32, #tpu.memory_space<vmem_shared>> -> memref<16384xf32, #tpu.memory_space<vmem_shared>>
    %dma_start3A_189 = tpu.memref_slice %arg13[%add3A_187] : memref<1114112xf32, #tpu.memory_space<vmem_shared>> -> memref<16384xf32, #tpu.memory_space<vmem_shared>>
    tpu.enqueue_dma source(%arg6 : memref<16384xf32, #tpu.memory_space<vmem>>) target(%dma_start3A_189 : memref<16384xf32, #tpu.memory_space<vmem_shared>>) target_semaphore(%arg14 : memref<!tpu.dma_semaphore, #tpu.memory_space<semaphore_mem>>)
    %mul3A_190 = arith.constant 65536 : i32
    %mul3A_191 = arith.muli %arg1, %mul3A_190 : i32
    %add3A_192 = arith.constant 16384 : i32
    %add3A_193 = arith.addi %mul3A_191, %add3A_192 : i32
    %dma_start3A_194 = tpu.memref_slice %arg13[%add3A_193] : memref<1114112xf32, #tpu.memory_space<vmem_shared>> -> memref<16384xf32, #tpu.memory_space<vmem_shared>>
    %dma_start3A_195 = tpu.memref_slice %arg13[%add3A_193] : memref<1114112xf32, #tpu.memory_space<vmem_shared>> -> memref<16384xf32, #tpu.memory_space<vmem_shared>>
    tpu.enqueue_dma source(%arg6 : memref<16384xf32, #tpu.memory_space<vmem>>) target(%dma_start3A_195 : memref<16384xf32, #tpu.memory_space<vmem_shared>>) target_semaphore(%arg14 : memref<!tpu.dma_semaphore, #tpu.memory_space<semaphore_mem>>)
    %mul3A_196 = arith.constant 65536 : i32
    %mul3A_197 = arith.muli %arg1, %mul3A_196 : i32
    %add3A_198 = arith.constant 32768 : i32
    %add3A_199 = arith.addi %mul3A_197, %add3A_198 : i32
    %dma_start3A_200 = tpu.memref_slice %arg13[%add3A_199] : memref<1114112xf32, #tpu.memory_space<vmem_shared>> -> memref<16384xf32, #tpu.memory_space<vmem_shared>>
    %dma_start3A_201 = tpu.memref_slice %arg13[%add3A_199] : memref<1114112xf32, #tpu.memory_space<vmem_shared>> -> memref<16384xf32, #tpu.memory_space<vmem_shared>>
    tpu.enqueue_dma source(%arg6 : memref<16384xf32, #tpu.memory_space<vmem>>) target(%dma_start3A_201 : memref<16384xf32, #tpu.memory_space<vmem_shared>>) target_semaphore(%arg14 : memref<!tpu.dma_semaphore, #tpu.memory_space<semaphore_mem>>)
    %mul3A_202 = arith.constant 65536 : i32
    %mul3A_203 = arith.muli %arg1, %mul3A_202 : i32
    %add3A_204 = arith.constant 49152 : i32
    %add3A_205 = arith.addi %mul3A_203, %add3A_204 : i32
    %dma_start3A_206 = tpu.memref_slice %arg13[%add3A_205] : memref<1114112xf32, #tpu.memory_space<vmem_shared>> -> memref<16384xf32, #tpu.memory_space<vmem_shared>>
    %dma_start3A_207 = tpu.memref_slice %arg13[%add3A_205] : memref<1114112xf32, #tpu.memory_space<vmem_shared>> -> memref<16384xf32, #tpu.memory_space<vmem_shared>>
    tpu.enqueue_dma source(%arg6 : memref<16384xf32, #tpu.memory_space<vmem>>) target(%dma_start3A_207 : memref<16384xf32, #tpu.memory_space<vmem_shared>>) target_semaphore(%arg14 : memref<!tpu.dma_semaphore, #tpu.memory_space<semaphore_mem>>)
    %dma_wait3A_208 = tpu.memref_slice %arg13[%add3A_187] : memref<1114112xf32, #tpu.memory_space<vmem_shared>> -> memref<16384xf32, #tpu.memory_space<vmem_shared>>
    %dma_wait3A_209 = tpu.memref_slice %arg13[%add3A_187] : memref<1114112xf32, #tpu.memory_space<vmem_shared>> -> memref<16384xf32, #tpu.memory_space<vmem_shared>>
    tpu.wait_dma2 semaphore(%arg14 : memref<!tpu.dma_semaphore, #tpu.memory_space<semaphore_mem>>) src(%arg6 : memref<16384xf32, #tpu.memory_space<vmem>>) dst(%dma_wait3A_209 : memref<16384xf32, #tpu.memory_space<vmem_shared>>)
    %dma_wait3A_210 = tpu.memref_slice %arg13[%add3A_193] : memref<1114112xf32, #tpu.memory_space<vmem_shared>> -> memref<16384xf32, #tpu.memory_space<vmem_shared>>
    %dma_wait3A_211 = tpu.memref_slice %arg13[%add3A_193] : memref<1114112xf32, #tpu.memory_space<vmem_shared>> -> memref<16384xf32, #tpu.memory_space<vmem_shared>>
    tpu.wait_dma2 semaphore(%arg14 : memref<!tpu.dma_semaphore, #tpu.memory_space<semaphore_mem>>) src(%arg6 : memref<16384xf32, #tpu.memory_space<vmem>>) dst(%dma_wait3A_211 : memref<16384xf32, #tpu.memory_space<vmem_shared>>)
    %dma_wait3A_212 = tpu.memref_slice %arg13[%add3A_199] : memref<1114112xf32, #tpu.memory_space<vmem_shared>> -> memref<16384xf32, #tpu.memory_space<vmem_shared>>
    %dma_wait3A_213 = tpu.memref_slice %arg13[%add3A_199] : memref<1114112xf32, #tpu.memory_space<vmem_shared>> -> memref<16384xf32, #tpu.memory_space<vmem_shared>>
    tpu.wait_dma2 semaphore(%arg14 : memref<!tpu.dma_semaphore, #tpu.memory_space<semaphore_mem>>) src(%arg6 : memref<16384xf32, #tpu.memory_space<vmem>>) dst(%dma_wait3A_213 : memref<16384xf32, #tpu.memory_space<vmem_shared>>)
    %dma_wait3A_214 = tpu.memref_slice %arg13[%add3A_205] : memref<1114112xf32, #tpu.memory_space<vmem_shared>> -> memref<16384xf32, #tpu.memory_space<vmem_shared>>
    %dma_wait3A_215 = tpu.memref_slice %arg13[%add3A_205] : memref<1114112xf32, #tpu.memory_space<vmem_shared>> -> memref<16384xf32, #tpu.memory_space<vmem_shared>>
    tpu.wait_dma2 semaphore(%arg14 : memref<!tpu.dma_semaphore, #tpu.memory_space<semaphore_mem>>) src(%arg6 : memref<16384xf32, #tpu.memory_space<vmem>>) dst(%dma_wait3A_215 : memref<16384xf32, #tpu.memory_space<vmem_shared>>)
    %barrier3A_216 = arith.constant 0 : index
    tpu.barrier barrier_id(%barrier3A_216)
    %scan3A_217 = arith.constant 0 : i32
    %scan3A_218 = arith.constant 0 : i32
    %scan3A_219 = arith.constant 256 : i32
    %scan3A_220 = arith.addi %scan3A_218, %scan3A_219 : i32
    %scan3A_221 = arith.constant 1 : i32
    %scan3A_222 = scf.for %scan3A_448 = %scan3A_218 to %scan3A_220 step %scan3A_221 iter_args(%scan3A_449 = %scan3A_217) -> (i32)  : i32 {
      %mul3A_450 = arith.constant 16 : i32
      %mul3A_451 = arith.muli %scan3A_448, %mul3A_450 : i32
      %get3A = arith.index_cast %mul3A_451 : i32 to index
      %get3A_452 = tpu.vector_load %arg9[%get3A] {strides = array<i32>} : memref<4096xi32, #tpu.memory_space<vmem>>, vector<16xi32>,
      %mul3A_453 = arith.constant 16 : i32
      %mul3A_454 = arith.muli %scan3A_448, %mul3A_453 : i32
      %get3A_455 = arith.index_cast %mul3A_454 : i32 to index
      %get3A_456 = tpu.vector_load %arg10[%get3A_455] {strides = array<i32>} : memref<4096xi32, #tpu.memory_space<vmem>>, vector<16xi32>,
      %sub3A = vector.broadcast %mul3A_183 : i32 to vector<16xi32>
      %sub3A_457 = arith.subi %get3A_452, %sub3A : vector<16xi32>
      %mul3A_458 = arith.constant 4096 : i32
      %mul3A_459 = vector.broadcast %mul3A_458 : i32 to vector<16xi32>
      %mul3A_460 = arith.muli %sub3A_457, %mul3A_459 : vector<16xi32>
      %add3A_461 = arith.addi %mul3A_460, %get3A_456 : vector<16xi32>
      %ge3A = vector.broadcast %mul3A_183 : i32 to vector<16xi32>
      %ge3A_462 = arith.cmpi sge, %get3A_452, %ge3A : vector<16xi32>
      %add3A_463 = arith.constant 256 : i32
      %add3A_464 = arith.addi %mul3A_183, %add3A_463 : i32
      %lt3A = vector.broadcast %add3A_464 : i32 to vector<16xi32>
      %lt3A_465 = arith.cmpi slt, %get3A_452, %lt3A : vector<16xi32>
      %and3A = arith.andi %ge3A_462, %lt3A_465 : vector<16xi1>
      %mul3A_466 = arith.constant 16 : i32
      %mul3A_467 = arith.muli %scan3A_448, %mul3A_466 : i32
      %add3A_468 = arith.addi %add3A_18, %mul3A_467 : i32
      %iota3A = tpu.iota {dimensions = array<i32: 0>} : vector<16xi32>
      %add3A_469 = vector.broadcast %add3A_468 : i32 to vector<16xi32>
      %add3A_470 = arith.addi %add3A_469, %iota3A : vector<16xi32>
      %select_n3A = arith.select %and3A, %add3A_461, %add3A_470 : vector<16xi1>, vector<16xi32>
      %mul3A_471 = arith.constant 16 : i32
      %mul3A_472 = arith.muli %scan3A_448, %mul3A_471 : i32
      %swap3A = arith.index_cast %mul3A_472 : i32 to index
      %swap3A_473 = tpu.vector_load %arg11[%swap3A] {strides = array<i32>} : memref<4096xi32, #tpu.memory_space<vmem>>, vector<16xi32>,
      tpu.vector_store %arg11[%swap3A], %select_n3A {strides = array<i32>} : memref<4096xi32, #tpu.memory_space<vmem>>, vector<16xi32>,
      %scan3A_474 = arith.constant 0 : i32
      scf.yield %scan3A_474 : i32
    }
    %scan3A_223 = arith.constant 256 : i32
    "tpu.region"() ({
      %run_scoped3A_448 = tpu.sem_alloc : memref<!tpu.dma_semaphore, #tpu.memory_space<semaphore_mem>>
      %dma_start3A_449 = arith.constant 0 : i32
      %dma_start3A_450 = tpu.memref_slice %arg13[%dma_start3A_449] : memref<1114112xf32, #tpu.memory_space<vmem_shared>> -> memref<1114112xf32, #tpu.memory_space<vmem_shared>>
      tpu.enqueue_indirect_dma source(%arg12 : memref<4096xf32, #tpu.memory_space<vmem>>) target(%dma_start3A_450 : memref<1114112xf32, #tpu.memory_space<vmem_shared>>) offsets(%arg11 : memref<4096xi32, #tpu.memory_space<vmem>>) semaphore(%run_scoped3A_448 : memref<!tpu.dma_semaphore, #tpu.memory_space<semaphore_mem>>)
      %dma_wait3A_451 = arith.constant 0 : i32
      %dma_wait3A_452 = tpu.memref_slice %arg13[%dma_wait3A_451] : memref<1114112xf32, #tpu.memory_space<vmem_shared>> -> memref<1114112xf32, #tpu.memory_space<vmem_shared>>
      tpu.wait_indirect_dma semaphore(%run_scoped3A_448 : memref<!tpu.dma_semaphore, #tpu.memory_space<semaphore_mem>>) src(%arg12 : memref<4096xf32, #tpu.memory_space<vmem>>) dst(%dma_wait3A_452 : memref<1114112xf32, #tpu.memory_space<vmem_shared>>)
      tpu.yield
    }) : () -> ()
    %barrier3A_224 = arith.constant 0 : index
    tpu.barrier barrier_id(%barrier3A_224)
    %mul3A_225 = arith.constant 65536 : i32
    %mul3A_226 = arith.muli %arg1, %mul3A_225 : i32
    %mul3A_227 = arith.constant 4096 : i32
    %mul3A_228 = arith.muli %mul3A_183, %mul3A_227 : i32
    %mul3A_229 = arith.constant 65536 : i32
    %mul3A_230 = arith.muli %arg1, %mul3A_229 : i32
    %add3A_231 = arith.addi %mul3A_228, %mul3A_230 : i32
    "tpu.region"() ({
      %run_scoped3A_448 = tpu.sem_alloc : memref<!tpu.dma_semaphore, #tpu.memory_space<semaphore_mem>>
      %dma_start3A_449 = tpu.memref_slice %arg5[%add3A_231] : memref<16777216xf32, #tpu.memory_space<hbm>> -> memref<65536xf32, #tpu.memory_space<hbm>>
      %dma_start3A_450 = tpu.memref_slice %arg13[%mul3A_226] : memref<1114112xf32, #tpu.memory_space<vmem_shared>> -> memref<65536xf32, #tpu.memory_space<vmem_shared>>
      tpu.enqueue_dma source(%dma_start3A_450 : memref<65536xf32, #tpu.memory_space<vmem_shared>>) target(%dma_start3A_449 : memref<65536xf32, #tpu.memory_space<hbm>>) target_semaphore(%run_scoped3A_448 : memref<!tpu.dma_semaphore, #tpu.memory_space<semaphore_mem>>)
      %dma_wait3A_451 = tpu.memref_slice %arg5[%add3A_231] : memref<16777216xf32, #tpu.memory_space<hbm>> -> memref<65536xf32, #tpu.memory_space<hbm>>
      %dma_wait3A_452 = tpu.memref_slice %arg13[%mul3A_226] : memref<1114112xf32, #tpu.memory_space<vmem_shared>> -> memref<65536xf32, #tpu.memory_space<vmem_shared>>
      tpu.wait_dma2 semaphore(%run_scoped3A_448 : memref<!tpu.dma_semaphore, #tpu.memory_space<semaphore_mem>>) src(%dma_wait3A_452 : memref<65536xf32, #tpu.memory_space<vmem_shared>>) dst(%dma_wait3A_451 : memref<65536xf32, #tpu.memory_space<hbm>>)
      tpu.yield
    }) : () -> ()
    %mul3A_232 = arith.constant 8 : i32
    %mul3A_233 = arith.muli %arg0, %mul3A_232 : i32
    %add3A_234 = arith.constant 4 : i32
    %add3A_235 = arith.addi %mul3A_233, %add3A_234 : i32
    %mul3A_236 = arith.constant 256 : i32
    %mul3A_237 = arith.muli %add3A_235, %mul3A_236 : i32
    %mul3A_238 = arith.constant 65536 : i32
    %mul3A_239 = arith.muli %arg1, %mul3A_238 : i32
    %add3A_240 = arith.constant 0 : i32
    %add3A_241 = arith.addi %mul3A_239, %add3A_240 : i32
    %dma_start3A_242 = tpu.memref_slice %arg13[%add3A_241] : memref<1114112xf32, #tpu.memory_space<vmem_shared>> -> memref<16384xf32, #tpu.memory_space<vmem_shared>>
    %dma_start3A_243 = tpu.memref_slice %arg13[%add3A_241] : memref<1114112xf32, #tpu.memory_space<vmem_shared>> -> memref<16384xf32, #tpu.memory_space<vmem_shared>>
    tpu.enqueue_dma source(%arg6 : memref<16384xf32, #tpu.memory_space<vmem>>) target(%dma_start3A_243 : memref<16384xf32, #tpu.memory_space<vmem_shared>>) target_semaphore(%arg14 : memref<!tpu.dma_semaphore, #tpu.memory_space<semaphore_mem>>)
    %mul3A_244 = arith.constant 65536 : i32
    %mul3A_245 = arith.muli %arg1, %mul3A_244 : i32
    %add3A_246 = arith.constant 16384 : i32
    %add3A_247 = arith.addi %mul3A_245, %add3A_246 : i32
    %dma_start3A_248 = tpu.memref_slice %arg13[%add3A_247] : memref<1114112xf32, #tpu.memory_space<vmem_shared>> -> memref<16384xf32, #tpu.memory_space<vmem_shared>>
    %dma_start3A_249 = tpu.memref_slice %arg13[%add3A_247] : memref<1114112xf32, #tpu.memory_space<vmem_shared>> -> memref<16384xf32, #tpu.memory_space<vmem_shared>>
    tpu.enqueue_dma source(%arg6 : memref<16384xf32, #tpu.memory_space<vmem>>) target(%dma_start3A_249 : memref<16384xf32, #tpu.memory_space<vmem_shared>>) target_semaphore(%arg14 : memref<!tpu.dma_semaphore, #tpu.memory_space<semaphore_mem>>)
    %mul3A_250 = arith.constant 65536 : i32
    %mul3A_251 = arith.muli %arg1, %mul3A_250 : i32
    %add3A_252 = arith.constant 32768 : i32
    %add3A_253 = arith.addi %mul3A_251, %add3A_252 : i32
    %dma_start3A_254 = tpu.memref_slice %arg13[%add3A_253] : memref<1114112xf32, #tpu.memory_space<vmem_shared>> -> memref<16384xf32, #tpu.memory_space<vmem_shared>>
    %dma_start3A_255 = tpu.memref_slice %arg13[%add3A_253] : memref<1114112xf32, #tpu.memory_space<vmem_shared>> -> memref<16384xf32, #tpu.memory_space<vmem_shared>>
    tpu.enqueue_dma source(%arg6 : memref<16384xf32, #tpu.memory_space<vmem>>) target(%dma_start3A_255 : memref<16384xf32, #tpu.memory_space<vmem_shared>>) target_semaphore(%arg14 : memref<!tpu.dma_semaphore, #tpu.memory_space<semaphore_mem>>)
    %mul3A_256 = arith.constant 65536 : i32
    %mul3A_257 = arith.muli %arg1, %mul3A_256 : i32
    %add3A_258 = arith.constant 49152 : i32
    %add3A_259 = arith.addi %mul3A_257, %add3A_258 : i32
    %dma_start3A_260 = tpu.memref_slice %arg13[%add3A_259] : memref<1114112xf32, #tpu.memory_space<vmem_shared>> -> memref<16384xf32, #tpu.memory_space<vmem_shared>>
    %dma_start3A_261 = tpu.memref_slice %arg13[%add3A_259] : memref<1114112xf32, #tpu.memory_space<vmem_shared>> -> memref<16384xf32, #tpu.memory_space<vmem_shared>>
    tpu.enqueue_dma source(%arg6 : memref<16384xf32, #tpu.memory_space<vmem>>) target(%dma_start3A_261 : memref<16384xf32, #tpu.memory_space<vmem_shared>>) target_semaphore(%arg14 : memref<!tpu.dma_semaphore, #tpu.memory_space<semaphore_mem>>)
    %dma_wait3A_262 = tpu.memref_slice %arg13[%add3A_241] : memref<1114112xf32, #tpu.memory_space<vmem_shared>> -> memref<16384xf32, #tpu.memory_space<vmem_shared>>
    %dma_wait3A_263 = tpu.memref_slice %arg13[%add3A_241] : memref<1114112xf32, #tpu.memory_space<vmem_shared>> -> memref<16384xf32, #tpu.memory_space<vmem_shared>>
    tpu.wait_dma2 semaphore(%arg14 : memref<!tpu.dma_semaphore, #tpu.memory_space<semaphore_mem>>) src(%arg6 : memref<16384xf32, #tpu.memory_space<vmem>>) dst(%dma_wait3A_263 : memref<16384xf32, #tpu.memory_space<vmem_shared>>)
    %dma_wait3A_264 = tpu.memref_slice %arg13[%add3A_247] : memref<1114112xf32, #tpu.memory_space<vmem_shared>> -> memref<16384xf32, #tpu.memory_space<vmem_shared>>
    %dma_wait3A_265 = tpu.memref_slice %arg13[%add3A_247] : memref<1114112xf32, #tpu.memory_space<vmem_shared>> -> memref<16384xf32, #tpu.memory_space<vmem_shared>>
    tpu.wait_dma2 semaphore(%arg14 : memref<!tpu.dma_semaphore, #tpu.memory_space<semaphore_mem>>) src(%arg6 : memref<16384xf32, #tpu.memory_space<vmem>>) dst(%dma_wait3A_265 : memref<16384xf32, #tpu.memory_space<vmem_shared>>)
    %dma_wait3A_266 = tpu.memref_slice %arg13[%add3A_253] : memref<1114112xf32, #tpu.memory_space<vmem_shared>> -> memref<16384xf32, #tpu.memory_space<vmem_shared>>
    %dma_wait3A_267 = tpu.memref_slice %arg13[%add3A_253] : memref<1114112xf32, #tpu.memory_space<vmem_shared>> -> memref<16384xf32, #tpu.memory_space<vmem_shared>>
    tpu.wait_dma2 semaphore(%arg14 : memref<!tpu.dma_semaphore, #tpu.memory_space<semaphore_mem>>) src(%arg6 : memref<16384xf32, #tpu.memory_space<vmem>>) dst(%dma_wait3A_267 : memref<16384xf32, #tpu.memory_space<vmem_shared>>)
    %dma_wait3A_268 = tpu.memref_slice %arg13[%add3A_259] : memref<1114112xf32, #tpu.memory_space<vmem_shared>> -> memref<16384xf32, #tpu.memory_space<vmem_shared>>
    %dma_wait3A_269 = tpu.memref_slice %arg13[%add3A_259] : memref<1114112xf32, #tpu.memory_space<vmem_shared>> -> memref<16384xf32, #tpu.memory_space<vmem_shared>>
    tpu.wait_dma2 semaphore(%arg14 : memref<!tpu.dma_semaphore, #tpu.memory_space<semaphore_mem>>) src(%arg6 : memref<16384xf32, #tpu.memory_space<vmem>>) dst(%dma_wait3A_269 : memref<16384xf32, #tpu.memory_space<vmem_shared>>)
    %barrier3A_270 = arith.constant 0 : index
    tpu.barrier barrier_id(%barrier3A_270)
    %scan3A_271 = arith.constant 0 : i32
    %scan3A_272 = arith.constant 0 : i32
    %scan3A_273 = arith.constant 256 : i32
    %scan3A_274 = arith.addi %scan3A_272, %scan3A_273 : i32
    %scan3A_275 = arith.constant 1 : i32
    %scan3A_276 = scf.for %scan3A_448 = %scan3A_272 to %scan3A_274 step %scan3A_275 iter_args(%scan3A_449 = %scan3A_271) -> (i32)  : i32 {
      %mul3A_450 = arith.constant 16 : i32
      %mul3A_451 = arith.muli %scan3A_448, %mul3A_450 : i32
      %get3A = arith.index_cast %mul3A_451 : i32 to index
      %get3A_452 = tpu.vector_load %arg9[%get3A] {strides = array<i32>} : memref<4096xi32, #tpu.memory_space<vmem>>, vector<16xi32>,
      %mul3A_453 = arith.constant 16 : i32
      %mul3A_454 = arith.muli %scan3A_448, %mul3A_453 : i32
      %get3A_455 = arith.index_cast %mul3A_454 : i32 to index
      %get3A_456 = tpu.vector_load %arg10[%get3A_455] {strides = array<i32>} : memref<4096xi32, #tpu.memory_space<vmem>>, vector<16xi32>,
      %sub3A = vector.broadcast %mul3A_237 : i32 to vector<16xi32>
      %sub3A_457 = arith.subi %get3A_452, %sub3A : vector<16xi32>
      %mul3A_458 = arith.constant 4096 : i32
      %mul3A_459 = vector.broadcast %mul3A_458 : i32 to vector<16xi32>
      %mul3A_460 = arith.muli %sub3A_457, %mul3A_459 : vector<16xi32>
      %add3A_461 = arith.addi %mul3A_460, %get3A_456 : vector<16xi32>
      %ge3A = vector.broadcast %mul3A_237 : i32 to vector<16xi32>
      %ge3A_462 = arith.cmpi sge, %get3A_452, %ge3A : vector<16xi32>
      %add3A_463 = arith.constant 256 : i32
      %add3A_464 = arith.addi %mul3A_237, %add3A_463 : i32
      %lt3A = vector.broadcast %add3A_464 : i32 to vector<16xi32>
      %lt3A_465 = arith.cmpi slt, %get3A_452, %lt3A : vector<16xi32>
      %and3A = arith.andi %ge3A_462, %lt3A_465 : vector<16xi1>
      %mul3A_466 = arith.constant 16 : i32
      %mul3A_467 = arith.muli %scan3A_448, %mul3A_466 : i32
      %add3A_468 = arith.addi %add3A_18, %mul3A_467 : i32
      %iota3A = tpu.iota {dimensions = array<i32: 0>} : vector<16xi32>
      %add3A_469 = vector.broadcast %add3A_468 : i32 to vector<16xi32>
      %add3A_470 = arith.addi %add3A_469, %iota3A : vector<16xi32>
      %select_n3A = arith.select %and3A, %add3A_461, %add3A_470 : vector<16xi1>, vector<16xi32>
      %mul3A_471 = arith.constant 16 : i32
      %mul3A_472 = arith.muli %scan3A_448, %mul3A_471 : i32
      %swap3A = arith.index_cast %mul3A_472 : i32 to index
      %swap3A_473 = tpu.vector_load %arg11[%swap3A] {strides = array<i32>} : memref<4096xi32, #tpu.memory_space<vmem>>, vector<16xi32>,
      tpu.vector_store %arg11[%swap3A], %select_n3A {strides = array<i32>} : memref<4096xi32, #tpu.memory_space<vmem>>, vector<16xi32>,
      %scan3A_474 = arith.constant 0 : i32
      scf.yield %scan3A_474 : i32
    }
    %scan3A_277 = arith.constant 256 : i32
    "tpu.region"() ({
      %run_scoped3A_448 = tpu.sem_alloc : memref<!tpu.dma_semaphore, #tpu.memory_space<semaphore_mem>>
      %dma_start3A_449 = arith.constant 0 : i32
      %dma_start3A_450 = tpu.memref_slice %arg13[%dma_start3A_449] : memref<1114112xf32, #tpu.memory_space<vmem_shared>> -> memref<1114112xf32, #tpu.memory_space<vmem_shared>>
      tpu.enqueue_indirect_dma source(%arg12 : memref<4096xf32, #tpu.memory_space<vmem>>) target(%dma_start3A_450 : memref<1114112xf32, #tpu.memory_space<vmem_shared>>) offsets(%arg11 : memref<4096xi32, #tpu.memory_space<vmem>>) semaphore(%run_scoped3A_448 : memref<!tpu.dma_semaphore, #tpu.memory_space<semaphore_mem>>)
      %dma_wait3A_451 = arith.constant 0 : i32
      %dma_wait3A_452 = tpu.memref_slice %arg13[%dma_wait3A_451] : memref<1114112xf32, #tpu.memory_space<vmem_shared>> -> memref<1114112xf32, #tpu.memory_space<vmem_shared>>
      tpu.wait_indirect_dma semaphore(%run_scoped3A_448 : memref<!tpu.dma_semaphore, #tpu.memory_space<semaphore_mem>>) src(%arg12 : memref<4096xf32, #tpu.memory_space<vmem>>) dst(%dma_wait3A_452 : memref<1114112xf32, #tpu.memory_space<vmem_shared>>)
      tpu.yield
    }) : () -> ()
    %barrier3A_278 = arith.constant 0 : index
    tpu.barrier barrier_id(%barrier3A_278)
    %mul3A_279 = arith.constant 65536 : i32
    %mul3A_280 = arith.muli %arg1, %mul3A_279 : i32
    %mul3A_281 = arith.constant 4096 : i32
    %mul3A_282 = arith.muli %mul3A_237, %mul3A_281 : i32
    %mul3A_283 = arith.constant 65536 : i32
    %mul3A_284 = arith.muli %arg1, %mul3A_283 : i32
    %add3A_285 = arith.addi %mul3A_282, %mul3A_284 : i32
    "tpu.region"() ({
      %run_scoped3A_448 = tpu.sem_alloc : memref<!tpu.dma_semaphore, #tpu.memory_space<semaphore_mem>>
      %dma_start3A_449 = tpu.memref_slice %arg5[%add3A_285] : memref<16777216xf32, #tpu.memory_space<hbm>> -> memref<65536xf32, #tpu.memory_space<hbm>>
      %dma_start3A_450 = tpu.memref_slice %arg13[%mul3A_280] : memref<1114112xf32, #tpu.memory_space<vmem_shared>> -> memref<65536xf32, #tpu.memory_space<vmem_shared>>
      tpu.enqueue_dma source(%dma_start3A_450 : memref<65536xf32, #tpu.memory_space<vmem_shared>>) target(%dma_start3A_449 : memref<65536xf32, #tpu.memory_space<hbm>>) target_semaphore(%run_scoped3A_448 : memref<!tpu.dma_semaphore, #tpu.memory_space<semaphore_mem>>)
      %dma_wait3A_451 = tpu.memref_slice %arg5[%add3A_285] : memref<16777216xf32, #tpu.memory_space<hbm>> -> memref<65536xf32, #tpu.memory_space<hbm>>
      %dma_wait3A_452 = tpu.memref_slice %arg13[%mul3A_280] : memref<1114112xf32, #tpu.memory_space<vmem_shared>> -> memref<65536xf32, #tpu.memory_space<vmem_shared>>
      tpu.wait_dma2 semaphore(%run_scoped3A_448 : memref<!tpu.dma_semaphore, #tpu.memory_space<semaphore_mem>>) src(%dma_wait3A_452 : memref<65536xf32, #tpu.memory_space<vmem_shared>>) dst(%dma_wait3A_451 : memref<65536xf32, #tpu.memory_space<hbm>>)
      tpu.yield
    }) : () -> ()
    %mul3A_286 = arith.constant 8 : i32
    %mul3A_287 = arith.muli %arg0, %mul3A_286 : i32
    %add3A_288 = arith.constant 5 : i32
    %add3A_289 = arith.addi %mul3A_287, %add3A_288 : i32
    %mul3A_290 = arith.constant 256 : i32
    %mul3A_291 = arith.muli %add3A_289, %mul3A_290 : i32
    %mul3A_292 = arith.constant 65536 : i32
    %mul3A_293 = arith.muli %arg1, %mul3A_292 : i32
    %add3A_294 = arith.constant 0 : i32
    %add3A_295 = arith.addi %mul3A_293, %add3A_294 : i32
    %dma_start3A_296 = tpu.memref_slice %arg13[%add3A_295] : memref<1114112xf32, #tpu.memory_space<vmem_shared>> -> memref<16384xf32, #tpu.memory_space<vmem_shared>>
    %dma_start3A_297 = tpu.memref_slice %arg13[%add3A_295] : memref<1114112xf32, #tpu.memory_space<vmem_shared>> -> memref<16384xf32, #tpu.memory_space<vmem_shared>>
    tpu.enqueue_dma source(%arg6 : memref<16384xf32, #tpu.memory_space<vmem>>) target(%dma_start3A_297 : memref<16384xf32, #tpu.memory_space<vmem_shared>>) target_semaphore(%arg14 : memref<!tpu.dma_semaphore, #tpu.memory_space<semaphore_mem>>)
    %mul3A_298 = arith.constant 65536 : i32
    %mul3A_299 = arith.muli %arg1, %mul3A_298 : i32
    %add3A_300 = arith.constant 16384 : i32
    %add3A_301 = arith.addi %mul3A_299, %add3A_300 : i32
    %dma_start3A_302 = tpu.memref_slice %arg13[%add3A_301] : memref<1114112xf32, #tpu.memory_space<vmem_shared>> -> memref<16384xf32, #tpu.memory_space<vmem_shared>>
    %dma_start3A_303 = tpu.memref_slice %arg13[%add3A_301] : memref<1114112xf32, #tpu.memory_space<vmem_shared>> -> memref<16384xf32, #tpu.memory_space<vmem_shared>>
    tpu.enqueue_dma source(%arg6 : memref<16384xf32, #tpu.memory_space<vmem>>) target(%dma_start3A_303 : memref<16384xf32, #tpu.memory_space<vmem_shared>>) target_semaphore(%arg14 : memref<!tpu.dma_semaphore, #tpu.memory_space<semaphore_mem>>)
    %mul3A_304 = arith.constant 65536 : i32
    %mul3A_305 = arith.muli %arg1, %mul3A_304 : i32
    %add3A_306 = arith.constant 32768 : i32
    %add3A_307 = arith.addi %mul3A_305, %add3A_306 : i32
    %dma_start3A_308 = tpu.memref_slice %arg13[%add3A_307] : memref<1114112xf32, #tpu.memory_space<vmem_shared>> -> memref<16384xf32, #tpu.memory_space<vmem_shared>>
    %dma_start3A_309 = tpu.memref_slice %arg13[%add3A_307] : memref<1114112xf32, #tpu.memory_space<vmem_shared>> -> memref<16384xf32, #tpu.memory_space<vmem_shared>>
    tpu.enqueue_dma source(%arg6 : memref<16384xf32, #tpu.memory_space<vmem>>) target(%dma_start3A_309 : memref<16384xf32, #tpu.memory_space<vmem_shared>>) target_semaphore(%arg14 : memref<!tpu.dma_semaphore, #tpu.memory_space<semaphore_mem>>)
    %mul3A_310 = arith.constant 65536 : i32
    %mul3A_311 = arith.muli %arg1, %mul3A_310 : i32
    %add3A_312 = arith.constant 49152 : i32
    %add3A_313 = arith.addi %mul3A_311, %add3A_312 : i32
    %dma_start3A_314 = tpu.memref_slice %arg13[%add3A_313] : memref<1114112xf32, #tpu.memory_space<vmem_shared>> -> memref<16384xf32, #tpu.memory_space<vmem_shared>>
    %dma_start3A_315 = tpu.memref_slice %arg13[%add3A_313] : memref<1114112xf32, #tpu.memory_space<vmem_shared>> -> memref<16384xf32, #tpu.memory_space<vmem_shared>>
    tpu.enqueue_dma source(%arg6 : memref<16384xf32, #tpu.memory_space<vmem>>) target(%dma_start3A_315 : memref<16384xf32, #tpu.memory_space<vmem_shared>>) target_semaphore(%arg14 : memref<!tpu.dma_semaphore, #tpu.memory_space<semaphore_mem>>)
    %dma_wait3A_316 = tpu.memref_slice %arg13[%add3A_295] : memref<1114112xf32, #tpu.memory_space<vmem_shared>> -> memref<16384xf32, #tpu.memory_space<vmem_shared>>
    %dma_wait3A_317 = tpu.memref_slice %arg13[%add3A_295] : memref<1114112xf32, #tpu.memory_space<vmem_shared>> -> memref<16384xf32, #tpu.memory_space<vmem_shared>>
    tpu.wait_dma2 semaphore(%arg14 : memref<!tpu.dma_semaphore, #tpu.memory_space<semaphore_mem>>) src(%arg6 : memref<16384xf32, #tpu.memory_space<vmem>>) dst(%dma_wait3A_317 : memref<16384xf32, #tpu.memory_space<vmem_shared>>)
    %dma_wait3A_318 = tpu.memref_slice %arg13[%add3A_301] : memref<1114112xf32, #tpu.memory_space<vmem_shared>> -> memref<16384xf32, #tpu.memory_space<vmem_shared>>
    %dma_wait3A_319 = tpu.memref_slice %arg13[%add3A_301] : memref<1114112xf32, #tpu.memory_space<vmem_shared>> -> memref<16384xf32, #tpu.memory_space<vmem_shared>>
    tpu.wait_dma2 semaphore(%arg14 : memref<!tpu.dma_semaphore, #tpu.memory_space<semaphore_mem>>) src(%arg6 : memref<16384xf32, #tpu.memory_space<vmem>>) dst(%dma_wait3A_319 : memref<16384xf32, #tpu.memory_space<vmem_shared>>)
    %dma_wait3A_320 = tpu.memref_slice %arg13[%add3A_307] : memref<1114112xf32, #tpu.memory_space<vmem_shared>> -> memref<16384xf32, #tpu.memory_space<vmem_shared>>
    %dma_wait3A_321 = tpu.memref_slice %arg13[%add3A_307] : memref<1114112xf32, #tpu.memory_space<vmem_shared>> -> memref<16384xf32, #tpu.memory_space<vmem_shared>>
    tpu.wait_dma2 semaphore(%arg14 : memref<!tpu.dma_semaphore, #tpu.memory_space<semaphore_mem>>) src(%arg6 : memref<16384xf32, #tpu.memory_space<vmem>>) dst(%dma_wait3A_321 : memref<16384xf32, #tpu.memory_space<vmem_shared>>)
    %dma_wait3A_322 = tpu.memref_slice %arg13[%add3A_313] : memref<1114112xf32, #tpu.memory_space<vmem_shared>> -> memref<16384xf32, #tpu.memory_space<vmem_shared>>
    %dma_wait3A_323 = tpu.memref_slice %arg13[%add3A_313] : memref<1114112xf32, #tpu.memory_space<vmem_shared>> -> memref<16384xf32, #tpu.memory_space<vmem_shared>>
    tpu.wait_dma2 semaphore(%arg14 : memref<!tpu.dma_semaphore, #tpu.memory_space<semaphore_mem>>) src(%arg6 : memref<16384xf32, #tpu.memory_space<vmem>>) dst(%dma_wait3A_323 : memref<16384xf32, #tpu.memory_space<vmem_shared>>)
    %barrier3A_324 = arith.constant 0 : index
    tpu.barrier barrier_id(%barrier3A_324)
    %scan3A_325 = arith.constant 0 : i32
    %scan3A_326 = arith.constant 0 : i32
    %scan3A_327 = arith.constant 256 : i32
    %scan3A_328 = arith.addi %scan3A_326, %scan3A_327 : i32
    %scan3A_329 = arith.constant 1 : i32
    %scan3A_330 = scf.for %scan3A_448 = %scan3A_326 to %scan3A_328 step %scan3A_329 iter_args(%scan3A_449 = %scan3A_325) -> (i32)  : i32 {
      %mul3A_450 = arith.constant 16 : i32
      %mul3A_451 = arith.muli %scan3A_448, %mul3A_450 : i32
      %get3A = arith.index_cast %mul3A_451 : i32 to index
      %get3A_452 = tpu.vector_load %arg9[%get3A] {strides = array<i32>} : memref<4096xi32, #tpu.memory_space<vmem>>, vector<16xi32>,
      %mul3A_453 = arith.constant 16 : i32
      %mul3A_454 = arith.muli %scan3A_448, %mul3A_453 : i32
      %get3A_455 = arith.index_cast %mul3A_454 : i32 to index
      %get3A_456 = tpu.vector_load %arg10[%get3A_455] {strides = array<i32>} : memref<4096xi32, #tpu.memory_space<vmem>>, vector<16xi32>,
      %sub3A = vector.broadcast %mul3A_291 : i32 to vector<16xi32>
      %sub3A_457 = arith.subi %get3A_452, %sub3A : vector<16xi32>
      %mul3A_458 = arith.constant 4096 : i32
      %mul3A_459 = vector.broadcast %mul3A_458 : i32 to vector<16xi32>
      %mul3A_460 = arith.muli %sub3A_457, %mul3A_459 : vector<16xi32>
      %add3A_461 = arith.addi %mul3A_460, %get3A_456 : vector<16xi32>
      %ge3A = vector.broadcast %mul3A_291 : i32 to vector<16xi32>
      %ge3A_462 = arith.cmpi sge, %get3A_452, %ge3A : vector<16xi32>
      %add3A_463 = arith.constant 256 : i32
      %add3A_464 = arith.addi %mul3A_291, %add3A_463 : i32
      %lt3A = vector.broadcast %add3A_464 : i32 to vector<16xi32>
      %lt3A_465 = arith.cmpi slt, %get3A_452, %lt3A : vector<16xi32>
      %and3A = arith.andi %ge3A_462, %lt3A_465 : vector<16xi1>
      %mul3A_466 = arith.constant 16 : i32
      %mul3A_467 = arith.muli %scan3A_448, %mul3A_466 : i32
      %add3A_468 = arith.addi %add3A_18, %mul3A_467 : i32
      %iota3A = tpu.iota {dimensions = array<i32: 0>} : vector<16xi32>
      %add3A_469 = vector.broadcast %add3A_468 : i32 to vector<16xi32>
      %add3A_470 = arith.addi %add3A_469, %iota3A : vector<16xi32>
      %select_n3A = arith.select %and3A, %add3A_461, %add3A_470 : vector<16xi1>, vector<16xi32>
      %mul3A_471 = arith.constant 16 : i32
      %mul3A_472 = arith.muli %scan3A_448, %mul3A_471 : i32
      %swap3A = arith.index_cast %mul3A_472 : i32 to index
      %swap3A_473 = tpu.vector_load %arg11[%swap3A] {strides = array<i32>} : memref<4096xi32, #tpu.memory_space<vmem>>, vector<16xi32>,
      tpu.vector_store %arg11[%swap3A], %select_n3A {strides = array<i32>} : memref<4096xi32, #tpu.memory_space<vmem>>, vector<16xi32>,
      %scan3A_474 = arith.constant 0 : i32
      scf.yield %scan3A_474 : i32
    }
    %scan3A_331 = arith.constant 256 : i32
    "tpu.region"() ({
      %run_scoped3A_448 = tpu.sem_alloc : memref<!tpu.dma_semaphore, #tpu.memory_space<semaphore_mem>>
      %dma_start3A_449 = arith.constant 0 : i32
      %dma_start3A_450 = tpu.memref_slice %arg13[%dma_start3A_449] : memref<1114112xf32, #tpu.memory_space<vmem_shared>> -> memref<1114112xf32, #tpu.memory_space<vmem_shared>>
      tpu.enqueue_indirect_dma source(%arg12 : memref<4096xf32, #tpu.memory_space<vmem>>) target(%dma_start3A_450 : memref<1114112xf32, #tpu.memory_space<vmem_shared>>) offsets(%arg11 : memref<4096xi32, #tpu.memory_space<vmem>>) semaphore(%run_scoped3A_448 : memref<!tpu.dma_semaphore, #tpu.memory_space<semaphore_mem>>)
      %dma_wait3A_451 = arith.constant 0 : i32
      %dma_wait3A_452 = tpu.memref_slice %arg13[%dma_wait3A_451] : memref<1114112xf32, #tpu.memory_space<vmem_shared>> -> memref<1114112xf32, #tpu.memory_space<vmem_shared>>
      tpu.wait_indirect_dma semaphore(%run_scoped3A_448 : memref<!tpu.dma_semaphore, #tpu.memory_space<semaphore_mem>>) src(%arg12 : memref<4096xf32, #tpu.memory_space<vmem>>) dst(%dma_wait3A_452 : memref<1114112xf32, #tpu.memory_space<vmem_shared>>)
      tpu.yield
    }) : () -> ()
    %barrier3A_332 = arith.constant 0 : index
    tpu.barrier barrier_id(%barrier3A_332)
    %mul3A_333 = arith.constant 65536 : i32
    %mul3A_334 = arith.muli %arg1, %mul3A_333 : i32
    %mul3A_335 = arith.constant 4096 : i32
    %mul3A_336 = arith.muli %mul3A_291, %mul3A_335 : i32
    %mul3A_337 = arith.constant 65536 : i32
    %mul3A_338 = arith.muli %arg1, %mul3A_337 : i32
    %add3A_339 = arith.addi %mul3A_336, %mul3A_338 : i32
    "tpu.region"() ({
      %run_scoped3A_448 = tpu.sem_alloc : memref<!tpu.dma_semaphore, #tpu.memory_space<semaphore_mem>>
      %dma_start3A_449 = tpu.memref_slice %arg5[%add3A_339] : memref<16777216xf32, #tpu.memory_space<hbm>> -> memref<65536xf32, #tpu.memory_space<hbm>>
      %dma_start3A_450 = tpu.memref_slice %arg13[%mul3A_334] : memref<1114112xf32, #tpu.memory_space<vmem_shared>> -> memref<65536xf32, #tpu.memory_space<vmem_shared>>
      tpu.enqueue_dma source(%dma_start3A_450 : memref<65536xf32, #tpu.memory_space<vmem_shared>>) target(%dma_start3A_449 : memref<65536xf32, #tpu.memory_space<hbm>>) target_semaphore(%run_scoped3A_448 : memref<!tpu.dma_semaphore, #tpu.memory_space<semaphore_mem>>)
      %dma_wait3A_451 = tpu.memref_slice %arg5[%add3A_339] : memref<16777216xf32, #tpu.memory_space<hbm>> -> memref<65536xf32, #tpu.memory_space<hbm>>
      %dma_wait3A_452 = tpu.memref_slice %arg13[%mul3A_334] : memref<1114112xf32, #tpu.memory_space<vmem_shared>> -> memref<65536xf32, #tpu.memory_space<vmem_shared>>
      tpu.wait_dma2 semaphore(%run_scoped3A_448 : memref<!tpu.dma_semaphore, #tpu.memory_space<semaphore_mem>>) src(%dma_wait3A_452 : memref<65536xf32, #tpu.memory_space<vmem_shared>>) dst(%dma_wait3A_451 : memref<65536xf32, #tpu.memory_space<hbm>>)
      tpu.yield
    }) : () -> ()
    %mul3A_340 = arith.constant 8 : i32
    %mul3A_341 = arith.muli %arg0, %mul3A_340 : i32
    %add3A_342 = arith.constant 6 : i32
    %add3A_343 = arith.addi %mul3A_341, %add3A_342 : i32
    %mul3A_344 = arith.constant 256 : i32
    %mul3A_345 = arith.muli %add3A_343, %mul3A_344 : i32
    %mul3A_346 = arith.constant 65536 : i32
    %mul3A_347 = arith.muli %arg1, %mul3A_346 : i32
    %add3A_348 = arith.constant 0 : i32
    %add3A_349 = arith.addi %mul3A_347, %add3A_348 : i32
    %dma_start3A_350 = tpu.memref_slice %arg13[%add3A_349] : memref<1114112xf32, #tpu.memory_space<vmem_shared>> -> memref<16384xf32, #tpu.memory_space<vmem_shared>>
    %dma_start3A_351 = tpu.memref_slice %arg13[%add3A_349] : memref<1114112xf32, #tpu.memory_space<vmem_shared>> -> memref<16384xf32, #tpu.memory_space<vmem_shared>>
    tpu.enqueue_dma source(%arg6 : memref<16384xf32, #tpu.memory_space<vmem>>) target(%dma_start3A_351 : memref<16384xf32, #tpu.memory_space<vmem_shared>>) target_semaphore(%arg14 : memref<!tpu.dma_semaphore, #tpu.memory_space<semaphore_mem>>)
    %mul3A_352 = arith.constant 65536 : i32
    %mul3A_353 = arith.muli %arg1, %mul3A_352 : i32
    %add3A_354 = arith.constant 16384 : i32
    %add3A_355 = arith.addi %mul3A_353, %add3A_354 : i32
    %dma_start3A_356 = tpu.memref_slice %arg13[%add3A_355] : memref<1114112xf32, #tpu.memory_space<vmem_shared>> -> memref<16384xf32, #tpu.memory_space<vmem_shared>>
    %dma_start3A_357 = tpu.memref_slice %arg13[%add3A_355] : memref<1114112xf32, #tpu.memory_space<vmem_shared>> -> memref<16384xf32, #tpu.memory_space<vmem_shared>>
    tpu.enqueue_dma source(%arg6 : memref<16384xf32, #tpu.memory_space<vmem>>) target(%dma_start3A_357 : memref<16384xf32, #tpu.memory_space<vmem_shared>>) target_semaphore(%arg14 : memref<!tpu.dma_semaphore, #tpu.memory_space<semaphore_mem>>)
    %mul3A_358 = arith.constant 65536 : i32
    %mul3A_359 = arith.muli %arg1, %mul3A_358 : i32
    %add3A_360 = arith.constant 32768 : i32
    %add3A_361 = arith.addi %mul3A_359, %add3A_360 : i32
    %dma_start3A_362 = tpu.memref_slice %arg13[%add3A_361] : memref<1114112xf32, #tpu.memory_space<vmem_shared>> -> memref<16384xf32, #tpu.memory_space<vmem_shared>>
    %dma_start3A_363 = tpu.memref_slice %arg13[%add3A_361] : memref<1114112xf32, #tpu.memory_space<vmem_shared>> -> memref<16384xf32, #tpu.memory_space<vmem_shared>>
    tpu.enqueue_dma source(%arg6 : memref<16384xf32, #tpu.memory_space<vmem>>) target(%dma_start3A_363 : memref<16384xf32, #tpu.memory_space<vmem_shared>>) target_semaphore(%arg14 : memref<!tpu.dma_semaphore, #tpu.memory_space<semaphore_mem>>)
    %mul3A_364 = arith.constant 65536 : i32
    %mul3A_365 = arith.muli %arg1, %mul3A_364 : i32
    %add3A_366 = arith.constant 49152 : i32
    %add3A_367 = arith.addi %mul3A_365, %add3A_366 : i32
    %dma_start3A_368 = tpu.memref_slice %arg13[%add3A_367] : memref<1114112xf32, #tpu.memory_space<vmem_shared>> -> memref<16384xf32, #tpu.memory_space<vmem_shared>>
    %dma_start3A_369 = tpu.memref_slice %arg13[%add3A_367] : memref<1114112xf32, #tpu.memory_space<vmem_shared>> -> memref<16384xf32, #tpu.memory_space<vmem_shared>>
    tpu.enqueue_dma source(%arg6 : memref<16384xf32, #tpu.memory_space<vmem>>) target(%dma_start3A_369 : memref<16384xf32, #tpu.memory_space<vmem_shared>>) target_semaphore(%arg14 : memref<!tpu.dma_semaphore, #tpu.memory_space<semaphore_mem>>)
    %dma_wait3A_370 = tpu.memref_slice %arg13[%add3A_349] : memref<1114112xf32, #tpu.memory_space<vmem_shared>> -> memref<16384xf32, #tpu.memory_space<vmem_shared>>
    %dma_wait3A_371 = tpu.memref_slice %arg13[%add3A_349] : memref<1114112xf32, #tpu.memory_space<vmem_shared>> -> memref<16384xf32, #tpu.memory_space<vmem_shared>>
    tpu.wait_dma2 semaphore(%arg14 : memref<!tpu.dma_semaphore, #tpu.memory_space<semaphore_mem>>) src(%arg6 : memref<16384xf32, #tpu.memory_space<vmem>>) dst(%dma_wait3A_371 : memref<16384xf32, #tpu.memory_space<vmem_shared>>)
    %dma_wait3A_372 = tpu.memref_slice %arg13[%add3A_355] : memref<1114112xf32, #tpu.memory_space<vmem_shared>> -> memref<16384xf32, #tpu.memory_space<vmem_shared>>
    %dma_wait3A_373 = tpu.memref_slice %arg13[%add3A_355] : memref<1114112xf32, #tpu.memory_space<vmem_shared>> -> memref<16384xf32, #tpu.memory_space<vmem_shared>>
    tpu.wait_dma2 semaphore(%arg14 : memref<!tpu.dma_semaphore, #tpu.memory_space<semaphore_mem>>) src(%arg6 : memref<16384xf32, #tpu.memory_space<vmem>>) dst(%dma_wait3A_373 : memref<16384xf32, #tpu.memory_space<vmem_shared>>)
    %dma_wait3A_374 = tpu.memref_slice %arg13[%add3A_361] : memref<1114112xf32, #tpu.memory_space<vmem_shared>> -> memref<16384xf32, #tpu.memory_space<vmem_shared>>
    %dma_wait3A_375 = tpu.memref_slice %arg13[%add3A_361] : memref<1114112xf32, #tpu.memory_space<vmem_shared>> -> memref<16384xf32, #tpu.memory_space<vmem_shared>>
    tpu.wait_dma2 semaphore(%arg14 : memref<!tpu.dma_semaphore, #tpu.memory_space<semaphore_mem>>) src(%arg6 : memref<16384xf32, #tpu.memory_space<vmem>>) dst(%dma_wait3A_375 : memref<16384xf32, #tpu.memory_space<vmem_shared>>)
    %dma_wait3A_376 = tpu.memref_slice %arg13[%add3A_367] : memref<1114112xf32, #tpu.memory_space<vmem_shared>> -> memref<16384xf32, #tpu.memory_space<vmem_shared>>
    %dma_wait3A_377 = tpu.memref_slice %arg13[%add3A_367] : memref<1114112xf32, #tpu.memory_space<vmem_shared>> -> memref<16384xf32, #tpu.memory_space<vmem_shared>>
    tpu.wait_dma2 semaphore(%arg14 : memref<!tpu.dma_semaphore, #tpu.memory_space<semaphore_mem>>) src(%arg6 : memref<16384xf32, #tpu.memory_space<vmem>>) dst(%dma_wait3A_377 : memref<16384xf32, #tpu.memory_space<vmem_shared>>)
    %barrier3A_378 = arith.constant 0 : index
    tpu.barrier barrier_id(%barrier3A_378)
    %scan3A_379 = arith.constant 0 : i32
    %scan3A_380 = arith.constant 0 : i32
    %scan3A_381 = arith.constant 256 : i32
    %scan3A_382 = arith.addi %scan3A_380, %scan3A_381 : i32
    %scan3A_383 = arith.constant 1 : i32
    %scan3A_384 = scf.for %scan3A_448 = %scan3A_380 to %scan3A_382 step %scan3A_383 iter_args(%scan3A_449 = %scan3A_379) -> (i32)  : i32 {
      %mul3A_450 = arith.constant 16 : i32
      %mul3A_451 = arith.muli %scan3A_448, %mul3A_450 : i32
      %get3A = arith.index_cast %mul3A_451 : i32 to index
      %get3A_452 = tpu.vector_load %arg9[%get3A] {strides = array<i32>} : memref<4096xi32, #tpu.memory_space<vmem>>, vector<16xi32>,
      %mul3A_453 = arith.constant 16 : i32
      %mul3A_454 = arith.muli %scan3A_448, %mul3A_453 : i32
      %get3A_455 = arith.index_cast %mul3A_454 : i32 to index
      %get3A_456 = tpu.vector_load %arg10[%get3A_455] {strides = array<i32>} : memref<4096xi32, #tpu.memory_space<vmem>>, vector<16xi32>,
      %sub3A = vector.broadcast %mul3A_345 : i32 to vector<16xi32>
      %sub3A_457 = arith.subi %get3A_452, %sub3A : vector<16xi32>
      %mul3A_458 = arith.constant 4096 : i32
      %mul3A_459 = vector.broadcast %mul3A_458 : i32 to vector<16xi32>
      %mul3A_460 = arith.muli %sub3A_457, %mul3A_459 : vector<16xi32>
      %add3A_461 = arith.addi %mul3A_460, %get3A_456 : vector<16xi32>
      %ge3A = vector.broadcast %mul3A_345 : i32 to vector<16xi32>
      %ge3A_462 = arith.cmpi sge, %get3A_452, %ge3A : vector<16xi32>
      %add3A_463 = arith.constant 256 : i32
      %add3A_464 = arith.addi %mul3A_345, %add3A_463 : i32
      %lt3A = vector.broadcast %add3A_464 : i32 to vector<16xi32>
      %lt3A_465 = arith.cmpi slt, %get3A_452, %lt3A : vector<16xi32>
      %and3A = arith.andi %ge3A_462, %lt3A_465 : vector<16xi1>
      %mul3A_466 = arith.constant 16 : i32
      %mul3A_467 = arith.muli %scan3A_448, %mul3A_466 : i32
      %add3A_468 = arith.addi %add3A_18, %mul3A_467 : i32
      %iota3A = tpu.iota {dimensions = array<i32: 0>} : vector<16xi32>
      %add3A_469 = vector.broadcast %add3A_468 : i32 to vector<16xi32>
      %add3A_470 = arith.addi %add3A_469, %iota3A : vector<16xi32>
      %select_n3A = arith.select %and3A, %add3A_461, %add3A_470 : vector<16xi1>, vector<16xi32>
      %mul3A_471 = arith.constant 16 : i32
      %mul3A_472 = arith.muli %scan3A_448, %mul3A_471 : i32
      %swap3A = arith.index_cast %mul3A_472 : i32 to index
      %swap3A_473 = tpu.vector_load %arg11[%swap3A] {strides = array<i32>} : memref<4096xi32, #tpu.memory_space<vmem>>, vector<16xi32>,
      tpu.vector_store %arg11[%swap3A], %select_n3A {strides = array<i32>} : memref<4096xi32, #tpu.memory_space<vmem>>, vector<16xi32>,
      %scan3A_474 = arith.constant 0 : i32
      scf.yield %scan3A_474 : i32
    }
    %scan3A_385 = arith.constant 256 : i32
    "tpu.region"() ({
      %run_scoped3A_448 = tpu.sem_alloc : memref<!tpu.dma_semaphore, #tpu.memory_space<semaphore_mem>>
      %dma_start3A_449 = arith.constant 0 : i32
      %dma_start3A_450 = tpu.memref_slice %arg13[%dma_start3A_449] : memref<1114112xf32, #tpu.memory_space<vmem_shared>> -> memref<1114112xf32, #tpu.memory_space<vmem_shared>>
      tpu.enqueue_indirect_dma source(%arg12 : memref<4096xf32, #tpu.memory_space<vmem>>) target(%dma_start3A_450 : memref<1114112xf32, #tpu.memory_space<vmem_shared>>) offsets(%arg11 : memref<4096xi32, #tpu.memory_space<vmem>>) semaphore(%run_scoped3A_448 : memref<!tpu.dma_semaphore, #tpu.memory_space<semaphore_mem>>)
      %dma_wait3A_451 = arith.constant 0 : i32
      %dma_wait3A_452 = tpu.memref_slice %arg13[%dma_wait3A_451] : memref<1114112xf32, #tpu.memory_space<vmem_shared>> -> memref<1114112xf32, #tpu.memory_space<vmem_shared>>
      tpu.wait_indirect_dma semaphore(%run_scoped3A_448 : memref<!tpu.dma_semaphore, #tpu.memory_space<semaphore_mem>>) src(%arg12 : memref<4096xf32, #tpu.memory_space<vmem>>) dst(%dma_wait3A_452 : memref<1114112xf32, #tpu.memory_space<vmem_shared>>)
      tpu.yield
    }) : () -> ()
    %barrier3A_386 = arith.constant 0 : index
    tpu.barrier barrier_id(%barrier3A_386)
    %mul3A_387 = arith.constant 65536 : i32
    %mul3A_388 = arith.muli %arg1, %mul3A_387 : i32
    %mul3A_389 = arith.constant 4096 : i32
    %mul3A_390 = arith.muli %mul3A_345, %mul3A_389 : i32
    %mul3A_391 = arith.constant 65536 : i32
    %mul3A_392 = arith.muli %arg1, %mul3A_391 : i32
    %add3A_393 = arith.addi %mul3A_390, %mul3A_392 : i32
    "tpu.region"() ({
      %run_scoped3A_448 = tpu.sem_alloc : memref<!tpu.dma_semaphore, #tpu.memory_space<semaphore_mem>>
      %dma_start3A_449 = tpu.memref_slice %arg5[%add3A_393] : memref<16777216xf32, #tpu.memory_space<hbm>> -> memref<65536xf32, #tpu.memory_space<hbm>>
      %dma_start3A_450 = tpu.memref_slice %arg13[%mul3A_388] : memref<1114112xf32, #tpu.memory_space<vmem_shared>> -> memref<65536xf32, #tpu.memory_space<vmem_shared>>
      tpu.enqueue_dma source(%dma_start3A_450 : memref<65536xf32, #tpu.memory_space<vmem_shared>>) target(%dma_start3A_449 : memref<65536xf32, #tpu.memory_space<hbm>>) target_semaphore(%run_scoped3A_448 : memref<!tpu.dma_semaphore, #tpu.memory_space<semaphore_mem>>)
      %dma_wait3A_451 = tpu.memref_slice %arg5[%add3A_393] : memref<16777216xf32, #tpu.memory_space<hbm>> -> memref<65536xf32, #tpu.memory_space<hbm>>
      %dma_wait3A_452 = tpu.memref_slice %arg13[%mul3A_388] : memref<1114112xf32, #tpu.memory_space<vmem_shared>> -> memref<65536xf32, #tpu.memory_space<vmem_shared>>
      tpu.wait_dma2 semaphore(%run_scoped3A_448 : memref<!tpu.dma_semaphore, #tpu.memory_space<semaphore_mem>>) src(%dma_wait3A_452 : memref<65536xf32, #tpu.memory_space<vmem_shared>>) dst(%dma_wait3A_451 : memref<65536xf32, #tpu.memory_space<hbm>>)
      tpu.yield
    }) : () -> ()
    %mul3A_394 = arith.constant 8 : i32
    %mul3A_395 = arith.muli %arg0, %mul3A_394 : i32
    %add3A_396 = arith.constant 7 : i32
    %add3A_397 = arith.addi %mul3A_395, %add3A_396 : i32
    %mul3A_398 = arith.constant 256 : i32
    %mul3A_399 = arith.muli %add3A_397, %mul3A_398 : i32
    %mul3A_400 = arith.constant 65536 : i32
    %mul3A_401 = arith.muli %arg1, %mul3A_400 : i32
    %add3A_402 = arith.constant 0 : i32
    %add3A_403 = arith.addi %mul3A_401, %add3A_402 : i32
    %dma_start3A_404 = tpu.memref_slice %arg13[%add3A_403] : memref<1114112xf32, #tpu.memory_space<vmem_shared>> -> memref<16384xf32, #tpu.memory_space<vmem_shared>>
    %dma_start3A_405 = tpu.memref_slice %arg13[%add3A_403] : memref<1114112xf32, #tpu.memory_space<vmem_shared>> -> memref<16384xf32, #tpu.memory_space<vmem_shared>>
    tpu.enqueue_dma source(%arg6 : memref<16384xf32, #tpu.memory_space<vmem>>) target(%dma_start3A_405 : memref<16384xf32, #tpu.memory_space<vmem_shared>>) target_semaphore(%arg14 : memref<!tpu.dma_semaphore, #tpu.memory_space<semaphore_mem>>)
    %mul3A_406 = arith.constant 65536 : i32
    %mul3A_407 = arith.muli %arg1, %mul3A_406 : i32
    %add3A_408 = arith.constant 16384 : i32
    %add3A_409 = arith.addi %mul3A_407, %add3A_408 : i32
    %dma_start3A_410 = tpu.memref_slice %arg13[%add3A_409] : memref<1114112xf32, #tpu.memory_space<vmem_shared>> -> memref<16384xf32, #tpu.memory_space<vmem_shared>>
    %dma_start3A_411 = tpu.memref_slice %arg13[%add3A_409] : memref<1114112xf32, #tpu.memory_space<vmem_shared>> -> memref<16384xf32, #tpu.memory_space<vmem_shared>>
    tpu.enqueue_dma source(%arg6 : memref<16384xf32, #tpu.memory_space<vmem>>) target(%dma_start3A_411 : memref<16384xf32, #tpu.memory_space<vmem_shared>>) target_semaphore(%arg14 : memref<!tpu.dma_semaphore, #tpu.memory_space<semaphore_mem>>)
    %mul3A_412 = arith.constant 65536 : i32
    %mul3A_413 = arith.muli %arg1, %mul3A_412 : i32
    %add3A_414 = arith.constant 32768 : i32
    %add3A_415 = arith.addi %mul3A_413, %add3A_414 : i32
    %dma_start3A_416 = tpu.memref_slice %arg13[%add3A_415] : memref<1114112xf32, #tpu.memory_space<vmem_shared>> -> memref<16384xf32, #tpu.memory_space<vmem_shared>>
    %dma_start3A_417 = tpu.memref_slice %arg13[%add3A_415] : memref<1114112xf32, #tpu.memory_space<vmem_shared>> -> memref<16384xf32, #tpu.memory_space<vmem_shared>>
    tpu.enqueue_dma source(%arg6 : memref<16384xf32, #tpu.memory_space<vmem>>) target(%dma_start3A_417 : memref<16384xf32, #tpu.memory_space<vmem_shared>>) target_semaphore(%arg14 : memref<!tpu.dma_semaphore, #tpu.memory_space<semaphore_mem>>)
    %mul3A_418 = arith.constant 65536 : i32
    %mul3A_419 = arith.muli %arg1, %mul3A_418 : i32
    %add3A_420 = arith.constant 49152 : i32
    %add3A_421 = arith.addi %mul3A_419, %add3A_420 : i32
    %dma_start3A_422 = tpu.memref_slice %arg13[%add3A_421] : memref<1114112xf32, #tpu.memory_space<vmem_shared>> -> memref<16384xf32, #tpu.memory_space<vmem_shared>>
    %dma_start3A_423 = tpu.memref_slice %arg13[%add3A_421] : memref<1114112xf32, #tpu.memory_space<vmem_shared>> -> memref<16384xf32, #tpu.memory_space<vmem_shared>>
    tpu.enqueue_dma source(%arg6 : memref<16384xf32, #tpu.memory_space<vmem>>) target(%dma_start3A_423 : memref<16384xf32, #tpu.memory_space<vmem_shared>>) target_semaphore(%arg14 : memref<!tpu.dma_semaphore, #tpu.memory_space<semaphore_mem>>)
    %dma_wait3A_424 = tpu.memref_slice %arg13[%add3A_403] : memref<1114112xf32, #tpu.memory_space<vmem_shared>> -> memref<16384xf32, #tpu.memory_space<vmem_shared>>
    %dma_wait3A_425 = tpu.memref_slice %arg13[%add3A_403] : memref<1114112xf32, #tpu.memory_space<vmem_shared>> -> memref<16384xf32, #tpu.memory_space<vmem_shared>>
    tpu.wait_dma2 semaphore(%arg14 : memref<!tpu.dma_semaphore, #tpu.memory_space<semaphore_mem>>) src(%arg6 : memref<16384xf32, #tpu.memory_space<vmem>>) dst(%dma_wait3A_425 : memref<16384xf32, #tpu.memory_space<vmem_shared>>)
    %dma_wait3A_426 = tpu.memref_slice %arg13[%add3A_409] : memref<1114112xf32, #tpu.memory_space<vmem_shared>> -> memref<16384xf32, #tpu.memory_space<vmem_shared>>
    %dma_wait3A_427 = tpu.memref_slice %arg13[%add3A_409] : memref<1114112xf32, #tpu.memory_space<vmem_shared>> -> memref<16384xf32, #tpu.memory_space<vmem_shared>>
    tpu.wait_dma2 semaphore(%arg14 : memref<!tpu.dma_semaphore, #tpu.memory_space<semaphore_mem>>) src(%arg6 : memref<16384xf32, #tpu.memory_space<vmem>>) dst(%dma_wait3A_427 : memref<16384xf32, #tpu.memory_space<vmem_shared>>)
    %dma_wait3A_428 = tpu.memref_slice %arg13[%add3A_415] : memref<1114112xf32, #tpu.memory_space<vmem_shared>> -> memref<16384xf32, #tpu.memory_space<vmem_shared>>
    %dma_wait3A_429 = tpu.memref_slice %arg13[%add3A_415] : memref<1114112xf32, #tpu.memory_space<vmem_shared>> -> memref<16384xf32, #tpu.memory_space<vmem_shared>>
    tpu.wait_dma2 semaphore(%arg14 : memref<!tpu.dma_semaphore, #tpu.memory_space<semaphore_mem>>) src(%arg6 : memref<16384xf32, #tpu.memory_space<vmem>>) dst(%dma_wait3A_429 : memref<16384xf32, #tpu.memory_space<vmem_shared>>)
    %dma_wait3A_430 = tpu.memref_slice %arg13[%add3A_421] : memref<1114112xf32, #tpu.memory_space<vmem_shared>> -> memref<16384xf32, #tpu.memory_space<vmem_shared>>
    %dma_wait3A_431 = tpu.memref_slice %arg13[%add3A_421] : memref<1114112xf32, #tpu.memory_space<vmem_shared>> -> memref<16384xf32, #tpu.memory_space<vmem_shared>>
    tpu.wait_dma2 semaphore(%arg14 : memref<!tpu.dma_semaphore, #tpu.memory_space<semaphore_mem>>) src(%arg6 : memref<16384xf32, #tpu.memory_space<vmem>>) dst(%dma_wait3A_431 : memref<16384xf32, #tpu.memory_space<vmem_shared>>)
    %barrier3A_432 = arith.constant 0 : index
    tpu.barrier barrier_id(%barrier3A_432)
    %scan3A_433 = arith.constant 0 : i32
    %scan3A_434 = arith.constant 0 : i32
    %scan3A_435 = arith.constant 256 : i32
    %scan3A_436 = arith.addi %scan3A_434, %scan3A_435 : i32
    %scan3A_437 = arith.constant 1 : i32
    %scan3A_438 = scf.for %scan3A_448 = %scan3A_434 to %scan3A_436 step %scan3A_437 iter_args(%scan3A_449 = %scan3A_433) -> (i32)  : i32 {
      %mul3A_450 = arith.constant 16 : i32
      %mul3A_451 = arith.muli %scan3A_448, %mul3A_450 : i32
      %get3A = arith.index_cast %mul3A_451 : i32 to index
      %get3A_452 = tpu.vector_load %arg9[%get3A] {strides = array<i32>} : memref<4096xi32, #tpu.memory_space<vmem>>, vector<16xi32>,
      %mul3A_453 = arith.constant 16 : i32
      %mul3A_454 = arith.muli %scan3A_448, %mul3A_453 : i32
      %get3A_455 = arith.index_cast %mul3A_454 : i32 to index
      %get3A_456 = tpu.vector_load %arg10[%get3A_455] {strides = array<i32>} : memref<4096xi32, #tpu.memory_space<vmem>>, vector<16xi32>,
      %sub3A = vector.broadcast %mul3A_399 : i32 to vector<16xi32>
      %sub3A_457 = arith.subi %get3A_452, %sub3A : vector<16xi32>
      %mul3A_458 = arith.constant 4096 : i32
      %mul3A_459 = vector.broadcast %mul3A_458 : i32 to vector<16xi32>
      %mul3A_460 = arith.muli %sub3A_457, %mul3A_459 : vector<16xi32>
      %add3A_461 = arith.addi %mul3A_460, %get3A_456 : vector<16xi32>
      %ge3A = vector.broadcast %mul3A_399 : i32 to vector<16xi32>
      %ge3A_462 = arith.cmpi sge, %get3A_452, %ge3A : vector<16xi32>
      %add3A_463 = arith.constant 256 : i32
      %add3A_464 = arith.addi %mul3A_399, %add3A_463 : i32
      %lt3A = vector.broadcast %add3A_464 : i32 to vector<16xi32>
      %lt3A_465 = arith.cmpi slt, %get3A_452, %lt3A : vector<16xi32>
      %and3A = arith.andi %ge3A_462, %lt3A_465 : vector<16xi1>
      %mul3A_466 = arith.constant 16 : i32
      %mul3A_467 = arith.muli %scan3A_448, %mul3A_466 : i32
      %add3A_468 = arith.addi %add3A_18, %mul3A_467 : i32
      %iota3A = tpu.iota {dimensions = array<i32: 0>} : vector<16xi32>
      %add3A_469 = vector.broadcast %add3A_468 : i32 to vector<16xi32>
      %add3A_470 = arith.addi %add3A_469, %iota3A : vector<16xi32>
      %select_n3A = arith.select %and3A, %add3A_461, %add3A_470 : vector<16xi1>, vector<16xi32>
      %mul3A_471 = arith.constant 16 : i32
      %mul3A_472 = arith.muli %scan3A_448, %mul3A_471 : i32
      %swap3A = arith.index_cast %mul3A_472 : i32 to index
      %swap3A_473 = tpu.vector_load %arg11[%swap3A] {strides = array<i32>} : memref<4096xi32, #tpu.memory_space<vmem>>, vector<16xi32>,
      tpu.vector_store %arg11[%swap3A], %select_n3A {strides = array<i32>} : memref<4096xi32, #tpu.memory_space<vmem>>, vector<16xi32>,
      %scan3A_474 = arith.constant 0 : i32
      scf.yield %scan3A_474 : i32
    }
    %scan3A_439 = arith.constant 256 : i32
    "tpu.region"() ({
      %run_scoped3A_448 = tpu.sem_alloc : memref<!tpu.dma_semaphore, #tpu.memory_space<semaphore_mem>>
      %dma_start3A_449 = arith.constant 0 : i32
      %dma_start3A_450 = tpu.memref_slice %arg13[%dma_start3A_449] : memref<1114112xf32, #tpu.memory_space<vmem_shared>> -> memref<1114112xf32, #tpu.memory_space<vmem_shared>>
      tpu.enqueue_indirect_dma source(%arg12 : memref<4096xf32, #tpu.memory_space<vmem>>) target(%dma_start3A_450 : memref<1114112xf32, #tpu.memory_space<vmem_shared>>) offsets(%arg11 : memref<4096xi32, #tpu.memory_space<vmem>>) semaphore(%run_scoped3A_448 : memref<!tpu.dma_semaphore, #tpu.memory_space<semaphore_mem>>)
      %dma_wait3A_451 = arith.constant 0 : i32
      %dma_wait3A_452 = tpu.memref_slice %arg13[%dma_wait3A_451] : memref<1114112xf32, #tpu.memory_space<vmem_shared>> -> memref<1114112xf32, #tpu.memory_space<vmem_shared>>
      tpu.wait_indirect_dma semaphore(%run_scoped3A_448 : memref<!tpu.dma_semaphore, #tpu.memory_space<semaphore_mem>>) src(%arg12 : memref<4096xf32, #tpu.memory_space<vmem>>) dst(%dma_wait3A_452 : memref<1114112xf32, #tpu.memory_space<vmem_shared>>)
      tpu.yield
    }) : () -> ()
    %barrier3A_440 = arith.constant 0 : index
    tpu.barrier barrier_id(%barrier3A_440)
    %mul3A_441 = arith.constant 65536 : i32
    %mul3A_442 = arith.muli %arg1, %mul3A_441 : i32
    %mul3A_443 = arith.constant 4096 : i32
    %mul3A_444 = arith.muli %mul3A_399, %mul3A_443 : i32
    %mul3A_445 = arith.constant 65536 : i32
    %mul3A_446 = arith.muli %arg1, %mul3A_445 : i32
    %add3A_447 = arith.addi %mul3A_444, %mul3A_446 : i32
    "tpu.region"() ({
      %run_scoped3A_448 = tpu.sem_alloc : memref<!tpu.dma_semaphore, #tpu.memory_space<semaphore_mem>>
      %dma_start3A_449 = tpu.memref_slice %arg5[%add3A_447] : memref<16777216xf32, #tpu.memory_space<hbm>> -> memref<65536xf32, #tpu.memory_space<hbm>>
      %dma_start3A_450 = tpu.memref_slice %arg13[%mul3A_442] : memref<1114112xf32, #tpu.memory_space<vmem_shared>> -> memref<65536xf32, #tpu.memory_space<vmem_shared>>
      tpu.enqueue_dma source(%dma_start3A_450 : memref<65536xf32, #tpu.memory_space<vmem_shared>>) target(%dma_start3A_449 : memref<65536xf32, #tpu.memory_space<hbm>>) target_semaphore(%run_scoped3A_448 : memref<!tpu.dma_semaphore, #tpu.memory_space<semaphore_mem>>)
      %dma_wait3A_451 = tpu.memref_slice %arg5[%add3A_447] : memref<16777216xf32, #tpu.memory_space<hbm>> -> memref<65536xf32, #tpu.memory_space<hbm>>
      %dma_wait3A_452 = tpu.memref_slice %arg13[%mul3A_442] : memref<1114112xf32, #tpu.memory_space<vmem_shared>> -> memref<65536xf32, #tpu.memory_space<vmem_shared>>
      tpu.wait_dma2 semaphore(%run_scoped3A_448 : memref<!tpu.dma_semaphore, #tpu.memory_space<semaphore_mem>>) src(%dma_wait3A_452 : memref<65536xf32, #tpu.memory_space<vmem_shared>>) dst(%dma_wait3A_451 : memref<65536xf32, #tpu.memory_space<hbm>>)
      tpu.yield
    }) : () -> ()
    return
  }
}

#map = affine_map<(d0, d1) -> (0, 0)>
#map1 = affine_map<(d0, d1) -> (0)>
module attributes {stable_mosaic.version = 14 : i64} {
  func.func @_k6_body(%arg0: i32, %arg1: i32, %arg2: memref<8x4096xf32, #tpu.memory_space<hbm>>, %arg3: memref<1024xf32, #tpu.memory_space<hbm>>, %arg4: memref<32768xi32, #tpu.memory_space<hbm>>, %arg5: memref<32768xi32, #tpu.memory_space<hbm>>, %arg6: memref<4194304xf32, #tpu.memory_space<hbm>>, %arg7: memref<16384xf32, #tpu.memory_space<vmem>>, %arg8: memref<4096xf32, #tpu.memory_space<vmem>>, %arg9: memref<1024xf32, #tpu.memory_space<vmem>>, %arg10: memref<2048xi32, #tpu.memory_space<vmem>>, %arg11: memref<2048xi32, #tpu.memory_space<vmem>>, %arg12: memref<2048xf32, #tpu.memory_space<vmem>>, %arg13: memref<4096xf32, #tpu.memory_space<vmem>>, %arg14: memref<2048xf32, #tpu.memory_space<vmem>>, %arg15: memref<2048xi32, #tpu.memory_space<vmem>>, %arg16: memref<4096xf32, #tpu.memory_space<vmem_shared>>, %arg17: memref<1081344xf32, #tpu.memory_space<vmem_shared>>, %arg18: memref<!tpu.dma_semaphore, #tpu.memory_space<semaphore_mem>>) attributes {dimension_semantics = [#tpu.dimension_semantics<core_parallel>, #tpu.dimension_semantics<subcore_parallel>], iteration_bounds = array<i64: 2, 16>, scalar_prefetch = 0 : i64, scratch_operands = 12 : i64, tpu.core_type = #tpu.core_type<sc_vector_subcore>, window_params = [{transform_indices = #map}, {transform_indices = #map1}, {transform_indices = #map1}, {transform_indices = #map1}, {transform_indices = #map1}]} {
    %broadcast_in_dim3A = arith.constant 0.000000e+00 : f32
    %broadcast_in_dim3A_0 = vector.broadcast %broadcast_in_dim3A : f32 to vector<16xf32>
    %scan3A = arith.constant 0 : i32
    %scan3A_1 = arith.constant 0 : i32
    %scan3A_2 = arith.constant 256 : i32
    %scan3A_3 = arith.addi %scan3A_1, %scan3A_2 : i32
    %scan3A_4 = arith.constant 1 : i32
    %scan3A_5 = scf.for %scan3A_133 = %scan3A_1 to %scan3A_3 step %scan3A_4 iter_args(%scan3A_134 = %scan3A) -> (i32)  : i32 {
      %mul3A_135 = arith.constant 4 : i32
      %mul3A_136 = arith.muli %scan3A_133, %mul3A_135 : i32
      %mul3A_137 = arith.constant 16 : i32
      %mul3A_138 = arith.muli %mul3A_136, %mul3A_137 : i32
      %swap3A = arith.index_cast %mul3A_138 : i32 to index
      %swap3A_139 = tpu.vector_load %arg7[%swap3A] {strides = array<i32>} : memref<16384xf32, #tpu.memory_space<vmem>>, vector<16xf32>,
      tpu.vector_store %arg7[%swap3A], %broadcast_in_dim3A_0 {strides = array<i32>} : memref<16384xf32, #tpu.memory_space<vmem>>, vector<16xf32>,
      %mul3A_140 = arith.constant 4 : i32
      %mul3A_141 = arith.muli %scan3A_133, %mul3A_140 : i32
      %mul3A_142 = arith.constant 16 : i32
      %mul3A_143 = arith.muli %mul3A_141, %mul3A_142 : i32
      %add3A_144 = arith.constant 16 : i32
      %add3A_145 = arith.addi %mul3A_143, %add3A_144 : i32
      %swap3A_146 = arith.index_cast %add3A_145 : i32 to index
      %swap3A_147 = tpu.vector_load %arg7[%swap3A_146] {strides = array<i32>} : memref<16384xf32, #tpu.memory_space<vmem>>, vector<16xf32>,
      tpu.vector_store %arg7[%swap3A_146], %broadcast_in_dim3A_0 {strides = array<i32>} : memref<16384xf32, #tpu.memory_space<vmem>>, vector<16xf32>,
      %mul3A_148 = arith.constant 4 : i32
      %mul3A_149 = arith.muli %scan3A_133, %mul3A_148 : i32
      %mul3A_150 = arith.constant 16 : i32
      %mul3A_151 = arith.muli %mul3A_149, %mul3A_150 : i32
      %add3A_152 = arith.constant 32 : i32
      %add3A_153 = arith.addi %mul3A_151, %add3A_152 : i32
      %swap3A_154 = arith.index_cast %add3A_153 : i32 to index
      %swap3A_155 = tpu.vector_load %arg7[%swap3A_154] {strides = array<i32>} : memref<16384xf32, #tpu.memory_space<vmem>>, vector<16xf32>,
      tpu.vector_store %arg7[%swap3A_154], %broadcast_in_dim3A_0 {strides = array<i32>} : memref<16384xf32, #tpu.memory_space<vmem>>, vector<16xf32>,
      %mul3A_156 = arith.constant 4 : i32
      %mul3A_157 = arith.muli %scan3A_133, %mul3A_156 : i32
      %mul3A_158 = arith.constant 16 : i32
      %mul3A_159 = arith.muli %mul3A_157, %mul3A_158 : i32
      %add3A_160 = arith.constant 48 : i32
      %add3A_161 = arith.addi %mul3A_159, %add3A_160 : i32
      %swap3A_162 = arith.index_cast %add3A_161 : i32 to index
      %swap3A_163 = tpu.vector_load %arg7[%swap3A_162] {strides = array<i32>} : memref<16384xf32, #tpu.memory_space<vmem>>, vector<16xf32>,
      tpu.vector_store %arg7[%swap3A_162], %broadcast_in_dim3A_0 {strides = array<i32>} : memref<16384xf32, #tpu.memory_space<vmem>>, vector<16xf32>,
      %scan3A_164 = arith.constant 0 : i32
      scf.yield %scan3A_164 : i32
    }
    %scan3A_6 = arith.constant 256 : i32
    %eq3A = arith.constant 0 : i32
    %eq3A_7 = arith.cmpi eq, %arg1, %eq3A : i32
    %convert_element_type3A = arith.extui %eq3A_7 : i1 to i32
    %cond3A = arith.constant 0 : i32
    %cond3A_8 = arith.cmpi ne, %convert_element_type3A, %cond3A : i32
    scf.if %cond3A_8 {
      "tpu.region"() ({
        %run_scoped3A_133 = tpu.sem_alloc : memref<!tpu.dma_semaphore, #tpu.memory_space<semaphore_mem>>
        %dma_start3A_134 = arith.constant 0 : i32
        %dma_start3A_135 = tpu.memref_slice %arg7[%dma_start3A_134] : memref<16384xf32, #tpu.memory_space<vmem>> -> memref<4096xf32, #tpu.memory_space<vmem>>
        %dma_start3A_136 = arith.constant 0 : i32
        %dma_start3A_137 = tpu.memref_slice %arg7[%dma_start3A_136] : memref<16384xf32, #tpu.memory_space<vmem>> -> memref<4096xf32, #tpu.memory_space<vmem>>
        tpu.enqueue_dma source(%dma_start3A_137 : memref<4096xf32, #tpu.memory_space<vmem>>) target(%arg16 : memref<4096xf32, #tpu.memory_space<vmem_shared>>) target_semaphore(%run_scoped3A_133 : memref<!tpu.dma_semaphore, #tpu.memory_space<semaphore_mem>>)
        %dma_wait3A_138 = arith.constant 0 : i32
        %dma_wait3A_139 = tpu.memref_slice %arg7[%dma_wait3A_138] : memref<16384xf32, #tpu.memory_space<vmem>> -> memref<4096xf32, #tpu.memory_space<vmem>>
        %dma_wait3A_140 = arith.constant 0 : i32
        %dma_wait3A_141 = tpu.memref_slice %arg7[%dma_wait3A_140] : memref<16384xf32, #tpu.memory_space<vmem>> -> memref<4096xf32, #tpu.memory_space<vmem>>
        tpu.wait_dma2 semaphore(%run_scoped3A_133 : memref<!tpu.dma_semaphore, #tpu.memory_space<semaphore_mem>>) src(%dma_wait3A_141 : memref<4096xf32, #tpu.memory_space<vmem>>) dst(%arg16 : memref<4096xf32, #tpu.memory_space<vmem_shared>>)
        tpu.yield
      }) : () -> ()
    } else {
    }
    %mul3A = arith.constant 65536 : i32
    %mul3A_9 = arith.muli %arg1, %mul3A : i32
    %add3A = arith.constant 0 : i32
    %add3A_10 = arith.addi %mul3A_9, %add3A : i32
    %dma_start3A = tpu.memref_slice %arg17[%add3A_10] : memref<1081344xf32, #tpu.memory_space<vmem_shared>> -> memref<16384xf32, #tpu.memory_space<vmem_shared>>
    %dma_start3A_11 = tpu.memref_slice %arg17[%add3A_10] : memref<1081344xf32, #tpu.memory_space<vmem_shared>> -> memref<16384xf32, #tpu.memory_space<vmem_shared>>
    tpu.enqueue_dma source(%arg7 : memref<16384xf32, #tpu.memory_space<vmem>>) target(%dma_start3A_11 : memref<16384xf32, #tpu.memory_space<vmem_shared>>) target_semaphore(%arg18 : memref<!tpu.dma_semaphore, #tpu.memory_space<semaphore_mem>>)
    %mul3A_12 = arith.constant 65536 : i32
    %mul3A_13 = arith.muli %arg1, %mul3A_12 : i32
    %add3A_14 = arith.constant 16384 : i32
    %add3A_15 = arith.addi %mul3A_13, %add3A_14 : i32
    %dma_start3A_16 = tpu.memref_slice %arg17[%add3A_15] : memref<1081344xf32, #tpu.memory_space<vmem_shared>> -> memref<16384xf32, #tpu.memory_space<vmem_shared>>
    %dma_start3A_17 = tpu.memref_slice %arg17[%add3A_15] : memref<1081344xf32, #tpu.memory_space<vmem_shared>> -> memref<16384xf32, #tpu.memory_space<vmem_shared>>
    tpu.enqueue_dma source(%arg7 : memref<16384xf32, #tpu.memory_space<vmem>>) target(%dma_start3A_17 : memref<16384xf32, #tpu.memory_space<vmem_shared>>) target_semaphore(%arg18 : memref<!tpu.dma_semaphore, #tpu.memory_space<semaphore_mem>>)
    %mul3A_18 = arith.constant 65536 : i32
    %mul3A_19 = arith.muli %arg1, %mul3A_18 : i32
    %add3A_20 = arith.constant 32768 : i32
    %add3A_21 = arith.addi %mul3A_19, %add3A_20 : i32
    %dma_start3A_22 = tpu.memref_slice %arg17[%add3A_21] : memref<1081344xf32, #tpu.memory_space<vmem_shared>> -> memref<16384xf32, #tpu.memory_space<vmem_shared>>
    %dma_start3A_23 = tpu.memref_slice %arg17[%add3A_21] : memref<1081344xf32, #tpu.memory_space<vmem_shared>> -> memref<16384xf32, #tpu.memory_space<vmem_shared>>
    tpu.enqueue_dma source(%arg7 : memref<16384xf32, #tpu.memory_space<vmem>>) target(%dma_start3A_23 : memref<16384xf32, #tpu.memory_space<vmem_shared>>) target_semaphore(%arg18 : memref<!tpu.dma_semaphore, #tpu.memory_space<semaphore_mem>>)
    %mul3A_24 = arith.constant 65536 : i32
    %mul3A_25 = arith.muli %arg1, %mul3A_24 : i32
    %add3A_26 = arith.constant 49152 : i32
    %add3A_27 = arith.addi %mul3A_25, %add3A_26 : i32
    %dma_start3A_28 = tpu.memref_slice %arg17[%add3A_27] : memref<1081344xf32, #tpu.memory_space<vmem_shared>> -> memref<16384xf32, #tpu.memory_space<vmem_shared>>
    %dma_start3A_29 = tpu.memref_slice %arg17[%add3A_27] : memref<1081344xf32, #tpu.memory_space<vmem_shared>> -> memref<16384xf32, #tpu.memory_space<vmem_shared>>
    tpu.enqueue_dma source(%arg7 : memref<16384xf32, #tpu.memory_space<vmem>>) target(%dma_start3A_29 : memref<16384xf32, #tpu.memory_space<vmem_shared>>) target_semaphore(%arg18 : memref<!tpu.dma_semaphore, #tpu.memory_space<semaphore_mem>>)
    %dma_wait3A = tpu.memref_slice %arg17[%add3A_10] : memref<1081344xf32, #tpu.memory_space<vmem_shared>> -> memref<16384xf32, #tpu.memory_space<vmem_shared>>
    %dma_wait3A_30 = tpu.memref_slice %arg17[%add3A_10] : memref<1081344xf32, #tpu.memory_space<vmem_shared>> -> memref<16384xf32, #tpu.memory_space<vmem_shared>>
    tpu.wait_dma2 semaphore(%arg18 : memref<!tpu.dma_semaphore, #tpu.memory_space<semaphore_mem>>) src(%arg7 : memref<16384xf32, #tpu.memory_space<vmem>>) dst(%dma_wait3A_30 : memref<16384xf32, #tpu.memory_space<vmem_shared>>)
    %dma_wait3A_31 = tpu.memref_slice %arg17[%add3A_15] : memref<1081344xf32, #tpu.memory_space<vmem_shared>> -> memref<16384xf32, #tpu.memory_space<vmem_shared>>
    %dma_wait3A_32 = tpu.memref_slice %arg17[%add3A_15] : memref<1081344xf32, #tpu.memory_space<vmem_shared>> -> memref<16384xf32, #tpu.memory_space<vmem_shared>>
    tpu.wait_dma2 semaphore(%arg18 : memref<!tpu.dma_semaphore, #tpu.memory_space<semaphore_mem>>) src(%arg7 : memref<16384xf32, #tpu.memory_space<vmem>>) dst(%dma_wait3A_32 : memref<16384xf32, #tpu.memory_space<vmem_shared>>)
    %dma_wait3A_33 = tpu.memref_slice %arg17[%add3A_21] : memref<1081344xf32, #tpu.memory_space<vmem_shared>> -> memref<16384xf32, #tpu.memory_space<vmem_shared>>
    %dma_wait3A_34 = tpu.memref_slice %arg17[%add3A_21] : memref<1081344xf32, #tpu.memory_space<vmem_shared>> -> memref<16384xf32, #tpu.memory_space<vmem_shared>>
    tpu.wait_dma2 semaphore(%arg18 : memref<!tpu.dma_semaphore, #tpu.memory_space<semaphore_mem>>) src(%arg7 : memref<16384xf32, #tpu.memory_space<vmem>>) dst(%dma_wait3A_34 : memref<16384xf32, #tpu.memory_space<vmem_shared>>)
    %dma_wait3A_35 = tpu.memref_slice %arg17[%add3A_27] : memref<1081344xf32, #tpu.memory_space<vmem_shared>> -> memref<16384xf32, #tpu.memory_space<vmem_shared>>
    %dma_wait3A_36 = tpu.memref_slice %arg17[%add3A_27] : memref<1081344xf32, #tpu.memory_space<vmem_shared>> -> memref<16384xf32, #tpu.memory_space<vmem_shared>>
    tpu.wait_dma2 semaphore(%arg18 : memref<!tpu.dma_semaphore, #tpu.memory_space<semaphore_mem>>) src(%arg7 : memref<16384xf32, #tpu.memory_space<vmem>>) dst(%dma_wait3A_36 : memref<16384xf32, #tpu.memory_space<vmem_shared>>)
    %mul3A_37 = arith.constant 2048 : i32
    %mul3A_38 = arith.muli %arg1, %mul3A_37 : i32
    "tpu.region"() ({
      %run_scoped3A_133 = tpu.sem_alloc : memref<!tpu.dma_semaphore, #tpu.memory_space<semaphore_mem>>
      %dma_start3A_134 = tpu.memref_slice %arg4[%mul3A_38] : memref<32768xi32, #tpu.memory_space<hbm>> -> memref<2048xi32, #tpu.memory_space<hbm>>
      %dma_start3A_135 = tpu.memref_slice %arg4[%mul3A_38] : memref<32768xi32, #tpu.memory_space<hbm>> -> memref<2048xi32, #tpu.memory_space<hbm>>
      tpu.enqueue_dma source(%dma_start3A_135 : memref<2048xi32, #tpu.memory_space<hbm>>) target(%arg10 : memref<2048xi32, #tpu.memory_space<vmem>>) target_semaphore(%run_scoped3A_133 : memref<!tpu.dma_semaphore, #tpu.memory_space<semaphore_mem>>)
      %dma_wait3A_136 = tpu.memref_slice %arg4[%mul3A_38] : memref<32768xi32, #tpu.memory_space<hbm>> -> memref<2048xi32, #tpu.memory_space<hbm>>
      %dma_wait3A_137 = tpu.memref_slice %arg4[%mul3A_38] : memref<32768xi32, #tpu.memory_space<hbm>> -> memref<2048xi32, #tpu.memory_space<hbm>>
      tpu.wait_dma2 semaphore(%run_scoped3A_133 : memref<!tpu.dma_semaphore, #tpu.memory_space<semaphore_mem>>) src(%dma_wait3A_137 : memref<2048xi32, #tpu.memory_space<hbm>>) dst(%arg10 : memref<2048xi32, #tpu.memory_space<vmem>>)
      tpu.yield
    }) : () -> ()
    "tpu.region"() ({
      %run_scoped3A_133 = tpu.sem_alloc : memref<!tpu.dma_semaphore, #tpu.memory_space<semaphore_mem>>
      %dma_start3A_134 = tpu.memref_slice %arg5[%mul3A_38] : memref<32768xi32, #tpu.memory_space<hbm>> -> memref<2048xi32, #tpu.memory_space<hbm>>
      %dma_start3A_135 = tpu.memref_slice %arg5[%mul3A_38] : memref<32768xi32, #tpu.memory_space<hbm>> -> memref<2048xi32, #tpu.memory_space<hbm>>
      tpu.enqueue_dma source(%dma_start3A_135 : memref<2048xi32, #tpu.memory_space<hbm>>) target(%arg11 : memref<2048xi32, #tpu.memory_space<vmem>>) target_semaphore(%run_scoped3A_133 : memref<!tpu.dma_semaphore, #tpu.memory_space<semaphore_mem>>)
      %dma_wait3A_136 = tpu.memref_slice %arg5[%mul3A_38] : memref<32768xi32, #tpu.memory_space<hbm>> -> memref<2048xi32, #tpu.memory_space<hbm>>
      %dma_wait3A_137 = tpu.memref_slice %arg5[%mul3A_38] : memref<32768xi32, #tpu.memory_space<hbm>> -> memref<2048xi32, #tpu.memory_space<hbm>>
      tpu.wait_dma2 semaphore(%run_scoped3A_133 : memref<!tpu.dma_semaphore, #tpu.memory_space<semaphore_mem>>) src(%dma_wait3A_137 : memref<2048xi32, #tpu.memory_space<hbm>>) dst(%arg11 : memref<2048xi32, #tpu.memory_space<vmem>>)
      tpu.yield
    }) : () -> ()
    %run_scoped3A = arith.constant 2 : i32
    "tpu.region"() ({
      %run_scoped3A_133 = tpu.sem_alloc : memref<!tpu.dma_semaphore, #tpu.memory_space<semaphore_mem>>
      %dma_start3A_134 = arith.constant 0 : i32
      %dma_start3A_135 = tpu.memref_slice %arg2[%run_scoped3A, %dma_start3A_134] : memref<8x4096xf32, #tpu.memory_space<hbm>> -> memref<1x4096xf32, #tpu.memory_space<hbm>>
      %dma_start3A_136 = tpu.memref_squeeze %dma_start3A_135 : memref<1x4096xf32, #tpu.memory_space<hbm>> -> memref<4096xf32, #tpu.memory_space<hbm>>
      %dma_start3A_137 = arith.constant 0 : i32
      %dma_start3A_138 = tpu.memref_slice %arg2[%run_scoped3A, %dma_start3A_137] : memref<8x4096xf32, #tpu.memory_space<hbm>> -> memref<1x4096xf32, #tpu.memory_space<hbm>>
      %dma_start3A_139 = tpu.memref_squeeze %dma_start3A_138 : memref<1x4096xf32, #tpu.memory_space<hbm>> -> memref<4096xf32, #tpu.memory_space<hbm>>
      tpu.enqueue_dma source(%dma_start3A_139 : memref<4096xf32, #tpu.memory_space<hbm>>) target(%arg8 : memref<4096xf32, #tpu.memory_space<vmem>>) target_semaphore(%run_scoped3A_133 : memref<!tpu.dma_semaphore, #tpu.memory_space<semaphore_mem>>)
      %dma_wait3A_140 = arith.constant 0 : i32
      %dma_wait3A_141 = tpu.memref_slice %arg2[%run_scoped3A, %dma_wait3A_140] : memref<8x4096xf32, #tpu.memory_space<hbm>> -> memref<1x4096xf32, #tpu.memory_space<hbm>>
      %dma_wait3A_142 = tpu.memref_squeeze %dma_wait3A_141 : memref<1x4096xf32, #tpu.memory_space<hbm>> -> memref<4096xf32, #tpu.memory_space<hbm>>
      %dma_wait3A_143 = arith.constant 0 : i32
      %dma_wait3A_144 = tpu.memref_slice %arg2[%run_scoped3A, %dma_wait3A_143] : memref<8x4096xf32, #tpu.memory_space<hbm>> -> memref<1x4096xf32, #tpu.memory_space<hbm>>
      %dma_wait3A_145 = tpu.memref_squeeze %dma_wait3A_144 : memref<1x4096xf32, #tpu.memory_space<hbm>> -> memref<4096xf32, #tpu.memory_space<hbm>>
      tpu.wait_dma2 semaphore(%run_scoped3A_133 : memref<!tpu.dma_semaphore, #tpu.memory_space<semaphore_mem>>) src(%dma_wait3A_145 : memref<4096xf32, #tpu.memory_space<hbm>>) dst(%arg8 : memref<4096xf32, #tpu.memory_space<vmem>>)
      tpu.yield
    }) : () -> ()
    "tpu.region"() ({
      %run_scoped3A_133 = tpu.sem_alloc : memref<!tpu.dma_semaphore, #tpu.memory_space<semaphore_mem>>
      tpu.enqueue_dma source(%arg3 : memref<1024xf32, #tpu.memory_space<hbm>>) target(%arg9 : memref<1024xf32, #tpu.memory_space<vmem>>) target_semaphore(%run_scoped3A_133 : memref<!tpu.dma_semaphore, #tpu.memory_space<semaphore_mem>>)
      tpu.wait_dma2 semaphore(%run_scoped3A_133 : memref<!tpu.dma_semaphore, #tpu.memory_space<semaphore_mem>>) src(%arg3 : memref<1024xf32, #tpu.memory_space<hbm>>) dst(%arg9 : memref<1024xf32, #tpu.memory_space<vmem>>)
      tpu.yield
    }) : () -> ()
    %scan3A_39 = arith.constant 0 : i32
    %scan3A_40 = arith.constant 0 : i32
    %scan3A_41 = arith.constant 128 : i32
    %scan3A_42 = arith.addi %scan3A_40, %scan3A_41 : i32
    %scan3A_43 = arith.constant 1 : i32
    %scan3A_44 = scf.for %scan3A_133 = %scan3A_40 to %scan3A_42 step %scan3A_43 iter_args(%scan3A_134 = %scan3A_39) -> (i32)  : i32 {
      %mul3A_135 = arith.constant 16 : i32
      %mul3A_136 = arith.muli %scan3A_133, %mul3A_135 : i32
      %get3A = arith.index_cast %mul3A_136 : i32 to index
      %get3A_137 = tpu.vector_load %arg10[%get3A] {strides = array<i32>} : memref<2048xi32, #tpu.memory_space<vmem>>, vector<16xi32>,
      %mul3A_138 = arith.constant 16 : i32
      %mul3A_139 = arith.muli %scan3A_133, %mul3A_138 : i32
      %get3A_140 = arith.index_cast %mul3A_139 : i32 to index
      %get3A_141 = tpu.vector_load %arg11[%get3A_140] {strides = array<i32>} : memref<2048xi32, #tpu.memory_space<vmem>>, vector<16xi32>,
      %gather3A = tpu.vector_load_idx %arg8[%get3A_137] : memref<4096xf32, #tpu.memory_space<vmem>>[vector<16xi32>], vector<16xf32>,
      %gather3A_142 = tpu.vector_load_idx %arg9[%get3A_141] : memref<1024xf32, #tpu.memory_space<vmem>>[vector<16xi32>], vector<16xf32>,
      %add3A_143 = arith.addf %gather3A, %gather3A_142 : vector<16xf32>
      %neg3A = arith.constant 0.000000e+00 : f32
      %neg3A_144 = vector.broadcast %neg3A : f32 to vector<16xf32>
      %neg3A_145 = arith.subf %neg3A_144, %add3A_143 : vector<16xf32>
      %exp3A = math.exp %neg3A_145 : vector<16xf32>
      %add3A_146 = arith.constant 1.000000e+00 : f32
      %add3A_147 = vector.broadcast %add3A_146 : f32 to vector<16xf32>
      %add3A_148 = arith.addf %add3A_147, %exp3A : vector<16xf32>
      %div3A = arith.constant 1.000000e+00 : f32
      %div3A_149 = vector.broadcast %div3A : f32 to vector<16xf32>
      %div3A_150 = arith.divf %div3A_149, %add3A_148 : vector<16xf32>
      %exp3A_151 = math.exp %div3A_150 : vector<16xf32>
      %mul3A_152 = arith.constant 16 : i32
      %mul3A_153 = arith.muli %scan3A_133, %mul3A_152 : i32
      %swap3A = arith.index_cast %mul3A_153 : i32 to index
      %swap3A_154 = tpu.vector_load %arg12[%swap3A] {strides = array<i32>} : memref<2048xf32, #tpu.memory_space<vmem>>, vector<16xf32>,
      tpu.vector_store %arg12[%swap3A], %exp3A_151 {strides = array<i32>} : memref<2048xf32, #tpu.memory_space<vmem>>, vector<16xf32>,
      %scan3A_155 = arith.constant 0 : i32
      scf.yield %scan3A_155 : i32
    }
    %scan3A_45 = arith.constant 128 : i32
    %barrier3A = arith.constant 0 : index
    tpu.barrier barrier_id(%barrier3A)
    "tpu.region"() ({
      %run_scoped3A_133 = tpu.sem_alloc : memref<!tpu.dma_semaphore, #tpu.memory_space<semaphore_mem>>
      %dma_start3A_134 = arith.constant 0 : i32
      %dma_start3A_135 = tpu.memref_slice %arg16[%dma_start3A_134] : memref<4096xf32, #tpu.memory_space<vmem_shared>> -> memref<4096xf32, #tpu.memory_space<vmem_shared>>
      tpu.enqueue_indirect_dma source(%arg12 : memref<2048xf32, #tpu.memory_space<vmem>>) target(%dma_start3A_135 : memref<4096xf32, #tpu.memory_space<vmem_shared>>) offsets(%arg10 : memref<2048xi32, #tpu.memory_space<vmem>>) semaphore(%run_scoped3A_133 : memref<!tpu.dma_semaphore, #tpu.memory_space<semaphore_mem>>) {add = true}
      %dma_wait3A_136 = arith.constant 0 : i32
      %dma_wait3A_137 = tpu.memref_slice %arg16[%dma_wait3A_136] : memref<4096xf32, #tpu.memory_space<vmem_shared>> -> memref<4096xf32, #tpu.memory_space<vmem_shared>>
      tpu.wait_indirect_dma semaphore(%run_scoped3A_133 : memref<!tpu.dma_semaphore, #tpu.memory_space<semaphore_mem>>) src(%arg12 : memref<2048xf32, #tpu.memory_space<vmem>>) dst(%dma_wait3A_137 : memref<4096xf32, #tpu.memory_space<vmem_shared>>)
      tpu.yield
    }) : () -> ()
    %barrier3A_46 = arith.constant 0 : index
    tpu.barrier barrier_id(%barrier3A_46)
    "tpu.region"() ({
      %run_scoped3A_133 = tpu.sem_alloc : memref<!tpu.dma_semaphore, #tpu.memory_space<semaphore_mem>>
      tpu.enqueue_dma source(%arg16 : memref<4096xf32, #tpu.memory_space<vmem_shared>>) target(%arg13 : memref<4096xf32, #tpu.memory_space<vmem>>) target_semaphore(%run_scoped3A_133 : memref<!tpu.dma_semaphore, #tpu.memory_space<semaphore_mem>>)
      tpu.wait_dma2 semaphore(%run_scoped3A_133 : memref<!tpu.dma_semaphore, #tpu.memory_space<semaphore_mem>>) src(%arg16 : memref<4096xf32, #tpu.memory_space<vmem_shared>>) dst(%arg13 : memref<4096xf32, #tpu.memory_space<vmem>>)
      tpu.yield
    }) : () -> ()
    %scan3A_47 = arith.constant 0 : i32
    %scan3A_48 = arith.constant 0 : i32
    %scan3A_49 = arith.constant 128 : i32
    %scan3A_50 = arith.addi %scan3A_48, %scan3A_49 : i32
    %scan3A_51 = arith.constant 1 : i32
    %scan3A_52 = scf.for %scan3A_133 = %scan3A_48 to %scan3A_50 step %scan3A_51 iter_args(%scan3A_134 = %scan3A_47) -> (i32)  : i32 {
      %mul3A_135 = arith.constant 16 : i32
      %mul3A_136 = arith.muli %scan3A_133, %mul3A_135 : i32
      %get3A = arith.index_cast %mul3A_136 : i32 to index
      %get3A_137 = tpu.vector_load %arg10[%get3A] {strides = array<i32>} : memref<2048xi32, #tpu.memory_space<vmem>>, vector<16xi32>,
      %gather3A = tpu.vector_load_idx %arg13[%get3A_137] : memref<4096xf32, #tpu.memory_space<vmem>>[vector<16xi32>], vector<16xf32>,
      %mul3A_138 = arith.constant 16 : i32
      %mul3A_139 = arith.muli %scan3A_133, %mul3A_138 : i32
      %get3A_140 = arith.index_cast %mul3A_139 : i32 to index
      %get3A_141 = tpu.vector_load %arg12[%get3A_140] {strides = array<i32>} : memref<2048xf32, #tpu.memory_space<vmem>>, vector<16xf32>,
      %add3A_142 = arith.constant 9.99999996E-13 : f32
      %add3A_143 = vector.broadcast %add3A_142 : f32 to vector<16xf32>
      %add3A_144 = arith.addf %gather3A, %add3A_143 : vector<16xf32>
      %div3A = arith.divf %get3A_141, %add3A_144 : vector<16xf32>
      %mul3A_145 = arith.constant 16 : i32
      %mul3A_146 = arith.muli %scan3A_133, %mul3A_145 : i32
      %swap3A = arith.index_cast %mul3A_146 : i32 to index
      %swap3A_147 = tpu.vector_load %arg14[%swap3A] {strides = array<i32>} : memref<2048xf32, #tpu.memory_space<vmem>>, vector<16xf32>,
      tpu.vector_store %arg14[%swap3A], %div3A {strides = array<i32>} : memref<2048xf32, #tpu.memory_space<vmem>>, vector<16xf32>,
      %scan3A_148 = arith.constant 0 : i32
      scf.yield %scan3A_148 : i32
    }
    %scan3A_53 = arith.constant 128 : i32
    %mul3A_54 = arith.constant 2048 : i32
    %mul3A_55 = arith.muli %arg1, %mul3A_54 : i32
    %add3A_56 = arith.constant 1048576 : i32
    %add3A_57 = arith.addi %add3A_56, %mul3A_55 : i32
    %mul3A_58 = arith.constant 2 : i32
    %mul3A_59 = arith.muli %arg0, %mul3A_58 : i32
    %add3A_60 = arith.constant 0 : i32
    %add3A_61 = arith.addi %mul3A_59, %add3A_60 : i32
    %mul3A_62 = arith.constant 1024 : i32
    %mul3A_63 = arith.muli %add3A_61, %mul3A_62 : i32
    %scan3A_64 = arith.constant 0 : i32
    %scan3A_65 = arith.constant 0 : i32
    %scan3A_66 = arith.constant 128 : i32
    %scan3A_67 = arith.addi %scan3A_65, %scan3A_66 : i32
    %scan3A_68 = arith.constant 1 : i32
    %scan3A_69 = scf.for %scan3A_133 = %scan3A_65 to %scan3A_67 step %scan3A_68 iter_args(%scan3A_134 = %scan3A_64) -> (i32)  : i32 {
      %mul3A_135 = arith.constant 16 : i32
      %mul3A_136 = arith.muli %scan3A_133, %mul3A_135 : i32
      %get3A = arith.index_cast %mul3A_136 : i32 to index
      %get3A_137 = tpu.vector_load %arg10[%get3A] {strides = array<i32>} : memref<2048xi32, #tpu.memory_space<vmem>>, vector<16xi32>,
      %mul3A_138 = arith.constant 16 : i32
      %mul3A_139 = arith.muli %scan3A_133, %mul3A_138 : i32
      %get3A_140 = arith.index_cast %mul3A_139 : i32 to index
      %get3A_141 = tpu.vector_load %arg11[%get3A_140] {strides = array<i32>} : memref<2048xi32, #tpu.memory_space<vmem>>, vector<16xi32>,
      %sub3A = vector.broadcast %mul3A_63 : i32 to vector<16xi32>
      %sub3A_142 = arith.subi %get3A_137, %sub3A : vector<16xi32>
      %mul3A_143 = arith.constant 1024 : i32
      %mul3A_144 = vector.broadcast %mul3A_143 : i32 to vector<16xi32>
      %mul3A_145 = arith.muli %sub3A_142, %mul3A_144 : vector<16xi32>
      %add3A_146 = arith.addi %mul3A_145, %get3A_141 : vector<16xi32>
      %ge3A = vector.broadcast %mul3A_63 : i32 to vector<16xi32>
      %ge3A_147 = arith.cmpi sge, %get3A_137, %ge3A : vector<16xi32>
      %add3A_148 = arith.constant 1024 : i32
      %add3A_149 = arith.addi %mul3A_63, %add3A_148 : i32
      %lt3A = vector.broadcast %add3A_149 : i32 to vector<16xi32>
      %lt3A_150 = arith.cmpi slt, %get3A_137, %lt3A : vector<16xi32>
      %and3A = arith.andi %ge3A_147, %lt3A_150 : vector<16xi1>
      %mul3A_151 = arith.constant 16 : i32
      %mul3A_152 = arith.muli %scan3A_133, %mul3A_151 : i32
      %add3A_153 = arith.addi %add3A_57, %mul3A_152 : i32
      %iota3A = tpu.iota {dimensions = array<i32: 0>} : vector<16xi32>
      %add3A_154 = vector.broadcast %add3A_153 : i32 to vector<16xi32>
      %add3A_155 = arith.addi %add3A_154, %iota3A : vector<16xi32>
      %select_n3A = arith.select %and3A, %add3A_146, %add3A_155 : vector<16xi1>, vector<16xi32>
      %mul3A_156 = arith.constant 16 : i32
      %mul3A_157 = arith.muli %scan3A_133, %mul3A_156 : i32
      %swap3A = arith.index_cast %mul3A_157 : i32 to index
      %swap3A_158 = tpu.vector_load %arg15[%swap3A] {strides = array<i32>} : memref<2048xi32, #tpu.memory_space<vmem>>, vector<16xi32>,
      tpu.vector_store %arg15[%swap3A], %select_n3A {strides = array<i32>} : memref<2048xi32, #tpu.memory_space<vmem>>, vector<16xi32>,
      %scan3A_159 = arith.constant 0 : i32
      scf.yield %scan3A_159 : i32
    }
    %scan3A_70 = arith.constant 128 : i32
    "tpu.region"() ({
      %run_scoped3A_133 = tpu.sem_alloc : memref<!tpu.dma_semaphore, #tpu.memory_space<semaphore_mem>>
      %dma_start3A_134 = arith.constant 0 : i32
      %dma_start3A_135 = tpu.memref_slice %arg17[%dma_start3A_134] : memref<1081344xf32, #tpu.memory_space<vmem_shared>> -> memref<1081344xf32, #tpu.memory_space<vmem_shared>>
      tpu.enqueue_indirect_dma source(%arg14 : memref<2048xf32, #tpu.memory_space<vmem>>) target(%dma_start3A_135 : memref<1081344xf32, #tpu.memory_space<vmem_shared>>) offsets(%arg15 : memref<2048xi32, #tpu.memory_space<vmem>>) semaphore(%run_scoped3A_133 : memref<!tpu.dma_semaphore, #tpu.memory_space<semaphore_mem>>) {add = true}
      %dma_wait3A_136 = arith.constant 0 : i32
      %dma_wait3A_137 = tpu.memref_slice %arg17[%dma_wait3A_136] : memref<1081344xf32, #tpu.memory_space<vmem_shared>> -> memref<1081344xf32, #tpu.memory_space<vmem_shared>>
      tpu.wait_indirect_dma semaphore(%run_scoped3A_133 : memref<!tpu.dma_semaphore, #tpu.memory_space<semaphore_mem>>) src(%arg14 : memref<2048xf32, #tpu.memory_space<vmem>>) dst(%dma_wait3A_137 : memref<1081344xf32, #tpu.memory_space<vmem_shared>>)
      tpu.yield
    }) : () -> ()
    %barrier3A_71 = arith.constant 0 : index
    tpu.barrier barrier_id(%barrier3A_71)
    %mul3A_72 = arith.constant 65536 : i32
    %mul3A_73 = arith.muli %arg1, %mul3A_72 : i32
    %mul3A_74 = arith.constant 1024 : i32
    %mul3A_75 = arith.muli %mul3A_63, %mul3A_74 : i32
    %mul3A_76 = arith.constant 65536 : i32
    %mul3A_77 = arith.muli %arg1, %mul3A_76 : i32
    %add3A_78 = arith.addi %mul3A_75, %mul3A_77 : i32
    "tpu.region"() ({
      %run_scoped3A_133 = tpu.sem_alloc : memref<!tpu.dma_semaphore, #tpu.memory_space<semaphore_mem>>
      %dma_start3A_134 = tpu.memref_slice %arg6[%add3A_78] : memref<4194304xf32, #tpu.memory_space<hbm>> -> memref<65536xf32, #tpu.memory_space<hbm>>
      %dma_start3A_135 = tpu.memref_slice %arg17[%mul3A_73] : memref<1081344xf32, #tpu.memory_space<vmem_shared>> -> memref<65536xf32, #tpu.memory_space<vmem_shared>>
      tpu.enqueue_dma source(%dma_start3A_135 : memref<65536xf32, #tpu.memory_space<vmem_shared>>) target(%dma_start3A_134 : memref<65536xf32, #tpu.memory_space<hbm>>) target_semaphore(%run_scoped3A_133 : memref<!tpu.dma_semaphore, #tpu.memory_space<semaphore_mem>>)
      %dma_wait3A_136 = tpu.memref_slice %arg6[%add3A_78] : memref<4194304xf32, #tpu.memory_space<hbm>> -> memref<65536xf32, #tpu.memory_space<hbm>>
      %dma_wait3A_137 = tpu.memref_slice %arg17[%mul3A_73] : memref<1081344xf32, #tpu.memory_space<vmem_shared>> -> memref<65536xf32, #tpu.memory_space<vmem_shared>>
      tpu.wait_dma2 semaphore(%run_scoped3A_133 : memref<!tpu.dma_semaphore, #tpu.memory_space<semaphore_mem>>) src(%dma_wait3A_137 : memref<65536xf32, #tpu.memory_space<vmem_shared>>) dst(%dma_wait3A_136 : memref<65536xf32, #tpu.memory_space<hbm>>)
      tpu.yield
    }) : () -> ()
    %mul3A_79 = arith.constant 65536 : i32
    %mul3A_80 = arith.muli %arg1, %mul3A_79 : i32
    %add3A_81 = arith.constant 0 : i32
    %add3A_82 = arith.addi %mul3A_80, %add3A_81 : i32
    %dma_start3A_83 = tpu.memref_slice %arg17[%add3A_82] : memref<1081344xf32, #tpu.memory_space<vmem_shared>> -> memref<16384xf32, #tpu.memory_space<vmem_shared>>
    %dma_start3A_84 = tpu.memref_slice %arg17[%add3A_82] : memref<1081344xf32, #tpu.memory_space<vmem_shared>> -> memref<16384xf32, #tpu.memory_space<vmem_shared>>
    tpu.enqueue_dma source(%arg7 : memref<16384xf32, #tpu.memory_space<vmem>>) target(%dma_start3A_84 : memref<16384xf32, #tpu.memory_space<vmem_shared>>) target_semaphore(%arg18 : memref<!tpu.dma_semaphore, #tpu.memory_space<semaphore_mem>>)
    %mul3A_85 = arith.constant 65536 : i32
    %mul3A_86 = arith.muli %arg1, %mul3A_85 : i32
    %add3A_87 = arith.constant 16384 : i32
    %add3A_88 = arith.addi %mul3A_86, %add3A_87 : i32
    %dma_start3A_89 = tpu.memref_slice %arg17[%add3A_88] : memref<1081344xf32, #tpu.memory_space<vmem_shared>> -> memref<16384xf32, #tpu.memory_space<vmem_shared>>
    %dma_start3A_90 = tpu.memref_slice %arg17[%add3A_88] : memref<1081344xf32, #tpu.memory_space<vmem_shared>> -> memref<16384xf32, #tpu.memory_space<vmem_shared>>
    tpu.enqueue_dma source(%arg7 : memref<16384xf32, #tpu.memory_space<vmem>>) target(%dma_start3A_90 : memref<16384xf32, #tpu.memory_space<vmem_shared>>) target_semaphore(%arg18 : memref<!tpu.dma_semaphore, #tpu.memory_space<semaphore_mem>>)
    %mul3A_91 = arith.constant 65536 : i32
    %mul3A_92 = arith.muli %arg1, %mul3A_91 : i32
    %add3A_93 = arith.constant 32768 : i32
    %add3A_94 = arith.addi %mul3A_92, %add3A_93 : i32
    %dma_start3A_95 = tpu.memref_slice %arg17[%add3A_94] : memref<1081344xf32, #tpu.memory_space<vmem_shared>> -> memref<16384xf32, #tpu.memory_space<vmem_shared>>
    %dma_start3A_96 = tpu.memref_slice %arg17[%add3A_94] : memref<1081344xf32, #tpu.memory_space<vmem_shared>> -> memref<16384xf32, #tpu.memory_space<vmem_shared>>
    tpu.enqueue_dma source(%arg7 : memref<16384xf32, #tpu.memory_space<vmem>>) target(%dma_start3A_96 : memref<16384xf32, #tpu.memory_space<vmem_shared>>) target_semaphore(%arg18 : memref<!tpu.dma_semaphore, #tpu.memory_space<semaphore_mem>>)
    %mul3A_97 = arith.constant 65536 : i32
    %mul3A_98 = arith.muli %arg1, %mul3A_97 : i32
    %add3A_99 = arith.constant 49152 : i32
    %add3A_100 = arith.addi %mul3A_98, %add3A_99 : i32
    %dma_start3A_101 = tpu.memref_slice %arg17[%add3A_100] : memref<1081344xf32, #tpu.memory_space<vmem_shared>> -> memref<16384xf32, #tpu.memory_space<vmem_shared>>
    %dma_start3A_102 = tpu.memref_slice %arg17[%add3A_100] : memref<1081344xf32, #tpu.memory_space<vmem_shared>> -> memref<16384xf32, #tpu.memory_space<vmem_shared>>
    tpu.enqueue_dma source(%arg7 : memref<16384xf32, #tpu.memory_space<vmem>>) target(%dma_start3A_102 : memref<16384xf32, #tpu.memory_space<vmem_shared>>) target_semaphore(%arg18 : memref<!tpu.dma_semaphore, #tpu.memory_space<semaphore_mem>>)
    %dma_wait3A_103 = tpu.memref_slice %arg17[%add3A_82] : memref<1081344xf32, #tpu.memory_space<vmem_shared>> -> memref<16384xf32, #tpu.memory_space<vmem_shared>>
    %dma_wait3A_104 = tpu.memref_slice %arg17[%add3A_82] : memref<1081344xf32, #tpu.memory_space<vmem_shared>> -> memref<16384xf32, #tpu.memory_space<vmem_shared>>
    tpu.wait_dma2 semaphore(%arg18 : memref<!tpu.dma_semaphore, #tpu.memory_space<semaphore_mem>>) src(%arg7 : memref<16384xf32, #tpu.memory_space<vmem>>) dst(%dma_wait3A_104 : memref<16384xf32, #tpu.memory_space<vmem_shared>>)
    %dma_wait3A_105 = tpu.memref_slice %arg17[%add3A_88] : memref<1081344xf32, #tpu.memory_space<vmem_shared>> -> memref<16384xf32, #tpu.memory_space<vmem_shared>>
    %dma_wait3A_106 = tpu.memref_slice %arg17[%add3A_88] : memref<1081344xf32, #tpu.memory_space<vmem_shared>> -> memref<16384xf32, #tpu.memory_space<vmem_shared>>
    tpu.wait_dma2 semaphore(%arg18 : memref<!tpu.dma_semaphore, #tpu.memory_space<semaphore_mem>>) src(%arg7 : memref<16384xf32, #tpu.memory_space<vmem>>) dst(%dma_wait3A_106 : memref<16384xf32, #tpu.memory_space<vmem_shared>>)
    %dma_wait3A_107 = tpu.memref_slice %arg17[%add3A_94] : memref<1081344xf32, #tpu.memory_space<vmem_shared>> -> memref<16384xf32, #tpu.memory_space<vmem_shared>>
    %dma_wait3A_108 = tpu.memref_slice %arg17[%add3A_94] : memref<1081344xf32, #tpu.memory_space<vmem_shared>> -> memref<16384xf32, #tpu.memory_space<vmem_shared>>
    tpu.wait_dma2 semaphore(%arg18 : memref<!tpu.dma_semaphore, #tpu.memory_space<semaphore_mem>>) src(%arg7 : memref<16384xf32, #tpu.memory_space<vmem>>) dst(%dma_wait3A_108 : memref<16384xf32, #tpu.memory_space<vmem_shared>>)
    %dma_wait3A_109 = tpu.memref_slice %arg17[%add3A_100] : memref<1081344xf32, #tpu.memory_space<vmem_shared>> -> memref<16384xf32, #tpu.memory_space<vmem_shared>>
    %dma_wait3A_110 = tpu.memref_slice %arg17[%add3A_100] : memref<1081344xf32, #tpu.memory_space<vmem_shared>> -> memref<16384xf32, #tpu.memory_space<vmem_shared>>
    tpu.wait_dma2 semaphore(%arg18 : memref<!tpu.dma_semaphore, #tpu.memory_space<semaphore_mem>>) src(%arg7 : memref<16384xf32, #tpu.memory_space<vmem>>) dst(%dma_wait3A_110 : memref<16384xf32, #tpu.memory_space<vmem_shared>>)
    %barrier3A_111 = arith.constant 0 : index
    tpu.barrier barrier_id(%barrier3A_111)
    %mul3A_112 = arith.constant 2 : i32
    %mul3A_113 = arith.muli %arg0, %mul3A_112 : i32
    %add3A_114 = arith.constant 1 : i32
    %add3A_115 = arith.addi %mul3A_113, %add3A_114 : i32
    %mul3A_116 = arith.constant 1024 : i32
    %mul3A_117 = arith.muli %add3A_115, %mul3A_116 : i32
    %scan3A_118 = arith.constant 0 : i32
    %scan3A_119 = arith.constant 0 : i32
    %scan3A_120 = arith.constant 128 : i32
    %scan3A_121 = arith.addi %scan3A_119, %scan3A_120 : i32
    %scan3A_122 = arith.constant 1 : i32
    %scan3A_123 = scf.for %scan3A_133 = %scan3A_119 to %scan3A_121 step %scan3A_122 iter_args(%scan3A_134 = %scan3A_118) -> (i32)  : i32 {
      %mul3A_135 = arith.constant 16 : i32
      %mul3A_136 = arith.muli %scan3A_133, %mul3A_135 : i32
      %get3A = arith.index_cast %mul3A_136 : i32 to index
      %get3A_137 = tpu.vector_load %arg10[%get3A] {strides = array<i32>} : memref<2048xi32, #tpu.memory_space<vmem>>, vector<16xi32>,
      %mul3A_138 = arith.constant 16 : i32
      %mul3A_139 = arith.muli %scan3A_133, %mul3A_138 : i32
      %get3A_140 = arith.index_cast %mul3A_139 : i32 to index
      %get3A_141 = tpu.vector_load %arg11[%get3A_140] {strides = array<i32>} : memref<2048xi32, #tpu.memory_space<vmem>>, vector<16xi32>,
      %sub3A = vector.broadcast %mul3A_117 : i32 to vector<16xi32>
      %sub3A_142 = arith.subi %get3A_137, %sub3A : vector<16xi32>
      %mul3A_143 = arith.constant 1024 : i32
      %mul3A_144 = vector.broadcast %mul3A_143 : i32 to vector<16xi32>
      %mul3A_145 = arith.muli %sub3A_142, %mul3A_144 : vector<16xi32>
      %add3A_146 = arith.addi %mul3A_145, %get3A_141 : vector<16xi32>
      %ge3A = vector.broadcast %mul3A_117 : i32 to vector<16xi32>
      %ge3A_147 = arith.cmpi sge, %get3A_137, %ge3A : vector<16xi32>
      %add3A_148 = arith.constant 1024 : i32
      %add3A_149 = arith.addi %mul3A_117, %add3A_148 : i32
      %lt3A = vector.broadcast %add3A_149 : i32 to vector<16xi32>
      %lt3A_150 = arith.cmpi slt, %get3A_137, %lt3A : vector<16xi32>
      %and3A = arith.andi %ge3A_147, %lt3A_150 : vector<16xi1>
      %mul3A_151 = arith.constant 16 : i32
      %mul3A_152 = arith.muli %scan3A_133, %mul3A_151 : i32
      %add3A_153 = arith.addi %add3A_57, %mul3A_152 : i32
      %iota3A = tpu.iota {dimensions = array<i32: 0>} : vector<16xi32>
      %add3A_154 = vector.broadcast %add3A_153 : i32 to vector<16xi32>
      %add3A_155 = arith.addi %add3A_154, %iota3A : vector<16xi32>
      %select_n3A = arith.select %and3A, %add3A_146, %add3A_155 : vector<16xi1>, vector<16xi32>
      %mul3A_156 = arith.constant 16 : i32
      %mul3A_157 = arith.muli %scan3A_133, %mul3A_156 : i32
      %swap3A = arith.index_cast %mul3A_157 : i32 to index
      %swap3A_158 = tpu.vector_load %arg15[%swap3A] {strides = array<i32>} : memref<2048xi32, #tpu.memory_space<vmem>>, vector<16xi32>,
      tpu.vector_store %arg15[%swap3A], %select_n3A {strides = array<i32>} : memref<2048xi32, #tpu.memory_space<vmem>>, vector<16xi32>,
      %scan3A_159 = arith.constant 0 : i32
      scf.yield %scan3A_159 : i32
    }
    %scan3A_124 = arith.constant 128 : i32
    "tpu.region"() ({
      %run_scoped3A_133 = tpu.sem_alloc : memref<!tpu.dma_semaphore, #tpu.memory_space<semaphore_mem>>
      %dma_start3A_134 = arith.constant 0 : i32
      %dma_start3A_135 = tpu.memref_slice %arg17[%dma_start3A_134] : memref<1081344xf32, #tpu.memory_space<vmem_shared>> -> memref<1081344xf32, #tpu.memory_space<vmem_shared>>
      tpu.enqueue_indirect_dma source(%arg14 : memref<2048xf32, #tpu.memory_space<vmem>>) target(%dma_start3A_135 : memref<1081344xf32, #tpu.memory_space<vmem_shared>>) offsets(%arg15 : memref<2048xi32, #tpu.memory_space<vmem>>) semaphore(%run_scoped3A_133 : memref<!tpu.dma_semaphore, #tpu.memory_space<semaphore_mem>>) {add = true}
      %dma_wait3A_136 = arith.constant 0 : i32
      %dma_wait3A_137 = tpu.memref_slice %arg17[%dma_wait3A_136] : memref<1081344xf32, #tpu.memory_space<vmem_shared>> -> memref<1081344xf32, #tpu.memory_space<vmem_shared>>
      tpu.wait_indirect_dma semaphore(%run_scoped3A_133 : memref<!tpu.dma_semaphore, #tpu.memory_space<semaphore_mem>>) src(%arg14 : memref<2048xf32, #tpu.memory_space<vmem>>) dst(%dma_wait3A_137 : memref<1081344xf32, #tpu.memory_space<vmem_shared>>)
      tpu.yield
    }) : () -> ()
    %barrier3A_125 = arith.constant 0 : index
    tpu.barrier barrier_id(%barrier3A_125)
    %mul3A_126 = arith.constant 65536 : i32
    %mul3A_127 = arith.muli %arg1, %mul3A_126 : i32
    %mul3A_128 = arith.constant 1024 : i32
    %mul3A_129 = arith.muli %mul3A_117, %mul3A_128 : i32
    %mul3A_130 = arith.constant 65536 : i32
    %mul3A_131 = arith.muli %arg1, %mul3A_130 : i32
    %add3A_132 = arith.addi %mul3A_129, %mul3A_131 : i32
    "tpu.region"() ({
      %run_scoped3A_133 = tpu.sem_alloc : memref<!tpu.dma_semaphore, #tpu.memory_space<semaphore_mem>>
      %dma_start3A_134 = tpu.memref_slice %arg6[%add3A_132] : memref<4194304xf32, #tpu.memory_space<hbm>> -> memref<65536xf32, #tpu.memory_space<hbm>>
      %dma_start3A_135 = tpu.memref_slice %arg17[%mul3A_127] : memref<1081344xf32, #tpu.memory_space<vmem_shared>> -> memref<65536xf32, #tpu.memory_space<vmem_shared>>
      tpu.enqueue_dma source(%dma_start3A_135 : memref<65536xf32, #tpu.memory_space<vmem_shared>>) target(%dma_start3A_134 : memref<65536xf32, #tpu.memory_space<hbm>>) target_semaphore(%run_scoped3A_133 : memref<!tpu.dma_semaphore, #tpu.memory_space<semaphore_mem>>)
      %dma_wait3A_136 = tpu.memref_slice %arg6[%add3A_132] : memref<4194304xf32, #tpu.memory_space<hbm>> -> memref<65536xf32, #tpu.memory_space<hbm>>
      %dma_wait3A_137 = tpu.memref_slice %arg17[%mul3A_127] : memref<1081344xf32, #tpu.memory_space<vmem_shared>> -> memref<65536xf32, #tpu.memory_space<vmem_shared>>
      tpu.wait_dma2 semaphore(%run_scoped3A_133 : memref<!tpu.dma_semaphore, #tpu.memory_space<semaphore_mem>>) src(%dma_wait3A_137 : memref<65536xf32, #tpu.memory_space<vmem_shared>>) dst(%dma_wait3A_136 : memref<65536xf32, #tpu.memory_space<hbm>>)
      tpu.yield
    }) : () -> ()
    return
  }
}

module attributes {stable_mosaic.version = 14 : i64} {
  func.func @_k1_body(%arg0: i32, %arg1: memref<256x256xf32, #tpu.memory_space<vmem>>, %arg2: memref<256x256xf32, #tpu.memory_space<vmem>>, %arg3: memref<1x256xf32, #tpu.memory_space<vmem>>, %arg4: memref<8x256xf32, #tpu.memory_space<vmem>>, %arg5: memref<8x1xf32, #tpu.memory_space<vmem>>, %arg6: memref<256x256xf32, #tpu.memory_space<vmem>>, %arg7: memref<8x256xf32, #tpu.memory_space<vmem>>) attributes {dimension_semantics = [#tpu.dimension_semantics<arbitrary>], iteration_bounds = array<i64: 16>, scalar_prefetch = 0 : i64, scratch_operands = 0 : i64, tpu.core_type = #tpu.core_type<tc>, window_params = [{transform_indices = @transform_0, window_bounds = array<i64: 256, 256>}, {pipeline_mode = #tpu.pipeline_mode<synchronous>, transform_indices = @transform_1, window_bounds = array<i64: 256, 256>}, {pipeline_mode = #tpu.pipeline_mode<synchronous>, transform_indices = @transform_2, window_bounds = array<i64: 1, 256>}, {pipeline_mode = #tpu.pipeline_mode<synchronous>, transform_indices = @transform_3, window_bounds = array<i64: 8, 256>}, {pipeline_mode = #tpu.pipeline_mode<synchronous>, transform_indices = @transform_4, window_bounds = array<i64: 8, 1>}, {transform_indices = @transform_5, window_bounds = array<i64: 256, 256>}, {transform_indices = @transform_6, window_bounds = array<i64: 8, 256>}]} {
    %get3A = arith.constant 0 : index
    %get3A_0 = arith.constant 0 : index
    %get3A_1 = vector.load %arg1[%get3A, %get3A_0] : memref<256x256xf32, #tpu.memory_space<vmem>>, vector<256x256xf32>
    %get3A_2 = arith.constant 0 : index
    %get3A_3 = arith.constant 0 : index
    %get3A_4 = vector.load %arg2[%get3A_2, %get3A_3] : memref<256x256xf32, #tpu.memory_space<vmem>>, vector<256x256xf32>
    %dot_general3A = arith.constant dense<0.000000e+00> : vector<256x256xf32>
    %dot_general3A_5 = tpu.matmul %get3A_1, %get3A_4, %dot_general3A {dimension_numbers = #tpu.dot_dimension_numbers<[1], [1], [0], [0], [0, 0, 1, 0], [], []>, transpose_lhs_hint = false} : vector<256x256xf32>, vector<256x256xf32>, vector<256x256xf32> -> vector<256x256xf32>
    %get3A_6 = arith.constant 0 : index
    %get3A_7 = arith.constant 0 : index
    %get3A_8 = vector.load %arg3[%get3A_6, %get3A_7] : memref<1x256xf32, #tpu.memory_space<vmem>>, vector<1x256xf32>
    %add3A = vector.broadcast %get3A_8 : vector<1x256xf32> to vector<256x256xf32>
    %add3A_9 = arith.addf %dot_general3A_5, %add3A : vector<256x256xf32>
    %swap3A = arith.constant 0 : index
    %swap3A_10 = arith.constant 0 : index
    %swap3A_11 = vector.load %arg6[%swap3A, %swap3A_10] : memref<256x256xf32, #tpu.memory_space<vmem>>, vector<256x256xf32>
    tpu.vector_store %arg6[%swap3A, %swap3A_10], %add3A_9 {strides = array<i32>} : memref<256x256xf32, #tpu.memory_space<vmem>>, vector<256x256xf32>,
    %get3A_12 = arith.constant 0 : index
    %get3A_13 = arith.constant 0 : index
    %get3A_14 = vector.load %arg4[%get3A_12, %get3A_13] : memref<8x256xf32, #tpu.memory_space<vmem>>, vector<8x256xf32>
    %dot_general3A_15 = arith.constant dense<0.000000e+00> : vector<8x256xf32>
    %dot_general3A_16 = tpu.matmul %get3A_14, %add3A_9, %dot_general3A_15 {dimension_numbers = #tpu.dot_dimension_numbers<[1], [1], [0], [0], [0, 0, 1, 0], [], []>, transpose_lhs_hint = false} : vector<8x256xf32>, vector<256x256xf32>, vector<8x256xf32> -> vector<8x256xf32>
    %get3A_17 = arith.constant 0 : index
    %get3A_18 = arith.constant 0 : index
    %get3A_19 = vector.load %arg5[%get3A_17, %get3A_18] : memref<8x1xf32, #tpu.memory_space<vmem>>, vector<8x1xf32>
    %add3A_20 = vector.broadcast %get3A_19 : vector<8x1xf32> to vector<8x256xf32>
    %add3A_21 = arith.addf %dot_general3A_16, %add3A_20 : vector<8x256xf32>
    %swap3A_22 = arith.constant 0 : index
    %swap3A_23 = arith.constant 0 : index
    %swap3A_24 = vector.load %arg7[%swap3A_22, %swap3A_23] : memref<8x256xf32, #tpu.memory_space<vmem>>, vector<8x256xf32>
    tpu.vector_store %arg7[%swap3A_22, %swap3A_23], %add3A_21 {strides = array<i32>} : memref<8x256xf32, #tpu.memory_space<vmem>>, vector<8x256xf32>,
    return
  }
  func.func @transform_0(%arg0: i32) -> (i32, i32) {
    %c0_i32 = arith.constant 0 : i32
    %c0_i32_0 = arith.constant 0 : i32
    return %arg0, %c0_i32 : i32, i32
  }
  func.func @transform_1(%arg0: i32) -> (i32, i32) {
    %c0_i32 = arith.constant 0 : i32
    %c0_i32_0 = arith.constant 0 : i32
    %c0_i32_1 = arith.constant 0 : i32
    return %c0_i32, %c0_i32_0 : i32, i32
  }
  func.func @transform_2(%arg0: i32) -> (i32, i32) {
    %c0_i32 = arith.constant 0 : i32
    %c0_i32_0 = arith.constant 0 : i32
    %c0_i32_1 = arith.constant 0 : i32
    return %c0_i32, %c0_i32_0 : i32, i32
  }
  func.func @transform_3(%arg0: i32) -> (i32, i32) {
    %c0_i32 = arith.constant 0 : i32
    %c0_i32_0 = arith.constant 0 : i32
    %c0_i32_1 = arith.constant 0 : i32
    return %c0_i32, %c0_i32_0 : i32, i32
  }
  func.func @transform_4(%arg0: i32) -> (i32, i32) {
    %c0_i32 = arith.constant 0 : i32
    %c0_i32_0 = arith.constant 0 : i32
    %c0_i32_1 = arith.constant 0 : i32
    return %c0_i32, %c0_i32_0 : i32, i32
  }
  func.func @transform_5(%arg0: i32) -> (i32, i32) {
    %c0_i32 = arith.constant 0 : i32
    %c0_i32_0 = arith.constant 0 : i32
    return %arg0, %c0_i32 : i32, i32
  }
  func.func @transform_6(%arg0: i32) -> (i32, i32) {
    %c0_i32 = arith.constant 0 : i32
    %c0_i32_0 = arith.constant 0 : i32
    return %c0_i32, %arg0 : i32, i32
  }
}

module attributes {stable_mosaic.version = 14 : i64} {
  func.func @_k3_body(%arg0: i32, %arg1: memref<1048576xf32, #tpu.memory_space<vmem>>, %arg2: memref<4096x1024xbf16, #tpu.memory_space<vmem>>, %arg3: memref<262144xf32, #tpu.memory_space<vmem>>) attributes {dimension_semantics = [#tpu.dimension_semantics<arbitrary>], iteration_bounds = array<i64: 16>, scalar_prefetch = 0 : i64, scratch_operands = 0 : i64, tpu.core_type = #tpu.core_type<tc>, window_params = [{transform_indices = @transform_0, window_bounds = array<i64: 1048576>}, {pipeline_mode = #tpu.pipeline_mode<synchronous>, transform_indices = @transform_1, window_bounds = array<i64: 4096, 1024>}, {transform_indices = @transform_2, window_bounds = array<i64: 262144>}]} {
    %get3A = arith.constant 0 : index
    %get3A_0 = vector.load %arg1[%get3A] : memref<1048576xf32, #tpu.memory_space<vmem>>, vector<1048576xf32>
    %reshape3A = vector.shape_cast %get3A_0 : vector<1048576xf32> to vector<256x4096xf32>
    %convert_element_type3A = arith.truncf %reshape3A : vector<256x4096xf32> to vector<256x4096xbf16>
    %get3A_1 = arith.constant 0 : index
    %get3A_2 = arith.constant 0 : index
    %get3A_3 = vector.load %arg2[%get3A_1, %get3A_2] : memref<4096x1024xbf16, #tpu.memory_space<vmem>>, vector<4096x1024xbf16>
    %dot_general3A = arith.constant dense<0.000000e+00> : vector<256x1024xf32>
    %dot_general3A_4 = tpu.matmul %convert_element_type3A, %get3A_3, %dot_general3A {dimension_numbers = #tpu.dot_dimension_numbers<[1], [0], [0], [1], [0, 0, 1, 1], [], []>, transpose_lhs_hint = false} : vector<256x4096xbf16>, vector<4096x1024xbf16>, vector<256x1024xf32> -> vector<256x1024xf32>
    %reshape3A_5 = vector.shape_cast %dot_general3A_4 : vector<256x1024xf32> to vector<262144xf32>
    %swap3A = arith.constant 0 : index
    %swap3A_6 = vector.load %arg3[%swap3A] : memref<262144xf32, #tpu.memory_space<vmem>>, vector<262144xf32>
    tpu.vector_store %arg3[%swap3A], %reshape3A_5 {strides = array<i32>} : memref<262144xf32, #tpu.memory_space<vmem>>, vector<262144xf32>,
    return
  }
  func.func @transform_0(%arg0: i32) -> i32 {
    %c0_i32 = arith.constant 0 : i32
    return %arg0 : i32
  }
  func.func @transform_1(%arg0: i32) -> (i32, i32) {
    %c0_i32 = arith.constant 0 : i32
    %c0_i32_0 = arith.constant 0 : i32
    %c0_i32_1 = arith.constant 0 : i32
    return %c0_i32, %c0_i32_0 : i32, i32
  }
  func.func @transform_2(%arg0: i32) -> i32 {
    %c0_i32 = arith.constant 0 : i32
    return %arg0 : i32
  }
}

module attributes {stable_mosaic.version = 14 : i64} {
  func.func @_k5_body(%arg0: i32, %arg1: memref<4194304xf32, #tpu.memory_space<vmem>>, %arg2: memref<4096x256xf32, #tpu.memory_space<vmem>>, %arg3: memref<1x256xf32, #tpu.memory_space<vmem>>, %arg4: memref<1024x256xf32, #tpu.memory_space<vmem>>, %arg5: memref<1024x1xf32, #tpu.memory_space<vmem>>) attributes {dimension_semantics = [#tpu.dimension_semantics<arbitrary>], iteration_bounds = array<i64: 1>, scalar_prefetch = 0 : i64, scratch_operands = 0 : i64, tpu.core_type = #tpu.core_type<tc>, window_params = [{pipeline_mode = #tpu.pipeline_mode<synchronous>, transform_indices = @transform_0, window_bounds = array<i64: 4194304>}, {pipeline_mode = #tpu.pipeline_mode<synchronous>, transform_indices = @transform_1, window_bounds = array<i64: 4096, 256>}, {pipeline_mode = #tpu.pipeline_mode<synchronous>, transform_indices = @transform_2, window_bounds = array<i64: 1, 256>}, {pipeline_mode = #tpu.pipeline_mode<synchronous>, transform_indices = @transform_3, window_bounds = array<i64: 1024, 256>}, {pipeline_mode = #tpu.pipeline_mode<synchronous>, transform_indices = @transform_4, window_bounds = array<i64: 1024, 1>}]} {
    %get3A = arith.constant 0 : index
    %get3A_0 = vector.load %arg1[%get3A] : memref<4194304xf32, #tpu.memory_space<vmem>>, vector<4194304xf32>
    %reshape3A = vector.shape_cast %get3A_0 : vector<4194304xf32> to vector<1024x4096xf32>
    %get3A_1 = arith.constant 0 : index
    %get3A_2 = arith.constant 0 : index
    %get3A_3 = vector.load %arg2[%get3A_1, %get3A_2] : memref<4096x256xf32, #tpu.memory_space<vmem>>, vector<4096x256xf32>
    %dot_general3A = arith.constant dense<0.000000e+00> : vector<1024x256xf32>
    %dot_general3A_4 = tpu.matmul %reshape3A, %get3A_3, %dot_general3A {dimension_numbers = #tpu.dot_dimension_numbers<[1], [0], [0], [1], [0, 0, 1, 1], [], []>, transpose_lhs_hint = false} : vector<1024x4096xf32>, vector<4096x256xf32>, vector<1024x256xf32> -> vector<1024x256xf32>
    %swap3A = arith.constant 0 : index
    %swap3A_5 = arith.constant 0 : index
    %swap3A_6 = vector.load %arg4[%swap3A, %swap3A_5] : memref<1024x256xf32, #tpu.memory_space<vmem>>, vector<1024x256xf32>
    tpu.vector_store %arg4[%swap3A, %swap3A_5], %dot_general3A_4 {strides = array<i32>} : memref<1024x256xf32, #tpu.memory_space<vmem>>, vector<1024x256xf32>,
    %get3A_7 = arith.constant 0 : index
    %get3A_8 = arith.constant 0 : index
    %get3A_9 = vector.load %arg3[%get3A_7, %get3A_8] : memref<1x256xf32, #tpu.memory_space<vmem>>, vector<1x256xf32>
    %mul3A = vector.broadcast %get3A_9 : vector<1x256xf32> to vector<1024x256xf32>
    %mul3A_10 = arith.mulf %dot_general3A_4, %mul3A : vector<1024x256xf32>
    %reduce_sum3A = arith.constant dense<0.000000e+00> : vector<1024xf32>
    %reduce_sum3A_11 = vector.multi_reduction <add>, %mul3A_10, %reduce_sum3A [1] : vector<1024x256xf32> to vector<1024xf32>
    %broadcast_in_dim3A = vector.shape_cast %reduce_sum3A_11 : vector<1024xf32> to vector<1024x1xf32>
    %swap3A_12 = arith.constant 0 : index
    %swap3A_13 = arith.constant 0 : index
    %swap3A_14 = vector.load %arg5[%swap3A_12, %swap3A_13] : memref<1024x1xf32, #tpu.memory_space<vmem>>, vector<1024x1xf32>
    tpu.vector_store %arg5[%swap3A_12, %swap3A_13], %broadcast_in_dim3A {strides = array<i32>} : memref<1024x1xf32, #tpu.memory_space<vmem>>, vector<1024x1xf32>,
    return
  }
  func.func @transform_0(%arg0: i32) -> i32 {
    %c0_i32 = arith.constant 0 : i32
    %c0_i32_0 = arith.constant 0 : i32
    return %c0_i32 : i32
  }
  func.func @transform_1(%arg0: i32) -> (i32, i32) {
    %c0_i32 = arith.constant 0 : i32
    %c0_i32_0 = arith.constant 0 : i32
    %c0_i32_1 = arith.constant 0 : i32
    return %c0_i32, %c0_i32_0 : i32, i32
  }
  func.func @transform_2(%arg0: i32) -> (i32, i32) {
    %c0_i32 = arith.constant 0 : i32
    %c0_i32_0 = arith.constant 0 : i32
    %c0_i32_1 = arith.constant 0 : i32
    return %c0_i32, %c0_i32_0 : i32, i32
  }
  func.func @transform_3(%arg0: i32) -> (i32, i32) {
    %c0_i32 = arith.constant 0 : i32
    %c0_i32_0 = arith.constant 0 : i32
    %c0_i32_1 = arith.constant 0 : i32
    return %c0_i32, %c0_i32_0 : i32, i32
  }
  func.func @transform_4(%arg0: i32) -> (i32, i32) {
    %c0_i32 = arith.constant 0 : i32
    %c0_i32_0 = arith.constant 0 : i32
    %c0_i32_1 = arith.constant 0 : i32
    return %c0_i32, %c0_i32_0 : i32, i32
  }
}

module attributes {stable_mosaic.version = 14 : i64} {
  func.func @_k7_body(%arg0: i32, %arg1: memref<262144xf32, #tpu.memory_space<vmem>>, %arg2: memref<1024x256xf32, #tpu.memory_space<vmem>>, %arg3: memref<256x256xf32, #tpu.memory_space<vmem>>, %arg4: memref<2x256xf32, #tpu.memory_space<vmem>>, %arg5: memref<256x256xf32, #tpu.memory_space<vmem>>) attributes {dimension_semantics = [#tpu.dimension_semantics<arbitrary>], iteration_bounds = array<i64: 16>, scalar_prefetch = 0 : i64, scratch_operands = 0 : i64, tpu.core_type = #tpu.core_type<tc>, window_params = [{transform_indices = @transform_0, window_bounds = array<i64: 262144>}, {pipeline_mode = #tpu.pipeline_mode<synchronous>, transform_indices = @transform_1, window_bounds = array<i64: 1024, 256>}, {transform_indices = @transform_2, window_bounds = array<i64: 256, 256>}, {pipeline_mode = #tpu.pipeline_mode<synchronous>, transform_indices = @transform_3, window_bounds = array<i64: 2, 256>}, {transform_indices = @transform_4, window_bounds = array<i64: 256, 256>}]} {
    %get3A = arith.constant 0 : index
    %get3A_0 = vector.load %arg1[%get3A] : memref<262144xf32, #tpu.memory_space<vmem>>, vector<262144xf32>
    %reshape3A = vector.shape_cast %get3A_0 : vector<262144xf32> to vector<256x1024xf32>
    %get3A_1 = arith.constant 0 : index
    %get3A_2 = arith.constant 0 : index
    %get3A_3 = vector.load %arg2[%get3A_1, %get3A_2] : memref<1024x256xf32, #tpu.memory_space<vmem>>, vector<1024x256xf32>
    %dot_general3A = arith.constant dense<0.000000e+00> : vector<256x256xf32>
    %dot_general3A_4 = tpu.matmul %reshape3A, %get3A_3, %dot_general3A {dimension_numbers = #tpu.dot_dimension_numbers<[1], [0], [0], [1], [0, 0, 1, 1], [], []>, transpose_lhs_hint = false} : vector<256x1024xf32>, vector<1024x256xf32>, vector<256x256xf32> -> vector<256x256xf32>
    %get3A_5 = arith.constant 0 : index
    %get3A_6 = arith.constant 0 : index
    %get3A_7 = vector.load %arg3[%get3A_5, %get3A_6] : memref<256x256xf32, #tpu.memory_space<vmem>>, vector<256x256xf32>
    %add3A = arith.addf %dot_general3A_4, %get3A_7 : vector<256x256xf32>
    %max3A = arith.constant 0.000000e+00 : f32
    %max3A_8 = vector.broadcast %max3A : f32 to vector<256x256xf32>
    %max3A_9 = arith.maximumf %add3A, %max3A_8 : vector<256x256xf32>
    %get3A_10 = arith.constant 0 : index
    %get3A_11 = arith.constant 0 : index
    %get3A_12 = vector.load %arg4[%get3A_10, %get3A_11] : memref<2x256xf32, #tpu.memory_space<vmem>>, vector<2x256xf32>
    %slice3A = vector.extract_strided_slice %get3A_12 {offsets = [0, 0], sizes = [1, 256], strides = [1, 1]} : vector<2x256xf32> to vector<1x256xf32>
    %mul3A = vector.broadcast %slice3A : vector<1x256xf32> to vector<256x256xf32>
    %mul3A_13 = arith.mulf %max3A_9, %mul3A : vector<256x256xf32>
    %get3A_14 = arith.constant 0 : index
    %get3A_15 = arith.constant 0 : index
    %get3A_16 = vector.load %arg4[%get3A_14, %get3A_15] : memref<2x256xf32, #tpu.memory_space<vmem>>, vector<2x256xf32>
    %slice3A_17 = vector.extract_strided_slice %get3A_16 {offsets = [1, 0], sizes = [1, 256], strides = [1, 1]} : vector<2x256xf32> to vector<1x256xf32>
    %add3A_18 = vector.broadcast %slice3A_17 : vector<1x256xf32> to vector<256x256xf32>
    %add3A_19 = arith.addf %mul3A_13, %add3A_18 : vector<256x256xf32>
    %swap3A = arith.constant 0 : index
    %swap3A_20 = arith.constant 0 : index
    %swap3A_21 = vector.load %arg5[%swap3A, %swap3A_20] : memref<256x256xf32, #tpu.memory_space<vmem>>, vector<256x256xf32>
    tpu.vector_store %arg5[%swap3A, %swap3A_20], %add3A_19 {strides = array<i32>} : memref<256x256xf32, #tpu.memory_space<vmem>>, vector<256x256xf32>,
    return
  }
  func.func @transform_0(%arg0: i32) -> i32 {
    %c0_i32 = arith.constant 0 : i32
    return %arg0 : i32
  }
  func.func @transform_1(%arg0: i32) -> (i32, i32) {
    %c0_i32 = arith.constant 0 : i32
    %c0_i32_0 = arith.constant 0 : i32
    %c0_i32_1 = arith.constant 0 : i32
    return %c0_i32, %c0_i32_0 : i32, i32
  }
  func.func @transform_2(%arg0: i32) -> (i32, i32) {
    %c0_i32 = arith.constant 0 : i32
    %c0_i32_0 = arith.constant 0 : i32
    return %arg0, %c0_i32 : i32, i32
  }
  func.func @transform_3(%arg0: i32) -> (i32, i32) {
    %c0_i32 = arith.constant 0 : i32
    %c0_i32_0 = arith.constant 0 : i32
    %c0_i32_1 = arith.constant 0 : i32
    return %c0_i32, %c0_i32_0 : i32, i32
  }
  func.func @transform_4(%arg0: i32) -> (i32, i32) {
    %c0_i32 = arith.constant 0 : i32
    %c0_i32_0 = arith.constant 0 : i32
    return %arg0, %c0_i32 : i32, i32
  }
}

</mosaic_0001>

<sc_bundles>
// kernel: kernel.12.cloned.1.call-start
scs
__scs_entry_jumppad:
0x0: {  	(pc) =	sbr.rel $0x88, $3  }
0x1: {  	(tag) =	ssettag $0x0;
	lr =	simm.s32 $0x1  }
0x2: {  	[smem:$0x3F93] =	sst lr;
	_ =	strace $0xD0000000  }
0x3: {  	_ = 	snop  }
0x4: {  	_ = 	snop  }
0x5: {  	_ = 	snop  }
0x6: {  	_ = 	snop  }
0x7: {  	_ = 	snop  }
__scs_overlays_trampoline_lowered:
0x8: {  	[smem:$0x3FA2] =	sst s0  }
0x9: {  	[smem:$0x3FA3] =	sst s1  }
0xa: {  	[smem:$0x3FA4] =	sst s2  }
0xb: {  	[smem:$0x3FA5] =	sst s3  }
0xc: {  	[smem:$0x3FA6] =	sst s4  }
0xd: {  	[smem:$0x3FA7] =	sst s5  }
0xe: {  	[smem:$0x3FA8] =	sst s6  }
0xf: {  	[smem:$0x3FA9] =	sst s7  }
0x10: {  	[smem:$0x3FAA] =	sst s8  }
0x11: {  	[smem:$0x3FAB] =	sst s9;
	s0 =	simm.s32 @!p0 $0x0  }
0x12: {  	s1 =	sld [smem:$0x3F91];
	s0 =	simm.s32 @p0 $0x1  }
0x13: {  	[smem:$0x3FAC] =	sst s0;
	s0 =	simm.s32 @!p1 $0x0  }
0x14: {  	s2 =	sld [smem:$0x3F90];
	s0 =	simm.s32 @p1 $0x1  }
0x15: {  	[smem:$0x3FAD] =	sst s0;
	s0 =	simm.s32 @!p2 $0x0  }
0x16: {  	s3 =	sld [smem:$0x3FDB];
	s0 =	simm.s32 @p2 $0x1  }
0x17: {  	s4 =	simm.s32 $0x1BF5;
	[smem:$0x3FAF] =	sst s0  }
0x18: {  	s0 =	sld [smem:$0x3F92];
	_ =	swait.ge [sflag:s4], $0x0  }
0x19: {  	s7 =	sld [smem:$0x3F93]  }
0x1a: {  	s8 =	sadd.s32 $0xFFFFE003, lr  }
0x1b: {  	s9 =	sadd.s32 $0xFFFFFEF7, lr;
	s5 =	simm.s32 $0xFFFFFFFF;
	p2 =	slt.u32 s8, $0xFFFFF086  }
0x1c: {  	p1 =	slt.u32 s9, $0xF7A;
	s5 =	simm.s32 @!p2 $0x0  }
0x1d: {  	s5 =	simm.s32 @p1 $0x1;
	p0 =	seq.s32 s7, s2  }
0x1e: {  	s7 =	smul.u32 @!p0 $0xF7A, s2;
	p2 =	seq.s32 @!p0 s5, $0x0  }
0x1f: {  	s9 =	smul.u32 $0xF7A, s1;
	s8 =	simm.s32 @!p0 $0x1BF5;
	p2 =	por !p2, p0  }
0x20: {  	[sflag:s8] =	ssyncset.s32 @!p0 $0xFFFFF086;
	s6 =	sadd.s32 @!p0 s3, s7;
	s7 =	simm.s32 @!p0 $0x108  }
0x21: {  	s3 =	sadd.s32 s3, s9;
	s6 =	sadd.s32 @!p0 $0x88, s6;
	s7 =	simm.s32 @p2 $0x1082  }
0x22: {  	[simem:s7], [sflag:s8] =	dma.local @!p0 [hbm:s6], $0xF7A  }
0x23: {  	s9 =	sor.u32 $0xD0000000, s2;
	s6 =	simm.s32 $0x108;
	_ =	swait.ge @!p0 [sflag:s8], $0x0  }
0x24: {  	s3 =	sadd.s32 $0x88, s3;
	s6 =	simm.s32 @!p1 $0x1082;
	[sflag:s4] =	ssyncset.s32 $0xFFFFF086  }
0x25: {  	[simem:s6], [sflag:s4] =	dma.local [hbm:s3], $0xF7A  }
0x26: {  	[smem:$0x3F93] =	sst s1;
	(tag) =	ssettag s2;
	_ =	strace s9  }
0x27: {  	s1 =	sld [smem:$0x3FA3]  }
0x28: {  	s2 =	sld [smem:$0x3FA4]  }
0x29: {  	s4 =	sld [smem:$0x3FA6]  }
0x2a: {  	p0 =	seq.s32 s5, $0x0;
	s5 =	sld [smem:$0x3FA7]  }
0x2b: {  	s6 =	sld [smem:$0x3FA8]  }
0x2c: {  	s7 =	sld [smem:$0x3FA9]  }
0x2d: {  	s3 =	simm.s32 $0x108;
	s8 =	sld [smem:$0x3FAA]  }
0x2e: {  	s3 =	simm.s32 @!p0 $0x1082;
	s9 =	sld [smem:$0x3FAB]  }
0x2f: {  	lr =	sadd.s32 s0, s3;
	s0 =	sld [smem:$0x3FA2]  }
0x30: {  	s3 =	sld [smem:$0x3FA5]  }
0x31: {  	[smem:$0x3FAE] =	sst s10  }
0x32: {  	s10 =	sld [smem:$0x3FAC];
	_ =	sdelay $0x3  }
0x33: {  	p0 =	seq.s32 s10, $0x1;
	s10 =	sld [smem:$0x3FAE];
	_ =	sdelay $0x3  }
0x34: {  	[smem:$0x3FAE] =	sst s10  }
0x35: {  	s10 =	sld [smem:$0x3FAD];
	_ =	sdelay $0x3  }
0x36: {  	p1 =	seq.s32 s10, $0x1;
	s10 =	sld [smem:$0x3FAE];
	_ =	sdelay $0x3  }
0x37: {  	[smem:$0x3FAE] =	sst s10  }
0x38: {  	s10 =	sld [smem:$0x3FAF]  }
0x39: {  	_ = 	snop;
	(pc) =	sbr.ind lr, $3  }
0x3a: {  	_ = 	snop  }
0x3b: {  	_ = 	snop  }
0x3c: {  	p2 =	seq.s32 s10, $0x1;
	s10 =	sld [smem:$0x3FAE]  }
0x3d: {  	_ =	shalt  }
0x3e: {  	_ =	shalt  }
0x3f: {  	_ =	shalt  }
0x40: {  	_ =	shalt  }
0x41: {  	_ =	shalt  }
0x42: {  	_ =	shalt  }
0x43: {  	_ =	shalt  }
0x44: {  	_ =	shalt  }
0x45: {  	_ =	shalt  }
0x46: {  	_ =	shalt  }
0x47: {  	_ =	shalt  }
0x48: {  	_ =	shalt  }
0x49: {  	_ =	shalt  }
0x4a: {  	_ =	shalt  }
0x4b: {  	_ =	shalt  }
0x4c: {  	_ =	shalt  }
0x4d: {  	_ =	shalt  }
0x4e: {  	_ =	shalt  }
0x4f: {  	_ =	shalt  }
0x50: {  	_ =	shalt  }
0x51: {  	_ =	shalt  }
0x52: {  	_ =	shalt  }
0x53: {  	_ =	shalt  }
0x54: {  	_ =	shalt  }
0x55: {  	_ =	shalt  }
0x56: {  	_ =	shalt  }
0x57: {  	_ =	shalt  }
0x58: {  	_ =	shalt  }
0x59: {  	_ =	shalt  }
0x5a: {  	_ =	shalt  }
0x5b: {  	_ =	shalt  }
0x5c: {  	_ =	shalt  }
0x5d: {  	_ =	shalt  }
0x5e: {  	_ =	shalt  }
0x5f: {  	_ =	shalt  }
0x60: {  	_ =	shalt  }
0x61: {  	_ =	shalt  }
0x62: {  	_ =	shalt  }
0x63: {  	_ =	shalt  }
0x64: {  	_ =	shalt  }
0x65: {  	_ =	shalt  }
0x66: {  	_ =	shalt  }
0x67: {  	_ =	shalt  }
0x68: {  	_ =	shalt  }
0x69: {  	_ =	shalt  }
0x6a: {  	_ =	shalt  }
0x6b: {  	_ =	shalt  }
0x6c: {  	_ =	shalt  }
0x6d: {  	_ =	shalt  }
0x6e: {  	_ =	shalt  }
0x6f: {  	_ =	shalt  }
0x70: {  	_ =	shalt  }
0x71: {  	_ =	shalt  }
0x72: {  	_ =	shalt  }
0x73: {  	_ =	shalt  }
0x74: {  	_ =	shalt  }
0x75: {  	_ =	shalt  }
0x76: {  	_ =	shalt  }
0x77: {  	_ =	shalt  }
0x78: {  	_ =	shalt  }
0x79: {  	_ =	shalt  }
0x7a: {  	_ =	shalt  }
0x7b: {  	_ =	shalt  }
0x7c: {  	_ =	shalt  }
0x7d: {  	_ =	shalt  }
0x7e: {  	_ =	shalt  }
0x7f: {  	_ =	shalt  }
0x80: {  	_ =	shalt  }
0x81: {  	_ =	shalt  }
0x82: {  	_ =	shalt  }
0x83: {  	_ =	shalt  }
0x84: {  	_ =	shalt  }
0x85: {  	_ =	shalt  }
0x86: {  	_ =	shalt  }
0x87: {  	_ =	shalt  }
.Lfunc_end0:
.L_simem_size_0:
called_computation.1_lowered:
.L_overlay_start_0:
0x88: {  	s2 =	sld [smem:$0x3FD9]  }
0x89: {  	s3 =	sld [smem:$0x3FFE];
	_ =	sdelay $0x1  }
0x8a: {  	s1 =	srdreg.scid  }
0x8b: {  	s0 =	sand.u32 $0x1, s1  }
0x8c: {  	s16 =	sshll.u32 s0, $0xA;
	s2 =	sadd.s32 s3, s2  }
0x8d: {  	s2 =	sadd.s32 s2, s16  }
0x8e: {  	[smem:$0x3FBA] =	sst s2  }
0x8f: {  	_ = 	snop  }
0x90: {  	(tm) =	ssettm $0x1  }
0x91: {  	s17 =	sld [smem:$0x3FFB];
	_ =	sdelay $0x3  }
0x92: {  	_ =	strace s17  }
0x93: {  	s2 =	sld [smem:$0x3FFC];
	_ =	sdelay $0x3  }
0x94: {  	_ =	strace s2  }
0x95: {  	s2 =	sld [smem:$0x3FFD];
	_ =	sdelay $0x3  }
0x96: {  	_ =	strace s2  }
0x97: {  	_ =	strace $0x8FFFFFFF  }
0x98: {  	s18 =	sld [smem:$0x3FDB];
	_ =	sdelay $0x1  }
0x99: {  	s19 =	simm.s32 $_scs_section_size  }
0x9a: {  	s4 =	simm.s32 $_size__tile_overlayer_lowered;
	s5 =	simm.s32 $_tile_overlayer_lowered  }
0x9b: {  	s22 =	simm.s32 $0x1BFF;
	s21 =	sshll.u32 s5, $0x1;
	s2 =	sadd.s32 s19, s18  }
0x9c: {  	s6 =	simm.s32 $0x0;
	s20 =	sshll.u32 s4, $0x1;
	s4 =	sadd.s32 s21, s2  }
0x9d: {  	[timem:s6], [sflag:s22] =	dma.local [hbm:s4], s20  }
0x9e: {  	_ =	swait.ge [sflag:s22], s20  }
0x9f: {  	s3 =	ssub.s32 $0x0, s20;
	[sflag:s22] =	ssyncset.done $0x0  }
0xa0: {  	[sflag:s22] =	ssyncadd.s32 s3;
	_ =	sdelay $0x1  }
0xa1: {  	s23 =	simm.s32 $0x1B8B  }
0xa2: {  	_ =	swait.ge [sflag:s23], $0x1  }
0xa3: {  	[sflag:s23] =	ssyncset.done $0x0  }
0xa4: {  	s25 =	simm.s32 $0x1B8E;
	s24 =	sld [smem:$0x3FFE];
	[sflag:s23] =	ssyncadd.s32 $0xFFFFFFFF  }
0xa5: {  	s26 =	simm.s32 $execute0_lowered;
	[smem:$0x3FD2] =	sst s25  }
0xa6: {  	s4 =	sshll.u32 s26, $0x1;
	_ =	strace $0x80000049;
	[dreg:$0x1] =	wrdreg $0xFFFFFFFF  }
0xa7: {  	s28 =	simm.s32 $_size_execute0_lowered;
	s2 =	sadd.s32 s2, s4;
	[dreg:$0x0] =	wrdreg $0x0  }
0xa8: {  	s4 =	sshll.u32 s28, $0x1;
	[dreg:$0x2] =	wrdreg s2  }
0xa9: {  	[dreg:$0x3] =	wrdreg s4  }
0xaa: {  	[dreg:$0x4] =	wrdreg $0xC0  }
0xab: {  	_ =	task [dreg:s6], $0x5FFFF  }
0xac: {  	[dreg:$0x1] =	wrdreg $0xFFFFFFFF  }
0xad: {  	[dreg:$0x0] =	wrdreg $0x60  }
0xae: {  	[dreg:$0x2] =	wrdreg s24  }
0xaf: {  	[dreg:$0x3] =	wrdreg $0x7C000  }
0xb0: {  	[dreg:$0x4] =	wrdreg $0x7C400  }
0xb1: {  	[dreg:$0x5] =	wrdreg $0x9  }
0xb2: {  	_ =	task.clear_ibuf [dreg:s6], $0x6FFFF;
	_ =	strace $0x90000049  }
0xb3: {  	s29 =	simm.s32 $0x9;
	_ =	strace $0x8000004B  }
0xb4: {  	_ =	swait.ge [sflag:s29], $0x1  }
0xb5: {  	[sflag:s29] =	ssyncadd.s32 $0xFFFFFFFF  }
0xb6: {  	_ =	strace $0x9000004B  }
0xb7: {  	_ =	sfence  }
0xb8: {  	s30 =	sld [smem:$0x0];
	_ =	sdelay $0x2  }
0xb9: {  	s31 =	sshll.u32 s1, $0xD;
	s1 =	sshrl.u32 s1, $0x2  }
0xba: {  	s3 =	sand.u32 $0x4000, s31;
	s1 =	sadd.s32 s1, s30  }
0xbb: {  	s0 =	sor.u32 s3, s0;
	s1 =	sshll.u32 s1, $0x11  }
0xbc: {  	s0 =	sor.u32 s1, s0  }
0xbd: {  	s0 =	sadd.s32 $0x8F2B, s0  }
0xbe: {  	[sflag:s0] =	ssyncadd.remote.s32 $0x1  }
0xbf: {  	_ =	sfence.sel $0xFFFF  }
0xc0: {  	[dreg:$0x0] =	wrdreg $0xFFFFFFFF;
	(pc) =	sbr.abs _section_cstart, $3  }
0xc1: {  	[dreg:$0x1] =	wrdreg $0xFFFFFFFF  }
0xc2: {  	_ =	task.clear_ibuf [dreg:s6], $0x2FFFF;
	_ =	strace $0x9FFFFFFF  }
0xc3: {  	(tm) =	ssettm $0x7FFFFFFF  }
tec
execute0_lowered:
.L_overlay_start_1:
0x0: {  	(tag) =	ssettag $0x1  }
0x1: {  	s0 =	rddreg [dreg:$0x0]  }
0x2: {  	s1 =	rddreg [dreg:$0x1]  }
0x3: {  	s2 =	rddreg [dreg:$0x2];
	s3 =	simm.s32 $0x0;
	s5 =	srdreg.scid  }
0x4: {  	s4 =	stileid.u32;
	s18 =	simm.s32 $0x2;
	s19 =	simm.s32 $0x4800  }
0x5: {  	s20 =	simm.s32 $0x800;
	s25 =	simm.s32 $0x7400;
	s26 =	simm.s32 $0x6C00  }
0x6: {  	[smem:$0x7FF] =	sst s3;
	s12 =	sand.u32 $0x1, s5;
	s5 =	sadd.s32 $0x207000, s0  }
0x7: {  	s6 =	sshll.u32 s4, $0x8;
	s13 =	sshll.u32 s4, $0x10;
	s15 =	sshll.u32 s4, $0xB  }
0x8: {  	p0 =	sne.s32 s4, $0x0;
	_ =	strace $0x8000004A;
	s7 =	ssub.s32 $0x2, s12  }
0x9: {  	s11 =	sadd.s32 s6, s0;
	s0 =	sadd.s32 $0x5000, s0;
	s6 =	sadd.s32 s13, s2  }
0xa: {  	s21 =	sshll.u32 s12, $0x9;
	s16 =	sshll.u32 s12, $0x15;
	s12 =	sshllo.u32 s12, $0x1  }
0xb: {  	s15 =	sor.u32 $0x100000, s15;
	s31 =	sshrl.u32 s7, $0x1;
	s8 =	sadd.s32 $0x8000, s6  }
0xc: {  	s9 =	sadd.s32 $0xC000, s6;
	s10 =	sadd.s32 $0x206000, s11;
	s11 =	sadd.s32 $0x205000, s11  }
0xd: {  	s22 =	sor.u32 $0x100, s21;
	s16 =	sor.u32 s13, s16;
	s17 =	sshll.u32 s12, $0x14  }
0xe: {  	s23 =	sshll.u32 s12, $0x8;
	v0 =	vmov s21;
	s21 =	simm.s32 $0x5000;
	s14 =	ssub.s32 s7, s31  }
0xf: {  	s7 =	sadd.s32 $0x4000, s6;
	s16 =	sshrl.u32 s16, $0x3;
	s13 =	sor.u32 s13, s17  }
0x10: {  	s24 =	sadd.s32 $0x100, s23;
	v1 =	vmov s22;
	v2 =	vmov s23;
	s22 =	simm.s32 $0x5800;
	s23 =	simm.s32 $0x6000  }
0x11: {  	s12 =	sadd.s32 s0, s16;
	s13 =	sshrl.u32 s13, $0x3;
	s14 =	smax.u32 s14, $0x1  }
0x12: {  	v4 =	vimm.f32 $0.0e+00;
	v5 =	vlaneseq.u32;
	s16 =	simm.s32 $0x1;
	v3 =	vmov s24;
	s24 =	simm.s32 $0x6800;
	s13 =	sadd.s32 s0, s13  }
.LBB2_1:
0x13: {  	s28 =	simm.s32 $0x100;
	s0 =	simm.s32 $0x0  }
.LBB2_2:
0x14: {  	p1 =	sne.s32 s28, $0xFF00;
	[tilespmem:s0+$0x30] =	vst v4;
	s29 =	smov.u32 s28;
	s28 =	sadd.s32 $0x100, s28  }
.Ltmp0:
0x15: {  	[tilespmem:s0+$0x20] =	vst v4;
	(pc) =	sbr.rel @p1 .LBB2_2-.Ltmp0, $3  }
0x16: {  	[tilespmem:s0+$0x0] =	vst v4  }
0x17: {  	[tilespmem:s0+$0x10] =	vst v4;
	_ =	sdelay $0x1  }
0x18: {  	s0 =	sshra.s32 s29, $0x2  }
0x19: {  	[tilespmem:s0+$0x30] =	vst v4  }
0x1a: {  	[tilespmem:s0+$0x20] =	vst v4  }
0x1b: {  	[tilespmem:s0+$0x0] =	vst v4  }
0x1c: {  	[tilespmem:s0+$0x10] =	vst v4;
	s0 =	simm.s32 @!p0 $0x0  }
0x1d: {  	[spmem:s1] =	stream.linear.scatter @!p0 [tilespmem:s0], [sflag:$0x2], $0x400, $0x38;
	[tilespmem:$0x18440] =	vst v63  }
0x1e: {  	s0 =	simm.s32 @!p0 $0x2  }
0x1f: {  	_ =	swait.ge @!p0 [sflag:s0], $0x400  }
0x20: {  	[sflag:s0] =	ssyncset.done @!p0 $0x0  }
0x21: {  	s31 =	simm.s32 $0x0;
	[sflag:s0] =	ssyncadd.s32 @!p0 $0xFFFFFC00  }
0x22: {  	[spmem:s6] =	stream.linear.scatter [tilespmem:s31], [sflag:$0x1], $0x4000, $0x38;
	[tilespmem:$0x18440] =	vst v63  }
0x23: {  	_ = 	snop  }
0x24: {  	[spmem:s7] =	stream.linear.scatter [tilespmem:s31], [sflag:$0x1], $0x4000, $0x38;
	[tilespmem:$0x18440] =	vst v63  }
0x25: {  	_ = 	snop  }
0x26: {  	[spmem:s8] =	stream.linear.scatter [tilespmem:s31], [sflag:$0x1], $0x4000, $0x38;
	[tilespmem:$0x18440] =	vst v63  }
0x27: {  	_ = 	snop  }
0x28: {  	[spmem:s9] =	stream.linear.scatter [tilespmem:s31], [sflag:$0x1], $0x4000, $0x38;
	[tilespmem:$0x18440] =	vst v63  }
0x29: {  	_ =	swait.ge [sflag:s16], $0x4000  }
0x2a: {  	[sflag:s16] =	ssyncset.done $0x0  }
0x2b: {  	[sflag:s16] =	ssyncadd.s32 $0xFFFFC000  }
0x2c: {  	_ =	swait.ge [sflag:s16], $0x4000  }
0x2d: {  	[sflag:s16] =	ssyncset.done $0x0  }
0x2e: {  	[sflag:s16] =	ssyncadd.s32 $0xFFFFC000  }
0x2f: {  	_ =	swait.ge [sflag:s16], $0x4000  }
0x30: {  	[sflag:s16] =	ssyncset.done $0x0  }
0x31: {  	[sflag:s16] =	ssyncadd.s32 $0xFFFFC000  }
0x32: {  	_ =	swait.ge [sflag:s16], $0x4000  }
0x33: {  	[sflag:s16] =	ssyncset.done $0x0  }
0x34: {  	s17 =	simm.s32 $0x4000;
	[sflag:s16] =	ssyncadd.s32 $0xFFFFC000  }
0x35: {  	[tilespmem:s17], [sflag:$0x2] =	stream.linear.gather [hbm4b:s10+s31], $0x800, $0x38;
	[tilespmem:$0x18440] =	vst v63  }
0x36: {  	_ =	swait.ge [sflag:s18], $0x800  }
0x37: {  	[sflag:s18] =	ssyncset.done $0x0  }
0x38: {  	[sflag:s18] =	ssyncadd.s32 $0xFFFFF800  }
0x39: {  	[tilespmem:s19], [sflag:$0x2] =	stream.linear.gather [hbm4b:s11+s31], $0x800, $0x38;
	[tilespmem:$0x18440] =	vst v63  }
0x3a: {  	_ =	swait.ge [sflag:s18], $0x800  }
0x3b: {  	[sflag:s18] =	ssyncset.done $0x0  }
0x3c: {  	s0 =	simm.s32 $0x0;
	[sflag:s18] =	ssyncadd.s32 $0xFFFFF800  }
0x3d: {  	v6 =	vld [tilespmem:s0+$0x4000]  }
0x3e: {  	s28 =	simm.s32 $0x40;
	v7 =	vld [tilespmem:s0+$0x4800]  }
.LBB2_4:
0x3f: {  	p1 =	sne.s32 s28, $0x1FC0  }
.Ltmp1:
0x40: {  	_ = 	snop;
	(pc) =	sbr.rel @p1 .LBB2_4-.Ltmp1, $4  }
0x41: {  	_ = 	snop  }
0x42: {  	s29 =	sshra.s32 s28, $0x2;
	s28 =	sadd.s32 $0x40, s28;
	v8 =	vshll.u32 v6, $0xA  }
0x43: {  	v6 =	vld [tilespmem:s29+$0x4000];
	v8 =	vadd.s32 v7, v8  }
0x44: {  	v7 =	vld [tilespmem:s29+$0x4800];
	[tilespmem:s0+$0x5000] =	vst v8;
	s0 =	smov.u32 s29  }
0x45: {  	_ =	sdelay $0x2  }
0x46: {  	v6 =	vshll.u32 v6, $0xA  }
0x47: {  	v6 =	vadd.s32 v7, v6  }
0x48: {  	[tilespmem:s0+$0x5000] =	vst v6  }
0x49: {  	[tilespmem:s22], [sflag:$0x1] =	stream.indirect.gather [hbm4b:s5+s20], $0x1, s21, s20, $0xb8;
	[tilespmem:$0x18440] =	vst v63  }
0x4a: {  	_ =	swait.ge [sflag:s16], $0x800  }
0x4b: {  	[sflag:s16] =	ssyncset.done $0x0  }
0x4c: {  	s28 =	simm.s32 $0x0;
	[sflag:s16] =	ssyncadd.s32 $0xFFFFF800  }
0x4d: {  	v6 =	vld [tilespmem:s28+$0x5800];
	_ =	sdelay $0x4  }
0x4e: {  	v6 =	vmul.f32 $1.442695020e+00, v6  }
0x4f: {  	s29 =	simm.s32 $0x10  }
0x50: {  	(erf) = vpow2.f32 v6;
	v6 =	vld [tilespmem:s29+$0x5800];
	_ =	sdelay $0x4  }
0x51: {  	s30 =	simm.s32 $0x20;
	v7 =	vmul.f32 $1.442695020e+00, v6  }
0x52: {  	v6 =	vld [tilespmem:s30+$0x5800]  }
0x53: {  	(erf) = vpow2.f32 v7;
	_ =	sdelay $0x2  }
0x54: {  	s0 =	simm.s32 $0xC0;
	v7 =	vpop (erf)  }
.LBB2_6:
0x55: {  	s31 =	sshra.s32 s0, $0x2;
	p1 =	sne.s32 s0, $0x1FC0;
	s0 =	sadd.s32 $0x40, s0;
	v8 =	vmul.f32 $1.442695020e+00, v6;
	[tilespmem:s28+$0x6000] =	vst v7  }
.Ltmp2:
0x56: {  	s28 =	smov.u32 s29;
	s29 =	smov.u32 s30;
	v6 =	vld [tilespmem:s31+$0x5800];
	(pc) =	sbr.rel @p1 .LBB2_6-.Ltmp2, $2  }
0x57: {  	s30 =	smov.u32 s31;
	(erf) = vpow2.f32 v8;
	_ =	sdelay $0x2  }
0x58: {  	v7 =	vpop (erf)  }
0x59: {  	v6 =	vmul.f32 $1.442695020e+00, v6;
	_ =	sdelay $0x1  }
0x5a: {  	(erf) = vpow2.f32 v6;
	_ =	sdelay $0x7  }
0x5b: {  	[tilespmem:s28+$0x6000] =	vst v7;
	v6 =	vpop (erf)  }
0x5c: {  	[tilespmem:s29+$0x6000] =	vst v6;
	v6 =	vpop (erf)  }
0x5d: {  	[tilespmem:s30+$0x6000] =	vst v6  }
0x5e: {  	[bflag:$0x0] =	sbarrier.arrive $0xFFFF  }
0x5f: {  	[spmem:s1] =	stream.indirect.scatter.add.f32 [tilespmem:s23], [sflag:$0x2], $0x1, s19, s20, $0xb8;
	[tilespmem:$0x18440] =	vst v63  }
0x60: {  	_ =	swait.ge [sflag:s18], $0x800  }
0x61: {  	[sflag:s18] =	ssyncset.done $0x0  }
0x62: {  	[sflag:s18] =	ssyncadd.s32 $0xFFFFF800  }
0x63: {  	[bflag:$0x0] =	sbarrier.arrive $0xFFFF  }
0x64: {  	[tilespmem:s24], [sflag:$0x2] =	stream.linear.gather [spmem:s1], $0x400, $0x38;
	[tilespmem:$0x18440] =	vst v63  }
0x65: {  	_ =	swait.ge [sflag:s18], $0x400  }
0x66: {  	[sflag:s18] =	ssyncset.done $0x0  }
0x67: {  	s28 =	simm.s32 $0x0;
	[sflag:s18] =	ssyncadd.s32 $0xFFFFFC00  }
0x68: {  	v6 =	vld [tilespmem:s28+$0x4800];
	_ =	sdelay $0x7  }
0x69: {  	v6 =	vld.idx.msk [tilespmem:v6+s24+$0x0], $0xffff;
	_ =	sdelay $0x4  }
0x6a: {  	v6 =	vadd.f32 $9.999999960e-13, v6;
	_ =	sdelay $0x1  }
0x6b: {  	(erf) = vrcp.f32 v6;
	_ =	sdelay $0x3  }
0x6c: {  	s31 =	simm.s32 $0x10;
	s29 =	simm.s32 $0x0;
	s30 =	simm.s32 $0x80;
	v6 =	vld [tilespmem:s28+$0x6000]  }
.LBB2_8:
0x6d: {  	p1 =	sne.s32 s30, $0x1FC0;
	v7 =	vld [tilespmem:s31+$0x4800];
	_ =	sdelay $0x3  }
0x6e: {  	v8 =	vpop (erf)  }
0x6f: {  	v6 =	vmul.f32 v8, v6;
	_ =	sdelay $0x1  }
0x70: {  	[tilespmem:s29+$0x6C00] =	vst v6;
	s29 =	smov.u32 s31  }
0x71: {  	v6 =	vld.idx.msk [tilespmem:v7+s24+$0x0], $0xffff;
	_ =	sdelay $0x5  }
0x72: {  	v6 =	vadd.f32 $9.999999960e-13, v6;
	_ =	sdelay $0x1  }
.Ltmp3:
0x73: {  	(erf) = vrcp.f32 v6;
	(pc) =	sbr.rel @p1 .LBB2_8-.Ltmp3, $2  }
0x74: {  	_ =	sdelay $0x2  }
0x75: {  	s31 =	sshra.s32 s30, $0x2;
	s30 =	sadd.s32 $0x40, s30;
	v6 =	vld [tilespmem:s29+$0x6000]  }
0x76: {  	v7 =	vld [tilespmem:s31+$0x4800];
	_ =	sdelay $0x3  }
0x77: {  	v8 =	vpop (erf)  }
0x78: {  	v6 =	vmul.f32 v8, v6;
	_ =	sdelay $0x1  }
0x79: {  	[tilespmem:s29+$0x6C00] =	vst v6  }
0x7a: {  	v6 =	vld.idx.msk [tilespmem:v7+s24+$0x0], $0xffff;
	_ =	sdelay $0x4  }
0x7b: {  	v6 =	vadd.f32 $9.999999960e-13, v6;
	_ =	sdelay $0x1  }
0x7c: {  	(erf) = vrcp.f32 v6;
	_ =	sdelay $0x4  }
0x7d: {  	v6 =	vld [tilespmem:s31+$0x6000];
	_ =	sdelay $0x3  }
0x7e: {  	v7 =	vpop (erf)  }
0x7f: {  	v6 =	vmul.f32 v7, v6;
	_ =	sdelay $0x1  }
0x80: {  	[tilespmem:s31+$0x6C00] =	vst v6  }
0x81: {  	v6 =	vld [tilespmem:s28+$0x4800];
	_ =	sdelay $0x1  }
0x82: {  	v8 =	vld [tilespmem:s28+$0x4000];
	_ =	sdelay $0x2  }
0x83: {  	s29 =	simm.s32 $0x10;
	v7 =	vsub.s32 v6, v0  }
0x84: {  	vm0 =	vge.s32 v6, v0;
	vm1 =	vlt.s32 v6, v1;
	v9 =	vshll.u32 v7, $0xC;
	v7 =	vld [tilespmem:s29+$0x4800]  }
0x85: {  	v6 =	vor.u32 s15, v5;
	vm0 =	vmand vm0, vm1;
	v9 =	vadd.s32 v8, v9  }
0x86: {  	v8 =	vld [tilespmem:s29+$0x4000];
	v9 =	vsel vm0, v9, v6  }
0x87: {  	s30 =	simm.s32 $0x80;
	[tilespmem:s28+$0x7400] =	vst v9;
	s28 =	smov.u32 s15  }
.LBB2_10:
0x88: {  	p1 =	sne.s32 s30, $0x1FC0  }
.Ltmp4:
0x89: {  	s0 =	sshra.s32 s30, $0x2;
	s30 =	sadd.s32 $0x40, s30;
	v9 =	vsub.s32 v7, v0;
	(pc) =	sbr.rel @p1 .LBB2_10-.Ltmp4, $4  }
0x8a: {  	s28 =	sadd.s32 $0x10, s28;
	vm0 =	vge.s32 v7, v0;
	vm1 =	vlt.s32 v7, v1;
	v9 =	vshll.u32 v9, $0xC;
	v7 =	vld [tilespmem:s0+$0x4800]  }
0x8b: {  	v10 =	vor.u32 s28, v5;
	vm0 =	vmand vm0, vm1;
	v9 =	vadd.s32 v8, v9  }
0x8c: {  	v8 =	vld [tilespmem:s0+$0x4000];
	v9 =	vsel vm0, v9, v10  }
0x8d: {  	[tilespmem:s29+$0x7400] =	vst v9;
	s29 =	smov.u32 s0  }
0x8e: {  	_ = 	snop  }
0x8f: {  	v9 =	vsub.s32 v7, v0  }
0x90: {  	s0 =	sadd.s32 $0x10, s28;
	vm0 =	vge.s32 v7, v0;
	vm1 =	vlt.s32 v7, v1;
	v9 =	vshll.u32 v9, $0xC  }
0x91: {  	vm0 =	vmand vm0, vm1;
	v7 =	vadd.s32 v8, v9;
	v8 =	vor.u32 s0, v5  }
0x92: {  	v7 =	vsel vm0, v7, v8  }
0x93: {  	[tilespmem:s29+$0x7400] =	vst v7  }
0x94: {  	[spmem:s2] =	stream.indirect.scatter.add.f32 [tilespmem:s26], [sflag:$0x2], $0x1, s25, s20, $0xb8;
	[tilespmem:$0x18440] =	vst v63  }
0x95: {  	_ =	swait.ge [sflag:s18], $0x800  }
0x96: {  	[sflag:s18] =	ssyncset.done $0x0  }
0x97: {  	s17 =	sshll.u32 s4, $0x6;
	[sflag:s18] =	ssyncadd.s32 $0xFFFFF800  }
0x98: {  	s28 =	sor.u32 $0x1C02, s17;
	s29 =	sshrl.u32 s6, $0x3;
	[bflag:$0x0] =	sbarrier.arrive $0xFFFF  }
0x99: {  	[hbm:s12], [sflag:s28] =	dma.local [spmem:s29], $0x2000  }
0x9a: {  	_ =	swait.ge [sflag:s18], $0x2000  }
0x9b: {  	[sflag:s18] =	ssyncset.done $0x0  }
0x9c: {  	s17 =	simm.s32 $0x0;
	[sflag:s18] =	ssyncadd.s32 $0xFFFFE000  }
0x9d: {  	[spmem:s6] =	stream.linear.scatter [tilespmem:s17], [sflag:$0x1], $0x4000, $0x38;
	[tilespmem:$0x18440] =	vst v63  }
0x9e: {  	_ = 	snop  }
0x9f: {  	[spmem:s7] =	stream.linear.scatter [tilespmem:s17], [sflag:$0x1], $0x4000, $0x38;
	[tilespmem:$0x18440] =	vst v63  }
0xa0: {  	_ = 	snop  }
0xa1: {  	[spmem:s8] =	stream.linear.scatter [tilespmem:s17], [sflag:$0x1], $0x4000, $0x38;
	[tilespmem:$0x18440] =	vst v63  }
0xa2: {  	_ = 	snop  }
0xa3: {  	[spmem:s9] =	stream.linear.scatter [tilespmem:s17], [sflag:$0x1], $0x4000, $0x38;
	[tilespmem:$0x18440] =	vst v63  }
0xa4: {  	_ =	swait.ge [sflag:s16], $0x4000  }
0xa5: {  	[sflag:s16] =	ssyncset.done $0x0  }
0xa6: {  	[sflag:s16] =	ssyncadd.s32 $0xFFFFC000  }
0xa7: {  	_ =	swait.ge [sflag:s16], $0x4000  }
0xa8: {  	[sflag:s16] =	ssyncset.done $0x0  }
0xa9: {  	[sflag:s16] =	ssyncadd.s32 $0xFFFFC000  }
0xaa: {  	_ =	swait.ge [sflag:s16], $0x4000  }
0xab: {  	[sflag:s16] =	ssyncset.done $0x0  }
0xac: {  	[sflag:s16] =	ssyncadd.s32 $0xFFFFC000  }
0xad: {  	_ =	swait.ge [sflag:s16], $0x4000  }
0xae: {  	[sflag:s16] =	ssyncset.done $0x0  }
0xaf: {  	[sflag:s16] =	ssyncadd.s32 $0xFFFFC000  }
0xb0: {  	s31 =	simm.s32 $0x0;
	[bflag:$0x0] =	sbarrier.arrive $0xFFFF  }
0xb1: {  	v7 =	vld [tilespmem:s31+$0x4800];
	_ =	sdelay $0x1  }
0xb2: {  	v8 =	vld [tilespmem:s31+$0x4000];
	_ =	sdelay $0x2  }
0xb3: {  	s30 =	simm.s32 $0x10;
	v9 =	vsub.s32 v7, v2  }
0xb4: {  	vm14 =	vge.s32 v7, v2;
	vm15 =	vlt.s32 v7, v3;
	v7 =	vld [tilespmem:s30+$0x4800];
	v9 =	vshll.u32 v9, $0xC  }
0xb5: {  	vm0 =	vmand vm14, vm15;
	v9 =	vadd.s32 v8, v9  }
0xb6: {  	v8 =	vld [tilespmem:s30+$0x4000];
	v6 =	vsel vm0, v9, v6  }
0xb7: {  	s0 =	simm.s32 $0x80;
	[tilespmem:s31+$0x7400] =	vst v6;
	s31 =	smov.u32 s15  }
.LBB2_12:
0xb8: {  	p1 =	sne.s32 s0, $0x1FC0  }
.Ltmp5:
0xb9: {  	s17 =	sshra.s32 s0, $0x2;
	s0 =	sadd.s32 $0x40, s0;
	v6 =	vsub.s32 v7, v2;
	(pc) =	sbr.rel @p1 .LBB2_12-.Ltmp5, $4  }
0xba: {  	s31 =	sadd.s32 $0x10, s31;
	vm0 =	vge.s32 v7, v2;
	vm1 =	vlt.s32 v7, v3;
	v6 =	vshll.u32 v6, $0xC;
	v7 =	vld [tilespmem:s17+$0x4800]  }
0xbb: {  	v9 =	vor.u32 s31, v5;
	vm0 =	vmand vm0, vm1;
	v6 =	vadd.s32 v8, v6  }
0xbc: {  	v8 =	vld [tilespmem:s17+$0x4000];
	v6 =	vsel vm0, v6, v9  }
0xbd: {  	[tilespmem:s30+$0x7400] =	vst v6;
	s30 =	smov.u32 s17  }
0xbe: {  	_ = 	snop  }
0xbf: {  	v6 =	vsub.s32 v7, v2  }
0xc0: {  	s0 =	sadd.s32 $0x10, s31;
	vm0 =	vge.s32 v7, v2;
	vm1 =	vlt.s32 v7, v3;
	v6 =	vshll.u32 v6, $0xC  }
0xc1: {  	v7 =	vor.u32 s0, v5;
	vm0 =	vmand vm0, vm1;
	v6 =	vadd.s32 v8, v6  }
0xc2: {  	v6 =	vsel vm0, v6, v7  }
0xc3: {  	[tilespmem:s30+$0x7400] =	vst v6  }
0xc4: {  	[spmem:s2] =	stream.indirect.scatter.add.f32 [tilespmem:s26], [sflag:$0x2], $0x1, s25, s20, $0xb8;
	[tilespmem:$0x18440] =	vst v63  }
0xc5: {  	_ =	swait.ge [sflag:s18], $0x800  }
0xc6: {  	s3 =	sadd.s32 $0x1, s3;
	[sflag:s18] =	ssyncset.done $0x0  }
0xc7: {  	p1 =	sne.s32 s3, s14;
	[sflag:s18] =	ssyncadd.s32 $0xFFFFF800  }
.Ltmp6:
0xc8: {  	[bflag:$0x0] =	sbarrier.arrive $0xFFFF;
	(pc) =	sbr.rel @p1 .LBB2_1-.Ltmp6, $4  }
0xc9: {  	[hbm:s13], [sflag:s28] =	dma.local [spmem:s29], $0x2000  }
0xca: {  	_ =	swait.ge [sflag:s18], $0x2000  }
0xcb: {  	[sflag:s18] =	ssyncset.done $0x0  }
0xcc: {  	[sflag:s18] =	ssyncadd.s32 $0xFFFFE000  }
0xcd: {  	_ =	sfence.sel $0x180000  }
0xce: {  	[bflag:$0x0] =	sbarrier.arrive $0xFFFF  }
0xcf: {  	_ =	strace $0x9000004A  }
0xd0: {  	[bflag:$0x2] =	sbarrier.arrive $0xFFFF  }
0xd1: {  	s0 =	rddreg [dreg:$0x3]  }
0xd2: {  	s0 =	sadd.s32 @!p0 $0x100000, s0  }
0xd3: {  	[sflag:s0] =	ssyncadd.tile.s32 @!p0 $0x1;
	_ =	shalt  }
.Lfunc_end2:
_tile_overlayer_lowered:
.L_overlay_start_2:
0xd4: {  	(tag) =	ssettag $0x2  }
0xd5: {  	s0 =	rddreg [dreg:$0x0];
	s2 =	stileid.u32  }
0xd6: {  	s1 =	rddreg [dreg:$0x1];
	p0 =	sne.s32 s2, $0x0  }
0xd7: {  	s3 =	rddreg [dreg:$0x2];
	[bflag:$0x3] =	sbarrier.arrive $0xFFFF;
	s2 =	simm.s32 @!p0 $0x1C02  }
0xd8: {  	[timem:s3], [sflag:s2] =	dma.local @!p0 [hbm:s0], s1  }
0xd9: {  	s0 =	simm.s32 @!p0 $0x2  }
0xda: {  	_ =	swait.ge @!p0 [sflag:s0], s1  }
0xdb: {  	s1 =	ssub.s32 @!p0 $0x0, s1;
	[sflag:s0] =	ssyncset.done @!p0 $0x0  }
0xdc: {  	[sflag:s0] =	ssyncadd.s32 @!p0 s1  }
0xdd: {  	[bflag:$0x3] =	sbarrier.arrive $0xFFFF  }
0xde: {  	_ =	shalt  }

// kernel: kernel.15.cloned.1.call-start
scs
__scs_entry_jumppad:
0x0: {  	(pc) =	sbr.rel $0x88, $3  }
0x1: {  	(tag) =	ssettag $0x0;
	lr =	simm.s32 $0x1  }
0x2: {  	[smem:$0x3F93] =	sst lr;
	_ =	strace $0xD0000000  }
0x3: {  	_ = 	snop  }
0x4: {  	_ = 	snop  }
0x5: {  	_ = 	snop  }
0x6: {  	_ = 	snop  }
0x7: {  	_ = 	snop  }
__scs_overlays_trampoline_lowered:
0x8: {  	[smem:$0x3FA2] =	sst s0  }
0x9: {  	[smem:$0x3FA3] =	sst s1  }
0xa: {  	[smem:$0x3FA4] =	sst s2  }
0xb: {  	[smem:$0x3FA5] =	sst s3  }
0xc: {  	[smem:$0x3FA6] =	sst s4  }
0xd: {  	[smem:$0x3FA7] =	sst s5  }
0xe: {  	[smem:$0x3FA8] =	sst s6  }
0xf: {  	[smem:$0x3FA9] =	sst s7  }
0x10: {  	[smem:$0x3FAA] =	sst s8  }
0x11: {  	[smem:$0x3FAB] =	sst s9;
	s0 =	simm.s32 @!p0 $0x0  }
0x12: {  	s1 =	sld [smem:$0x3F91];
	s0 =	simm.s32 @p0 $0x1  }
0x13: {  	[smem:$0x3FAC] =	sst s0;
	s0 =	simm.s32 @!p1 $0x0  }
0x14: {  	s2 =	sld [smem:$0x3F90];
	s0 =	simm.s32 @p1 $0x1  }
0x15: {  	[smem:$0x3FAD] =	sst s0;
	s0 =	simm.s32 @!p2 $0x0  }
0x16: {  	s3 =	sld [smem:$0x3FDB];
	s0 =	simm.s32 @p2 $0x1  }
0x17: {  	s4 =	simm.s32 $0x1BF5;
	[smem:$0x3FAF] =	sst s0  }
0x18: {  	s0 =	sld [smem:$0x3F92];
	_ =	swait.ge [sflag:s4], $0x0  }
0x19: {  	s7 =	sld [smem:$0x3F93]  }
0x1a: {  	s8 =	sadd.s32 $0xFFFFE003, lr  }
0x1b: {  	s9 =	sadd.s32 $0xFFFFFEF7, lr;
	s5 =	simm.s32 $0xFFFFFFFF;
	p2 =	slt.u32 s8, $0xFFFFF086  }
0x1c: {  	p1 =	slt.u32 s9, $0xF7A;
	s5 =	simm.s32 @!p2 $0x0  }
0x1d: {  	s5 =	simm.s32 @p1 $0x1;
	p0 =	seq.s32 s7, s2  }
0x1e: {  	s7 =	smul.u32 @!p0 $0xF7A, s2;
	p2 =	seq.s32 @!p0 s5, $0x0  }
0x1f: {  	s9 =	smul.u32 $0xF7A, s1;
	s8 =	simm.s32 @!p0 $0x1BF5;
	p2 =	por !p2, p0  }
0x20: {  	[sflag:s8] =	ssyncset.s32 @!p0 $0xFFFFF086;
	s6 =	sadd.s32 @!p0 s3, s7;
	s7 =	simm.s32 @!p0 $0x108  }
0x21: {  	s3 =	sadd.s32 s3, s9;
	s6 =	sadd.s32 @!p0 $0x88, s6;
	s7 =	simm.s32 @p2 $0x1082  }
0x22: {  	[simem:s7], [sflag:s8] =	dma.local @!p0 [hbm:s6], $0xF7A  }
0x23: {  	s9 =	sor.u32 $0xD0000000, s2;
	s6 =	simm.s32 $0x108;
	_ =	swait.ge @!p0 [sflag:s8], $0x0  }
0x24: {  	s3 =	sadd.s32 $0x88, s3;
	s6 =	simm.s32 @!p1 $0x1082;
	[sflag:s4] =	ssyncset.s32 $0xFFFFF086  }
0x25: {  	[simem:s6], [sflag:s4] =	dma.local [hbm:s3], $0xF7A  }
0x26: {  	[smem:$0x3F93] =	sst s1;
	(tag) =	ssettag s2;
	_ =	strace s9  }
0x27: {  	s1 =	sld [smem:$0x3FA3]  }
0x28: {  	s2 =	sld [smem:$0x3FA4]  }
0x29: {  	s4 =	sld [smem:$0x3FA6]  }
0x2a: {  	p0 =	seq.s32 s5, $0x0;
	s5 =	sld [smem:$0x3FA7]  }
0x2b: {  	s6 =	sld [smem:$0x3FA8]  }
0x2c: {  	s7 =	sld [smem:$0x3FA9]  }
0x2d: {  	s3 =	simm.s32 $0x108;
	s8 =	sld [smem:$0x3FAA]  }
0x2e: {  	s3 =	simm.s32 @!p0 $0x1082;
	s9 =	sld [smem:$0x3FAB]  }
0x2f: {  	lr =	sadd.s32 s0, s3;
	s0 =	sld [smem:$0x3FA2]  }
0x30: {  	s3 =	sld [smem:$0x3FA5]  }
0x31: {  	[smem:$0x3FAE] =	sst s10  }
0x32: {  	s10 =	sld [smem:$0x3FAC];
	_ =	sdelay $0x3  }
0x33: {  	p0 =	seq.s32 s10, $0x1;
	s10 =	sld [smem:$0x3FAE];
	_ =	sdelay $0x3  }
0x34: {  	[smem:$0x3FAE] =	sst s10  }
0x35: {  	s10 =	sld [smem:$0x3FAD];
	_ =	sdelay $0x3  }
0x36: {  	p1 =	seq.s32 s10, $0x1;
	s10 =	sld [smem:$0x3FAE];
	_ =	sdelay $0x3  }
0x37: {  	[smem:$0x3FAE] =	sst s10  }
0x38: {  	s10 =	sld [smem:$0x3FAF]  }
0x39: {  	_ = 	snop;
	(pc) =	sbr.ind lr, $3  }
0x3a: {  	_ = 	snop  }
0x3b: {  	_ = 	snop  }
0x3c: {  	p2 =	seq.s32 s10, $0x1;
	s10 =	sld [smem:$0x3FAE]  }
0x3d: {  	_ =	shalt  }
0x3e: {  	_ =	shalt  }
0x3f: {  	_ =	shalt  }
0x40: {  	_ =	shalt  }
0x41: {  	_ =	shalt  }
0x42: {  	_ =	shalt  }
0x43: {  	_ =	shalt  }
0x44: {  	_ =	shalt  }
0x45: {  	_ =	shalt  }
0x46: {  	_ =	shalt  }
0x47: {  	_ =	shalt  }
0x48: {  	_ =	shalt  }
0x49: {  	_ =	shalt  }
0x4a: {  	_ =	shalt  }
0x4b: {  	_ =	shalt  }
0x4c: {  	_ =	shalt  }
0x4d: {  	_ =	shalt  }
0x4e: {  	_ =	shalt  }
0x4f: {  	_ =	shalt  }
0x50: {  	_ =	shalt  }
0x51: {  	_ =	shalt  }
0x52: {  	_ =	shalt  }
0x53: {  	_ =	shalt  }
0x54: {  	_ =	shalt  }
0x55: {  	_ =	shalt  }
0x56: {  	_ =	shalt  }
0x57: {  	_ =	shalt  }
0x58: {  	_ =	shalt  }
0x59: {  	_ =	shalt  }
0x5a: {  	_ =	shalt  }
0x5b: {  	_ =	shalt  }
0x5c: {  	_ =	shalt  }
0x5d: {  	_ =	shalt  }
0x5e: {  	_ =	shalt  }
0x5f: {  	_ =	shalt  }
0x60: {  	_ =	shalt  }
0x61: {  	_ =	shalt  }
0x62: {  	_ =	shalt  }
0x63: {  	_ =	shalt  }
0x64: {  	_ =	shalt  }
0x65: {  	_ =	shalt  }
0x66: {  	_ =	shalt  }
0x67: {  	_ =	shalt  }
0x68: {  	_ =	shalt  }
0x69: {  	_ =	shalt  }
0x6a: {  	_ =	shalt  }
0x6b: {  	_ =	shalt  }
0x6c: {  	_ =	shalt  }
0x6d: {  	_ =	shalt  }
0x6e: {  	_ =	shalt  }
0x6f: {  	_ =	shalt  }
0x70: {  	_ =	shalt  }
0x71: {  	_ =	shalt  }
0x72: {  	_ =	shalt  }
0x73: {  	_ =	shalt  }
0x74: {  	_ =	shalt  }
0x75: {  	_ =	shalt  }
0x76: {  	_ =	shalt  }
0x77: {  	_ =	shalt  }
0x78: {  	_ =	shalt  }
0x79: {  	_ =	shalt  }
0x7a: {  	_ =	shalt  }
0x7b: {  	_ =	shalt  }
0x7c: {  	_ =	shalt  }
0x7d: {  	_ =	shalt  }
0x7e: {  	_ =	shalt  }
0x7f: {  	_ =	shalt  }
0x80: {  	_ =	shalt  }
0x81: {  	_ =	shalt  }
0x82: {  	_ =	shalt  }
0x83: {  	_ =	shalt  }
0x84: {  	_ =	shalt  }
0x85: {  	_ =	shalt  }
0x86: {  	_ =	shalt  }
0x87: {  	_ =	shalt  }
.Lfunc_end0:
.L_simem_size_0:
called_computation.2_lowered:
.L_overlay_start_0:
0x88: {  	s2 =	sld [smem:$0x3FD9]  }
0x89: {  	s3 =	sld [smem:$0x3FFE];
	_ =	sdelay $0x1  }
0x8a: {  	s1 =	srdreg.scid  }
0x8b: {  	s0 =	sand.u32 $0x1, s1  }
0x8c: {  	s14 =	sshll.u32 s0, $0xA;
	s2 =	sadd.s32 s3, s2  }
0x8d: {  	s2 =	sadd.s32 s2, s14  }
0x8e: {  	[smem:$0x3FBA] =	sst s2  }
0x8f: {  	_ = 	snop  }
0x90: {  	s2 =	sld [smem:$0x3FD0];
	_ =	sdelay $0x2  }
0x91: {  	s15 =	simm.s32 $0xA;
	s4 =	simm.s32 $0x10  }
0x92: {  	[smem:s4], [sflag:s15] =	dma.local [hbm:s2], $0x1  }
0x93: {  	_ =	swait.eq [sflag:s15], $0x1  }
0x94: {  	[sflag:s15] =	ssyncset.done $0x0  }
0x95: {  	[sflag:s15] =	ssyncadd.s32 $0xFFFFFFFF  }
0x96: {  	s16 =	sld [smem:$0x10];
	(tm) =	ssettm $0x1  }
0x97: {  	s17 =	sld [smem:$0x3FFB];
	_ =	sdelay $0x3  }
0x98: {  	_ =	strace s17  }
0x99: {  	s3 =	sld [smem:$0x3FFC];
	_ =	sdelay $0x3  }
0x9a: {  	_ =	strace s3  }
0x9b: {  	s3 =	sld [smem:$0x3FFD];
	_ =	sdelay $0x3  }
0x9c: {  	_ =	strace s3  }
0x9d: {  	_ =	strace $0x8FFFFFFF  }
0x9e: {  	s18 =	sld [smem:$0x3FDB];
	_ =	sdelay $0x1  }
0x9f: {  	s19 =	simm.s32 $_scs_section_size  }
0xa0: {  	s5 =	simm.s32 $_size__tile_overlayer_lowered;
	s6 =	simm.s32 $_tile_overlayer_lowered  }
0xa1: {  	s22 =	simm.s32 $0x1BFF;
	s21 =	sshll.u32 s6, $0x1;
	s3 =	sadd.s32 s19, s18  }
0xa2: {  	s7 =	simm.s32 $0x0;
	s20 =	sshll.u32 s5, $0x1;
	s5 =	sadd.s32 s21, s3  }
0xa3: {  	[timem:s7], [sflag:s22] =	dma.local [hbm:s5], s20  }
0xa4: {  	_ =	swait.ge [sflag:s22], s20  }
0xa5: {  	s4 =	ssub.s32 $0x0, s20;
	[sflag:s22] =	ssyncset.done $0x0  }
0xa6: {  	[sflag:s22] =	ssyncadd.s32 s4;
	_ =	sdelay $0x1  }
0xa7: {  	s23 =	simm.s32 $0x1B8B  }
0xa8: {  	_ =	swait.ge [sflag:s23], $0x1  }
0xa9: {  	[sflag:s23] =	ssyncset.done $0x0  }
0xaa: {  	s25 =	simm.s32 $0x1B8E;
	s24 =	sld [smem:$0x3FFE];
	[sflag:s23] =	ssyncadd.s32 $0xFFFFFFFF  }
0xab: {  	s26 =	simm.s32 $execute0_lowered;
	[smem:$0x3FD2] =	sst s25  }
0xac: {  	s5 =	sshll.u32 s26, $0x1;
	_ =	strace $0x8000004C;
	[dreg:$0x1] =	wrdreg $0xFFFFFFFF  }
0xad: {  	s28 =	simm.s32 $_size_execute0_lowered;
	s3 =	sadd.s32 s3, s5;
	[dreg:$0x0] =	wrdreg $0x0  }
0xae: {  	s5 =	sshll.u32 s28, $0x1;
	[dreg:$0x2] =	wrdreg s3  }
0xaf: {  	[dreg:$0x3] =	wrdreg s5  }
0xb0: {  	[dreg:$0x4] =	wrdreg $0xC0  }
0xb1: {  	_ =	task [dreg:s7], $0x5FFFF  }
0xb2: {  	[dreg:$0x1] =	wrdreg $0xFFFFFFFF  }
0xb3: {  	[dreg:$0x0] =	wrdreg $0x60  }
0xb4: {  	[dreg:$0x2] =	wrdreg s24  }
0xb5: {  	[dreg:$0x3] =	wrdreg s16  }
0xb6: {  	[dreg:$0x4] =	wrdreg $0x8C000  }
0xb7: {  	[dreg:$0x5] =	wrdreg $0x8D000  }
0xb8: {  	[dreg:$0x6] =	wrdreg $0x9  }
0xb9: {  	_ =	task.clear_ibuf [dreg:s7], $0x7FFFF;
	_ =	strace $0x9000004C  }
0xba: {  	s29 =	simm.s32 $0x9;
	_ =	strace $0x8000004E  }
0xbb: {  	_ =	swait.ge [sflag:s29], $0x1  }
0xbc: {  	[sflag:s29] =	ssyncadd.s32 $0xFFFFFFFF  }
0xbd: {  	_ =	strace $0x9000004E  }
0xbe: {  	_ =	sfence  }
0xbf: {  	s30 =	sld [smem:$0x0];
	_ =	sdelay $0x2  }
0xc0: {  	s31 =	sshll.u32 s1, $0xD;
	s1 =	sshrl.u32 s1, $0x2  }
0xc1: {  	s3 =	sand.u32 $0x4000, s31;
	s1 =	sadd.s32 s1, s30  }
0xc2: {  	s0 =	sor.u32 s3, s0;
	s1 =	sshll.u32 s1, $0x11  }
0xc3: {  	s0 =	sor.u32 s1, s0  }
0xc4: {  	s0 =	sadd.s32 $0x8F2B, s0  }
0xc5: {  	[sflag:s0] =	ssyncadd.remote.s32 $0x1  }
0xc6: {  	_ =	sfence.sel $0xFFFF  }
0xc7: {  	[dreg:$0x0] =	wrdreg $0xFFFFFFFF;
	(pc) =	sbr.abs _section_cstart, $3  }
0xc8: {  	[dreg:$0x1] =	wrdreg $0xFFFFFFFF  }
0xc9: {  	_ =	task.clear_ibuf [dreg:s7], $0x2FFFF;
	_ =	strace $0x9FFFFFFF  }
0xca: {  	(tm) =	ssettm $0x7FFFFFFF  }
0xcb: {  	_ =	shalt  }
tec
execute0_lowered:
.L_overlay_start_1:
0x0: {  	(tag) =	ssettag $0x1  }
0x1: {  	s0 =	rddreg [dreg:$0x0]  }
0x2: {  	s2 =	rddreg [dreg:$0x2]  }
0x3: {  	s3 =	rddreg [dreg:$0x3];
	s4 =	simm.s32 $0x0;
	s1 =	srdreg.scid  }
0x4: {  	s5 =	stileid.u32;
	s19 =	simm.s32 $0x2;
	s23 =	simm.s32 $0x4000  }
0x5: {  	s28 =	simm.s32 $0x6C00;
	s29 =	simm.s32 $0x8400;
	s30 =	simm.s32 $0x7C00  }
0x6: {  	[smem:$0x7FF] =	sst s4;
	s1 =	sand.u32 $0x1, s1;
	s6 =	sshll.u32 s5, $0x8  }
0x7: {  	s13 =	sshll.u32 s5, $0x10;
	s14 =	sadd.s32 $0x5000, s0;
	s16 =	sshll.u32 s5, $0xB  }
0x8: {  	s12 =	sadd.s32 $0x4020, s0;
	p0 =	sne.s32 s5, $0x0;
	_ =	strace $0x8000004D  }
0x9: {  	s7 =	ssub.s32 $0x2, s1;
	s11 =	sadd.s32 s6, s0;
	s6 =	sadd.s32 s13, s3  }
0xa: {  	s25 =	sshll.u32 s1, $0x15;
	s17 =	sshllo.u32 s1, $0x1;
	s1 =	sshll.u32 s1, $0xB  }
0xb: {  	s16 =	sor.u32 $0x100000, s16;
	s24 =	sshrl.u32 s7, $0x1;
	s8 =	sadd.s32 $0x8000, s6  }
0xc: {  	s9 =	sadd.s32 $0xC000, s6;
	s10 =	sadd.s32 $0x206000, s11;
	s11 =	sadd.s32 $0x205000, s11  }
0xd: {  	s0 =	sor.u32 s13, s25;
	s18 =	sshll.u32 s17, $0x14;
	s20 =	sor.u32 $0x400, s1  }
0xe: {  	s26 =	sshll.u32 s17, $0xA;
	s17 =	simm.s32 $0x1;
	s25 =	simm.s32 $0x800  }
0xf: {  	s15 =	ssub.s32 s7, s24;
	s7 =	sadd.s32 $0x4000, s6;
	s0 =	sshrl.u32 s0, $0x3  }
0x10: {  	s18 =	sor.u32 s13, s18;
	s21 =	sadd.s32 $0x400, s26;
	s24 =	simm.s32 $0x5000  }
0x11: {  	v4 =	vimm.f32 $0.0e+00;
	v5 =	vlaneseq.u32;
	v2 =	vmov s26;
	s26 =	simm.s32 $0x6400;
	s13 =	sadd.s32 s14, s0;
	s31 =	sshrl.u32 s18, $0x3  }
0x12: {  	v0 =	vmov s1;
	v1 =	vmov s20;
	s15 =	smax.u32 s15, $0x1;
	s18 =	simm.s32 $0x5400;
	v3 =	vmov s21;
	s14 =	sadd.s32 s14, s31  }
.LBB2_1:
0x13: {  	s1 =	simm.s32 $0x100;
	s0 =	simm.s32 $0x0  }
.LBB2_2:
0x14: {  	p1 =	sne.s32 s1, $0xFF00;
	[tilespmem:s0+$0x30] =	vst v4;
	s20 =	smov.u32 s1;
	s1 =	sadd.s32 $0x100, s1  }
.Ltmp0:
0x15: {  	[tilespmem:s0+$0x20] =	vst v4;
	(pc) =	sbr.rel @p1 .LBB2_2-.Ltmp0, $3  }
0x16: {  	[tilespmem:s0+$0x0] =	vst v4  }
0x17: {  	[tilespmem:s0+$0x10] =	vst v4;
	_ =	sdelay $0x1  }
0x18: {  	s0 =	sshra.s32 s20, $0x2  }
0x19: {  	[tilespmem:s0+$0x30] =	vst v4  }
0x1a: {  	[tilespmem:s0+$0x20] =	vst v4  }
0x1b: {  	[tilespmem:s0+$0x0] =	vst v4  }
0x1c: {  	[tilespmem:s0+$0x10] =	vst v4;
	s0 =	simm.s32 @!p0 $0x0  }
0x1d: {  	[spmem:s2] =	stream.linear.scatter @!p0 [tilespmem:s0], [sflag:$0x2], $0x1000, $0x38;
	[tilespmem:$0x19500] =	vst v63  }
0x1e: {  	s0 =	simm.s32 @!p0 $0x2  }
0x1f: {  	_ =	swait.ge @!p0 [sflag:s0], $0x1000  }
0x20: {  	[sflag:s0] =	ssyncset.done @!p0 $0x0  }
0x21: {  	[sflag:s0] =	ssyncadd.s32 @!p0 $0xFFFFF000;
	s0 =	simm.s32 $0x0  }
0x22: {  	[spmem:s6] =	stream.linear.scatter [tilespmem:s0], [sflag:$0x1], $0x4000, $0x38;
	[tilespmem:$0x19500] =	vst v63  }
0x23: {  	_ = 	snop  }
0x24: {  	[spmem:s7] =	stream.linear.scatter [tilespmem:s0], [sflag:$0x1], $0x4000, $0x38;
	[tilespmem:$0x19500] =	vst v63  }
0x25: {  	_ = 	snop  }
0x26: {  	[spmem:s8] =	stream.linear.scatter [tilespmem:s0], [sflag:$0x1], $0x4000, $0x38;
	[tilespmem:$0x19500] =	vst v63  }
0x27: {  	_ = 	snop  }
0x28: {  	[spmem:s9] =	stream.linear.scatter [tilespmem:s0], [sflag:$0x1], $0x4000, $0x38;
	[tilespmem:$0x19500] =	vst v63  }
0x29: {  	_ =	swait.ge [sflag:s17], $0x4000  }
0x2a: {  	[sflag:s17] =	ssyncset.done $0x0  }
0x2b: {  	[sflag:s17] =	ssyncadd.s32 $0xFFFFC000  }
0x2c: {  	_ =	swait.ge [sflag:s17], $0x4000  }
0x2d: {  	[sflag:s17] =	ssyncset.done $0x0  }
0x2e: {  	[sflag:s17] =	ssyncadd.s32 $0xFFFFC000  }
0x2f: {  	_ =	swait.ge [sflag:s17], $0x4000  }
0x30: {  	[sflag:s17] =	ssyncset.done $0x0  }
0x31: {  	[sflag:s17] =	ssyncadd.s32 $0xFFFFC000  }
0x32: {  	_ =	swait.ge [sflag:s17], $0x4000  }
0x33: {  	[sflag:s17] =	ssyncset.done $0x0  }
0x34: {  	[sflag:s17] =	ssyncadd.s32 $0xFFFFC000  }
0x35: {  	[tilespmem:s18], [sflag:$0x2] =	stream.linear.gather [hbm4b:s10+s0], $0x800, $0x38;
	[tilespmem:$0x19500] =	vst v63  }
0x36: {  	_ =	swait.ge [sflag:s19], $0x800  }
0x37: {  	[sflag:s19] =	ssyncset.done $0x0  }
0x38: {  	s1 =	simm.s32 $0x5C00;
	[sflag:s19] =	ssyncadd.s32 $0xFFFFF800  }
0x39: {  	[tilespmem:s1], [sflag:$0x2] =	stream.linear.gather [hbm4b:s11+s0], $0x800, $0x38;
	[tilespmem:$0x19500] =	vst v63  }
0x3a: {  	_ =	swait.ge [sflag:s19], $0x800  }
0x3b: {  	[sflag:s19] =	ssyncset.done $0x0  }
0x3c: {  	s21 =	simm.s32 $0x80;
	s20 =	simm.s32 $0x400;
	[sflag:s19] =	ssyncadd.s32 $0xFFFFF800  }
0x3d: {  	[tilespmem:s23], [sflag:$0x2] =	stream.strided.gather [hbm4b:s12+s21], $0x1000, s20, s21, $0x38;
	[tilespmem:$0x19500] =	vst v63  }
0x3e: {  	_ =	swait.ge [sflag:s19], $0x1000  }
0x3f: {  	[sflag:s19] =	ssyncset.done $0x0  }
0x40: {  	[sflag:s19] =	ssyncadd.s32 $0xFFFFF000  }
0x41: {  	s22 =	rddreg [dreg:$0x1]  }
0x42: {  	[tilespmem:s24], [sflag:$0x2] =	stream.linear.gather [hbm4b:s22+s0], $0x400, $0x38;
	[tilespmem:$0x19500] =	vst v63  }
0x43: {  	_ =	swait.ge [sflag:s19], $0x400  }
0x44: {  	[sflag:s19] =	ssyncset.done $0x0  }
0x45: {  	s31 =	simm.s32 $0x0;
	[sflag:s19] =	ssyncadd.s32 $0xFFFFFC00  }
0x46: {  	v6 =	vld [tilespmem:s31+$0x5C00]  }
0x47: {  	v7 =	vld [tilespmem:s31+$0x5400];
	_ =	sdelay $0x6  }
0x48: {  	v6 =	vld.idx.msk [tilespmem:v6+s24+$0x0], $0xffff  }
0x49: {  	v7 =	vld.idx.msk [tilespmem:v7+s23+$0x0], $0xffff;
	_ =	sdelay $0x4  }
0x4a: {  	v6 =	vadd.f32 v6, v7;
	_ =	sdelay $0x1  }
0x4b: {  	v6 =	vsub.f32 $0.0e+00, v6;
	_ =	sdelay $0x1  }
0x4c: {  	v6 =	vmul.f32 $1.442695020e+00, v6;
	_ =	sdelay $0x1  }
0x4d: {  	(erf) = vpow2.f32 v6;
	_ =	sdelay $0x8  }
0x4e: {  	v6 =	vpop (erf)  }
0x4f: {  	v6 =	vadd.f32 $1.000000000e+00, v6;
	_ =	sdelay $0x1  }
0x50: {  	(erf) = vrcp.f32 v6;
	_ =	sdelay $0x8  }
0x51: {  	v6 =	vpop (erf)  }
0x52: {  	v6 =	vmul.f32 $1.442695020e+00, v6;
	_ =	sdelay $0x1  }
0x53: {  	(erf) = vpow2.f32 v6;
	_ =	sdelay $0x1  }
0x54: {  	s1 =	simm.s32 $0x10  }
0x55: {  	s0 =	simm.s32 $0x80;
	v6 =	vld [tilespmem:s1+$0x5C00]  }
.LBB2_4:
0x56: {  	p1 =	sne.s32 s0, $0x1FC0;
	v7 =	vld [tilespmem:s1+$0x5400];
	_ =	sdelay $0x4  }
0x57: {  	v8 =	vpop (erf)  }
0x58: {  	[tilespmem:s31+$0x6400] =	vst v8;
	s31 =	smov.u32 s1  }
0x59: {  	v6 =	vld.idx.msk [tilespmem:v6+s24+$0x0], $0xffff  }
0x5a: {  	v7 =	vld.idx.msk [tilespmem:v7+s23+$0x0], $0xffff;
	_ =	sdelay $0x5  }
0x5b: {  	v6 =	vadd.f32 v6, v7;
	_ =	sdelay $0x1  }
0x5c: {  	v6 =	vsub.f32 $0.0e+00, v6;
	_ =	sdelay $0x1  }
0x5d: {  	v6 =	vmul.f32 $1.442695020e+00, v6;
	_ =	sdelay $0x1  }
0x5e: {  	(erf) = vpow2.f32 v6;
	_ =	sdelay $0x8  }
0x5f: {  	v6 =	vpop (erf)  }
0x60: {  	v6 =	vadd.f32 $1.000000000e+00, v6;
	_ =	sdelay $0x1  }
0x61: {  	(erf) = vrcp.f32 v6;
	_ =	sdelay $0x8  }
0x62: {  	v6 =	vpop (erf)  }
0x63: {  	v6 =	vmul.f32 $1.442695020e+00, v6  }
.Ltmp1:
0x64: {  	(pc) =	sbr.rel @p1 .LBB2_4-.Ltmp1, $3  }
0x65: {  	(erf) = vpow2.f32 v6;
	_ =	sdelay $0x1  }
0x66: {  	s1 =	sshra.s32 s0, $0x2  }
0x67: {  	s0 =	sadd.s32 $0x40, s0;
	v6 =	vld [tilespmem:s1+$0x5C00]  }
0x68: {  	_ = 	snop  }
0x69: {  	v7 =	vld [tilespmem:s1+$0x5400];
	_ =	sdelay $0x4  }
0x6a: {  	v8 =	vpop (erf)  }
0x6b: {  	[tilespmem:s31+$0x6400] =	vst v8  }
0x6c: {  	v6 =	vld.idx.msk [tilespmem:v6+s24+$0x0], $0xffff  }
0x6d: {  	v7 =	vld.idx.msk [tilespmem:v7+s23+$0x0], $0xffff;
	_ =	sdelay $0x4  }
0x6e: {  	v6 =	vadd.f32 v6, v7;
	_ =	sdelay $0x1  }
0x6f: {  	v6 =	vsub.f32 $0.0e+00, v6;
	_ =	sdelay $0x1  }
0x70: {  	v6 =	vmul.f32 $1.442695020e+00, v6;
	_ =	sdelay $0x1  }
0x71: {  	(erf) = vpow2.f32 v6;
	_ =	sdelay $0x8  }
0x72: {  	v6 =	vpop (erf)  }
0x73: {  	v6 =	vadd.f32 $1.000000000e+00, v6;
	_ =	sdelay $0x1  }
0x74: {  	(erf) = vrcp.f32 v6;
	_ =	sdelay $0x8  }
0x75: {  	v6 =	vpop (erf)  }
0x76: {  	v6 =	vmul.f32 $1.442695020e+00, v6;
	_ =	sdelay $0x1  }
0x77: {  	(erf) = vpow2.f32 v6;
	_ =	sdelay $0x8  }
0x78: {  	v6 =	vpop (erf)  }
0x79: {  	[tilespmem:s1+$0x6400] =	vst v6  }
0x7a: {  	[bflag:$0x0] =	sbarrier.arrive $0xFFFF  }
0x7b: {  	[spmem:s2] =	stream.indirect.scatter.add.f32 [tilespmem:s26], [sflag:$0x2], $0x1, s18, s25, $0xb8;
	[tilespmem:$0x19500] =	vst v63  }
0x7c: {  	_ =	swait.ge [sflag:s19], $0x800  }
0x7d: {  	[sflag:s19] =	ssyncset.done $0x0  }
0x7e: {  	[sflag:s19] =	ssyncadd.s32 $0xFFFFF800  }
0x7f: {  	[bflag:$0x0] =	sbarrier.arrive $0xFFFF  }
0x80: {  	[tilespmem:s28], [sflag:$0x2] =	stream.linear.gather [spmem:s2], $0x1000, $0x38;
	[tilespmem:$0x19500] =	vst v63  }
0x81: {  	_ =	swait.ge [sflag:s19], $0x1000  }
0x82: {  	[sflag:s19] =	ssyncset.done $0x0  }
0x83: {  	s0 =	simm.s32 $0x0;
	[sflag:s19] =	ssyncadd.s32 $0xFFFFF000  }
0x84: {  	v6 =	vld [tilespmem:s0+$0x5400];
	_ =	sdelay $0x7  }
0x85: {  	v6 =	vld.idx.msk [tilespmem:v6+s28+$0x0], $0xffff;
	_ =	sdelay $0x4  }
0x86: {  	v6 =	vadd.f32 $9.999999960e-13, v6;
	_ =	sdelay $0x1  }
0x87: {  	(erf) = vrcp.f32 v6;
	_ =	sdelay $0x3  }
0x88: {  	s20 =	simm.s32 $0x10;
	s31 =	simm.s32 $0x80;
	s1 =	simm.s32 $0x0;
	v6 =	vld [tilespmem:s0+$0x6400]  }
.LBB2_6:
0x89: {  	p1 =	sne.s32 s31, $0x1FC0;
	v7 =	vld [tilespmem:s20+$0x5400];
	_ =	sdelay $0x3  }
0x8a: {  	v8 =	vpop (erf)  }
0x8b: {  	v6 =	vmul.f32 v8, v6;
	_ =	sdelay $0x1  }
0x8c: {  	[tilespmem:s1+$0x7C00] =	vst v6;
	s1 =	smov.u32 s20  }
0x8d: {  	v6 =	vld.idx.msk [tilespmem:v7+s28+$0x0], $0xffff;
	_ =	sdelay $0x5  }
0x8e: {  	v6 =	vadd.f32 $9.999999960e-13, v6;
	_ =	sdelay $0x1  }
.Ltmp2:
0x8f: {  	(erf) = vrcp.f32 v6;
	(pc) =	sbr.rel @p1 .LBB2_6-.Ltmp2, $2  }
0x90: {  	_ =	sdelay $0x2  }
0x91: {  	s20 =	sshra.s32 s31, $0x2;
	s31 =	sadd.s32 $0x40, s31;
	v6 =	vld [tilespmem:s1+$0x6400]  }
0x92: {  	v7 =	vld [tilespmem:s20+$0x5400];
	_ =	sdelay $0x3  }
0x93: {  	v8 =	vpop (erf)  }
0x94: {  	v6 =	vmul.f32 v8, v6;
	_ =	sdelay $0x1  }
0x95: {  	[tilespmem:s1+$0x7C00] =	vst v6  }
0x96: {  	v6 =	vld.idx.msk [tilespmem:v7+s28+$0x0], $0xffff;
	_ =	sdelay $0x4  }
0x97: {  	v6 =	vadd.f32 $9.999999960e-13, v6;
	_ =	sdelay $0x1  }
0x98: {  	(erf) = vrcp.f32 v6;
	_ =	sdelay $0x4  }
0x99: {  	v6 =	vld [tilespmem:s20+$0x6400];
	_ =	sdelay $0x3  }
0x9a: {  	v7 =	vpop (erf)  }
0x9b: {  	v6 =	vmul.f32 v7, v6;
	_ =	sdelay $0x1  }
0x9c: {  	[tilespmem:s20+$0x7C00] =	vst v6  }
0x9d: {  	v6 =	vld [tilespmem:s0+$0x5400];
	_ =	sdelay $0x1  }
0x9e: {  	v8 =	vld [tilespmem:s0+$0x5C00];
	_ =	sdelay $0x2  }
0x9f: {  	s31 =	simm.s32 $0x10;
	v7 =	vsub.s32 v6, v0  }
0xa0: {  	vm0 =	vge.s32 v6, v0;
	vm1 =	vlt.s32 v6, v1;
	v9 =	vshll.u32 v7, $0xA;
	v7 =	vld [tilespmem:s31+$0x5400]  }
0xa1: {  	v6 =	vor.u32 s16, v5;
	vm0 =	vmand vm0, vm1;
	v9 =	vadd.s32 v8, v9  }
0xa2: {  	v8 =	vld [tilespmem:s31+$0x5C00];
	v9 =	vsel vm0, v9, v6  }
0xa3: {  	s1 =	simm.s32 $0x80;
	[tilespmem:s0+$0x8400] =	vst v9;
	s0 =	smov.u32 s16  }
.LBB2_8:
0xa4: {  	p1 =	sne.s32 s1, $0x1FC0  }
.Ltmp3:
0xa5: {  	s20 =	sshra.s32 s1, $0x2;
	s1 =	sadd.s32 $0x40, s1;
	v9 =	vsub.s32 v7, v0;
	(pc) =	sbr.rel @p1 .LBB2_8-.Ltmp3, $4  }
0xa6: {  	s0 =	sadd.s32 $0x10, s0;
	vm0 =	vge.s32 v7, v0;
	vm1 =	vlt.s32 v7, v1;
	v9 =	vshll.u32 v9, $0xA;
	v7 =	vld [tilespmem:s20+$0x5400]  }
0xa7: {  	v10 =	vor.u32 s0, v5;
	vm0 =	vmand vm0, vm1;
	v9 =	vadd.s32 v8, v9  }
0xa8: {  	v8 =	vld [tilespmem:s20+$0x5C00];
	v9 =	vsel vm0, v9, v10  }
0xa9: {  	[tilespmem:s31+$0x8400] =	vst v9;
	s31 =	smov.u32 s20  }
0xaa: {  	_ = 	snop  }
0xab: {  	v9 =	vsub.s32 v7, v0  }
0xac: {  	s0 =	sadd.s32 $0x10, s0;
	vm0 =	vge.s32 v7, v0;
	vm1 =	vlt.s32 v7, v1;
	v9 =	vshll.u32 v9, $0xA  }
0xad: {  	vm0 =	vmand vm0, vm1;
	v7 =	vadd.s32 v8, v9;
	v8 =	vor.u32 s0, v5  }
0xae: {  	v7 =	vsel vm0, v7, v8  }
0xaf: {  	[tilespmem:s31+$0x8400] =	vst v7  }
0xb0: {  	[spmem:s3] =	stream.indirect.scatter.add.f32 [tilespmem:s30], [sflag:$0x2], $0x1, s29, s25, $0xb8;
	[tilespmem:$0x19500] =	vst v63  }
0xb1: {  	_ =	swait.ge [sflag:s19], $0x800  }
0xb2: {  	[sflag:s19] =	ssyncset.done $0x0  }
0xb3: {  	s22 =	sshll.u32 s5, $0x6;
	[sflag:s19] =	ssyncadd.s32 $0xFFFFF800  }
0xb4: {  	s0 =	sshrl.u32 s6, $0x3;
	s31 =	sor.u32 $0x1C02, s22;
	[bflag:$0x0] =	sbarrier.arrive $0xFFFF  }
0xb5: {  	[hbm:s13], [sflag:s31] =	dma.local [spmem:s0], $0x2000  }
0xb6: {  	_ =	swait.ge [sflag:s19], $0x2000  }
0xb7: {  	[sflag:s19] =	ssyncset.done $0x0  }
0xb8: {  	s1 =	simm.s32 $0x0;
	[sflag:s19] =	ssyncadd.s32 $0xFFFFE000  }
0xb9: {  	[spmem:s6] =	stream.linear.scatter [tilespmem:s1], [sflag:$0x1], $0x4000, $0x38;
	[tilespmem:$0x19500] =	vst v63  }
0xba: {  	_ = 	snop  }
0xbb: {  	[spmem:s7] =	stream.linear.scatter [tilespmem:s1], [sflag:$0x1], $0x4000, $0x38;
	[tilespmem:$0x19500] =	vst v63  }
0xbc: {  	_ = 	snop  }
0xbd: {  	[spmem:s8] =	stream.linear.scatter [tilespmem:s1], [sflag:$0x1], $0x4000, $0x38;
	[tilespmem:$0x19500] =	vst v63  }
0xbe: {  	_ = 	snop  }
0xbf: {  	[spmem:s9] =	stream.linear.scatter [tilespmem:s1], [sflag:$0x1], $0x4000, $0x38;
	[tilespmem:$0x19500] =	vst v63  }
0xc0: {  	_ =	swait.ge [sflag:s17], $0x4000  }
0xc1: {  	[sflag:s17] =	ssyncset.done $0x0  }
0xc2: {  	[sflag:s17] =	ssyncadd.s32 $0xFFFFC000  }
0xc3: {  	_ =	swait.ge [sflag:s17], $0x4000  }
0xc4: {  	[sflag:s17] =	ssyncset.done $0x0  }
0xc5: {  	[sflag:s17] =	ssyncadd.s32 $0xFFFFC000  }
0xc6: {  	_ =	swait.ge [sflag:s17], $0x4000  }
0xc7: {  	[sflag:s17] =	ssyncset.done $0x0  }
0xc8: {  	[sflag:s17] =	ssyncadd.s32 $0xFFFFC000  }
0xc9: {  	_ =	swait.ge [sflag:s17], $0x4000  }
0xca: {  	[sflag:s17] =	ssyncset.done $0x0  }
0xcb: {  	[sflag:s17] =	ssyncadd.s32 $0xFFFFC000  }
0xcc: {  	s20 =	simm.s32 $0x0;
	[bflag:$0x0] =	sbarrier.arrive $0xFFFF  }
0xcd: {  	v7 =	vld [tilespmem:s20+$0x5400];
	_ =	sdelay $0x1  }
0xce: {  	v8 =	vld [tilespmem:s20+$0x5C00];
	_ =	sdelay $0x2  }
0xcf: {  	s1 =	simm.s32 $0x10;
	v9 =	vsub.s32 v7, v2  }
0xd0: {  	vm14 =	vge.s32 v7, v2;
	vm15 =	vlt.s32 v7, v3;
	v7 =	vld [tilespmem:s1+$0x5400];
	v9 =	vshll.u32 v9, $0xA  }
0xd1: {  	vm0 =	vmand vm14, vm15;
	v9 =	vadd.s32 v8, v9  }
0xd2: {  	v8 =	vld [tilespmem:s1+$0x5C00];
	v6 =	vsel vm0, v9, v6  }
0xd3: {  	s21 =	simm.s32 $0x80;
	[tilespmem:s20+$0x8400] =	vst v6;
	s20 =	smov.u32 s16  }
.LBB2_10:
0xd4: {  	p1 =	sne.s32 s21, $0x1FC0  }
.Ltmp4:
0xd5: {  	s22 =	sshra.s32 s21, $0x2;
	s21 =	sadd.s32 $0x40, s21;
	v6 =	vsub.s32 v7, v2;
	(pc) =	sbr.rel @p1 .LBB2_10-.Ltmp4, $4  }
0xd6: {  	s20 =	sadd.s32 $0x10, s20;
	vm0 =	vge.s32 v7, v2;
	vm1 =	vlt.s32 v7, v3;
	v6 =	vshll.u32 v6, $0xA;
	v7 =	vld [tilespmem:s22+$0x5400]  }
0xd7: {  	v9 =	vor.u32 s20, v5;
	vm0 =	vmand vm0, vm1;
	v6 =	vadd.s32 v8, v6  }
0xd8: {  	v8 =	vld [tilespmem:s22+$0x5C00];
	v6 =	vsel vm0, v6, v9  }
0xd9: {  	[tilespmem:s1+$0x8400] =	vst v6;
	s1 =	smov.u32 s22  }
0xda: {  	_ = 	snop  }
0xdb: {  	v6 =	vsub.s32 v7, v2  }
0xdc: {  	s20 =	sadd.s32 $0x10, s20;
	vm0 =	vge.s32 v7, v2;
	vm1 =	vlt.s32 v7, v3;
	v6 =	vshll.u32 v6, $0xA  }
0xdd: {  	v7 =	vor.u32 s20, v5;
	vm0 =	vmand vm0, vm1;
	v6 =	vadd.s32 v8, v6  }
0xde: {  	v6 =	vsel vm0, v6, v7  }
0xdf: {  	[tilespmem:s1+$0x8400] =	vst v6  }
0xe0: {  	[spmem:s3] =	stream.indirect.scatter.add.f32 [tilespmem:s30], [sflag:$0x2], $0x1, s29, s25, $0xb8;
	[tilespmem:$0x19500] =	vst v63  }
0xe1: {  	_ =	swait.ge [sflag:s19], $0x800  }
0xe2: {  	s4 =	sadd.s32 $0x1, s4;
	[sflag:s19] =	ssyncset.done $0x0  }
0xe3: {  	p1 =	sne.s32 s4, s15;
	[sflag:s19] =	ssyncadd.s32 $0xFFFFF800  }
.Ltmp5:
0xe4: {  	[bflag:$0x0] =	sbarrier.arrive $0xFFFF;
	(pc) =	sbr.rel @p1 .LBB2_1-.Ltmp5, $4  }
0xe5: {  	[hbm:s14], [sflag:s31] =	dma.local [spmem:s0], $0x2000  }
0xe6: {  	_ =	swait.ge [sflag:s19], $0x2000  }
0xe7: {  	[sflag:s19] =	ssyncset.done $0x0  }
0xe8: {  	[sflag:s19] =	ssyncadd.s32 $0xFFFFE000  }
0xe9: {  	_ =	sfence.sel $0x180000  }
0xea: {  	[bflag:$0x0] =	sbarrier.arrive $0xFFFF  }
0xeb: {  	_ =	strace $0x9000004D  }
0xec: {  	[bflag:$0x2] =	sbarrier.arrive $0xFFFF  }
0xed: {  	s0 =	rddreg [dreg:$0x4]  }
0xee: {  	s0 =	sadd.s32 @!p0 $0x100000, s0  }
0xef: {  	[sflag:s0] =	ssyncadd.tile.s32 @!p0 $0x1;
	_ =	shalt  }
.Lfunc_end2:
_tile_overlayer_lowered:
.L_overlay_start_2:
0xf0: {  	(tag) =	ssettag $0x2  }
0xf1: {  	s0 =	rddreg [dreg:$0x0];
	s2 =	stileid.u32  }
0xf2: {  	s1 =	rddreg [dreg:$0x1];
	p0 =	sne.s32 s2, $0x0  }
0xf3: {  	s3 =	rddreg [dreg:$0x2];
	[bflag:$0x3] =	sbarrier.arrive $0xFFFF;
	s2 =	simm.s32 @!p0 $0x1C02  }
0xf4: {  	[timem:s3], [sflag:s2] =	dma.local @!p0 [hbm:s0], s1  }
0xf5: {  	s0 =	simm.s32 @!p0 $0x2  }
0xf6: {  	_ =	swait.ge @!p0 [sflag:s0], s1  }
0xf7: {  	s1 =	ssub.s32 @!p0 $0x0, s1;
	[sflag:s0] =	ssyncset.done @!p0 $0x0  }
0xf8: {  	[sflag:s0] =	ssyncadd.s32 @!p0 s1  }
0xf9: {  	[bflag:$0x3] =	sbarrier.arrive $0xFFFF  }
0xfa: {  	_ =	shalt  }

// kernel: kernel.9.cloned.1.call-start
scs
__scs_entry_jumppad:
0x0: {  	(pc) =	sbr.rel $0x88, $3  }
0x1: {  	(tag) =	ssettag $0x0;
	lr =	simm.s32 $0x1  }
0x2: {  	[smem:$0x3F93] =	sst lr;
	_ =	strace $0xD0000000  }
0x3: {  	_ = 	snop  }
0x4: {  	_ = 	snop  }
0x5: {  	_ = 	snop  }
0x6: {  	_ = 	snop  }
0x7: {  	_ = 	snop  }
__scs_overlays_trampoline_lowered:
0x8: {  	[smem:$0x3FA2] =	sst s0  }
0x9: {  	[smem:$0x3FA3] =	sst s1  }
0xa: {  	[smem:$0x3FA4] =	sst s2  }
0xb: {  	[smem:$0x3FA5] =	sst s3  }
0xc: {  	[smem:$0x3FA6] =	sst s4  }
0xd: {  	[smem:$0x3FA7] =	sst s5  }
0xe: {  	[smem:$0x3FA8] =	sst s6  }
0xf: {  	[smem:$0x3FA9] =	sst s7  }
0x10: {  	[smem:$0x3FAA] =	sst s8  }
0x11: {  	[smem:$0x3FAB] =	sst s9;
	s0 =	simm.s32 @!p0 $0x0  }
0x12: {  	s1 =	sld [smem:$0x3F91];
	s0 =	simm.s32 @p0 $0x1  }
0x13: {  	[smem:$0x3FAC] =	sst s0;
	s0 =	simm.s32 @!p1 $0x0  }
0x14: {  	s2 =	sld [smem:$0x3F90];
	s0 =	simm.s32 @p1 $0x1  }
0x15: {  	[smem:$0x3FAD] =	sst s0;
	s0 =	simm.s32 @!p2 $0x0  }
0x16: {  	s3 =	sld [smem:$0x3FDB];
	s0 =	simm.s32 @p2 $0x1  }
0x17: {  	s4 =	simm.s32 $0x1BF5;
	[smem:$0x3FAF] =	sst s0  }
0x18: {  	s0 =	sld [smem:$0x3F92];
	_ =	swait.ge [sflag:s4], $0x0  }
0x19: {  	s7 =	sld [smem:$0x3F93]  }
0x1a: {  	s8 =	sadd.s32 $0xFFFFE003, lr  }
0x1b: {  	s9 =	sadd.s32 $0xFFFFFEF7, lr;
	s5 =	simm.s32 $0xFFFFFFFF;
	p2 =	slt.u32 s8, $0xFFFFF086  }
0x1c: {  	p1 =	slt.u32 s9, $0xF7A;
	s5 =	simm.s32 @!p2 $0x0  }
0x1d: {  	s5 =	simm.s32 @p1 $0x1;
	p0 =	seq.s32 s7, s2  }
0x1e: {  	s7 =	smul.u32 @!p0 $0xF7A, s2;
	p2 =	seq.s32 @!p0 s5, $0x0  }
0x1f: {  	s9 =	smul.u32 $0xF7A, s1;
	s8 =	simm.s32 @!p0 $0x1BF5;
	p2 =	por !p2, p0  }
0x20: {  	[sflag:s8] =	ssyncset.s32 @!p0 $0xFFFFF086;
	s6 =	sadd.s32 @!p0 s3, s7;
	s7 =	simm.s32 @!p0 $0x108  }
0x21: {  	s3 =	sadd.s32 s3, s9;
	s6 =	sadd.s32 @!p0 $0x88, s6;
	s7 =	simm.s32 @p2 $0x1082  }
0x22: {  	[simem:s7], [sflag:s8] =	dma.local @!p0 [hbm:s6], $0xF7A  }
0x23: {  	s9 =	sor.u32 $0xD0000000, s2;
	s6 =	simm.s32 $0x108;
	_ =	swait.ge @!p0 [sflag:s8], $0x0  }
0x24: {  	s3 =	sadd.s32 $0x88, s3;
	s6 =	simm.s32 @!p1 $0x1082;
	[sflag:s4] =	ssyncset.s32 $0xFFFFF086  }
0x25: {  	[simem:s6], [sflag:s4] =	dma.local [hbm:s3], $0xF7A  }
0x26: {  	[smem:$0x3F93] =	sst s1;
	(tag) =	ssettag s2;
	_ =	strace s9  }
0x27: {  	s1 =	sld [smem:$0x3FA3]  }
0x28: {  	s2 =	sld [smem:$0x3FA4]  }
0x29: {  	s4 =	sld [smem:$0x3FA6]  }
0x2a: {  	p0 =	seq.s32 s5, $0x0;
	s5 =	sld [smem:$0x3FA7]  }
0x2b: {  	s6 =	sld [smem:$0x3FA8]  }
0x2c: {  	s7 =	sld [smem:$0x3FA9]  }
0x2d: {  	s3 =	simm.s32 $0x108;
	s8 =	sld [smem:$0x3FAA]  }
0x2e: {  	s3 =	simm.s32 @!p0 $0x1082;
	s9 =	sld [smem:$0x3FAB]  }
0x2f: {  	lr =	sadd.s32 s0, s3;
	s0 =	sld [smem:$0x3FA2]  }
0x30: {  	s3 =	sld [smem:$0x3FA5]  }
0x31: {  	[smem:$0x3FAE] =	sst s10  }
0x32: {  	s10 =	sld [smem:$0x3FAC];
	_ =	sdelay $0x3  }
0x33: {  	p0 =	seq.s32 s10, $0x1;
	s10 =	sld [smem:$0x3FAE];
	_ =	sdelay $0x3  }
0x34: {  	[smem:$0x3FAE] =	sst s10  }
0x35: {  	s10 =	sld [smem:$0x3FAD];
	_ =	sdelay $0x3  }
0x36: {  	p1 =	seq.s32 s10, $0x1;
	s10 =	sld [smem:$0x3FAE];
	_ =	sdelay $0x3  }
0x37: {  	[smem:$0x3FAE] =	sst s10  }
0x38: {  	s10 =	sld [smem:$0x3FAF]  }
0x39: {  	_ = 	snop;
	(pc) =	sbr.ind lr, $3  }
0x3a: {  	_ = 	snop  }
0x3b: {  	_ = 	snop  }
0x3c: {  	p2 =	seq.s32 s10, $0x1;
	s10 =	sld [smem:$0x3FAE]  }
0x3d: {  	_ =	shalt  }
0x3e: {  	_ =	shalt  }
0x3f: {  	_ =	shalt  }
0x40: {  	_ =	shalt  }
0x41: {  	_ =	shalt  }
0x42: {  	_ =	shalt  }
0x43: {  	_ =	shalt  }
0x44: {  	_ =	shalt  }
0x45: {  	_ =	shalt  }
0x46: {  	_ =	shalt  }
0x47: {  	_ =	shalt  }
0x48: {  	_ =	shalt  }
0x49: {  	_ =	shalt  }
0x4a: {  	_ =	shalt  }
0x4b: {  	_ =	shalt  }
0x4c: {  	_ =	shalt  }
0x4d: {  	_ =	shalt  }
0x4e: {  	_ =	shalt  }
0x4f: {  	_ =	shalt  }
0x50: {  	_ =	shalt  }
0x51: {  	_ =	shalt  }
0x52: {  	_ =	shalt  }
0x53: {  	_ =	shalt  }
0x54: {  	_ =	shalt  }
0x55: {  	_ =	shalt  }
0x56: {  	_ =	shalt  }
0x57: {  	_ =	shalt  }
0x58: {  	_ =	shalt  }
0x59: {  	_ =	shalt  }
0x5a: {  	_ =	shalt  }
0x5b: {  	_ =	shalt  }
0x5c: {  	_ =	shalt  }
0x5d: {  	_ =	shalt  }
0x5e: {  	_ =	shalt  }
0x5f: {  	_ =	shalt  }
0x60: {  	_ =	shalt  }
0x61: {  	_ =	shalt  }
0x62: {  	_ =	shalt  }
0x63: {  	_ =	shalt  }
0x64: {  	_ =	shalt  }
0x65: {  	_ =	shalt  }
0x66: {  	_ =	shalt  }
0x67: {  	_ =	shalt  }
0x68: {  	_ =	shalt  }
0x69: {  	_ =	shalt  }
0x6a: {  	_ =	shalt  }
0x6b: {  	_ =	shalt  }
0x6c: {  	_ =	shalt  }
0x6d: {  	_ =	shalt  }
0x6e: {  	_ =	shalt  }
0x6f: {  	_ =	shalt  }
0x70: {  	_ =	shalt  }
0x71: {  	_ =	shalt  }
0x72: {  	_ =	shalt  }
0x73: {  	_ =	shalt  }
0x74: {  	_ =	shalt  }
0x75: {  	_ =	shalt  }
0x76: {  	_ =	shalt  }
0x77: {  	_ =	shalt  }
0x78: {  	_ =	shalt  }
0x79: {  	_ =	shalt  }
0x7a: {  	_ =	shalt  }
0x7b: {  	_ =	shalt  }
0x7c: {  	_ =	shalt  }
0x7d: {  	_ =	shalt  }
0x7e: {  	_ =	shalt  }
0x7f: {  	_ =	shalt  }
0x80: {  	_ =	shalt  }
0x81: {  	_ =	shalt  }
0x82: {  	_ =	shalt  }
0x83: {  	_ =	shalt  }
0x84: {  	_ =	shalt  }
0x85: {  	_ =	shalt  }
0x86: {  	_ =	shalt  }
0x87: {  	_ =	shalt  }
.Lfunc_end0:
.L_simem_size_0:
called_computation_lowered:
.L_overlay_start_0:
0x88: {  	s2 =	sld [smem:$0x3FD9]  }
0x89: {  	s3 =	sld [smem:$0x3FFE];
	_ =	sdelay $0x1  }
0x8a: {  	s1 =	srdreg.scid  }
0x8b: {  	s0 =	sand.u32 $0x1, s1  }
0x8c: {  	s14 =	sshll.u32 s0, $0xA;
	s2 =	sadd.s32 s3, s2  }
0x8d: {  	s2 =	sadd.s32 s2, s14  }
0x8e: {  	[smem:$0x3FBA] =	sst s2  }
0x8f: {  	_ = 	snop  }
0x90: {  	s2 =	sld [smem:$0x3FD0];
	_ =	sdelay $0x2  }
0x91: {  	s15 =	simm.s32 $0xA;
	s4 =	simm.s32 $0x10  }
0x92: {  	[smem:s4], [sflag:s15] =	dma.local [hbm:s2], $0x1  }
0x93: {  	_ =	swait.eq [sflag:s15], $0x1  }
0x94: {  	[sflag:s15] =	ssyncset.done $0x0  }
0x95: {  	s16 =	sld [smem:$0x10];
	[sflag:s15] =	ssyncadd.s32 $0xFFFFFFFF  }
0x96: {  	s17 =	sld [smem:$0x11];
	(tm) =	ssettm $0x1  }
0x97: {  	s18 =	sld [smem:$0x3FFB];
	_ =	sdelay $0x3  }
0x98: {  	_ =	strace s18  }
0x99: {  	s4 =	sld [smem:$0x3FFC];
	_ =	sdelay $0x3  }
0x9a: {  	_ =	strace s4  }
0x9b: {  	s4 =	sld [smem:$0x3FFD];
	_ =	sdelay $0x3  }
0x9c: {  	_ =	strace s4  }
0x9d: {  	_ =	strace $0x8FFFFFFF  }
0x9e: {  	s19 =	sld [smem:$0x3FDB];
	_ =	sdelay $0x1  }
0x9f: {  	s5 =	simm.s32 $_scs_section_size  }
0xa0: {  	s6 =	simm.s32 $_size__tile_overlayer_lowered;
	s7 =	simm.s32 $_tile_overlayer_lowered  }
0xa1: {  	s22 =	simm.s32 $0x1BFF;
	s21 =	sshll.u32 s7, $0x1;
	s4 =	sadd.s32 s5, s19  }
0xa2: {  	s8 =	simm.s32 $0x0;
	s20 =	sshll.u32 s6, $0x1;
	s6 =	sadd.s32 s21, s4  }
0xa3: {  	[timem:s8], [sflag:s22] =	dma.local [hbm:s6], s20  }
0xa4: {  	_ =	swait.ge [sflag:s22], s20  }
0xa5: {  	s5 =	ssub.s32 $0x0, s20;
	[sflag:s22] =	ssyncset.done $0x0  }
0xa6: {  	[sflag:s22] =	ssyncadd.s32 s5;
	_ =	sdelay $0x1  }
0xa7: {  	s23 =	simm.s32 $0x1B8B  }
0xa8: {  	_ =	swait.ge [sflag:s23], $0x1  }
0xa9: {  	[sflag:s23] =	ssyncset.done $0x0  }
0xaa: {  	s25 =	simm.s32 $0x1B8E;
	s24 =	sld [smem:$0x3FFE];
	[sflag:s23] =	ssyncadd.s32 $0xFFFFFFFF  }
0xab: {  	s26 =	simm.s32 $execute0_lowered;
	[smem:$0x3FD2] =	sst s25  }
0xac: {  	s6 =	sshll.u32 s26, $0x1;
	_ =	strace $0x80000046;
	[dreg:$0x1] =	wrdreg $0xFFFFFFFF  }
0xad: {  	s28 =	simm.s32 $_size_execute0_lowered;
	s4 =	sadd.s32 s4, s6;
	[dreg:$0x0] =	wrdreg $0x0  }
0xae: {  	s6 =	sshll.u32 s28, $0x1;
	[dreg:$0x2] =	wrdreg s4  }
0xaf: {  	[dreg:$0x3] =	wrdreg s6  }
0xb0: {  	[dreg:$0x4] =	wrdreg $0xC0  }
0xb1: {  	_ =	task [dreg:s8], $0x5FFFF  }
0xb2: {  	[dreg:$0x1] =	wrdreg $0xFFFFFFFF  }
0xb3: {  	[dreg:$0x0] =	wrdreg $0x60  }
0xb4: {  	[dreg:$0x2] =	wrdreg s24  }
0xb5: {  	[dreg:$0x3] =	wrdreg s16  }
0xb6: {  	[dreg:$0x4] =	wrdreg s17  }
0xb7: {  	[dreg:$0x5] =	wrdreg $0xA0000  }
0xb8: {  	[dreg:$0x6] =	wrdreg $0x9  }
0xb9: {  	_ =	task.clear_ibuf [dreg:s8], $0x7FFFF;
	_ =	strace $0x90000046  }
0xba: {  	s29 =	simm.s32 $0x9;
	_ =	strace $0x80000048  }
0xbb: {  	_ =	swait.ge [sflag:s29], $0x1  }
0xbc: {  	[sflag:s29] =	ssyncadd.s32 $0xFFFFFFFF  }
0xbd: {  	_ =	strace $0x90000048  }
0xbe: {  	_ =	sfence  }
0xbf: {  	s30 =	sld [smem:$0x0];
	_ =	sdelay $0x2  }
0xc0: {  	s31 =	sshll.u32 s1, $0xD;
	s1 =	sshrl.u32 s1, $0x2  }
0xc1: {  	s3 =	sand.u32 $0x4000, s31;
	s1 =	sadd.s32 s1, s30  }
0xc2: {  	s0 =	sor.u32 s3, s0;
	s1 =	sshll.u32 s1, $0x11  }
0xc3: {  	s0 =	sor.u32 s1, s0  }
0xc4: {  	s0 =	sadd.s32 $0x8F2B, s0  }
0xc5: {  	[sflag:s0] =	ssyncadd.remote.s32 $0x1  }
0xc6: {  	_ =	sfence.sel $0xFFFF  }
0xc7: {  	[dreg:$0x0] =	wrdreg $0xFFFFFFFF;
	(pc) =	sbr.abs _section_cstart, $3  }
0xc8: {  	[dreg:$0x1] =	wrdreg $0xFFFFFFFF  }
0xc9: {  	_ =	task.clear_ibuf [dreg:s8], $0x2FFFF;
	_ =	strace $0x9FFFFFFF  }
0xca: {  	(tm) =	ssettm $0x7FFFFFFF  }
0xcb: {  	_ =	shalt  }
tec
execute0_lowered:
.L_overlay_start_1:
0x0: {  	(tag) =	ssettag $0x1  }
0x1: {  	s0 =	rddreg [dreg:$0x0]  }
0x2: {  	s3 =	rddreg [dreg:$0x1]  }
0x3: {  	s4 =	rddreg [dreg:$0x2]  }
0x4: {  	s1 =	rddreg [dreg:$0x3];
	s2 =	simm.s32 $0x0;
	s5 =	srdreg.scid  }
0x5: {  	s23 =	stileid.u32;
	s30 =	simm.s32 $0x1;
	s31 =	simm.s32 $0x1000  }
0x6: {  	[smem:$0x7FF] =	sst s2;
	s5 =	sand.u32 $0x1, s5;
	s13 =	sadd.s32 $0x5000, s0  }
0x7: {  	s16 =	sshll.u32 s23, $0x10;
	s9 =	sshll.u32 s23, $0x9;
	s15 =	sadd.s32 $0x4010, s0  }
0x8: {  	s23 =	sshll.u32 s23, $0xC;
	_ =	strace $0x80000047;
	s6 =	ssub.s32 $0x2, s5  }
0x9: {  	s11 =	sshll.u32 s5, $0x3;
	s19 =	sshll.u32 s5, $0x17;
	s3 =	sadd.s32 s3, s9  }
0xa: {  	s4 =	sadd.s32 s4, s9;
	s7 =	sshrl.u32 s6, $0x1;
	[dreg:$0x5] =	wrdreg s3  }
0xb: {  	s17 =	sor.u32 $0x1, s11;
	[dreg:$0x6] =	wrdreg s4;
	s4 =	sor.u32 $0x3, s11  }
0xc: {  	s18 =	sor.u32 $0x4, s11;
	s6 =	ssub.s32 s6, s7;
	s8 =	sshll.u32 s17, $0x14  }
0xd: {  	s7 =	sor.u32 s16, s19;
	s25 =	sshll.u32 s4, $0x14;
	s10 =	sshll.u32 s18, $0x14  }
0xe: {  	s19 =	sor.u32 $0x5, s11;
	s4 =	sshll.u32 s4, $0x8;
	s18 =	sshll.u32 s18, $0x8  }
0xf: {  	s8 =	sor.u32 s16, s8;
	s20 =	sshrl.u32 s7, $0x3;
	s9 =	sor.u32 s16, s25  }
0x10: {  	s10 =	sor.u32 s16, s10;
	s26 =	sshll.u32 s19, $0x14;
	s7 =	sshll.u32 s5, $0xB  }
0x11: {  	s21 =	sshrl.u32 s8, $0x3;
	s3 =	sadd.s32 s13, s20;
	s9 =	sshrl.u32 s9, $0x3  }
0x12: {  	s10 =	sshrl.u32 s10, $0x3;
	s20 =	sor.u32 $0x6, s11;
	s25 =	sor.u32 $0x100, s7  }
0x13: {  	[dreg:$0x7] =	wrdreg s3;
	s22 =	sadd.s32 s13, s21;
	s3 =	sor.u32 $0x2, s11  }
0x14: {  	s9 =	sadd.s32 s13, s9;
	s10 =	sadd.s32 s13, s10;
	s21 =	sshllo.u32 s5, $0x3  }
0x15: {  	s12 =	sshll.u32 s20, $0x14;
	s11 =	sor.u32 s16, s26;
	s28 =	sshll.u32 s20, $0x8  }
0x16: {  	s5 =	sor.u32 $0x100000, s23;
	v1 =	vmov s25;
	s25 =	sor.u32 $0x100, s18;
	s23 =	simm.s32 $0x2  }
0x17: {  	[dreg:$0x8] =	wrdreg s22;
	s24 =	sshll.u32 s3, $0x14;
	s14 =	sshll.u32 s21, $0x14  }
0x18: {  	s12 =	sor.u32 s16, s12;
	s11 =	sshrl.u32 s11, $0x3;
	s22 =	sshll.u32 s17, $0x8  }
0x19: {  	s3 =	sshll.u32 s3, $0x8;
	s29 =	sshll.u32 s21, $0x8;
	s17 =	smax.u32 s6, $0x1  }
0x1a: {  	v9 =	vmov s25;
	s25 =	simm.s32 $0x80;
	s8 =	sor.u32 s16, s24;
	s14 =	sor.u32 s16, s14  }
0x1b: {  	s12 =	sshrl.u32 s12, $0x3;
	s11 =	sadd.s32 s13, s11;
	s16 =	sadd.s32 s16, s1  }
0x1c: {  	v0 =	vmov s7;
	s24 =	sshll.u32 s19, $0x8;
	s26 =	sadd.s32 $0x100, s22;
	s7 =	sor.u32 $0x100, s3  }
0x1d: {  	v8 =	vmov s18;
	v2 =	vmov s22;
	s22 =	sadd.s32 $0x100, s4;
	s18 =	sadd.s32 $0x100, s29;
	v14 =	vmov s29;
	s29 =	simm.s32 $0x5000  }
0x1e: {  	s8 =	sshrl.u32 s8, $0x3;
	s14 =	sshrl.u32 s14, $0x3;
	s12 =	sadd.s32 s13, s12  }
0x1f: {  	v16 =	vimm.f32 $0.0e+00;
	v17 =	vlaneseq.u32;
	v6 =	vmov s4;
	s19 =	sadd.s32 $0x4000, s16;
	s20 =	sadd.s32 $0x8000, s16;
	s21 =	sadd.s32 $0xC000, s16  }
0x20: {  	v12 =	vmov s28;
	v3 =	vmov s26;
	v5 =	vmov s7;
	s26 =	sadd.s32 $0x100, s24;
	s7 =	sor.u32 $0x100, s28;
	s28 =	simm.s32 $0x4000  }
0x21: {  	v4 =	vmov s3;
	v7 =	vmov s22;
	v10 =	vmov s24;
	s22 =	simm.s32 $0x9000;
	s8 =	sadd.s32 s13, s8;
	s13 =	sadd.s32 s13, s14  }
0x22: {  	v15 =	vmov s18;
	s14 =	sadd.s32 $0x4000, s0;
	v11 =	vmov s26;
	s26 =	simm.s32 $0x400;
	v13 =	vmov s7;
	s0 =	simm.s32 $0x8000  }
.LBB2_1:
0x23: {  	s4 =	simm.s32 $0x100;
	s3 =	simm.s32 $0x0  }
.LBB2_2:
0x24: {  	p0 =	sne.s32 s4, $0xFF00;
	[tilespmem:s3+$0x30] =	vst v16;
	s6 =	smov.u32 s4;
	s4 =	sadd.s32 $0x100, s4  }
.Ltmp0:
0x25: {  	[tilespmem:s3+$0x20] =	vst v16;
	(pc) =	sbr.rel @p0 .LBB2_2-.Ltmp0, $3  }
0x26: {  	[tilespmem:s3+$0x0] =	vst v16  }
0x27: {  	[tilespmem:s3+$0x10] =	vst v16;
	_ =	sdelay $0x1  }
0x28: {  	s3 =	sshra.s32 s6, $0x2  }
0x29: {  	[tilespmem:s3+$0x30] =	vst v16  }
0x2a: {  	[tilespmem:s3+$0x20] =	vst v16  }
0x2b: {  	[tilespmem:s3+$0x0] =	vst v16  }
0x2c: {  	[tilespmem:s3+$0x10] =	vst v16;
	s7 =	simm.s32 $0x0;
	s4 =	rddreg [dreg:$0x5];
	s6 =	simm.s32 $0x6000  }
0x2d: {  	[tilespmem:s6], [sflag:$0x2] =	stream.linear.gather [hbm4b:s4+s7], $0x1000, $0x38;
	[tilespmem:$0x1B000] =	vst v63  }
0x2e: {  	_ =	swait.ge [sflag:s23], $0x1000  }
0x2f: {  	[sflag:s23] =	ssyncset.done $0x0  }
0x30: {  	s24 =	simm.s32 $0x7000;
	s18 =	rddreg [dreg:$0x6];
	[sflag:s23] =	ssyncadd.s32 $0xFFFFF000  }
0x31: {  	[tilespmem:s24], [sflag:$0x2] =	stream.linear.gather [hbm4b:s18+s7], $0x1000, $0x38;
	[tilespmem:$0x1B000] =	vst v63  }
0x32: {  	_ =	swait.ge [sflag:s23], $0x1000  }
0x33: {  	[sflag:s23] =	ssyncset.done $0x0  }
0x34: {  	[sflag:s23] =	ssyncadd.s32 $0xFFFFF000  }
0x35: {  	[tilespmem:s28], [sflag:$0x2] =	stream.strided.gather [hbm4b:s14+s25], $0x1000, s26, s25, $0x38;
	[tilespmem:$0x1B000] =	vst v63  }
0x36: {  	_ =	swait.ge [sflag:s23], $0x1000  }
0x37: {  	[sflag:s23] =	ssyncset.done $0x0  }
0x38: {  	[sflag:s23] =	ssyncadd.s32 $0xFFFFF000  }
0x39: {  	[tilespmem:s29], [sflag:$0x2] =	stream.strided.gather [hbm4b:s15+s25], $0x1000, s26, s25, $0x38;
	[tilespmem:$0x1B000] =	vst v63  }
0x3a: {  	_ =	swait.ge [sflag:s23], $0x1000  }
0x3b: {  	[sflag:s23] =	ssyncset.done $0x0  }
0x3c: {  	s3 =	simm.s32 $0x0;
	[sflag:s23] =	ssyncadd.s32 $0xFFFFF000  }
0x3d: {  	v18 =	vld [tilespmem:s3+$0x7000]  }
0x3e: {  	v19 =	vld [tilespmem:s3+$0x6000];
	_ =	sdelay $0x6  }
0x3f: {  	v18 =	vld.idx.msk [tilespmem:v18+s29+$0x0], $0xffff  }
0x40: {  	v19 =	vld.idx.msk [tilespmem:v19+s28+$0x0], $0xffff;
	_ =	sdelay $0x4  }
0x41: {  	v18 =	vadd.f32 v18, v19;
	_ =	sdelay $0x1  }
0x42: {  	v18 =	vsub.f32 $0.0e+00, v18;
	_ =	sdelay $0x1  }
0x43: {  	v18 =	vmul.f32 $1.442695020e+00, v18;
	_ =	sdelay $0x1  }
0x44: {  	(erf) = vpow2.f32 v18;
	_ =	sdelay $0x8  }
0x45: {  	v18 =	vpop (erf)  }
0x46: {  	v18 =	vadd.f32 $1.000000000e+00, v18;
	_ =	sdelay $0x1  }
0x47: {  	(erf) = vrcp.f32 v18;
	_ =	sdelay $0x1  }
0x48: {  	s4 =	simm.s32 $0x10  }
0x49: {  	s24 =	simm.s32 $0x80;
	v18 =	vld [tilespmem:s4+$0x7000]  }
.LBB2_4:
0x4a: {  	p0 =	sne.s32 s24, $0x3FC0;
	v19 =	vld [tilespmem:s4+$0x6000];
	_ =	sdelay $0x4  }
0x4b: {  	v20 =	vpop (erf)  }
0x4c: {  	[tilespmem:s3+$0x9000] =	vst v20;
	s3 =	smov.u32 s4  }
0x4d: {  	v18 =	vld.idx.msk [tilespmem:v18+s29+$0x0], $0xffff  }
0x4e: {  	v19 =	vld.idx.msk [tilespmem:v19+s28+$0x0], $0xffff;
	_ =	sdelay $0x5  }
0x4f: {  	v18 =	vadd.f32 v18, v19;
	_ =	sdelay $0x1  }
0x50: {  	v18 =	vsub.f32 $0.0e+00, v18;
	_ =	sdelay $0x1  }
0x51: {  	v18 =	vmul.f32 $1.442695020e+00, v18;
	_ =	sdelay $0x1  }
0x52: {  	(erf) = vpow2.f32 v18;
	_ =	sdelay $0x8  }
0x53: {  	v18 =	vpop (erf)  }
0x54: {  	v18 =	vadd.f32 $1.000000000e+00, v18  }
.Ltmp1:
0x55: {  	(pc) =	sbr.rel @p0 .LBB2_4-.Ltmp1, $3  }
0x56: {  	(erf) = vrcp.f32 v18;
	_ =	sdelay $0x1  }
0x57: {  	s4 =	sshra.s32 s24, $0x2  }
0x58: {  	s24 =	sadd.s32 $0x40, s24;
	v18 =	vld [tilespmem:s4+$0x7000]  }
0x59: {  	_ = 	snop  }
0x5a: {  	v19 =	vld [tilespmem:s4+$0x6000];
	_ =	sdelay $0x4  }
0x5b: {  	v20 =	vpop (erf)  }
0x5c: {  	[tilespmem:s3+$0x9000] =	vst v20  }
0x5d: {  	v18 =	vld.idx.msk [tilespmem:v18+s29+$0x0], $0xffff  }
0x5e: {  	v19 =	vld.idx.msk [tilespmem:v19+s28+$0x0], $0xffff;
	_ =	sdelay $0x4  }
0x5f: {  	v18 =	vadd.f32 v18, v19;
	_ =	sdelay $0x1  }
0x60: {  	v18 =	vsub.f32 $0.0e+00, v18;
	_ =	sdelay $0x1  }
0x61: {  	v18 =	vmul.f32 $1.442695020e+00, v18;
	_ =	sdelay $0x1  }
0x62: {  	(erf) = vpow2.f32 v18;
	_ =	sdelay $0x8  }
0x63: {  	v18 =	vpop (erf)  }
0x64: {  	v18 =	vadd.f32 $1.000000000e+00, v18;
	_ =	sdelay $0x1  }
0x65: {  	(erf) = vrcp.f32 v18;
	_ =	sdelay $0x8  }
0x66: {  	v18 =	vpop (erf)  }
0x67: {  	s18 =	simm.s32 $0x0;
	[tilespmem:s4+$0x9000] =	vst v18  }
0x68: {  	[spmem:s16] =	stream.linear.scatter [tilespmem:s18], [sflag:$0x1], $0x4000, $0x38;
	[tilespmem:$0x1B000] =	vst v63  }
0x69: {  	_ = 	snop  }
0x6a: {  	[spmem:s19] =	stream.linear.scatter [tilespmem:s18], [sflag:$0x1], $0x4000, $0x38;
	[tilespmem:$0x1B000] =	vst v63  }
0x6b: {  	_ = 	snop  }
0x6c: {  	[spmem:s20] =	stream.linear.scatter [tilespmem:s18], [sflag:$0x1], $0x4000, $0x38;
	[tilespmem:$0x1B000] =	vst v63  }
0x6d: {  	_ = 	snop  }
0x6e: {  	[spmem:s21] =	stream.linear.scatter [tilespmem:s18], [sflag:$0x1], $0x4000, $0x38;
	[tilespmem:$0x1B000] =	vst v63  }
0x6f: {  	_ =	swait.ge [sflag:s30], $0x4000  }
0x70: {  	[sflag:s30] =	ssyncset.done $0x0  }
0x71: {  	[sflag:s30] =	ssyncadd.s32 $0xFFFFC000  }
0x72: {  	_ =	swait.ge [sflag:s30], $0x4000  }
0x73: {  	[sflag:s30] =	ssyncset.done $0x0  }
0x74: {  	[sflag:s30] =	ssyncadd.s32 $0xFFFFC000  }
0x75: {  	_ =	swait.ge [sflag:s30], $0x4000  }
0x76: {  	[sflag:s30] =	ssyncset.done $0x0  }
0x77: {  	[sflag:s30] =	ssyncadd.s32 $0xFFFFC000  }
0x78: {  	_ =	swait.ge [sflag:s30], $0x4000  }
0x79: {  	[sflag:s30] =	ssyncset.done $0x0  }
0x7a: {  	[sflag:s30] =	ssyncadd.s32 $0xFFFFC000  }
0x7b: {  	s24 =	simm.s32 $0x0;
	[bflag:$0x0] =	sbarrier.arrive $0xFFFF  }
0x7c: {  	v18 =	vld [tilespmem:s24+$0x6000];
	_ =	sdelay $0x1  }
0x7d: {  	v20 =	vld [tilespmem:s24+$0x7000];
	_ =	sdelay $0x2  }
0x7e: {  	s3 =	simm.s32 $0x10;
	v19 =	vsub.s32 v18, v0  }
0x7f: {  	vm0 =	vge.s32 v18, v0;
	vm1 =	vlt.s32 v18, v1;
	v21 =	vshll.u32 v19, $0xC;
	v19 =	vld [tilespmem:s3+$0x6000]  }
0x80: {  	v18 =	vor.u32 s5, v17;
	vm0 =	vmand vm0, vm1;
	v21 =	vadd.s32 v20, v21  }
0x81: {  	v20 =	vld [tilespmem:s3+$0x7000];
	v21 =	vsel vm0, v21, v18  }
0x82: {  	s4 =	smov.u32 s5;
	s18 =	simm.s32 $0x80;
	[tilespmem:s24+$0x8000] =	vst v21  }
.LBB2_6:
0x83: {  	p0 =	sne.s32 s18, $0x3FC0  }
.Ltmp2:
0x84: {  	s6 =	sshra.s32 s18, $0x2;
	s18 =	sadd.s32 $0x40, s18;
	v21 =	vsub.s32 v19, v0;
	(pc) =	sbr.rel @p0 .LBB2_6-.Ltmp2, $4  }
0x85: {  	s4 =	sadd.s32 $0x10, s4;
	vm0 =	vge.s32 v19, v0;
	vm1 =	vlt.s32 v19, v1;
	v21 =	vshll.u32 v21, $0xC;
	v19 =	vld [tilespmem:s6+$0x6000]  }
0x86: {  	v22 =	vor.u32 s4, v17;
	vm0 =	vmand vm0, vm1;
	v21 =	vadd.s32 v20, v21  }
0x87: {  	v20 =	vld [tilespmem:s6+$0x7000];
	v21 =	vsel vm0, v21, v22  }
0x88: {  	[tilespmem:s3+$0x8000] =	vst v21;
	s3 =	smov.u32 s6  }
0x89: {  	_ = 	snop  }
0x8a: {  	v21 =	vsub.s32 v19, v0  }
0x8b: {  	s4 =	sadd.s32 $0x10, s4;
	vm0 =	vge.s32 v19, v0;
	vm1 =	vlt.s32 v19, v1;
	v21 =	vshll.u32 v21, $0xC  }
0x8c: {  	vm0 =	vmand vm0, vm1;
	v19 =	vadd.s32 v20, v21;
	v20 =	vor.u32 s4, v17  }
0x8d: {  	v19 =	vsel vm0, v19, v20  }
0x8e: {  	[tilespmem:s3+$0x8000] =	vst v19  }
0x8f: {  	[spmem:s1] =	stream.indirect.scatter [tilespmem:s22], [sflag:$0x2], $0x1, s0, s31, $0xb8;
	[tilespmem:$0x1B000] =	vst v63  }
0x90: {  	_ =	swait.ge [sflag:s23], $0x1000  }
0x91: {  	[sflag:s23] =	ssyncset.done $0x0  }
0x92: {  	s6 =	stileid.u32;
	[sflag:s23] =	ssyncadd.s32 $0xFFFFF000  }
0x93: {  	s3 =	sshll.u32 s6, $0x6;
	[bflag:$0x0] =	sbarrier.arrive $0xFFFF  }
0x94: {  	s24 =	sor.u32 $0x1C02, s3;
	s3 =	sshrl.u32 s16, $0x3;
	s7 =	rddreg [dreg:$0x7]  }
0x95: {  	[hbm:s7], [sflag:s24] =	dma.local [spmem:s3], $0x2000  }
0x96: {  	_ =	swait.ge [sflag:s23], $0x2000  }
0x97: {  	[sflag:s23] =	ssyncset.done $0x0  }
0x98: {  	s18 =	simm.s32 $0x0;
	[sflag:s23] =	ssyncadd.s32 $0xFFFFE000  }
0x99: {  	[spmem:s16] =	stream.linear.scatter [tilespmem:s18], [sflag:$0x1], $0x4000, $0x38;
	[tilespmem:$0x1B000] =	vst v63  }
0x9a: {  	_ = 	snop  }
0x9b: {  	[spmem:s19] =	stream.linear.scatter [tilespmem:s18], [sflag:$0x1], $0x4000, $0x38;
	[tilespmem:$0x1B000] =	vst v63  }
0x9c: {  	_ = 	snop  }
0x9d: {  	[spmem:s20] =	stream.linear.scatter [tilespmem:s18], [sflag:$0x1], $0x4000, $0x38;
	[tilespmem:$0x1B000] =	vst v63  }
0x9e: {  	_ = 	snop  }
0x9f: {  	[spmem:s21] =	stream.linear.scatter [tilespmem:s18], [sflag:$0x1], $0x4000, $0x38;
	[tilespmem:$0x1B000] =	vst v63  }
0xa0: {  	_ =	swait.ge [sflag:s30], $0x4000  }
0xa1: {  	[sflag:s30] =	ssyncset.done $0x0  }
0xa2: {  	[sflag:s30] =	ssyncadd.s32 $0xFFFFC000  }
0xa3: {  	_ =	swait.ge [sflag:s30], $0x4000  }
0xa4: {  	[sflag:s30] =	ssyncset.done $0x0  }
0xa5: {  	[sflag:s30] =	ssyncadd.s32 $0xFFFFC000  }
0xa6: {  	_ =	swait.ge [sflag:s30], $0x4000  }
0xa7: {  	[sflag:s30] =	ssyncset.done $0x0  }
0xa8: {  	[sflag:s30] =	ssyncadd.s32 $0xFFFFC000  }
0xa9: {  	_ =	swait.ge [sflag:s30], $0x4000  }
0xaa: {  	[sflag:s30] =	ssyncset.done $0x0  }
0xab: {  	[sflag:s30] =	ssyncadd.s32 $0xFFFFC000  }
0xac: {  	s18 =	simm.s32 $0x0;
	[bflag:$0x0] =	sbarrier.arrive $0xFFFF  }
0xad: {  	v19 =	vld [tilespmem:s18+$0x6000];
	_ =	sdelay $0x1  }
0xae: {  	v20 =	vld [tilespmem:s18+$0x7000];
	_ =	sdelay $0x2  }
0xaf: {  	s4 =	simm.s32 $0x10;
	v21 =	vsub.s32 v19, v2  }
0xb0: {  	vm14 =	vge.s32 v19, v2;
	vm15 =	vlt.s32 v19, v3;
	v19 =	vld [tilespmem:s4+$0x6000];
	v21 =	vshll.u32 v21, $0xC  }
0xb1: {  	vm0 =	vmand vm14, vm15;
	v21 =	vadd.s32 v20, v21  }
0xb2: {  	v20 =	vld [tilespmem:s4+$0x7000];
	v21 =	vsel vm0, v21, v18  }
0xb3: {  	s6 =	simm.s32 $0x80;
	[tilespmem:s18+$0x8000] =	vst v21;
	s18 =	smov.u32 s5  }
.LBB2_8:
0xb4: {  	p0 =	sne.s32 s6, $0x3FC0  }
.Ltmp3:
0xb5: {  	s7 =	sshra.s32 s6, $0x2;
	s6 =	sadd.s32 $0x40, s6;
	v21 =	vsub.s32 v19, v2;
	(pc) =	sbr.rel @p0 .LBB2_8-.Ltmp3, $4  }
0xb6: {  	s18 =	sadd.s32 $0x10, s18;
	vm0 =	vge.s32 v19, v2;
	vm1 =	vlt.s32 v19, v3;
	v21 =	vshll.u32 v21, $0xC;
	v19 =	vld [tilespmem:s7+$0x6000]  }
0xb7: {  	v22 =	vor.u32 s18, v17;
	vm0 =	vmand vm0, vm1;
	v21 =	vadd.s32 v20, v21  }
0xb8: {  	v20 =	vld [tilespmem:s7+$0x7000];
	v21 =	vsel vm0, v21, v22  }
0xb9: {  	[tilespmem:s4+$0x8000] =	vst v21;
	s4 =	smov.u32 s7  }
0xba: {  	_ = 	snop  }
0xbb: {  	v21 =	vsub.s32 v19, v2  }
0xbc: {  	s6 =	sadd.s32 $0x10, s18;
	vm0 =	vge.s32 v19, v2;
	vm1 =	vlt.s32 v19, v3;
	v21 =	vshll.u32 v21, $0xC  }
0xbd: {  	vm0 =	vmand vm0, vm1;
	v19 =	vadd.s32 v20, v21;
	v20 =	vor.u32 s6, v17  }
0xbe: {  	v19 =	vsel vm0, v19, v20  }
0xbf: {  	[tilespmem:s4+$0x8000] =	vst v19  }
0xc0: {  	[spmem:s1] =	stream.indirect.scatter [tilespmem:s22], [sflag:$0x2], $0x1, s0, s31, $0xb8;
	[tilespmem:$0x1B000] =	vst v63  }
0xc1: {  	_ =	swait.ge [sflag:s23], $0x1000  }
0xc2: {  	[sflag:s23] =	ssyncset.done $0x0  }
0xc3: {  	[sflag:s23] =	ssyncadd.s32 $0xFFFFF000  }
0xc4: {  	[bflag:$0x0] =	sbarrier.arrive $0xFFFF  }
0xc5: {  	s7 =	rddreg [dreg:$0x8]  }
0xc6: {  	[hbm:s7], [sflag:s24] =	dma.local [spmem:s3], $0x2000  }
0xc7: {  	_ =	swait.ge [sflag:s23], $0x2000  }
0xc8: {  	[sflag:s23] =	ssyncset.done $0x0  }
0xc9: {  	s18 =	simm.s32 $0x0;
	[sflag:s23] =	ssyncadd.s32 $0xFFFFE000  }
0xca: {  	[spmem:s16] =	stream.linear.scatter [tilespmem:s18], [sflag:$0x1], $0x4000, $0x38;
	[tilespmem:$0x1B000] =	vst v63  }
0xcb: {  	_ = 	snop  }
0xcc: {  	[spmem:s19] =	stream.linear.scatter [tilespmem:s18], [sflag:$0x1], $0x4000, $0x38;
	[tilespmem:$0x1B000] =	vst v63  }
0xcd: {  	_ = 	snop  }
0xce: {  	[spmem:s20] =	stream.linear.scatter [tilespmem:s18], [sflag:$0x1], $0x4000, $0x38;
	[tilespmem:$0x1B000] =	vst v63  }
0xcf: {  	_ = 	snop  }
0xd0: {  	[spmem:s21] =	stream.linear.scatter [tilespmem:s18], [sflag:$0x1], $0x4000, $0x38;
	[tilespmem:$0x1B000] =	vst v63  }
0xd1: {  	_ =	swait.ge [sflag:s30], $0x4000  }
0xd2: {  	[sflag:s30] =	ssyncset.done $0x0  }
0xd3: {  	[sflag:s30] =	ssyncadd.s32 $0xFFFFC000  }
0xd4: {  	_ =	swait.ge [sflag:s30], $0x4000  }
0xd5: {  	[sflag:s30] =	ssyncset.done $0x0  }
0xd6: {  	[sflag:s30] =	ssyncadd.s32 $0xFFFFC000  }
0xd7: {  	_ =	swait.ge [sflag:s30], $0x4000  }
0xd8: {  	[sflag:s30] =	ssyncset.done $0x0  }
0xd9: {  	[sflag:s30] =	ssyncadd.s32 $0xFFFFC000  }
0xda: {  	_ =	swait.ge [sflag:s30], $0x4000  }
0xdb: {  	[sflag:s30] =	ssyncset.done $0x0  }
0xdc: {  	[sflag:s30] =	ssyncadd.s32 $0xFFFFC000  }
0xdd: {  	s7 =	simm.s32 $0x0;
	[bflag:$0x0] =	sbarrier.arrive $0xFFFF  }
0xde: {  	v19 =	vld [tilespmem:s7+$0x6000];
	_ =	sdelay $0x1  }
0xdf: {  	v20 =	vld [tilespmem:s7+$0x7000];
	_ =	sdelay $0x2  }
0xe0: {  	s4 =	simm.s32 $0x10;
	v21 =	vsub.s32 v19, v4  }
0xe1: {  	vm14 =	vge.s32 v19, v4;
	vm15 =	vlt.s32 v19, v5;
	v19 =	vld [tilespmem:s4+$0x6000];
	v21 =	vshll.u32 v21, $0xC  }
0xe2: {  	vm0 =	vmand vm14, vm15;
	v21 =	vadd.s32 v20, v21  }
0xe3: {  	v20 =	vld [tilespmem:s4+$0x7000];
	v21 =	vsel vm0, v21, v18  }
0xe4: {  	s6 =	simm.s32 $0x80;
	s18 =	smov.u32 s5;
	[tilespmem:s7+$0x8000] =	vst v21  }
.LBB2_10:
0xe5: {  	p0 =	sne.s32 s6, $0x3FC0  }
.Ltmp4:
0xe6: {  	s7 =	sshra.s32 s6, $0x2;
	s6 =	sadd.s32 $0x40, s6;
	v21 =	vsub.s32 v19, v4;
	(pc) =	sbr.rel @p0 .LBB2_10-.Ltmp4, $4  }
0xe7: {  	s18 =	sadd.s32 $0x10, s18;
	vm0 =	vge.s32 v19, v4;
	vm1 =	vlt.s32 v19, v5;
	v21 =	vshll.u32 v21, $0xC;
	v19 =	vld [tilespmem:s7+$0x6000]  }
0xe8: {  	v22 =	vor.u32 s18, v17;
	vm0 =	vmand vm0, vm1;
	v21 =	vadd.s32 v20, v21  }
0xe9: {  	v20 =	vld [tilespmem:s7+$0x7000];
	v21 =	vsel vm0, v21, v22  }
0xea: {  	[tilespmem:s4+$0x8000] =	vst v21;
	s4 =	smov.u32 s7  }
0xeb: {  	_ = 	snop  }
0xec: {  	v21 =	vsub.s32 v19, v4  }
0xed: {  	s6 =	sadd.s32 $0x10, s18;
	vm0 =	vge.s32 v19, v4;
	vm1 =	vlt.s32 v19, v5;
	v21 =	vshll.u32 v21, $0xC  }
0xee: {  	vm0 =	vmand vm0, vm1;
	v19 =	vadd.s32 v20, v21;
	v20 =	vor.u32 s6, v17  }
0xef: {  	v19 =	vsel vm0, v19, v20  }
0xf0: {  	[tilespmem:s4+$0x8000] =	vst v19  }
0xf1: {  	[spmem:s1] =	stream.indirect.scatter [tilespmem:s22], [sflag:$0x2], $0x1, s0, s31, $0xb8;
	[tilespmem:$0x1B000] =	vst v63  }
0xf2: {  	_ =	swait.ge [sflag:s23], $0x1000  }
0xf3: {  	[sflag:s23] =	ssyncset.done $0x0  }
0xf4: {  	[sflag:s23] =	ssyncadd.s32 $0xFFFFF000  }
0xf5: {  	[bflag:$0x0] =	sbarrier.arrive $0xFFFF  }
0xf6: {  	[hbm:s8], [sflag:s24] =	dma.local [spmem:s3], $0x2000  }
0xf7: {  	_ =	swait.ge [sflag:s23], $0x2000  }
0xf8: {  	[sflag:s23] =	ssyncset.done $0x0  }
0xf9: {  	s18 =	simm.s32 $0x0;
	[sflag:s23] =	ssyncadd.s32 $0xFFFFE000  }
0xfa: {  	[spmem:s16] =	stream.linear.scatter [tilespmem:s18], [sflag:$0x1], $0x4000, $0x38;
	[tilespmem:$0x1B000] =	vst v63  }
0xfb: {  	_ = 	snop  }
0xfc: {  	[spmem:s19] =	stream.linear.scatter [tilespmem:s18], [sflag:$0x1], $0x4000, $0x38;
	[tilespmem:$0x1B000] =	vst v63  }
0xfd: {  	_ = 	snop  }
0xfe: {  	[spmem:s20] =	stream.linear.scatter [tilespmem:s18], [sflag:$0x1], $0x4000, $0x38;
	[tilespmem:$0x1B000] =	vst v63  }
0xff: {  	_ = 	snop  }
0x100: {  	[spmem:s21] =	stream.linear.scatter [tilespmem:s18], [sflag:$0x1], $0x4000, $0x38;
	[tilespmem:$0x1B000] =	vst v63  }
0x101: {  	_ =	swait.ge [sflag:s30], $0x4000  }
0x102: {  	[sflag:s30] =	ssyncset.done $0x0  }
0x103: {  	[sflag:s30] =	ssyncadd.s32 $0xFFFFC000  }
0x104: {  	_ =	swait.ge [sflag:s30], $0x4000  }
0x105: {  	[sflag:s30] =	ssyncset.done $0x0  }
0x106: {  	[sflag:s30] =	ssyncadd.s32 $0xFFFFC000  }
0x107: {  	_ =	swait.ge [sflag:s30], $0x4000  }
0x108: {  	[sflag:s30] =	ssyncset.done $0x0  }
0x109: {  	[sflag:s30] =	ssyncadd.s32 $0xFFFFC000  }
0x10a: {  	_ =	swait.ge [sflag:s30], $0x4000  }
0x10b: {  	[sflag:s30] =	ssyncset.done $0x0  }
0x10c: {  	[sflag:s30] =	ssyncadd.s32 $0xFFFFC000  }
0x10d: {  	s7 =	simm.s32 $0x0;
	[bflag:$0x0] =	sbarrier.arrive $0xFFFF  }
0x10e: {  	v19 =	vld [tilespmem:s7+$0x6000];
	_ =	sdelay $0x1  }
0x10f: {  	v20 =	vld [tilespmem:s7+$0x7000];
	_ =	sdelay $0x2  }
0x110: {  	s4 =	simm.s32 $0x10;
	v21 =	vsub.s32 v19, v6  }
0x111: {  	vm14 =	vge.s32 v19, v6;
	vm15 =	vlt.s32 v19, v7;
	v19 =	vld [tilespmem:s4+$0x6000];
	v21 =	vshll.u32 v21, $0xC  }
0x112: {  	vm0 =	vmand vm14, vm15;
	v21 =	vadd.s32 v20, v21  }
0x113: {  	v20 =	vld [tilespmem:s4+$0x7000];
	v21 =	vsel vm0, v21, v18  }
0x114: {  	s6 =	simm.s32 $0x80;
	s18 =	smov.u32 s5;
	[tilespmem:s7+$0x8000] =	vst v21  }
.LBB2_12:
0x115: {  	p0 =	sne.s32 s6, $0x3FC0  }
.Ltmp5:
0x116: {  	s7 =	sshra.s32 s6, $0x2;
	s6 =	sadd.s32 $0x40, s6;
	v21 =	vsub.s32 v19, v6;
	(pc) =	sbr.rel @p0 .LBB2_12-.Ltmp5, $4  }
0x117: {  	s18 =	sadd.s32 $0x10, s18;
	vm0 =	vge.s32 v19, v6;
	vm1 =	vlt.s32 v19, v7;
	v21 =	vshll.u32 v21, $0xC;
	v19 =	vld [tilespmem:s7+$0x6000]  }
0x118: {  	v22 =	vor.u32 s18, v17;
	vm0 =	vmand vm0, vm1;
	v21 =	vadd.s32 v20, v21  }
0x119: {  	v20 =	vld [tilespmem:s7+$0x7000];
	v21 =	vsel vm0, v21, v22  }
0x11a: {  	[tilespmem:s4+$0x8000] =	vst v21;
	s4 =	smov.u32 s7  }
0x11b: {  	_ = 	snop  }
0x11c: {  	v21 =	vsub.s32 v19, v6  }
0x11d: {  	s6 =	sadd.s32 $0x10, s18;
	vm0 =	vge.s32 v19, v6;
	vm1 =	vlt.s32 v19, v7;
	v21 =	vshll.u32 v21, $0xC  }
0x11e: {  	vm0 =	vmand vm0, vm1;
	v19 =	vadd.s32 v20, v21;
	v20 =	vor.u32 s6, v17  }
0x11f: {  	v19 =	vsel vm0, v19, v20  }
0x120: {  	[tilespmem:s4+$0x8000] =	vst v19  }
0x121: {  	[spmem:s1] =	stream.indirect.scatter [tilespmem:s22], [sflag:$0x2], $0x1, s0, s31, $0xb8;
	[tilespmem:$0x1B000] =	vst v63  }
0x122: {  	_ =	swait.ge [sflag:s23], $0x1000  }
0x123: {  	[sflag:s23] =	ssyncset.done $0x0  }
0x124: {  	[sflag:s23] =	ssyncadd.s32 $0xFFFFF000  }
0x125: {  	[bflag:$0x0] =	sbarrier.arrive $0xFFFF  }
0x126: {  	[hbm:s9], [sflag:s24] =	dma.local [spmem:s3], $0x2000  }
0x127: {  	_ =	swait.ge [sflag:s23], $0x2000  }
0x128: {  	[sflag:s23] =	ssyncset.done $0x0  }
0x129: {  	s18 =	simm.s32 $0x0;
	[sflag:s23] =	ssyncadd.s32 $0xFFFFE000  }
0x12a: {  	[spmem:s16] =	stream.linear.scatter [tilespmem:s18], [sflag:$0x1], $0x4000, $0x38;
	[tilespmem:$0x1B000] =	vst v63  }
0x12b: {  	_ = 	snop  }
0x12c: {  	[spmem:s19] =	stream.linear.scatter [tilespmem:s18], [sflag:$0x1], $0x4000, $0x38;
	[tilespmem:$0x1B000] =	vst v63  }
0x12d: {  	_ = 	snop  }
0x12e: {  	[spmem:s20] =	stream.linear.scatter [tilespmem:s18], [sflag:$0x1], $0x4000, $0x38;
	[tilespmem:$0x1B000] =	vst v63  }
0x12f: {  	_ = 	snop  }
0x130: {  	[spmem:s21] =	stream.linear.scatter [tilespmem:s18], [sflag:$0x1], $0x4000, $0x38;
	[tilespmem:$0x1B000] =	vst v63  }
0x131: {  	_ =	swait.ge [sflag:s30], $0x4000  }
0x132: {  	[sflag:s30] =	ssyncset.done $0x0  }
0x133: {  	[sflag:s30] =	ssyncadd.s32 $0xFFFFC000  }
0x134: {  	_ =	swait.ge [sflag:s30], $0x4000  }
0x135: {  	[sflag:s30] =	ssyncset.done $0x0  }
0x136: {  	[sflag:s30] =	ssyncadd.s32 $0xFFFFC000  }
0x137: {  	_ =	swait.ge [sflag:s30], $0x4000  }
0x138: {  	[sflag:s30] =	ssyncset.done $0x0  }
0x139: {  	[sflag:s30] =	ssyncadd.s32 $0xFFFFC000  }
0x13a: {  	_ =	swait.ge [sflag:s30], $0x4000  }
0x13b: {  	[sflag:s30] =	ssyncset.done $0x0  }
0x13c: {  	[sflag:s30] =	ssyncadd.s32 $0xFFFFC000  }
0x13d: {  	s7 =	simm.s32 $0x0;
	[bflag:$0x0] =	sbarrier.arrive $0xFFFF  }
0x13e: {  	v19 =	vld [tilespmem:s7+$0x6000];
	_ =	sdelay $0x1  }
0x13f: {  	v20 =	vld [tilespmem:s7+$0x7000];
	_ =	sdelay $0x2  }
0x140: {  	s4 =	simm.s32 $0x10;
	v21 =	vsub.s32 v19, v8  }
0x141: {  	vm14 =	vge.s32 v19, v8;
	vm15 =	vlt.s32 v19, v9;
	v19 =	vld [tilespmem:s4+$0x6000];
	v21 =	vshll.u32 v21, $0xC  }
0x142: {  	vm0 =	vmand vm14, vm15;
	v21 =	vadd.s32 v20, v21  }
0x143: {  	v20 =	vld [tilespmem:s4+$0x7000];
	v21 =	vsel vm0, v21, v18  }
0x144: {  	s6 =	simm.s32 $0x80;
	s18 =	smov.u32 s5;
	[tilespmem:s7+$0x8000] =	vst v21  }
.LBB2_14:
0x145: {  	p0 =	sne.s32 s6, $0x3FC0  }
.Ltmp6:
0x146: {  	s7 =	sshra.s32 s6, $0x2;
	s6 =	sadd.s32 $0x40, s6;
	v21 =	vsub.s32 v19, v8;
	(pc) =	sbr.rel @p0 .LBB2_14-.Ltmp6, $4  }
0x147: {  	s18 =	sadd.s32 $0x10, s18;
	vm0 =	vge.s32 v19, v8;
	vm1 =	vlt.s32 v19, v9;
	v21 =	vshll.u32 v21, $0xC;
	v19 =	vld [tilespmem:s7+$0x6000]  }
0x148: {  	v22 =	vor.u32 s18, v17;
	vm0 =	vmand vm0, vm1;
	v21 =	vadd.s32 v20, v21  }
0x149: {  	v20 =	vld [tilespmem:s7+$0x7000];
	v21 =	vsel vm0, v21, v22  }
0x14a: {  	[tilespmem:s4+$0x8000] =	vst v21;
	s4 =	smov.u32 s7  }
0x14b: {  	_ = 	snop  }
0x14c: {  	v21 =	vsub.s32 v19, v8  }
0x14d: {  	s6 =	sadd.s32 $0x10, s18;
	vm0 =	vge.s32 v19, v8;
	vm1 =	vlt.s32 v19, v9;
	v21 =	vshll.u32 v21, $0xC  }
0x14e: {  	vm0 =	vmand vm0, vm1;
	v19 =	vadd.s32 v20, v21;
	v20 =	vor.u32 s6, v17  }
0x14f: {  	v19 =	vsel vm0, v19, v20  }
0x150: {  	[tilespmem:s4+$0x8000] =	vst v19  }
0x151: {  	[spmem:s1] =	stream.indirect.scatter [tilespmem:s22], [sflag:$0x2], $0x1, s0, s31, $0xb8;
	[tilespmem:$0x1B000] =	vst v63  }
0x152: {  	_ =	swait.ge [sflag:s23], $0x1000  }
0x153: {  	[sflag:s23] =	ssyncset.done $0x0  }
0x154: {  	[sflag:s23] =	ssyncadd.s32 $0xFFFFF000  }
0x155: {  	[bflag:$0x0] =	sbarrier.arrive $0xFFFF  }
0x156: {  	[hbm:s10], [sflag:s24] =	dma.local [spmem:s3], $0x2000  }
0x157: {  	_ =	swait.ge [sflag:s23], $0x2000  }
0x158: {  	[sflag:s23] =	ssyncset.done $0x0  }
0x159: {  	s18 =	simm.s32 $0x0;
	[sflag:s23] =	ssyncadd.s32 $0xFFFFE000  }
0x15a: {  	[spmem:s16] =	stream.linear.scatter [tilespmem:s18], [sflag:$0x1], $0x4000, $0x38;
	[tilespmem:$0x1B000] =	vst v63  }
0x15b: {  	_ = 	snop  }
0x15c: {  	[spmem:s19] =	stream.linear.scatter [tilespmem:s18], [sflag:$0x1], $0x4000, $0x38;
	[tilespmem:$0x1B000] =	vst v63  }
0x15d: {  	_ = 	snop  }
0x15e: {  	[spmem:s20] =	stream.linear.scatter [tilespmem:s18], [sflag:$0x1], $0x4000, $0x38;
	[tilespmem:$0x1B000] =	vst v63  }
0x15f: {  	_ = 	snop  }
0x160: {  	[spmem:s21] =	stream.linear.scatter [tilespmem:s18], [sflag:$0x1], $0x4000, $0x38;
	[tilespmem:$0x1B000] =	vst v63  }
0x161: {  	_ =	swait.ge [sflag:s30], $0x4000  }
0x162: {  	[sflag:s30] =	ssyncset.done $0x0  }
0x163: {  	[sflag:s30] =	ssyncadd.s32 $0xFFFFC000  }
0x164: {  	_ =	swait.ge [sflag:s30], $0x4000  }
0x165: {  	[sflag:s30] =	ssyncset.done $0x0  }
0x166: {  	[sflag:s30] =	ssyncadd.s32 $0xFFFFC000  }
0x167: {  	_ =	swait.ge [sflag:s30], $0x4000  }
0x168: {  	[sflag:s30] =	ssyncset.done $0x0  }
0x169: {  	[sflag:s30] =	ssyncadd.s32 $0xFFFFC000  }
0x16a: {  	_ =	swait.ge [sflag:s30], $0x4000  }
0x16b: {  	[sflag:s30] =	ssyncset.done $0x0  }
0x16c: {  	[sflag:s30] =	ssyncadd.s32 $0xFFFFC000  }
0x16d: {  	s7 =	simm.s32 $0x0;
	[bflag:$0x0] =	sbarrier.arrive $0xFFFF  }
0x16e: {  	v19 =	vld [tilespmem:s7+$0x6000];
	_ =	sdelay $0x1  }
0x16f: {  	v20 =	vld [tilespmem:s7+$0x7000];
	_ =	sdelay $0x2  }
0x170: {  	s4 =	simm.s32 $0x10;
	v21 =	vsub.s32 v19, v10  }
0x171: {  	vm14 =	vge.s32 v19, v10;
	vm15 =	vlt.s32 v19, v11;
	v19 =	vld [tilespmem:s4+$0x6000];
	v21 =	vshll.u32 v21, $0xC  }
0x172: {  	vm0 =	vmand vm14, vm15;
	v21 =	vadd.s32 v20, v21  }
0x173: {  	v20 =	vld [tilespmem:s4+$0x7000];
	v21 =	vsel vm0, v21, v18  }
0x174: {  	s6 =	simm.s32 $0x80;
	s18 =	smov.u32 s5;
	[tilespmem:s7+$0x8000] =	vst v21  }
.LBB2_16:
0x175: {  	p0 =	sne.s32 s6, $0x3FC0  }
.Ltmp7:
0x176: {  	s7 =	sshra.s32 s6, $0x2;
	s6 =	sadd.s32 $0x40, s6;
	v21 =	vsub.s32 v19, v10;
	(pc) =	sbr.rel @p0 .LBB2_16-.Ltmp7, $4  }
0x177: {  	s18 =	sadd.s32 $0x10, s18;
	vm0 =	vge.s32 v19, v10;
	vm1 =	vlt.s32 v19, v11;
	v21 =	vshll.u32 v21, $0xC;
	v19 =	vld [tilespmem:s7+$0x6000]  }
0x178: {  	v22 =	vor.u32 s18, v17;
	vm0 =	vmand vm0, vm1;
	v21 =	vadd.s32 v20, v21  }
0x179: {  	v20 =	vld [tilespmem:s7+$0x7000];
	v21 =	vsel vm0, v21, v22  }
0x17a: {  	[tilespmem:s4+$0x8000] =	vst v21;
	s4 =	smov.u32 s7  }
0x17b: {  	_ = 	snop  }
0x17c: {  	v21 =	vsub.s32 v19, v10  }
0x17d: {  	s6 =	sadd.s32 $0x10, s18;
	vm0 =	vge.s32 v19, v10;
	vm1 =	vlt.s32 v19, v11;
	v21 =	vshll.u32 v21, $0xC  }
0x17e: {  	vm0 =	vmand vm0, vm1;
	v19 =	vadd.s32 v20, v21;
	v20 =	vor.u32 s6, v17  }
0x17f: {  	v19 =	vsel vm0, v19, v20  }
0x180: {  	[tilespmem:s4+$0x8000] =	vst v19  }
0x181: {  	[spmem:s1] =	stream.indirect.scatter [tilespmem:s22], [sflag:$0x2], $0x1, s0, s31, $0xb8;
	[tilespmem:$0x1B000] =	vst v63  }
0x182: {  	_ =	swait.ge [sflag:s23], $0x1000  }
0x183: {  	[sflag:s23] =	ssyncset.done $0x0  }
0x184: {  	[sflag:s23] =	ssyncadd.s32 $0xFFFFF000  }
0x185: {  	[bflag:$0x0] =	sbarrier.arrive $0xFFFF  }
0x186: {  	[hbm:s11], [sflag:s24] =	dma.local [spmem:s3], $0x2000  }
0x187: {  	_ =	swait.ge [sflag:s23], $0x2000  }
0x188: {  	[sflag:s23] =	ssyncset.done $0x0  }
0x189: {  	s18 =	simm.s32 $0x0;
	[sflag:s23] =	ssyncadd.s32 $0xFFFFE000  }
0x18a: {  	[spmem:s16] =	stream.linear.scatter [tilespmem:s18], [sflag:$0x1], $0x4000, $0x38;
	[tilespmem:$0x1B000] =	vst v63  }
0x18b: {  	_ = 	snop  }
0x18c: {  	[spmem:s19] =	stream.linear.scatter [tilespmem:s18], [sflag:$0x1], $0x4000, $0x38;
	[tilespmem:$0x1B000] =	vst v63  }
0x18d: {  	_ = 	snop  }
0x18e: {  	[spmem:s20] =	stream.linear.scatter [tilespmem:s18], [sflag:$0x1], $0x4000, $0x38;
	[tilespmem:$0x1B000] =	vst v63  }
0x18f: {  	_ = 	snop  }
0x190: {  	[spmem:s21] =	stream.linear.scatter [tilespmem:s18], [sflag:$0x1], $0x4000, $0x38;
	[tilespmem:$0x1B000] =	vst v63  }
0x191: {  	_ =	swait.ge [sflag:s30], $0x4000  }
0x192: {  	[sflag:s30] =	ssyncset.done $0x0  }
0x193: {  	[sflag:s30] =	ssyncadd.s32 $0xFFFFC000  }
0x194: {  	_ =	swait.ge [sflag:s30], $0x4000  }
0x195: {  	[sflag:s30] =	ssyncset.done $0x0  }
0x196: {  	[sflag:s30] =	ssyncadd.s32 $0xFFFFC000  }
0x197: {  	_ =	swait.ge [sflag:s30], $0x4000  }
0x198: {  	[sflag:s30] =	ssyncset.done $0x0  }
0x199: {  	[sflag:s30] =	ssyncadd.s32 $0xFFFFC000  }
0x19a: {  	_ =	swait.ge [sflag:s30], $0x4000  }
0x19b: {  	[sflag:s30] =	ssyncset.done $0x0  }
0x19c: {  	[sflag:s30] =	ssyncadd.s32 $0xFFFFC000  }
0x19d: {  	s7 =	simm.s32 $0x0;
	[bflag:$0x0] =	sbarrier.arrive $0xFFFF  }
0x19e: {  	v19 =	vld [tilespmem:s7+$0x6000];
	_ =	sdelay $0x1  }
0x19f: {  	v20 =	vld [tilespmem:s7+$0x7000];
	_ =	sdelay $0x2  }
0x1a0: {  	s4 =	simm.s32 $0x10;
	v21 =	vsub.s32 v19, v12  }
0x1a1: {  	vm14 =	vge.s32 v19, v12;
	vm15 =	vlt.s32 v19, v13;
	v19 =	vld [tilespmem:s4+$0x6000];
	v21 =	vshll.u32 v21, $0xC  }
0x1a2: {  	vm0 =	vmand vm14, vm15;
	v21 =	vadd.s32 v20, v21  }
0x1a3: {  	v20 =	vld [tilespmem:s4+$0x7000];
	v21 =	vsel vm0, v21, v18  }
0x1a4: {  	s6 =	simm.s32 $0x80;
	s18 =	smov.u32 s5;
	[tilespmem:s7+$0x8000] =	vst v21  }
.LBB2_18:
0x1a5: {  	p0 =	sne.s32 s6, $0x3FC0  }
.Ltmp8:
0x1a6: {  	s7 =	sshra.s32 s6, $0x2;
	s6 =	sadd.s32 $0x40, s6;
	v21 =	vsub.s32 v19, v12;
	(pc) =	sbr.rel @p0 .LBB2_18-.Ltmp8, $4  }
0x1a7: {  	s18 =	sadd.s32 $0x10, s18;
	vm0 =	vge.s32 v19, v12;
	vm1 =	vlt.s32 v19, v13;
	v21 =	vshll.u32 v21, $0xC;
	v19 =	vld [tilespmem:s7+$0x6000]  }
0x1a8: {  	v22 =	vor.u32 s18, v17;
	vm0 =	vmand vm0, vm1;
	v21 =	vadd.s32 v20, v21  }
0x1a9: {  	v20 =	vld [tilespmem:s7+$0x7000];
	v21 =	vsel vm0, v21, v22  }
0x1aa: {  	[tilespmem:s4+$0x8000] =	vst v21;
	s4 =	smov.u32 s7  }
0x1ab: {  	_ = 	snop  }
0x1ac: {  	v21 =	vsub.s32 v19, v12  }
0x1ad: {  	s6 =	sadd.s32 $0x10, s18;
	vm0 =	vge.s32 v19, v12;
	vm1 =	vlt.s32 v19, v13;
	v21 =	vshll.u32 v21, $0xC  }
0x1ae: {  	vm0 =	vmand vm0, vm1;
	v19 =	vadd.s32 v20, v21;
	v20 =	vor.u32 s6, v17  }
0x1af: {  	v19 =	vsel vm0, v19, v20  }
0x1b0: {  	[tilespmem:s4+$0x8000] =	vst v19  }
0x1b1: {  	[spmem:s1] =	stream.indirect.scatter [tilespmem:s22], [sflag:$0x2], $0x1, s0, s31, $0xb8;
	[tilespmem:$0x1B000] =	vst v63  }
0x1b2: {  	_ =	swait.ge [sflag:s23], $0x1000  }
0x1b3: {  	[sflag:s23] =	ssyncset.done $0x0  }
0x1b4: {  	[sflag:s23] =	ssyncadd.s32 $0xFFFFF000  }
0x1b5: {  	[bflag:$0x0] =	sbarrier.arrive $0xFFFF  }
0x1b6: {  	[hbm:s12], [sflag:s24] =	dma.local [spmem:s3], $0x2000  }
0x1b7: {  	_ =	swait.ge [sflag:s23], $0x2000  }
0x1b8: {  	[sflag:s23] =	ssyncset.done $0x0  }
0x1b9: {  	s18 =	simm.s32 $0x0;
	[sflag:s23] =	ssyncadd.s32 $0xFFFFE000  }
0x1ba: {  	[spmem:s16] =	stream.linear.scatter [tilespmem:s18], [sflag:$0x1], $0x4000, $0x38;
	[tilespmem:$0x1B000] =	vst v63  }
0x1bb: {  	_ = 	snop  }
0x1bc: {  	[spmem:s19] =	stream.linear.scatter [tilespmem:s18], [sflag:$0x1], $0x4000, $0x38;
	[tilespmem:$0x1B000] =	vst v63  }
0x1bd: {  	_ = 	snop  }
0x1be: {  	[spmem:s20] =	stream.linear.scatter [tilespmem:s18], [sflag:$0x1], $0x4000, $0x38;
	[tilespmem:$0x1B000] =	vst v63  }
0x1bf: {  	_ = 	snop  }
0x1c0: {  	[spmem:s21] =	stream.linear.scatter [tilespmem:s18], [sflag:$0x1], $0x4000, $0x38;
	[tilespmem:$0x1B000] =	vst v63  }
0x1c1: {  	_ =	swait.ge [sflag:s30], $0x4000  }
0x1c2: {  	[sflag:s30] =	ssyncset.done $0x0  }
0x1c3: {  	[sflag:s30] =	ssyncadd.s32 $0xFFFFC000  }
0x1c4: {  	_ =	swait.ge [sflag:s30], $0x4000  }
0x1c5: {  	[sflag:s30] =	ssyncset.done $0x0  }
0x1c6: {  	[sflag:s30] =	ssyncadd.s32 $0xFFFFC000  }
0x1c7: {  	_ =	swait.ge [sflag:s30], $0x4000  }
0x1c8: {  	[sflag:s30] =	ssyncset.done $0x0  }
0x1c9: {  	[sflag:s30] =	ssyncadd.s32 $0xFFFFC000  }
0x1ca: {  	_ =	swait.ge [sflag:s30], $0x4000  }
0x1cb: {  	[sflag:s30] =	ssyncset.done $0x0  }
0x1cc: {  	[sflag:s30] =	ssyncadd.s32 $0xFFFFC000  }
0x1cd: {  	s7 =	simm.s32 $0x0;
	[bflag:$0x0] =	sbarrier.arrive $0xFFFF  }
0x1ce: {  	v19 =	vld [tilespmem:s7+$0x6000];
	_ =	sdelay $0x1  }
0x1cf: {  	v20 =	vld [tilespmem:s7+$0x7000];
	_ =	sdelay $0x2  }
0x1d0: {  	s4 =	simm.s32 $0x10;
	v21 =	vsub.s32 v19, v14  }
0x1d1: {  	vm14 =	vge.s32 v19, v14;
	vm15 =	vlt.s32 v19, v15;
	v19 =	vld [tilespmem:s4+$0x6000];
	v21 =	vshll.u32 v21, $0xC  }
0x1d2: {  	vm0 =	vmand vm14, vm15;
	v21 =	vadd.s32 v20, v21  }
0x1d3: {  	v20 =	vld [tilespmem:s4+$0x7000];
	v18 =	vsel vm0, v21, v18  }
0x1d4: {  	s6 =	simm.s32 $0x80;
	s18 =	smov.u32 s5;
	[tilespmem:s7+$0x8000] =	vst v18  }
.LBB2_20:
0x1d5: {  	p0 =	sne.s32 s6, $0x3FC0  }
.Ltmp9:
0x1d6: {  	s7 =	sshra.s32 s6, $0x2;
	s6 =	sadd.s32 $0x40, s6;
	v18 =	vsub.s32 v19, v14;
	(pc) =	sbr.rel @p0 .LBB2_20-.Ltmp9, $4  }
0x1d7: {  	s18 =	sadd.s32 $0x10, s18;
	vm0 =	vge.s32 v19, v14;
	vm1 =	vlt.s32 v19, v15;
	v18 =	vshll.u32 v18, $0xC;
	v19 =	vld [tilespmem:s7+$0x6000]  }
0x1d8: {  	v21 =	vor.u32 s18, v17;
	vm0 =	vmand vm0, vm1;
	v18 =	vadd.s32 v20, v18  }
0x1d9: {  	v20 =	vld [tilespmem:s7+$0x7000];
	v18 =	vsel vm0, v18, v21  }
0x1da: {  	[tilespmem:s4+$0x8000] =	vst v18;
	s4 =	smov.u32 s7  }
0x1db: {  	_ = 	snop  }
0x1dc: {  	v18 =	vsub.s32 v19, v14  }
0x1dd: {  	s6 =	sadd.s32 $0x10, s18;
	vm0 =	vge.s32 v19, v14;
	vm1 =	vlt.s32 v19, v15;
	v18 =	vshll.u32 v18, $0xC  }
0x1de: {  	v19 =	vor.u32 s6, v17;
	vm0 =	vmand vm0, vm1;
	v18 =	vadd.s32 v20, v18  }
0x1df: {  	v18 =	vsel vm0, v18, v19  }
0x1e0: {  	[tilespmem:s4+$0x8000] =	vst v18  }
0x1e1: {  	[spmem:s1] =	stream.indirect.scatter [tilespmem:s22], [sflag:$0x2], $0x1, s0, s31, $0xb8;
	[tilespmem:$0x1B000] =	vst v63  }
0x1e2: {  	_ =	swait.ge [sflag:s23], $0x1000  }
0x1e3: {  	s2 =	sadd.s32 $0x1, s2;
	[sflag:s23] =	ssyncset.done $0x0  }
0x1e4: {  	p0 =	sne.s32 s2, s17;
	[sflag:s23] =	ssyncadd.s32 $0xFFFFF000  }
.Ltmp10:
0x1e5: {  	[bflag:$0x0] =	sbarrier.arrive $0xFFFF;
	(pc) =	sbr.rel @p0 .LBB2_1-.Ltmp10, $4  }
0x1e6: {  	[hbm:s13], [sflag:s24] =	dma.local [spmem:s3], $0x2000  }
0x1e7: {  	_ =	swait.ge [sflag:s23], $0x2000  }
0x1e8: {  	[sflag:s23] =	ssyncset.done $0x0  }
0x1e9: {  	[sflag:s23] =	ssyncadd.s32 $0xFFFFE000  }
0x1ea: {  	_ =	sfence.sel $0x180000  }
0x1eb: {  	[bflag:$0x0] =	sbarrier.arrive $0xFFFF  }
0x1ec: {  	_ =	strace $0x90000047  }
0x1ed: {  	s0 =	stileid.u32;
	[bflag:$0x2] =	sbarrier.arrive $0xFFFF  }
0x1ee: {  	p0 =	sne.s32 s0, $0x0;
	s0 =	rddreg [dreg:$0x4]  }
0x1ef: {  	s0 =	sadd.s32 @!p0 $0x100000, s0  }
0x1f0: {  	[sflag:s0] =	ssyncadd.tile.s32 @!p0 $0x1;
	_ =	shalt  }
.Lfunc_end2:
_tile_overlayer_lowered:
.L_overlay_start_2:
0x1f1: {  	(tag) =	ssettag $0x2  }
0x1f2: {  	s0 =	rddreg [dreg:$0x0];
	s2 =	stileid.u32  }
0x1f3: {  	s1 =	rddreg [dreg:$0x1];
	p0 =	sne.s32 s2, $0x0  }
0x1f4: {  	s3 =	rddreg [dreg:$0x2];
	[bflag:$0x3] =	sbarrier.arrive $0xFFFF;
	s2 =	simm.s32 @!p0 $0x1C02  }
0x1f5: {  	[timem:s3], [sflag:s2] =	dma.local @!p0 [hbm:s0], s1  }
0x1f6: {  	s0 =	simm.s32 @!p0 $0x2  }
0x1f7: {  	_ =	swait.ge @!p0 [sflag:s0], s1  }
0x1f8: {  	s1 =	ssub.s32 @!p0 $0x0, s1;
	[sflag:s0] =	ssyncset.done @!p0 $0x0  }
0x1f9: {  	[sflag:s0] =	ssyncadd.s32 @!p0 s1  }
0x1fa: {  	[bflag:$0x3] =	sbarrier.arrive $0xFFFF  }
0x1fb: {  	_ =	shalt  }

</sc_bundles>
